<compile_context>
chip_gen: v7x
topology: tpu7x:2x2x1
jax: 0.10.2.dev20260603
libtpu: 0.0.44.dev20260713+nightly
codegen_flags: <defaults>
</compile_context>

<pallas_src>
import functools

import jax
import jax.numpy as jnp
from jax import lax
from jax.experimental import pallas as pl
from jax.experimental.pallas import tpu as pltpu
from jax.experimental.pallas import tpu_sc as plsc

N, E, B, L, K, M, R, D, F = 10000, 320000, 1024, 2, 64, 100000, 1000, 128, 128

NC, NS = 2, 16
NW = NC * NS
EPT = E // NW
CHP = 80
NCHP = EPT // CHP
_IPT = (L * B) // NW
_NFLAT = L * B * K
_NPT = _NFLAT // NW
_CH2 = 128
_NCH2 = _NPT // _CH2

_mesh = plsc.VectorSubcoreMesh(
    core_axis_name="c", subcore_axis_name="s", num_cores=NC, num_subcores=NS)


def _tile_ids():
  c = lax.axis_index("c")
  s = lax.axis_index("s")
  return c, s, c * NS + s


def _fill_rows(ref, nrows, ncols, value):
  v = jnp.full((16,), value, dtype=jnp.float32)

  def body(i, _):
    for col in range(ncols // 16):
      ref[i, pl.ds(col * 16, 16)] = v
    return 0

  lax.fori_loop(0, nrows, body, 0)


def _per_sc_row_blocks(s, nrows, blk, fn):
  nb = nrows // blk

  def body(i, _):
    j = i * NS + s

    @pl.when(j < nb)
    def _():
      fn(j * blk)

    return 0

  lax.fori_loop(0, (nb + NS - 1) // NS, body, 0)


def _ring(table_hbm, idx_ref, pat_ref, rowsb, sg, ss, acc_sp, nch, ch):
  for b in range(3):
    pltpu.async_copy(table_hbm.at[idx_ref.at[pl.ds(b * ch, ch)]], rowsb[b],
                     sg[b])

  def chunk(cn, b):
    pltpu.make_async_copy(table_hbm.at[pl.ds(0, ch)], rowsb[b], sg[b]).wait()
    pltpu.async_copy(rowsb[b], acc_sp.at[pat_ref.at[pl.ds(cn * ch, ch)]],
                     ss[b], add=True)

    @pl.when(cn + 3 < nch)
    def _():
      pltpu.make_async_copy(rowsb[b], acc_sp.at[pl.ds(0, ch)], ss[b]).wait()
      pltpu.async_copy(table_hbm.at[idx_ref.at[pl.ds((cn + 3) * ch, ch)]],
                       rowsb[b], sg[b])

  def group(g, _):
    for b in range(3):
      chunk(g * 3 + b, b)
    return 0

  lax.fori_loop(0, nch // 3, group, 0)
  for b in range(nch - (nch // 3) * 3):
    chunk((nch // 3) * 3 + b, b)
  for b in range(3):
    pltpu.make_async_copy(rowsb[b], acc_sp.at[pl.ds(0, ch)], ss[b]).wait()


@functools.partial(
    pl.kernel,
    out_type=(
        jax.ShapeDtypeStruct((NW, 2, N), jnp.float32),
        jax.ShapeDtypeStruct((L * B, 128), jnp.int32),
    ),
    mesh=_mesh,
    scratch_types=[
        pltpu.VMEM((EPT,), jnp.int32),
        pltpu.VMEM((EPT,), jnp.int32),
        pltpu.VMEM((N,), jnp.float32),
        pltpu.VMEM((N,), jnp.float32),
        pltpu.VMEM((_IPT,), jnp.int32),
        pltpu.VMEM((_IPT, 128), jnp.int32),
        pltpu.SemaphoreType.DMA,
    ],
    compiler_params=pltpu.CompilerParams(needs_layout_passes=False),
)
def _sc_deg_nm(src_hbm, dst_hbm, idhalf, nm2_hbm, out_deg, out_nei,
               sidx, didx, dsrc, ddst, idhbuf, nmrows, sem):
  _, _, tile = _tile_ids()
  i0 = tile * _IPT
  pltpu.sync_copy(idhalf.at[pl.ds(i0, _IPT)], idhbuf)
  pltpu.async_copy(nm2_hbm.at[idhbuf], nmrows, sem).wait()
  pltpu.sync_copy(nmrows, out_nei.at[pl.ds(i0, _IPT)])

  zero16 = jnp.zeros((16,), jnp.float32)
  ones16 = jnp.ones((16,), jnp.float32)

  def zbody(i, _):
    dsrc[pl.ds(i * 16, 16)] = zero16
    ddst[pl.ds(i * 16, 16)] = zero16
    return 0

  lax.fori_loop(0, N // 16, zbody, 0)
  base = tile * EPT
  pltpu.sync_copy(src_hbm.at[pl.ds(base, EPT)], sidx)
  pltpu.sync_copy(dst_hbm.at[pl.ds(base, EPT)], didx)

  def body(k, _):
    plsc.addupdate_scatter(dsrc, [sidx[pl.ds(k * 16, 16)]], ones16)
    plsc.addupdate_scatter(ddst, [didx[pl.ds(k * 16, 16)]], ones16)
    return 0

  lax.fori_loop(0, EPT // 16, body, 0)
  pltpu.sync_copy(dsrc, out_deg.at[tile].at[0])
  pltpu.sync_copy(ddst, out_deg.at[tile].at[1])


@functools.partial(
    pl.kernel,
    out_type=jax.ShapeDtypeStruct((NC, N, D), jnp.float32),
    mesh=_mesh,
    scratch_types=[
        pltpu.VMEM((EPT,), jnp.int32),
        pltpu.VMEM((EPT,), jnp.int32),
        pltpu.VMEM((CHP, D), jnp.float32),
        pltpu.VMEM((CHP, D), jnp.float32),
        pltpu.VMEM((CHP, D), jnp.float32),
        pltpu.VMEM_SHARED((N, D), jnp.float32),
        pltpu.SemaphoreType.DMA,
        pltpu.SemaphoreType.DMA,
        pltpu.SemaphoreType.DMA,
        pltpu.SemaphoreType.DMA,
        pltpu.SemaphoreType.DMA,
        pltpu.SemaphoreType.DMA,
    ],
)
def _sc_edge_pass(m_hbm, src_hbm, dst_hbm, out, srcall, dstall, rows0, rows1,
                  rows2, acc_sp, sg0, sg1, sg2, ss0, ss1, ss2):
  c, s, tile = _tile_ids()
  _fill_rows(rows0, 16, D, 0.0)
  _per_sc_row_blocks(
      s, N, 16,
      lambda off: pltpu.sync_copy(rows0.at[pl.ds(0, 16)],
                                  acc_sp.at[pl.ds(off, 16)]))
  plsc.subcore_barrier()
  base = tile * EPT
  pltpu.sync_copy(src_hbm.at[pl.ds(base, EPT)], srcall)
  pltpu.sync_copy(dst_hbm.at[pl.ds(base, EPT)], dstall)
  _ring(m_hbm, srcall, dstall, (rows0, rows1, rows2), (sg0, sg1, sg2),
        (ss0, ss1, ss2), acc_sp, NCHP, CHP)
  plsc.subcore_barrier()
  _per_sc_row_blocks(
      s, N, 80,
      lambda off: pltpu.sync_copy(acc_sp.at[pl.ds(off, 80)],
                                  out.at[c].at[pl.ds(off, 80)]))


@functools.partial(
    pl.kernel,
    out_type=jax.ShapeDtypeStruct((NC, L * B, D), jnp.float32),
    mesh=_mesh,
    scratch_types=[
        pltpu.VMEM((_NPT,), jnp.int32),
        pltpu.VMEM((_NPT,), jnp.int32),
        pltpu.VMEM((_CH2, D), jnp.float32),
        pltpu.VMEM((_CH2, D), jnp.float32),
        pltpu.VMEM((_CH2, D), jnp.float32),
        pltpu.VMEM((_IPT,), jnp.int32),
        pltpu.VMEM((_IPT,), jnp.int32),
        pltpu.VMEM((_IPT, D), jnp.float32),
        pltpu.VMEM_SHARED((L * B, D), jnp.float32),
        pltpu.SemaphoreType.DMA,
        pltpu.SemaphoreType.DMA,
        pltpu.SemaphoreType.DMA,
        pltpu.SemaphoreType.DMA,
        pltpu.SemaphoreType.DMA,
        pltpu.SemaphoreType.DMA,
        pltpu.SemaphoreType.DMA,
    ],
)
def _sc_kg(idflat, iota2048, neiflat, pat_hbm, mfea_hbm, out_nei, gall, pall,
           rows0, rows1, rows2, ibuf, iiota, irows, accG_sp, sg0, sg1, sg2,
           ss0, ss1, ss2, sem1):
  c, s, tile = _tile_ids()
  _fill_rows(rows0, 16, D, 0.0)
  _per_sc_row_blocks(
      s, L * B, 16,
      lambda off: pltpu.sync_copy(rows0.at[pl.ds(0, 16)],
                                  accG_sp.at[pl.ds(off, 16)]))
  plsc.subcore_barrier()

  i0 = tile * _IPT
  pltpu.sync_copy(idflat.at[pl.ds(i0, _IPT)], ibuf)
  pltpu.sync_copy(iota2048.at[pl.ds(i0, _IPT)], iiota)
  pltpu.async_copy(mfea_hbm.at[ibuf], irows, sem1).wait()
  pltpu.sync_copy(irows, accG_sp.at[iiota], add=True)

  base = tile * _NPT
  pltpu.sync_copy(neiflat.at[pl.ds(base, _NPT)], gall)
  pltpu.sync_copy(pat_hbm.at[pl.ds(base, _NPT)], pall)
  _ring(mfea_hbm, gall, pall, (rows0, rows1, rows2), (sg0, sg1, sg2),
        (ss0, ss1, ss2), accG_sp, _NCH2, _CH2)
  plsc.subcore_barrier()
  gpt = (L * B) // NS
  pltpu.sync_copy(accG_sp.at[pl.ds(s * gpt, gpt)],
                  out_nei.at[c].at[pl.ds(s * gpt, gpt)])


@functools.partial(
    pl.kernel,
    out_type=jax.ShapeDtypeStruct((NC, B, D), jnp.float32),
    mesh=_mesh,
    scratch_types=[
        pltpu.VMEM((80,), jnp.int32),
        pltpu.VMEM((80, D), jnp.float32),
        pltpu.VMEM((B // NS, D), jnp.float32),
        pltpu.VMEM_SHARED((B, D), jnp.float32),
    ],
)
def _sc_atom_agg(h_hbm, gids_hbm, out, sidx, rows, zbuf, acc_sp):
  c, s, tile = _tile_ids()
  bpt = B // NS
  _fill_rows(zbuf, bpt, D, 0.0)
  pltpu.sync_copy(zbuf, acc_sp.at[pl.ds(s * bpt, bpt)])
  plsc.subcore_barrier()

  nblocks = N // 80

  def body(i, _):
    j = i * NW + tile

    @pl.when(j < nblocks)
    def _():
      pltpu.sync_copy(h_hbm.at[pl.ds(j * 80, 80)], rows)
      pltpu.sync_copy(gids_hbm.at[pl.ds(j * 80, 80)], sidx)
      pltpu.sync_copy(rows, acc_sp.at[sidx], add=True)

    return 0

  lax.fori_loop(0, (nblocks + NW - 1) // NW, body, 0)
  plsc.subcore_barrier()
  pltpu.sync_copy(acc_sp.at[pl.ds(s * bpt, bpt)],
                  out.at[c].at[pl.ds(s * bpt, bpt)])


_MB = 2000


def _tc_embed_body(mf_ref, fe_ref, out_ref):
  out_ref[...] = jnp.dot(mf_ref[...], fe_ref[...],
                         preferred_element_type=jnp.float32)


def _tc_embed(all_mfea, fea_emb):
  return pl.pallas_call(
      _tc_embed_body,
      grid=(M // _MB,),
      in_specs=[
          pl.BlockSpec((_MB, 40), lambda i: (i, 0)),
          pl.BlockSpec((40, D), lambda i: (0, 0)),
      ],
      out_specs=pl.BlockSpec((_MB, D), lambda i: (i, 0)),
      out_shape=jax.ShapeDtypeStruct((M, D), jnp.float32),
  )(all_mfea, fea_emb)


def _tc_prep_body(nf_ref, degp_ref, w0_ref, nei_ref, par_ref, m1_ref, ns_ref,
                  nd_ref, cmp_ref):
  dsrc = jnp.sum(degp_ref[:, 0, :], axis=0)
  ddst = jnp.sum(degp_ref[:, 1, :], axis=0)
  ns = jax.lax.rsqrt(jnp.maximum(dsrc, 1.0))[:, None]
  nd = jax.lax.rsqrt(jnp.maximum(ddst, 1.0))[:, None]
  iota = lax.broadcasted_iota(jnp.int32, (N, F), 1)
  h0 = jnp.zeros((N, F), jnp.float32)
  for j in range(4):
    h0 = h0 + (nf_ref[:, j:j + 1] == iota).astype(jnp.float32)
  m1_ref[...] = jnp.dot(h0 * ns, w0_ref[...],
                        preferred_element_type=jnp.float32)
  ns_ref[...] = ns
  nd_ref[...] = nd
  sel = par_ref[...] == 1
  cmp_ref[...] = jnp.where(sel, nei_ref[:, K:], nei_ref[:, :K])


def _tc_prep(node_feature, degp, w0, nei_rows, par):
  return pl.pallas_call(
      _tc_prep_body,
      out_shape=[
          jax.ShapeDtypeStruct((N, D), jnp.float32),
          jax.ShapeDtypeStruct((N, 1), jnp.float32),
          jax.ShapeDtypeStruct((N, 1), jnp.float32),
          jax.ShapeDtypeStruct((L * B, K), jnp.int32),
      ],
  )(node_feature, degp, w0, nei_rows, par)


def _tc_mid_body(aggp_ref, nd_ref, ns_ref, b0_ref, w1_ref, m2_ref):
  agg = aggp_ref[0] + aggp_ref[1]
  h1 = jnp.maximum(agg * nd_ref[...] + b0_ref[...], 0.0)
  m2_ref[...] = jnp.dot(h1 * ns_ref[...], w1_ref[...],
                        preferred_element_type=jnp.float32)


def _tc_mid(aggp, nd, ns, b0, w1):
  return pl.pallas_call(
      _tc_mid_body,
      out_shape=jax.ShapeDtypeStruct((N, D), jnp.float32),
  )(aggp, nd, ns, b0, w1)


def _tc_h2_body(aggp_ref, nd_ref, b1_ref, h2_ref, fac_ref):
  agg = aggp_ref[0] + aggp_ref[1]
  h2 = agg * nd_ref[...] + b1_ref[...]
  h2_ref[...] = h2
  nsum = jnp.sum(jnp.sqrt(jnp.sum(h2 * h2, axis=1)))
  fac_ref[...] = jnp.full((1, 1), jnp.sqrt(jnp.float32(D)) * N / nsum)


def _tc_h2(aggp, nd, b1):
  return pl.pallas_call(
      _tc_h2_body,
      out_shape=[
          jax.ShapeDtypeStruct((N, D), jnp.float32),
          jax.ShapeDtypeStruct((1, 1), jnp.float32),
      ],
  )(aggp, nd, b1)


_BB = 256


def _tc_final_body(molap_ref, factor_ref, neip_ref, cw_ref, cb_ref, emb_ref,
                   a_ref, x_ref):
  mol_r = (neip_ref[0, 0] + neip_ref[0, 1] + neip_ref[1, 0] +
           neip_ref[1, 1]) * 0.5
  mol_a = (molap_ref[0] + molap_ref[1]) * factor_ref[0, 0]
  emb_ref[...] = mol_a + mol_r
  a_ref[...] = mol_a
  x_ref[...] = jnp.dot(mol_r, cw_ref[...],
                       preferred_element_type=jnp.float32) + cb_ref[...]


def _tc_final(molap, factor, neip, cw, cb):
  return pl.pallas_call(
      _tc_final_body,
      grid=(B // _BB,),
      in_specs=[
          pl.BlockSpec((NC, _BB, D), lambda i: (0, i, 0)),
          pl.BlockSpec((1, 1), lambda i: (0, 0)),
          pl.BlockSpec((NC, L, _BB, D), lambda i: (0, 0, i, 0)),
          pl.BlockSpec((D, D), lambda i: (0, 0)),
          pl.BlockSpec((1, D), lambda i: (0, 0)),
      ],
      out_specs=[
          pl.BlockSpec((_BB, D), lambda i: (i, 0)),
          pl.BlockSpec((_BB, D), lambda i: (i, 0)),
          pl.BlockSpec((_BB, D), lambda i: (i, 0)),
      ],
      out_shape=[
          jax.ShapeDtypeStruct((B, D), jnp.float32),
          jax.ShapeDtypeStruct((B, D), jnp.float32),
          jax.ShapeDtypeStruct((B, D), jnp.float32),
      ],
  )(molap, factor, neip, cw, cb)


@jax.jit
def kernel(node_feature, edge_index, graph_ids, id_list, id_list_target,
           neighbor_matrix, relation_matrix, all_mfea, all_rfea,
           W0, b0, W1, b1, fea_emb, rel_emb, crosscl_w, crosscl_b):
  del id_list_target, relation_matrix, all_rfea, rel_emb

  src = edge_index[0].astype(jnp.int32)
  dst = edge_index[1].astype(jnp.int32)
  gids = graph_ids.astype(jnp.int32)
  idflat = id_list.astype(jnp.int32).reshape(L * B)
  idhalf = idflat // 2
  nm2 = neighbor_matrix.astype(jnp.int32).reshape((M * K) // 128, 128)
  mfea_emb = _tc_embed(all_mfea, fea_emb)
  pat = jnp.repeat(jnp.arange(L * B, dtype=jnp.int32), K)
  iota2048 = jnp.arange(L * B, dtype=jnp.int32)

  degp, nei_rows = _sc_deg_nm(src, dst, idhalf, nm2)
  m1, ns, nd, nei_compact = _tc_prep(
      node_feature.astype(jnp.int32), degp, W0, nei_rows,
      (idflat % 2).reshape(L * B, 1))
  agg1p = _sc_edge_pass(m1, src, dst)
  m2 = _tc_mid(agg1p, nd, ns, b0.reshape(1, D), W1)
  agg2p = _sc_edge_pass(m2, src, dst)
  h2, factor = _tc_h2(agg2p, nd, b1.reshape(1, D))

  neip = _sc_kg(idflat, iota2048, nei_compact.reshape(_NFLAT), pat, mfea_emb)
  molap = _sc_atom_agg(h2, gids)

  mol_emb, mol_a, mol_x = _tc_final(
      molap, factor, neip.reshape(NC, L, B, D), crosscl_w,
      crosscl_b.reshape(1, D))
  return (mol_emb, mol_a, mol_x)

# --- scband reference (transcript-rebuilt; emitter-appended) ---
"""Pipeline reference for scband-gnn-29583734735123 (READ-ONLY COPY).

The authoritative reference and input builder live on the scoring server;
editing this copy changes nothing except your own understanding.
"""

import jax, jax.numpy as jnp
import numpy as np

N, E, B, L, K, M, R, D, F = 10000, 320000, 1024, 2, 64, 100000, 1000, 128, 128


def setup_inputs(seed: int = 0) -> dict:
    key = jax.random.key(seed)
    ks = jax.random.split(key, 16)
    return {
        'node_feature': jax.random.randint(ks[0], (N, 4), 0, F),
        'edge_index': jax.random.randint(ks[1], (2, E), 0, N),
        'graph_ids': jnp.sort(jax.random.randint(ks[2], (N,), 0, B)),
        'id_list': jax.random.randint(ks[3], (L, B), 0, M),
        'id_list_target': jax.random.randint(ks[4], (L, B), 0, M),
        'neighbor_matrix': jax.random.randint(ks[5], (M, K), 0, M),
        'relation_matrix': jax.random.randint(ks[6], (M, K), 0, R),
        'all_mfea': jax.random.uniform(ks[7], (M, 40), dtype=jnp.float32),
        'all_rfea': jax.random.uniform(ks[8], (R, 4), dtype=jnp.float32),
        'W0': jax.random.normal(ks[9], (F, D), dtype=jnp.float32) * 0.05,
        'b0': jnp.zeros((D,), dtype=jnp.float32),
        'W1': jax.random.normal(ks[10], (D, D), dtype=jnp.float32) * 0.05,
        'b1': jnp.zeros((D,), dtype=jnp.float32),
        'fea_emb': jax.random.normal(ks[11], (40, D), dtype=jnp.float32) * 0.1,
        'rel_emb': jax.random.normal(ks[12], (4, D), dtype=jnp.float32) * 0.1,
        'crosscl_w': jax.random.normal(ks[13], (D, D), dtype=jnp.float32) * 0.05,
        'crosscl_b': jnp.zeros((D,), dtype=jnp.float32),
    }


def reference(node_feature, edge_index, graph_ids, id_list, id_list_target,
              neighbor_matrix, relation_matrix, all_mfea, all_rfea,
              W0, b0, W1, b1, fea_emb, rel_emb, crosscl_w, crosscl_b):
    src, dst = edge_index[0], edge_index[1]
    deg_out = jnp.clip(jnp.bincount(src, length=N), 1).astype(jnp.float32)
    deg_in = jnp.clip(jnp.bincount(dst, length=N), 1).astype(jnp.float32)
    norm_src = deg_out ** -0.5
    norm_dst = deg_in ** -0.5

    # sum of one-hots over the per-node feature slots
    h = jax.nn.one_hot(node_feature, F, dtype=jnp.float32).sum(axis=1)
    # 2-layer GCN (DGL GraphConv, norm='both'), relu between layers
    for (W, b, act) in ((W0, b0, True), (W1, b1, False)):
        m = (h * norm_src[:, None]) @ W
        agg = jax.ops.segment_sum(m[src], dst, num_segments=N)
        h = agg * norm_dst[:, None] + b
        if act:
            h = jax.nn.relu(h)

    factor = jnp.sqrt(jnp.float32(D)) / jnp.mean(jnp.linalg.norm(h, axis=1))
    h = h * factor
    mol_atom_embedding = jax.ops.segment_sum(h, graph_ids, num_segments=B)

    # reaction-graph side (RG_agg='sum'); source/target embeddings are
    # computed in the torch code even when unused by the 'sum' branch
    source_reaction_embedding = jnp.mean(all_mfea[id_list] @ fea_emb, axis=0)
    target_reaction_embedding = jnp.mean(all_mfea[id_list_target] @ fea_emb, axis=0)
    _ = (source_reaction_embedding, target_reaction_embedding)

    nei = neighbor_matrix[id_list]          # [L, B, K]
    rel = relation_matrix[id_list]          # [L, B, K]
    item_emb = all_mfea[id_list] @ fea_emb  # [L, B, D]
    nei_emb = all_mfea[nei] @ fea_emb       # [L, B, K, D]
    rel_emb_feature = all_rfea[rel] @ rel_emb  # computed, unused in 'sum' branch
    _ = rel_emb_feature
    agg = item_emb + nei_emb.sum(axis=2)    # [L, B, D]
    mol_reaction_embedding = jnp.mean(agg, axis=0)

    mol_x_embedding = mol_reaction_embedding @ crosscl_w + crosscl_b
    mol_a_embedding = mol_atom_embedding
    mol_embedding = mol_atom_embedding + mol_reaction_embedding  # graph_agg='sum'
    return (mol_embedding, mol_a_embedding, mol_x_embedding)

if __name__ == "__main__":
    import jax
    _d = setup_inputs()
    print(jax.jit(kernel)(*tuple(_d.values())))

</pallas_src>

<mosaic_0001>
#map = affine_map<(d0, d1) -> (0, 0)>
#map1 = affine_map<(d0, d1) -> (0)>
#map2 = affine_map<(d0, d1) -> (0, 0, 0)>
module attributes {stable_mosaic.version = 14 : i64} {
  func.func @_sc_edge_pass(%arg0: i32, %arg1: i32, %arg2: memref<10000x128xf32, #tpu.memory_space<hbm>>, %arg3: memref<320000xi32, #tpu.memory_space<hbm>>, %arg4: memref<320000xi32, #tpu.memory_space<hbm>>, %arg5: memref<2x10000x128xf32, #tpu.memory_space<hbm>>, %arg6: memref<10000xi32, #tpu.memory_space<vmem>>, %arg7: memref<10000xi32, #tpu.memory_space<vmem>>, %arg8: memref<80x128xf32, #tpu.memory_space<vmem>>, %arg9: memref<80x128xf32, #tpu.memory_space<vmem>>, %arg10: memref<80x128xf32, #tpu.memory_space<vmem>>, %arg11: memref<10000x128xf32, #tpu.memory_space<vmem_shared>>, %arg12: memref<!tpu.dma_semaphore, #tpu.memory_space<semaphore_mem>>, %arg13: memref<!tpu.dma_semaphore, #tpu.memory_space<semaphore_mem>>, %arg14: memref<!tpu.dma_semaphore, #tpu.memory_space<semaphore_mem>>, %arg15: memref<!tpu.dma_semaphore, #tpu.memory_space<semaphore_mem>>, %arg16: memref<!tpu.dma_semaphore, #tpu.memory_space<semaphore_mem>>, %arg17: memref<!tpu.dma_semaphore, #tpu.memory_space<semaphore_mem>>) attributes {dimension_semantics = [#tpu.dimension_semantics<core_parallel>, #tpu.dimension_semantics<subcore_parallel>], iteration_bounds = array<i64: 2, 16>, scalar_prefetch = 0 : i64, scratch_operands = 12 : i64, tpu.core_type = #tpu.core_type<sc_vector_subcore>, window_params = [{transform_indices = #map}, {transform_indices = #map1}, {transform_indices = #map1}, {transform_indices = #map2}]} {
    %mul3A = arith.constant 16 : i32
    %mul3A_0 = arith.muli %arg0, %mul3A : i32
    %add3A = arith.addi %mul3A_0, %arg1 : i32
    %broadcast_in_dim3A = arith.constant 0.000000e+00 : f32
    %broadcast_in_dim3A_1 = vector.broadcast %broadcast_in_dim3A : f32 to vector<16xf32>
    %scan3A = arith.constant 0 : i32
    %scan3A_2 = arith.constant 0 : i32
    %scan3A_3 = arith.constant 16 : i32
    %scan3A_4 = arith.addi %scan3A_2, %scan3A_3 : i32
    %scan3A_5 = arith.constant 1 : i32
    %scan3A_6 = scf.for %scan3A_85 = %scan3A_2 to %scan3A_4 step %scan3A_5 iter_args(%scan3A_86 = %scan3A) -> (i32)  : i32 {
      %swap3A = arith.index_cast %scan3A_85 : i32 to index
      %swap3A_87 = arith.constant 0 : index
      %swap3A_88 = tpu.vector_load %arg8[%swap3A, %swap3A_87] {strides = array<i32>} : memref<80x128xf32, #tpu.memory_space<vmem>>, vector<1x16xf32>,
      %swap3A_89 = vector.shape_cast %swap3A_88 : vector<1x16xf32> to vector<16xf32>
      %swap3A_90 = vector.shape_cast %broadcast_in_dim3A_1 : vector<16xf32> to vector<1x16xf32>
      tpu.vector_store %arg8[%swap3A, %swap3A_87], %swap3A_90 {strides = array<i32>} : memref<80x128xf32, #tpu.memory_space<vmem>>, vector<1x16xf32>,
      %swap3A_91 = arith.index_cast %scan3A_85 : i32 to index
      %swap3A_92 = arith.constant 16 : index
      %swap3A_93 = tpu.vector_load %arg8[%swap3A_91, %swap3A_92] {strides = array<i32>} : memref<80x128xf32, #tpu.memory_space<vmem>>, vector<1x16xf32>,
      %swap3A_94 = vector.shape_cast %swap3A_93 : vector<1x16xf32> to vector<16xf32>
      %swap3A_95 = vector.shape_cast %broadcast_in_dim3A_1 : vector<16xf32> to vector<1x16xf32>
      tpu.vector_store %arg8[%swap3A_91, %swap3A_92], %swap3A_95 {strides = array<i32>} : memref<80x128xf32, #tpu.memory_space<vmem>>, vector<1x16xf32>,
      %swap3A_96 = arith.index_cast %scan3A_85 : i32 to index
      %swap3A_97 = arith.constant 32 : index
      %swap3A_98 = tpu.vector_load %arg8[%swap3A_96, %swap3A_97] {strides = array<i32>} : memref<80x128xf32, #tpu.memory_space<vmem>>, vector<1x16xf32>,
      %swap3A_99 = vector.shape_cast %swap3A_98 : vector<1x16xf32> to vector<16xf32>
      %swap3A_100 = vector.shape_cast %broadcast_in_dim3A_1 : vector<16xf32> to vector<1x16xf32>
      tpu.vector_store %arg8[%swap3A_96, %swap3A_97], %swap3A_100 {strides = array<i32>} : memref<80x128xf32, #tpu.memory_space<vmem>>, vector<1x16xf32>,
      %swap3A_101 = arith.index_cast %scan3A_85 : i32 to index
      %swap3A_102 = arith.constant 48 : index
      %swap3A_103 = tpu.vector_load %arg8[%swap3A_101, %swap3A_102] {strides = array<i32>} : memref<80x128xf32, #tpu.memory_space<vmem>>, vector<1x16xf32>,
      %swap3A_104 = vector.shape_cast %swap3A_103 : vector<1x16xf32> to vector<16xf32>
      %swap3A_105 = vector.shape_cast %broadcast_in_dim3A_1 : vector<16xf32> to vector<1x16xf32>
      tpu.vector_store %arg8[%swap3A_101, %swap3A_102], %swap3A_105 {strides = array<i32>} : memref<80x128xf32, #tpu.memory_space<vmem>>, vector<1x16xf32>,
      %swap3A_106 = arith.index_cast %scan3A_85 : i32 to index
      %swap3A_107 = arith.constant 64 : index
      %swap3A_108 = tpu.vector_load %arg8[%swap3A_106, %swap3A_107] {strides = array<i32>} : memref<80x128xf32, #tpu.memory_space<vmem>>, vector<1x16xf32>,
      %swap3A_109 = vector.shape_cast %swap3A_108 : vector<1x16xf32> to vector<16xf32>
      %swap3A_110 = vector.shape_cast %broadcast_in_dim3A_1 : vector<16xf32> to vector<1x16xf32>
      tpu.vector_store %arg8[%swap3A_106, %swap3A_107], %swap3A_110 {strides = array<i32>} : memref<80x128xf32, #tpu.memory_space<vmem>>, vector<1x16xf32>,
      %swap3A_111 = arith.index_cast %scan3A_85 : i32 to index
      %swap3A_112 = arith.constant 80 : index
      %swap3A_113 = tpu.vector_load %arg8[%swap3A_111, %swap3A_112] {strides = array<i32>} : memref<80x128xf32, #tpu.memory_space<vmem>>, vector<1x16xf32>,
      %swap3A_114 = vector.shape_cast %swap3A_113 : vector<1x16xf32> to vector<16xf32>
      %swap3A_115 = vector.shape_cast %broadcast_in_dim3A_1 : vector<16xf32> to vector<1x16xf32>
      tpu.vector_store %arg8[%swap3A_111, %swap3A_112], %swap3A_115 {strides = array<i32>} : memref<80x128xf32, #tpu.memory_space<vmem>>, vector<1x16xf32>,
      %swap3A_116 = arith.index_cast %scan3A_85 : i32 to index
      %swap3A_117 = arith.constant 96 : index
      %swap3A_118 = tpu.vector_load %arg8[%swap3A_116, %swap3A_117] {strides = array<i32>} : memref<80x128xf32, #tpu.memory_space<vmem>>, vector<1x16xf32>,
      %swap3A_119 = vector.shape_cast %swap3A_118 : vector<1x16xf32> to vector<16xf32>
      %swap3A_120 = vector.shape_cast %broadcast_in_dim3A_1 : vector<16xf32> to vector<1x16xf32>
      tpu.vector_store %arg8[%swap3A_116, %swap3A_117], %swap3A_120 {strides = array<i32>} : memref<80x128xf32, #tpu.memory_space<vmem>>, vector<1x16xf32>,
      %swap3A_121 = arith.index_cast %scan3A_85 : i32 to index
      %swap3A_122 = arith.constant 112 : index
      %swap3A_123 = tpu.vector_load %arg8[%swap3A_121, %swap3A_122] {strides = array<i32>} : memref<80x128xf32, #tpu.memory_space<vmem>>, vector<1x16xf32>,
      %swap3A_124 = vector.shape_cast %swap3A_123 : vector<1x16xf32> to vector<16xf32>
      %swap3A_125 = vector.shape_cast %broadcast_in_dim3A_1 : vector<16xf32> to vector<1x16xf32>
      tpu.vector_store %arg8[%swap3A_121, %swap3A_122], %swap3A_125 {strides = array<i32>} : memref<80x128xf32, #tpu.memory_space<vmem>>, vector<1x16xf32>,
      %scan3A_126 = arith.constant 0 : i32
      scf.yield %scan3A_126 : i32
    }
    %scan3A_7 = arith.constant 16 : i32
    %scan3A_8 = arith.constant 0 : i32
    %scan3A_9 = arith.constant 0 : i32
    %scan3A_10 = arith.constant 40 : i32
    %scan3A_11 = arith.addi %scan3A_9, %scan3A_10 : i32
    %scan3A_12 = arith.constant 1 : i32
    %scan3A_13 = scf.for %scan3A_85 = %scan3A_9 to %scan3A_11 step %scan3A_12 iter_args(%scan3A_86 = %scan3A_8) -> (i32)  : i32 {
      %mul3A_87 = arith.constant 16 : i32
      %mul3A_88 = arith.muli %scan3A_85, %mul3A_87 : i32
      %add3A_89 = arith.addi %mul3A_88, %arg1 : i32
      %lt3A = arith.constant 625 : i32
      %lt3A_90 = arith.cmpi slt, %add3A_89, %lt3A : i32
      %convert_element_type3A = arith.extui %lt3A_90 : i1 to i32
      %cond3A = arith.constant 0 : i32
      %cond3A_91 = arith.cmpi ne, %convert_element_type3A, %cond3A : i32
      scf.if %cond3A_91 {
        %mul3A_93 = arith.constant 16 : i32
        %mul3A_94 = arith.muli %add3A_89, %mul3A_93 : i32
        "tpu.region"() ({
          %run_scoped3A = tpu.sem_alloc : memref<!tpu.dma_semaphore, #tpu.memory_space<semaphore_mem>>
          %dma_start3A_95 = arith.constant 0 : i32
          %dma_start3A_96 = arith.constant 0 : i32
          %dma_start3A_97 = tpu.memref_slice %arg8[%dma_start3A_95, %dma_start3A_96] : memref<80x128xf32, #tpu.memory_space<vmem>> -> memref<16x128xf32, #tpu.memory_space<vmem>>
          %dma_start3A_98 = arith.constant 0 : i32
          %dma_start3A_99 = tpu.memref_slice %arg11[%mul3A_94, %dma_start3A_98] : memref<10000x128xf32, #tpu.memory_space<vmem_shared>> -> memref<16x128xf32, #tpu.memory_space<vmem_shared>>
          %dma_start3A_100 = arith.constant 0 : i32
          %dma_start3A_101 = tpu.memref_slice %arg11[%mul3A_94, %dma_start3A_100] : memref<10000x128xf32, #tpu.memory_space<vmem_shared>> -> memref<16x128xf32, #tpu.memory_space<vmem_shared>>
          %dma_start3A_102 = arith.constant 0 : i32
          %dma_start3A_103 = arith.constant 0 : i32
          %dma_start3A_104 = tpu.memref_slice %arg8[%dma_start3A_102, %dma_start3A_103] : memref<80x128xf32, #tpu.memory_space<vmem>> -> memref<16x128xf32, #tpu.memory_space<vmem>>
          tpu.enqueue_dma source(%dma_start3A_104 : memref<16x128xf32, #tpu.memory_space<vmem>>) target(%dma_start3A_101 : memref<16x128xf32, #tpu.memory_space<vmem_shared>>) target_semaphore(%run_scoped3A : memref<!tpu.dma_semaphore, #tpu.memory_space<semaphore_mem>>)
          %dma_wait3A_105 = arith.constant 0 : i32
          %dma_wait3A_106 = arith.constant 0 : i32
          %dma_wait3A_107 = tpu.memref_slice %arg8[%dma_wait3A_105, %dma_wait3A_106] : memref<80x128xf32, #tpu.memory_space<vmem>> -> memref<16x128xf32, #tpu.memory_space<vmem>>
          %dma_wait3A_108 = arith.constant 0 : i32
          %dma_wait3A_109 = tpu.memref_slice %arg11[%mul3A_94, %dma_wait3A_108] : memref<10000x128xf32, #tpu.memory_space<vmem_shared>> -> memref<16x128xf32, #tpu.memory_space<vmem_shared>>
          %dma_wait3A_110 = arith.constant 0 : i32
          %dma_wait3A_111 = tpu.memref_slice %arg11[%mul3A_94, %dma_wait3A_110] : memref<10000x128xf32, #tpu.memory_space<vmem_shared>> -> memref<16x128xf32, #tpu.memory_space<vmem_shared>>
          %dma_wait3A_112 = arith.constant 0 : i32
          %dma_wait3A_113 = arith.constant 0 : i32
          %dma_wait3A_114 = tpu.memref_slice %arg8[%dma_wait3A_112, %dma_wait3A_113] : memref<80x128xf32, #tpu.memory_space<vmem>> -> memref<16x128xf32, #tpu.memory_space<vmem>>
          tpu.wait_dma2 semaphore(%run_scoped3A : memref<!tpu.dma_semaphore, #tpu.memory_space<semaphore_mem>>) src(%dma_wait3A_114 : memref<16x128xf32, #tpu.memory_space<vmem>>) dst(%dma_wait3A_111 : memref<16x128xf32, #tpu.memory_space<vmem_shared>>)
          tpu.yield
        }) : () -> ()
      } else {
      }
      %scan3A_92 = arith.constant 0 : i32
      scf.yield %scan3A_92 : i32
    }
    %scan3A_14 = arith.constant 40 : i32
    %barrier3A = arith.constant 0 : index
    tpu.barrier barrier_id(%barrier3A)
    %mul3A_15 = arith.constant 10000 : i32
    %mul3A_16 = arith.muli %add3A, %mul3A_15 : i32
    "tpu.region"() ({
      %run_scoped3A = tpu.sem_alloc : memref<!tpu.dma_semaphore, #tpu.memory_space<semaphore_mem>>
      %dma_start3A_85 = tpu.memref_slice %arg3[%mul3A_16] : memref<320000xi32, #tpu.memory_space<hbm>> -> memref<10000xi32, #tpu.memory_space<hbm>>
      %dma_start3A_86 = tpu.memref_slice %arg3[%mul3A_16] : memref<320000xi32, #tpu.memory_space<hbm>> -> memref<10000xi32, #tpu.memory_space<hbm>>
      tpu.enqueue_dma source(%dma_start3A_86 : memref<10000xi32, #tpu.memory_space<hbm>>) target(%arg6 : memref<10000xi32, #tpu.memory_space<vmem>>) target_semaphore(%run_scoped3A : memref<!tpu.dma_semaphore, #tpu.memory_space<semaphore_mem>>)
      %dma_wait3A_87 = tpu.memref_slice %arg3[%mul3A_16] : memref<320000xi32, #tpu.memory_space<hbm>> -> memref<10000xi32, #tpu.memory_space<hbm>>
      %dma_wait3A_88 = tpu.memref_slice %arg3[%mul3A_16] : memref<320000xi32, #tpu.memory_space<hbm>> -> memref<10000xi32, #tpu.memory_space<hbm>>
      tpu.wait_dma2 semaphore(%run_scoped3A : memref<!tpu.dma_semaphore, #tpu.memory_space<semaphore_mem>>) src(%dma_wait3A_88 : memref<10000xi32, #tpu.memory_space<hbm>>) dst(%arg6 : memref<10000xi32, #tpu.memory_space<vmem>>)
      tpu.yield
    }) : () -> ()
    "tpu.region"() ({
      %run_scoped3A = tpu.sem_alloc : memref<!tpu.dma_semaphore, #tpu.memory_space<semaphore_mem>>
      %dma_start3A_85 = tpu.memref_slice %arg4[%mul3A_16] : memref<320000xi32, #tpu.memory_space<hbm>> -> memref<10000xi32, #tpu.memory_space<hbm>>
      %dma_start3A_86 = tpu.memref_slice %arg4[%mul3A_16] : memref<320000xi32, #tpu.memory_space<hbm>> -> memref<10000xi32, #tpu.memory_space<hbm>>
      tpu.enqueue_dma source(%dma_start3A_86 : memref<10000xi32, #tpu.memory_space<hbm>>) target(%arg7 : memref<10000xi32, #tpu.memory_space<vmem>>) target_semaphore(%run_scoped3A : memref<!tpu.dma_semaphore, #tpu.memory_space<semaphore_mem>>)
      %dma_wait3A_87 = tpu.memref_slice %arg4[%mul3A_16] : memref<320000xi32, #tpu.memory_space<hbm>> -> memref<10000xi32, #tpu.memory_space<hbm>>
      %dma_wait3A_88 = tpu.memref_slice %arg4[%mul3A_16] : memref<320000xi32, #tpu.memory_space<hbm>> -> memref<10000xi32, #tpu.memory_space<hbm>>
      tpu.wait_dma2 semaphore(%run_scoped3A : memref<!tpu.dma_semaphore, #tpu.memory_space<semaphore_mem>>) src(%dma_wait3A_88 : memref<10000xi32, #tpu.memory_space<hbm>>) dst(%arg7 : memref<10000xi32, #tpu.memory_space<vmem>>)
      tpu.yield
    }) : () -> ()
    %dma_start3A = arith.constant 0 : i32
    %dma_start3A_17 = tpu.memref_slice %arg6[%dma_start3A] : memref<10000xi32, #tpu.memory_space<vmem>> -> memref<80xi32, #tpu.memory_space<vmem>>
    %dma_start3A_18 = arith.constant 0 : i32
    %dma_start3A_19 = arith.constant 0 : i32
    %dma_start3A_20 = tpu.memref_slice %arg2[%dma_start3A_18, %dma_start3A_19] : memref<10000x128xf32, #tpu.memory_space<hbm>> -> memref<10000x128xf32, #tpu.memory_space<hbm>>
    tpu.enqueue_indirect_dma source(%dma_start3A_20 : memref<10000x128xf32, #tpu.memory_space<hbm>>) target(%arg8 : memref<80x128xf32, #tpu.memory_space<vmem>>) offsets(%dma_start3A_17 : memref<80xi32, #tpu.memory_space<vmem>>) semaphore(%arg12 : memref<!tpu.dma_semaphore, #tpu.memory_space<semaphore_mem>>)
    %dma_start3A_21 = arith.constant 80 : i32
    %dma_start3A_22 = tpu.memref_slice %arg6[%dma_start3A_21] : memref<10000xi32, #tpu.memory_space<vmem>> -> memref<80xi32, #tpu.memory_space<vmem>>
    %dma_start3A_23 = arith.constant 0 : i32
    %dma_start3A_24 = arith.constant 0 : i32
    %dma_start3A_25 = tpu.memref_slice %arg2[%dma_start3A_23, %dma_start3A_24] : memref<10000x128xf32, #tpu.memory_space<hbm>> -> memref<10000x128xf32, #tpu.memory_space<hbm>>
    tpu.enqueue_indirect_dma source(%dma_start3A_25 : memref<10000x128xf32, #tpu.memory_space<hbm>>) target(%arg9 : memref<80x128xf32, #tpu.memory_space<vmem>>) offsets(%dma_start3A_22 : memref<80xi32, #tpu.memory_space<vmem>>) semaphore(%arg13 : memref<!tpu.dma_semaphore, #tpu.memory_space<semaphore_mem>>)
    %dma_start3A_26 = arith.constant 160 : i32
    %dma_start3A_27 = tpu.memref_slice %arg6[%dma_start3A_26] : memref<10000xi32, #tpu.memory_space<vmem>> -> memref<80xi32, #tpu.memory_space<vmem>>
    %dma_start3A_28 = arith.constant 0 : i32
    %dma_start3A_29 = arith.constant 0 : i32
    %dma_start3A_30 = tpu.memref_slice %arg2[%dma_start3A_28, %dma_start3A_29] : memref<10000x128xf32, #tpu.memory_space<hbm>> -> memref<10000x128xf32, #tpu.memory_space<hbm>>
    tpu.enqueue_indirect_dma source(%dma_start3A_30 : memref<10000x128xf32, #tpu.memory_space<hbm>>) target(%arg10 : memref<80x128xf32, #tpu.memory_space<vmem>>) offsets(%dma_start3A_27 : memref<80xi32, #tpu.memory_space<vmem>>) semaphore(%arg14 : memref<!tpu.dma_semaphore, #tpu.memory_space<semaphore_mem>>)
    %scan3A_31 = arith.constant 0 : i32
    %scan3A_32 = arith.constant 0 : i32
    %scan3A_33 = arith.constant 41 : i32
    %scan3A_34 = arith.addi %scan3A_32, %scan3A_33 : i32
    %scan3A_35 = arith.constant 1 : i32
    %scan3A_36 = scf.for %scan3A_85 = %scan3A_32 to %scan3A_34 step %scan3A_35 iter_args(%scan3A_86 = %scan3A_31) -> (i32)  : i32 {
      %mul3A_87 = arith.constant 3 : i32
      %mul3A_88 = arith.muli %scan3A_85, %mul3A_87 : i32
      %add3A_89 = arith.constant 0 : i32
      %add3A_90 = arith.addi %mul3A_88, %add3A_89 : i32
      %dma_wait3A_91 = arith.constant 0 : i32
      %dma_wait3A_92 = arith.constant 0 : i32
      %dma_wait3A_93 = tpu.memref_slice %arg2[%dma_wait3A_91, %dma_wait3A_92] : memref<10000x128xf32, #tpu.memory_space<hbm>> -> memref<80x128xf32, #tpu.memory_space<hbm>>
      %dma_wait3A_94 = arith.constant 0 : i32
      %dma_wait3A_95 = arith.constant 0 : i32
      %dma_wait3A_96 = tpu.memref_slice %arg2[%dma_wait3A_94, %dma_wait3A_95] : memref<10000x128xf32, #tpu.memory_space<hbm>> -> memref<80x128xf32, #tpu.memory_space<hbm>>
      tpu.wait_dma2 semaphore(%arg12 : memref<!tpu.dma_semaphore, #tpu.memory_space<semaphore_mem>>) src(%dma_wait3A_96 : memref<80x128xf32, #tpu.memory_space<hbm>>) dst(%arg8 : memref<80x128xf32, #tpu.memory_space<vmem>>)
      %mul3A_97 = arith.constant 80 : i32
      %mul3A_98 = arith.muli %add3A_90, %mul3A_97 : i32
      %dma_start3A_99 = tpu.memref_slice %arg7[%mul3A_98] : memref<10000xi32, #tpu.memory_space<vmem>> -> memref<80xi32, #tpu.memory_space<vmem>>
      %dma_start3A_100 = arith.constant 0 : i32
      %dma_start3A_101 = arith.constant 0 : i32
      %dma_start3A_102 = tpu.memref_slice %arg11[%dma_start3A_100, %dma_start3A_101] : memref<10000x128xf32, #tpu.memory_space<vmem_shared>> -> memref<10000x128xf32, #tpu.memory_space<vmem_shared>>
      tpu.enqueue_indirect_dma source(%arg8 : memref<80x128xf32, #tpu.memory_space<vmem>>) target(%dma_start3A_102 : memref<10000x128xf32, #tpu.memory_space<vmem_shared>>) offsets(%dma_start3A_99 : memref<80xi32, #tpu.memory_space<vmem>>) semaphore(%arg15 : memref<!tpu.dma_semaphore, #tpu.memory_space<semaphore_mem>>) {add = true}
      %add3A_103 = arith.constant 3 : i32
      %add3A_104 = arith.addi %add3A_90, %add3A_103 : i32
      %lt3A = arith.constant 125 : i32
      %lt3A_105 = arith.cmpi slt, %add3A_104, %lt3A : i32
      %convert_element_type3A = arith.extui %lt3A_105 : i1 to i32
      %cond3A = arith.constant 0 : i32
      %cond3A_106 = arith.cmpi ne, %convert_element_type3A, %cond3A : i32
      scf.if %cond3A_106 {
        %dma_wait3A_154 = arith.constant 0 : i32
        %dma_wait3A_155 = arith.constant 0 : i32
        %dma_wait3A_156 = tpu.memref_slice %arg11[%dma_wait3A_154, %dma_wait3A_155] : memref<10000x128xf32, #tpu.memory_space<vmem_shared>> -> memref<80x128xf32, #tpu.memory_space<vmem_shared>>
        %dma_wait3A_157 = arith.constant 0 : i32
        %dma_wait3A_158 = arith.constant 0 : i32
        %dma_wait3A_159 = tpu.memref_slice %arg11[%dma_wait3A_157, %dma_wait3A_158] : memref<10000x128xf32, #tpu.memory_space<vmem_shared>> -> memref<80x128xf32, #tpu.memory_space<vmem_shared>>
        tpu.wait_dma2 semaphore(%arg15 : memref<!tpu.dma_semaphore, #tpu.memory_space<semaphore_mem>>) src(%arg8 : memref<80x128xf32, #tpu.memory_space<vmem>>) dst(%dma_wait3A_159 : memref<80x128xf32, #tpu.memory_space<vmem_shared>>)
        %add3A_160 = arith.constant 3 : i32
        %add3A_161 = arith.addi %add3A_90, %add3A_160 : i32
        %mul3A_162 = arith.constant 80 : i32
        %mul3A_163 = arith.muli %add3A_161, %mul3A_162 : i32
        %dma_start3A_164 = tpu.memref_slice %arg6[%mul3A_163] : memref<10000xi32, #tpu.memory_space<vmem>> -> memref<80xi32, #tpu.memory_space<vmem>>
        %dma_start3A_165 = arith.constant 0 : i32
        %dma_start3A_166 = arith.constant 0 : i32
        %dma_start3A_167 = tpu.memref_slice %arg2[%dma_start3A_165, %dma_start3A_166] : memref<10000x128xf32, #tpu.memory_space<hbm>> -> memref<10000x128xf32, #tpu.memory_space<hbm>>
        tpu.enqueue_indirect_dma source(%dma_start3A_167 : memref<10000x128xf32, #tpu.memory_space<hbm>>) target(%arg8 : memref<80x128xf32, #tpu.memory_space<vmem>>) offsets(%dma_start3A_164 : memref<80xi32, #tpu.memory_space<vmem>>) semaphore(%arg12 : memref<!tpu.dma_semaphore, #tpu.memory_space<semaphore_mem>>)
      } else {
      }
      %mul3A_107 = arith.constant 3 : i32
      %mul3A_108 = arith.muli %scan3A_85, %mul3A_107 : i32
      %add3A_109 = arith.constant 1 : i32
      %add3A_110 = arith.addi %mul3A_108, %add3A_109 : i32
      %dma_wait3A_111 = arith.constant 0 : i32
      %dma_wait3A_112 = arith.constant 0 : i32
      %dma_wait3A_113 = tpu.memref_slice %arg2[%dma_wait3A_111, %dma_wait3A_112] : memref<10000x128xf32, #tpu.memory_space<hbm>> -> memref<80x128xf32, #tpu.memory_space<hbm>>
      %dma_wait3A_114 = arith.constant 0 : i32
      %dma_wait3A_115 = arith.constant 0 : i32
      %dma_wait3A_116 = tpu.memref_slice %arg2[%dma_wait3A_114, %dma_wait3A_115] : memref<10000x128xf32, #tpu.memory_space<hbm>> -> memref<80x128xf32, #tpu.memory_space<hbm>>
      tpu.wait_dma2 semaphore(%arg13 : memref<!tpu.dma_semaphore, #tpu.memory_space<semaphore_mem>>) src(%dma_wait3A_116 : memref<80x128xf32, #tpu.memory_space<hbm>>) dst(%arg9 : memref<80x128xf32, #tpu.memory_space<vmem>>)
      %mul3A_117 = arith.constant 80 : i32
      %mul3A_118 = arith.muli %add3A_110, %mul3A_117 : i32
      %dma_start3A_119 = tpu.memref_slice %arg7[%mul3A_118] : memref<10000xi32, #tpu.memory_space<vmem>> -> memref<80xi32, #tpu.memory_space<vmem>>
      %dma_start3A_120 = arith.constant 0 : i32
      %dma_start3A_121 = arith.constant 0 : i32
      %dma_start3A_122 = tpu.memref_slice %arg11[%dma_start3A_120, %dma_start3A_121] : memref<10000x128xf32, #tpu.memory_space<vmem_shared>> -> memref<10000x128xf32, #tpu.memory_space<vmem_shared>>
      tpu.enqueue_indirect_dma source(%arg9 : memref<80x128xf32, #tpu.memory_space<vmem>>) target(%dma_start3A_122 : memref<10000x128xf32, #tpu.memory_space<vmem_shared>>) offsets(%dma_start3A_119 : memref<80xi32, #tpu.memory_space<vmem>>) semaphore(%arg16 : memref<!tpu.dma_semaphore, #tpu.memory_space<semaphore_mem>>) {add = true}
      %add3A_123 = arith.constant 3 : i32
      %add3A_124 = arith.addi %add3A_110, %add3A_123 : i32
      %lt3A_125 = arith.constant 125 : i32
      %lt3A_126 = arith.cmpi slt, %add3A_124, %lt3A_125 : i32
      %convert_element_type3A_127 = arith.extui %lt3A_126 : i1 to i32
      %cond3A_128 = arith.constant 0 : i32
      %cond3A_129 = arith.cmpi ne, %convert_element_type3A_127, %cond3A_128 : i32
      scf.if %cond3A_129 {
        %dma_wait3A_154 = arith.constant 0 : i32
        %dma_wait3A_155 = arith.constant 0 : i32
        %dma_wait3A_156 = tpu.memref_slice %arg11[%dma_wait3A_154, %dma_wait3A_155] : memref<10000x128xf32, #tpu.memory_space<vmem_shared>> -> memref<80x128xf32, #tpu.memory_space<vmem_shared>>
        %dma_wait3A_157 = arith.constant 0 : i32
        %dma_wait3A_158 = arith.constant 0 : i32
        %dma_wait3A_159 = tpu.memref_slice %arg11[%dma_wait3A_157, %dma_wait3A_158] : memref<10000x128xf32, #tpu.memory_space<vmem_shared>> -> memref<80x128xf32, #tpu.memory_space<vmem_shared>>
        tpu.wait_dma2 semaphore(%arg16 : memref<!tpu.dma_semaphore, #tpu.memory_space<semaphore_mem>>) src(%arg9 : memref<80x128xf32, #tpu.memory_space<vmem>>) dst(%dma_wait3A_159 : memref<80x128xf32, #tpu.memory_space<vmem_shared>>)
        %add3A_160 = arith.constant 3 : i32
        %add3A_161 = arith.addi %add3A_110, %add3A_160 : i32
        %mul3A_162 = arith.constant 80 : i32
        %mul3A_163 = arith.muli %add3A_161, %mul3A_162 : i32
        %dma_start3A_164 = tpu.memref_slice %arg6[%mul3A_163] : memref<10000xi32, #tpu.memory_space<vmem>> -> memref<80xi32, #tpu.memory_space<vmem>>
        %dma_start3A_165 = arith.constant 0 : i32
        %dma_start3A_166 = arith.constant 0 : i32
        %dma_start3A_167 = tpu.memref_slice %arg2[%dma_start3A_165, %dma_start3A_166] : memref<10000x128xf32, #tpu.memory_space<hbm>> -> memref<10000x128xf32, #tpu.memory_space<hbm>>
        tpu.enqueue_indirect_dma source(%dma_start3A_167 : memref<10000x128xf32, #tpu.memory_space<hbm>>) target(%arg9 : memref<80x128xf32, #tpu.memory_space<vmem>>) offsets(%dma_start3A_164 : memref<80xi32, #tpu.memory_space<vmem>>) semaphore(%arg13 : memref<!tpu.dma_semaphore, #tpu.memory_space<semaphore_mem>>)
      } else {
      }
      %mul3A_130 = arith.constant 3 : i32
      %mul3A_131 = arith.muli %scan3A_85, %mul3A_130 : i32
      %add3A_132 = arith.constant 2 : i32
      %add3A_133 = arith.addi %mul3A_131, %add3A_132 : i32
      %dma_wait3A_134 = arith.constant 0 : i32
      %dma_wait3A_135 = arith.constant 0 : i32
      %dma_wait3A_136 = tpu.memref_slice %arg2[%dma_wait3A_134, %dma_wait3A_135] : memref<10000x128xf32, #tpu.memory_space<hbm>> -> memref<80x128xf32, #tpu.memory_space<hbm>>
      %dma_wait3A_137 = arith.constant 0 : i32
      %dma_wait3A_138 = arith.constant 0 : i32
      %dma_wait3A_139 = tpu.memref_slice %arg2[%dma_wait3A_137, %dma_wait3A_138] : memref<10000x128xf32, #tpu.memory_space<hbm>> -> memref<80x128xf32, #tpu.memory_space<hbm>>
      tpu.wait_dma2 semaphore(%arg14 : memref<!tpu.dma_semaphore, #tpu.memory_space<semaphore_mem>>) src(%dma_wait3A_139 : memref<80x128xf32, #tpu.memory_space<hbm>>) dst(%arg10 : memref<80x128xf32, #tpu.memory_space<vmem>>)
      %mul3A_140 = arith.constant 80 : i32
      %mul3A_141 = arith.muli %add3A_133, %mul3A_140 : i32
      %dma_start3A_142 = tpu.memref_slice %arg7[%mul3A_141] : memref<10000xi32, #tpu.memory_space<vmem>> -> memref<80xi32, #tpu.memory_space<vmem>>
      %dma_start3A_143 = arith.constant 0 : i32
      %dma_start3A_144 = arith.constant 0 : i32
      %dma_start3A_145 = tpu.memref_slice %arg11[%dma_start3A_143, %dma_start3A_144] : memref<10000x128xf32, #tpu.memory_space<vmem_shared>> -> memref<10000x128xf32, #tpu.memory_space<vmem_shared>>
      tpu.enqueue_indirect_dma source(%arg10 : memref<80x128xf32, #tpu.memory_space<vmem>>) target(%dma_start3A_145 : memref<10000x128xf32, #tpu.memory_space<vmem_shared>>) offsets(%dma_start3A_142 : memref<80xi32, #tpu.memory_space<vmem>>) semaphore(%arg17 : memref<!tpu.dma_semaphore, #tpu.memory_space<semaphore_mem>>) {add = true}
      %add3A_146 = arith.constant 3 : i32
      %add3A_147 = arith.addi %add3A_133, %add3A_146 : i32
      %lt3A_148 = arith.constant 125 : i32
      %lt3A_149 = arith.cmpi slt, %add3A_147, %lt3A_148 : i32
      %convert_element_type3A_150 = arith.extui %lt3A_149 : i1 to i32
      %cond3A_151 = arith.constant 0 : i32
      %cond3A_152 = arith.cmpi ne, %convert_element_type3A_150, %cond3A_151 : i32
      scf.if %cond3A_152 {
        %dma_wait3A_154 = arith.constant 0 : i32
        %dma_wait3A_155 = arith.constant 0 : i32
        %dma_wait3A_156 = tpu.memref_slice %arg11[%dma_wait3A_154, %dma_wait3A_155] : memref<10000x128xf32, #tpu.memory_space<vmem_shared>> -> memref<80x128xf32, #tpu.memory_space<vmem_shared>>
        %dma_wait3A_157 = arith.constant 0 : i32
        %dma_wait3A_158 = arith.constant 0 : i32
        %dma_wait3A_159 = tpu.memref_slice %arg11[%dma_wait3A_157, %dma_wait3A_158] : memref<10000x128xf32, #tpu.memory_space<vmem_shared>> -> memref<80x128xf32, #tpu.memory_space<vmem_shared>>
        tpu.wait_dma2 semaphore(%arg17 : memref<!tpu.dma_semaphore, #tpu.memory_space<semaphore_mem>>) src(%arg10 : memref<80x128xf32, #tpu.memory_space<vmem>>) dst(%dma_wait3A_159 : memref<80x128xf32, #tpu.memory_space<vmem_shared>>)
        %add3A_160 = arith.constant 3 : i32
        %add3A_161 = arith.addi %add3A_133, %add3A_160 : i32
        %mul3A_162 = arith.constant 80 : i32
        %mul3A_163 = arith.muli %add3A_161, %mul3A_162 : i32
        %dma_start3A_164 = tpu.memref_slice %arg6[%mul3A_163] : memref<10000xi32, #tpu.memory_space<vmem>> -> memref<80xi32, #tpu.memory_space<vmem>>
        %dma_start3A_165 = arith.constant 0 : i32
        %dma_start3A_166 = arith.constant 0 : i32
        %dma_start3A_167 = tpu.memref_slice %arg2[%dma_start3A_165, %dma_start3A_166] : memref<10000x128xf32, #tpu.memory_space<hbm>> -> memref<10000x128xf32, #tpu.memory_space<hbm>>
        tpu.enqueue_indirect_dma source(%dma_start3A_167 : memref<10000x128xf32, #tpu.memory_space<hbm>>) target(%arg10 : memref<80x128xf32, #tpu.memory_space<vmem>>) offsets(%dma_start3A_164 : memref<80xi32, #tpu.memory_space<vmem>>) semaphore(%arg14 : memref<!tpu.dma_semaphore, #tpu.memory_space<semaphore_mem>>)
      } else {
      }
      %scan3A_153 = arith.constant 0 : i32
      scf.yield %scan3A_153 : i32
    }
    %scan3A_37 = arith.constant 41 : i32
    %dma_wait3A = arith.constant 0 : i32
    %dma_wait3A_38 = arith.constant 0 : i32
    %dma_wait3A_39 = tpu.memref_slice %arg2[%dma_wait3A, %dma_wait3A_38] : memref<10000x128xf32, #tpu.memory_space<hbm>> -> memref<80x128xf32, #tpu.memory_space<hbm>>
    %dma_wait3A_40 = arith.constant 0 : i32
    %dma_wait3A_41 = arith.constant 0 : i32
    %dma_wait3A_42 = tpu.memref_slice %arg2[%dma_wait3A_40, %dma_wait3A_41] : memref<10000x128xf32, #tpu.memory_space<hbm>> -> memref<80x128xf32, #tpu.memory_space<hbm>>
    tpu.wait_dma2 semaphore(%arg12 : memref<!tpu.dma_semaphore, #tpu.memory_space<semaphore_mem>>) src(%dma_wait3A_42 : memref<80x128xf32, #tpu.memory_space<hbm>>) dst(%arg8 : memref<80x128xf32, #tpu.memory_space<vmem>>)
    %dma_start3A_43 = arith.constant 9840 : i32
    %dma_start3A_44 = tpu.memref_slice %arg7[%dma_start3A_43] : memref<10000xi32, #tpu.memory_space<vmem>> -> memref<80xi32, #tpu.memory_space<vmem>>
    %dma_start3A_45 = arith.constant 0 : i32
    %dma_start3A_46 = arith.constant 0 : i32
    %dma_start3A_47 = tpu.memref_slice %arg11[%dma_start3A_45, %dma_start3A_46] : memref<10000x128xf32, #tpu.memory_space<vmem_shared>> -> memref<10000x128xf32, #tpu.memory_space<vmem_shared>>
    tpu.enqueue_indirect_dma source(%arg8 : memref<80x128xf32, #tpu.memory_space<vmem>>) target(%dma_start3A_47 : memref<10000x128xf32, #tpu.memory_space<vmem_shared>>) offsets(%dma_start3A_44 : memref<80xi32, #tpu.memory_space<vmem>>) semaphore(%arg15 : memref<!tpu.dma_semaphore, #tpu.memory_space<semaphore_mem>>) {add = true}
    %dma_wait3A_48 = arith.constant 0 : i32
    %dma_wait3A_49 = arith.constant 0 : i32
    %dma_wait3A_50 = tpu.memref_slice %arg2[%dma_wait3A_48, %dma_wait3A_49] : memref<10000x128xf32, #tpu.memory_space<hbm>> -> memref<80x128xf32, #tpu.memory_space<hbm>>
    %dma_wait3A_51 = arith.constant 0 : i32
    %dma_wait3A_52 = arith.constant 0 : i32
    %dma_wait3A_53 = tpu.memref_slice %arg2[%dma_wait3A_51, %dma_wait3A_52] : memref<10000x128xf32, #tpu.memory_space<hbm>> -> memref<80x128xf32, #tpu.memory_space<hbm>>
    tpu.wait_dma2 semaphore(%arg13 : memref<!tpu.dma_semaphore, #tpu.memory_space<semaphore_mem>>) src(%dma_wait3A_53 : memref<80x128xf32, #tpu.memory_space<hbm>>) dst(%arg9 : memref<80x128xf32, #tpu.memory_space<vmem>>)
    %dma_start3A_54 = arith.constant 9920 : i32
    %dma_start3A_55 = tpu.memref_slice %arg7[%dma_start3A_54] : memref<10000xi32, #tpu.memory_space<vmem>> -> memref<80xi32, #tpu.memory_space<vmem>>
    %dma_start3A_56 = arith.constant 0 : i32
    %dma_start3A_57 = arith.constant 0 : i32
    %dma_start3A_58 = tpu.memref_slice %arg11[%dma_start3A_56, %dma_start3A_57] : memref<10000x128xf32, #tpu.memory_space<vmem_shared>> -> memref<10000x128xf32, #tpu.memory_space<vmem_shared>>
    tpu.enqueue_indirect_dma source(%arg9 : memref<80x128xf32, #tpu.memory_space<vmem>>) target(%dma_start3A_58 : memref<10000x128xf32, #tpu.memory_space<vmem_shared>>) offsets(%dma_start3A_55 : memref<80xi32, #tpu.memory_space<vmem>>) semaphore(%arg16 : memref<!tpu.dma_semaphore, #tpu.memory_space<semaphore_mem>>) {add = true}
    %dma_wait3A_59 = arith.constant 0 : i32
    %dma_wait3A_60 = arith.constant 0 : i32
    %dma_wait3A_61 = tpu.memref_slice %arg11[%dma_wait3A_59, %dma_wait3A_60] : memref<10000x128xf32, #tpu.memory_space<vmem_shared>> -> memref<80x128xf32, #tpu.memory_space<vmem_shared>>
    %dma_wait3A_62 = arith.constant 0 : i32
    %dma_wait3A_63 = arith.constant 0 : i32
    %dma_wait3A_64 = tpu.memref_slice %arg11[%dma_wait3A_62, %dma_wait3A_63] : memref<10000x128xf32, #tpu.memory_space<vmem_shared>> -> memref<80x128xf32, #tpu.memory_space<vmem_shared>>
    tpu.wait_dma2 semaphore(%arg15 : memref<!tpu.dma_semaphore, #tpu.memory_space<semaphore_mem>>) src(%arg8 : memref<80x128xf32, #tpu.memory_space<vmem>>) dst(%dma_wait3A_64 : memref<80x128xf32, #tpu.memory_space<vmem_shared>>)
    %dma_wait3A_65 = arith.constant 0 : i32
    %dma_wait3A_66 = arith.constant 0 : i32
    %dma_wait3A_67 = tpu.memref_slice %arg11[%dma_wait3A_65, %dma_wait3A_66] : memref<10000x128xf32, #tpu.memory_space<vmem_shared>> -> memref<80x128xf32, #tpu.memory_space<vmem_shared>>
    %dma_wait3A_68 = arith.constant 0 : i32
    %dma_wait3A_69 = arith.constant 0 : i32
    %dma_wait3A_70 = tpu.memref_slice %arg11[%dma_wait3A_68, %dma_wait3A_69] : memref<10000x128xf32, #tpu.memory_space<vmem_shared>> -> memref<80x128xf32, #tpu.memory_space<vmem_shared>>
    tpu.wait_dma2 semaphore(%arg16 : memref<!tpu.dma_semaphore, #tpu.memory_space<semaphore_mem>>) src(%arg9 : memref<80x128xf32, #tpu.memory_space<vmem>>) dst(%dma_wait3A_70 : memref<80x128xf32, #tpu.memory_space<vmem_shared>>)
    %dma_wait3A_71 = arith.constant 0 : i32
    %dma_wait3A_72 = arith.constant 0 : i32
    %dma_wait3A_73 = tpu.memref_slice %arg11[%dma_wait3A_71, %dma_wait3A_72] : memref<10000x128xf32, #tpu.memory_space<vmem_shared>> -> memref<80x128xf32, #tpu.memory_space<vmem_shared>>
    %dma_wait3A_74 = arith.constant 0 : i32
    %dma_wait3A_75 = arith.constant 0 : i32
    %dma_wait3A_76 = tpu.memref_slice %arg11[%dma_wait3A_74, %dma_wait3A_75] : memref<10000x128xf32, #tpu.memory_space<vmem_shared>> -> memref<80x128xf32, #tpu.memory_space<vmem_shared>>
    tpu.wait_dma2 semaphore(%arg17 : memref<!tpu.dma_semaphore, #tpu.memory_space<semaphore_mem>>) src(%arg10 : memref<80x128xf32, #tpu.memory_space<vmem>>) dst(%dma_wait3A_76 : memref<80x128xf32, #tpu.memory_space<vmem_shared>>)
    %barrier3A_77 = arith.constant 0 : index
    tpu.barrier barrier_id(%barrier3A_77)
    %scan3A_78 = arith.constant 0 : i32
    %scan3A_79 = arith.constant 0 : i32
    %scan3A_80 = arith.constant 8 : i32
    %scan3A_81 = arith.addi %scan3A_79, %scan3A_80 : i32
    %scan3A_82 = arith.constant 1 : i32
    %scan3A_83 = scf.for %scan3A_85 = %scan3A_79 to %scan3A_81 step %scan3A_82 iter_args(%scan3A_86 = %scan3A_78) -> (i32)  : i32 {
      %mul3A_87 = arith.constant 16 : i32
      %mul3A_88 = arith.muli %scan3A_85, %mul3A_87 : i32
      %add3A_89 = arith.addi %mul3A_88, %arg1 : i32
      %lt3A = arith.constant 125 : i32
      %lt3A_90 = arith.cmpi slt, %add3A_89, %lt3A : i32
      %convert_element_type3A = arith.extui %lt3A_90 : i1 to i32
      %cond3A = arith.constant 0 : i32
      %cond3A_91 = arith.cmpi ne, %convert_element_type3A, %cond3A : i32
      scf.if %cond3A_91 {
        %mul3A_93 = arith.constant 80 : i32
        %mul3A_94 = arith.muli %add3A_89, %mul3A_93 : i32
        "tpu.region"() ({
          %run_scoped3A = tpu.sem_alloc : memref<!tpu.dma_semaphore, #tpu.memory_space<semaphore_mem>>
          %dma_start3A_95 = arith.constant 0 : i32
          %dma_start3A_96 = arith.constant 0 : i32
          %dma_start3A_97 = tpu.memref_slice %arg5[%arg0, %dma_start3A_95, %dma_start3A_96] : memref<2x10000x128xf32, #tpu.memory_space<hbm>> -> memref<1x10000x128xf32, #tpu.memory_space<hbm>>
          %dma_start3A_98 = tpu.memref_squeeze %dma_start3A_97 : memref<1x10000x128xf32, #tpu.memory_space<hbm>> -> memref<10000x128xf32, #tpu.memory_space<hbm>>
          %dma_start3A_99 = arith.constant 0 : i32
          %dma_start3A_100 = tpu.memref_slice %dma_start3A_98[%mul3A_94, %dma_start3A_99] : memref<10000x128xf32, #tpu.memory_space<hbm>> -> memref<80x128xf32, #tpu.memory_space<hbm>>
          %dma_start3A_101 = arith.constant 0 : i32
          %dma_start3A_102 = tpu.memref_slice %arg11[%mul3A_94, %dma_start3A_101] : memref<10000x128xf32, #tpu.memory_space<vmem_shared>> -> memref<80x128xf32, #tpu.memory_space<vmem_shared>>
          tpu.enqueue_dma source(%dma_start3A_102 : memref<80x128xf32, #tpu.memory_space<vmem_shared>>) target(%dma_start3A_100 : memref<80x128xf32, #tpu.memory_space<hbm>>) target_semaphore(%run_scoped3A : memref<!tpu.dma_semaphore, #tpu.memory_space<semaphore_mem>>)
          %dma_wait3A_103 = arith.constant 0 : i32
          %dma_wait3A_104 = arith.constant 0 : i32
          %dma_wait3A_105 = tpu.memref_slice %arg5[%arg0, %dma_wait3A_103, %dma_wait3A_104] : memref<2x10000x128xf32, #tpu.memory_space<hbm>> -> memref<1x10000x128xf32, #tpu.memory_space<hbm>>
          %dma_wait3A_106 = tpu.memref_squeeze %dma_wait3A_105 : memref<1x10000x128xf32, #tpu.memory_space<hbm>> -> memref<10000x128xf32, #tpu.memory_space<hbm>>
          %dma_wait3A_107 = arith.constant 0 : i32
          %dma_wait3A_108 = tpu.memref_slice %dma_wait3A_106[%mul3A_94, %dma_wait3A_107] : memref<10000x128xf32, #tpu.memory_space<hbm>> -> memref<80x128xf32, #tpu.memory_space<hbm>>
          %dma_wait3A_109 = arith.constant 0 : i32
          %dma_wait3A_110 = tpu.memref_slice %arg11[%mul3A_94, %dma_wait3A_109] : memref<10000x128xf32, #tpu.memory_space<vmem_shared>> -> memref<80x128xf32, #tpu.memory_space<vmem_shared>>
          tpu.wait_dma2 semaphore(%run_scoped3A : memref<!tpu.dma_semaphore, #tpu.memory_space<semaphore_mem>>) src(%dma_wait3A_110 : memref<80x128xf32, #tpu.memory_space<vmem_shared>>) dst(%dma_wait3A_108 : memref<80x128xf32, #tpu.memory_space<hbm>>)
          tpu.yield
        }) : () -> ()
      } else {
      }
      %scan3A_92 = arith.constant 0 : i32
      scf.yield %scan3A_92 : i32
    }
    %scan3A_84 = arith.constant 8 : i32
    return
  }
}

#map = affine_map<(d0, d1) -> (0)>
#map1 = affine_map<(d0, d1) -> (0, 0)>
#map2 = affine_map<(d0, d1) -> (0, 0, 0)>
module attributes {stable_mosaic.version = 14 : i64} {
  func.func @_sc_deg_nm(%arg0: i32, %arg1: i32, %arg2: memref<320000xi32, #tpu.memory_space<hbm>>, %arg3: memref<320000xi32, #tpu.memory_space<hbm>>, %arg4: memref<2048xi32, #tpu.memory_space<hbm>>, %arg5: memref<50000x128xi32, #tpu.memory_space<hbm>>, %arg6: memref<32x2x10000xf32, #tpu.memory_space<hbm>>, %arg7: memref<2048x128xi32, #tpu.memory_space<hbm>>, %arg8: memref<10000xi32, #tpu.memory_space<vmem>>, %arg9: memref<10000xi32, #tpu.memory_space<vmem>>, %arg10: memref<10000xf32, #tpu.memory_space<vmem>>, %arg11: memref<10000xf32, #tpu.memory_space<vmem>>, %arg12: memref<64xi32, #tpu.memory_space<vmem>>, %arg13: memref<64x128xi32, #tpu.memory_space<vmem>>, %arg14: memref<!tpu.dma_semaphore, #tpu.memory_space<semaphore_mem>>) attributes {dimension_semantics = [#tpu.dimension_semantics<core_parallel>, #tpu.dimension_semantics<subcore_parallel>], iteration_bounds = array<i64: 2, 16>, scalar_prefetch = 0 : i64, scratch_operands = 7 : i64, tpu.core_type = #tpu.core_type<sc_vector_subcore>, window_params = [{transform_indices = #map}, {transform_indices = #map}, {transform_indices = #map}, {transform_indices = #map1}, {transform_indices = #map2}, {transform_indices = #map1}]} {
    %mul3A = arith.constant 16 : i32
    %mul3A_0 = arith.muli %arg0, %mul3A : i32
    %add3A = arith.addi %mul3A_0, %arg1 : i32
    %mul3A_1 = arith.constant 64 : i32
    %mul3A_2 = arith.muli %add3A, %mul3A_1 : i32
    "tpu.region"() ({
      %run_scoped3A_26 = tpu.sem_alloc : memref<!tpu.dma_semaphore, #tpu.memory_space<semaphore_mem>>
      %dma_start3A_27 = tpu.memref_slice %arg4[%mul3A_2] : memref<2048xi32, #tpu.memory_space<hbm>> -> memref<64xi32, #tpu.memory_space<hbm>>
      %dma_start3A_28 = tpu.memref_slice %arg4[%mul3A_2] : memref<2048xi32, #tpu.memory_space<hbm>> -> memref<64xi32, #tpu.memory_space<hbm>>
      tpu.enqueue_dma source(%dma_start3A_28 : memref<64xi32, #tpu.memory_space<hbm>>) target(%arg12 : memref<64xi32, #tpu.memory_space<vmem>>) target_semaphore(%run_scoped3A_26 : memref<!tpu.dma_semaphore, #tpu.memory_space<semaphore_mem>>)
      %dma_wait3A_29 = tpu.memref_slice %arg4[%mul3A_2] : memref<2048xi32, #tpu.memory_space<hbm>> -> memref<64xi32, #tpu.memory_space<hbm>>
      %dma_wait3A_30 = tpu.memref_slice %arg4[%mul3A_2] : memref<2048xi32, #tpu.memory_space<hbm>> -> memref<64xi32, #tpu.memory_space<hbm>>
      tpu.wait_dma2 semaphore(%run_scoped3A_26 : memref<!tpu.dma_semaphore, #tpu.memory_space<semaphore_mem>>) src(%dma_wait3A_30 : memref<64xi32, #tpu.memory_space<hbm>>) dst(%arg12 : memref<64xi32, #tpu.memory_space<vmem>>)
      tpu.yield
    }) : () -> ()
    %dma_start3A = arith.constant 0 : i32
    %dma_start3A_3 = arith.constant 0 : i32
    %dma_start3A_4 = tpu.memref_slice %arg5[%dma_start3A, %dma_start3A_3] : memref<50000x128xi32, #tpu.memory_space<hbm>> -> memref<50000x128xi32, #tpu.memory_space<hbm>>
    tpu.enqueue_indirect_dma source(%dma_start3A_4 : memref<50000x128xi32, #tpu.memory_space<hbm>>) target(%arg13 : memref<64x128xi32, #tpu.memory_space<vmem>>) offsets(%arg12 : memref<64xi32, #tpu.memory_space<vmem>>) semaphore(%arg14 : memref<!tpu.dma_semaphore, #tpu.memory_space<semaphore_mem>>)
    %dma_wait3A = arith.constant 0 : i32
    %dma_wait3A_5 = arith.constant 0 : i32
    %dma_wait3A_6 = tpu.memref_slice %arg5[%dma_wait3A, %dma_wait3A_5] : memref<50000x128xi32, #tpu.memory_space<hbm>> -> memref<50000x128xi32, #tpu.memory_space<hbm>>
    tpu.wait_indirect_dma semaphore(%arg14 : memref<!tpu.dma_semaphore, #tpu.memory_space<semaphore_mem>>) src(%dma_wait3A_6 : memref<50000x128xi32, #tpu.memory_space<hbm>>) dst(%arg13 : memref<64x128xi32, #tpu.memory_space<vmem>>)
    "tpu.region"() ({
      %run_scoped3A_26 = tpu.sem_alloc : memref<!tpu.dma_semaphore, #tpu.memory_space<semaphore_mem>>
      %dma_start3A_27 = arith.constant 0 : i32
      %dma_start3A_28 = tpu.memref_slice %arg7[%mul3A_2, %dma_start3A_27] : memref<2048x128xi32, #tpu.memory_space<hbm>> -> memref<64x128xi32, #tpu.memory_space<hbm>>
      %dma_start3A_29 = arith.constant 0 : i32
      %dma_start3A_30 = tpu.memref_slice %arg7[%mul3A_2, %dma_start3A_29] : memref<2048x128xi32, #tpu.memory_space<hbm>> -> memref<64x128xi32, #tpu.memory_space<hbm>>
      tpu.enqueue_dma source(%arg13 : memref<64x128xi32, #tpu.memory_space<vmem>>) target(%dma_start3A_30 : memref<64x128xi32, #tpu.memory_space<hbm>>) target_semaphore(%run_scoped3A_26 : memref<!tpu.dma_semaphore, #tpu.memory_space<semaphore_mem>>)
      %dma_wait3A_31 = arith.constant 0 : i32
      %dma_wait3A_32 = tpu.memref_slice %arg7[%mul3A_2, %dma_wait3A_31] : memref<2048x128xi32, #tpu.memory_space<hbm>> -> memref<64x128xi32, #tpu.memory_space<hbm>>
      %dma_wait3A_33 = arith.constant 0 : i32
      %dma_wait3A_34 = tpu.memref_slice %arg7[%mul3A_2, %dma_wait3A_33] : memref<2048x128xi32, #tpu.memory_space<hbm>> -> memref<64x128xi32, #tpu.memory_space<hbm>>
      tpu.wait_dma2 semaphore(%run_scoped3A_26 : memref<!tpu.dma_semaphore, #tpu.memory_space<semaphore_mem>>) src(%arg13 : memref<64x128xi32, #tpu.memory_space<vmem>>) dst(%dma_wait3A_34 : memref<64x128xi32, #tpu.memory_space<hbm>>)
      tpu.yield
    }) : () -> ()
    %broadcast_in_dim3A = arith.constant 0.000000e+00 : f32
    %broadcast_in_dim3A_7 = vector.broadcast %broadcast_in_dim3A : f32 to vector<16xf32>
    %broadcast_in_dim3A_8 = arith.constant 1.000000e+00 : f32
    %broadcast_in_dim3A_9 = vector.broadcast %broadcast_in_dim3A_8 : f32 to vector<16xf32>
    %scan3A = arith.constant 0 : i32
    %scan3A_10 = arith.constant 0 : i32
    %scan3A_11 = arith.constant 625 : i32
    %scan3A_12 = arith.addi %scan3A_10, %scan3A_11 : i32
    %scan3A_13 = arith.constant 1 : i32
    %scan3A_14 = scf.for %scan3A_26 = %scan3A_10 to %scan3A_12 step %scan3A_13 iter_args(%scan3A_27 = %scan3A) -> (i32)  : i32 {
      %mul3A_28 = arith.constant 16 : i32
      %mul3A_29 = arith.muli %scan3A_26, %mul3A_28 : i32
      %swap3A = arith.index_cast %mul3A_29 : i32 to index
      %swap3A_30 = tpu.vector_load %arg10[%swap3A] {strides = array<i32>} : memref<10000xf32, #tpu.memory_space<vmem>>, vector<16xf32>,
      tpu.vector_store %arg10[%swap3A], %broadcast_in_dim3A_7 {strides = array<i32>} : memref<10000xf32, #tpu.memory_space<vmem>>, vector<16xf32>,
      %mul3A_31 = arith.constant 16 : i32
      %mul3A_32 = arith.muli %scan3A_26, %mul3A_31 : i32
      %swap3A_33 = arith.index_cast %mul3A_32 : i32 to index
      %swap3A_34 = tpu.vector_load %arg11[%swap3A_33] {strides = array<i32>} : memref<10000xf32, #tpu.memory_space<vmem>>, vector<16xf32>,
      tpu.vector_store %arg11[%swap3A_33], %broadcast_in_dim3A_7 {strides = array<i32>} : memref<10000xf32, #tpu.memory_space<vmem>>, vector<16xf32>,
      %scan3A_35 = arith.constant 0 : i32
      scf.yield %scan3A_35 : i32
    }
    %scan3A_15 = arith.constant 625 : i32
    %mul3A_16 = arith.constant 10000 : i32
    %mul3A_17 = arith.muli %add3A, %mul3A_16 : i32
    "tpu.region"() ({
      %run_scoped3A_26 = tpu.sem_alloc : memref<!tpu.dma_semaphore, #tpu.memory_space<semaphore_mem>>
      %dma_start3A_27 = tpu.memref_slice %arg2[%mul3A_17] : memref<320000xi32, #tpu.memory_space<hbm>> -> memref<10000xi32, #tpu.memory_space<hbm>>
      %dma_start3A_28 = tpu.memref_slice %arg2[%mul3A_17] : memref<320000xi32, #tpu.memory_space<hbm>> -> memref<10000xi32, #tpu.memory_space<hbm>>
      tpu.enqueue_dma source(%dma_start3A_28 : memref<10000xi32, #tpu.memory_space<hbm>>) target(%arg8 : memref<10000xi32, #tpu.memory_space<vmem>>) target_semaphore(%run_scoped3A_26 : memref<!tpu.dma_semaphore, #tpu.memory_space<semaphore_mem>>)
      %dma_wait3A_29 = tpu.memref_slice %arg2[%mul3A_17] : memref<320000xi32, #tpu.memory_space<hbm>> -> memref<10000xi32, #tpu.memory_space<hbm>>
      %dma_wait3A_30 = tpu.memref_slice %arg2[%mul3A_17] : memref<320000xi32, #tpu.memory_space<hbm>> -> memref<10000xi32, #tpu.memory_space<hbm>>
      tpu.wait_dma2 semaphore(%run_scoped3A_26 : memref<!tpu.dma_semaphore, #tpu.memory_space<semaphore_mem>>) src(%dma_wait3A_30 : memref<10000xi32, #tpu.memory_space<hbm>>) dst(%arg8 : memref<10000xi32, #tpu.memory_space<vmem>>)
      tpu.yield
    }) : () -> ()
    "tpu.region"() ({
      %run_scoped3A_26 = tpu.sem_alloc : memref<!tpu.dma_semaphore, #tpu.memory_space<semaphore_mem>>
      %dma_start3A_27 = tpu.memref_slice %arg3[%mul3A_17] : memref<320000xi32, #tpu.memory_space<hbm>> -> memref<10000xi32, #tpu.memory_space<hbm>>
      %dma_start3A_28 = tpu.memref_slice %arg3[%mul3A_17] : memref<320000xi32, #tpu.memory_space<hbm>> -> memref<10000xi32, #tpu.memory_space<hbm>>
      tpu.enqueue_dma source(%dma_start3A_28 : memref<10000xi32, #tpu.memory_space<hbm>>) target(%arg9 : memref<10000xi32, #tpu.memory_space<vmem>>) target_semaphore(%run_scoped3A_26 : memref<!tpu.dma_semaphore, #tpu.memory_space<semaphore_mem>>)
      %dma_wait3A_29 = tpu.memref_slice %arg3[%mul3A_17] : memref<320000xi32, #tpu.memory_space<hbm>> -> memref<10000xi32, #tpu.memory_space<hbm>>
      %dma_wait3A_30 = tpu.memref_slice %arg3[%mul3A_17] : memref<320000xi32, #tpu.memory_space<hbm>> -> memref<10000xi32, #tpu.memory_space<hbm>>
      tpu.wait_dma2 semaphore(%run_scoped3A_26 : memref<!tpu.dma_semaphore, #tpu.memory_space<semaphore_mem>>) src(%dma_wait3A_30 : memref<10000xi32, #tpu.memory_space<hbm>>) dst(%arg9 : memref<10000xi32, #tpu.memory_space<vmem>>)
      tpu.yield
    }) : () -> ()
    %scan3A_18 = arith.constant 0 : i32
    %scan3A_19 = arith.constant 0 : i32
    %scan3A_20 = arith.constant 625 : i32
    %scan3A_21 = arith.addi %scan3A_19, %scan3A_20 : i32
    %scan3A_22 = arith.constant 1 : i32
    %scan3A_23 = scf.for %scan3A_26 = %scan3A_19 to %scan3A_21 step %scan3A_22 iter_args(%scan3A_27 = %scan3A_18) -> (i32)  : i32 {
      %mul3A_28 = arith.constant 16 : i32
      %mul3A_29 = arith.muli %scan3A_26, %mul3A_28 : i32
      %get3A = arith.index_cast %mul3A_29 : i32 to index
      %get3A_30 = tpu.vector_load %arg8[%get3A] {strides = array<i32>} : memref<10000xi32, #tpu.memory_space<vmem>>, vector<16xi32>,
      tpu.vector_store_idx %arg10[%get3A_30], %broadcast_in_dim3A_9 {add = true} : memref<10000xf32, #tpu.memory_space<vmem>>[vector<16xi32>], vector<16xf32>,
      %mul3A_31 = arith.constant 16 : i32
      %mul3A_32 = arith.muli %scan3A_26, %mul3A_31 : i32
      %get3A_33 = arith.index_cast %mul3A_32 : i32 to index
      %get3A_34 = tpu.vector_load %arg9[%get3A_33] {strides = array<i32>} : memref<10000xi32, #tpu.memory_space<vmem>>, vector<16xi32>,
      tpu.vector_store_idx %arg11[%get3A_34], %broadcast_in_dim3A_9 {add = true} : memref<10000xf32, #tpu.memory_space<vmem>>[vector<16xi32>], vector<16xf32>,
      %scan3A_35 = arith.constant 0 : i32
      scf.yield %scan3A_35 : i32
    }
    %scan3A_24 = arith.constant 625 : i32
    %run_scoped3A = arith.constant 0 : i32
    "tpu.region"() ({
      %run_scoped3A_26 = tpu.sem_alloc : memref<!tpu.dma_semaphore, #tpu.memory_space<semaphore_mem>>
      %dma_start3A_27 = arith.constant 0 : i32
      %dma_start3A_28 = arith.constant 0 : i32
      %dma_start3A_29 = tpu.memref_slice %arg6[%add3A, %dma_start3A_27, %dma_start3A_28] : memref<32x2x10000xf32, #tpu.memory_space<hbm>> -> memref<1x2x10000xf32, #tpu.memory_space<hbm>>
      %dma_start3A_30 = tpu.memref_squeeze %dma_start3A_29 : memref<1x2x10000xf32, #tpu.memory_space<hbm>> -> memref<2x10000xf32, #tpu.memory_space<hbm>>
      %dma_start3A_31 = arith.constant 0 : i32
      %dma_start3A_32 = tpu.memref_slice %dma_start3A_30[%run_scoped3A, %dma_start3A_31] : memref<2x10000xf32, #tpu.memory_space<hbm>> -> memref<1x10000xf32, #tpu.memory_space<hbm>>
      %dma_start3A_33 = tpu.memref_squeeze %dma_start3A_32 : memref<1x10000xf32, #tpu.memory_space<hbm>> -> memref<10000xf32, #tpu.memory_space<hbm>>
      %dma_start3A_34 = arith.constant 0 : i32
      %dma_start3A_35 = arith.constant 0 : i32
      %dma_start3A_36 = tpu.memref_slice %arg6[%add3A, %dma_start3A_34, %dma_start3A_35] : memref<32x2x10000xf32, #tpu.memory_space<hbm>> -> memref<1x2x10000xf32, #tpu.memory_space<hbm>>
      %dma_start3A_37 = tpu.memref_squeeze %dma_start3A_36 : memref<1x2x10000xf32, #tpu.memory_space<hbm>> -> memref<2x10000xf32, #tpu.memory_space<hbm>>
      %dma_start3A_38 = arith.constant 0 : i32
      %dma_start3A_39 = tpu.memref_slice %dma_start3A_37[%run_scoped3A, %dma_start3A_38] : memref<2x10000xf32, #tpu.memory_space<hbm>> -> memref<1x10000xf32, #tpu.memory_space<hbm>>
      %dma_start3A_40 = tpu.memref_squeeze %dma_start3A_39 : memref<1x10000xf32, #tpu.memory_space<hbm>> -> memref<10000xf32, #tpu.memory_space<hbm>>
      tpu.enqueue_dma source(%arg10 : memref<10000xf32, #tpu.memory_space<vmem>>) target(%dma_start3A_40 : memref<10000xf32, #tpu.memory_space<hbm>>) target_semaphore(%run_scoped3A_26 : memref<!tpu.dma_semaphore, #tpu.memory_space<semaphore_mem>>)
      %dma_wait3A_41 = arith.constant 0 : i32
      %dma_wait3A_42 = arith.constant 0 : i32
      %dma_wait3A_43 = tpu.memref_slice %arg6[%add3A, %dma_wait3A_41, %dma_wait3A_42] : memref<32x2x10000xf32, #tpu.memory_space<hbm>> -> memref<1x2x10000xf32, #tpu.memory_space<hbm>>
      %dma_wait3A_44 = tpu.memref_squeeze %dma_wait3A_43 : memref<1x2x10000xf32, #tpu.memory_space<hbm>> -> memref<2x10000xf32, #tpu.memory_space<hbm>>
      %dma_wait3A_45 = arith.constant 0 : i32
      %dma_wait3A_46 = tpu.memref_slice %dma_wait3A_44[%run_scoped3A, %dma_wait3A_45] : memref<2x10000xf32, #tpu.memory_space<hbm>> -> memref<1x10000xf32, #tpu.memory_space<hbm>>
      %dma_wait3A_47 = tpu.memref_squeeze %dma_wait3A_46 : memref<1x10000xf32, #tpu.memory_space<hbm>> -> memref<10000xf32, #tpu.memory_space<hbm>>
      %dma_wait3A_48 = arith.constant 0 : i32
      %dma_wait3A_49 = arith.constant 0 : i32
      %dma_wait3A_50 = tpu.memref_slice %arg6[%add3A, %dma_wait3A_48, %dma_wait3A_49] : memref<32x2x10000xf32, #tpu.memory_space<hbm>> -> memref<1x2x10000xf32, #tpu.memory_space<hbm>>
      %dma_wait3A_51 = tpu.memref_squeeze %dma_wait3A_50 : memref<1x2x10000xf32, #tpu.memory_space<hbm>> -> memref<2x10000xf32, #tpu.memory_space<hbm>>
      %dma_wait3A_52 = arith.constant 0 : i32
      %dma_wait3A_53 = tpu.memref_slice %dma_wait3A_51[%run_scoped3A, %dma_wait3A_52] : memref<2x10000xf32, #tpu.memory_space<hbm>> -> memref<1x10000xf32, #tpu.memory_space<hbm>>
      %dma_wait3A_54 = tpu.memref_squeeze %dma_wait3A_53 : memref<1x10000xf32, #tpu.memory_space<hbm>> -> memref<10000xf32, #tpu.memory_space<hbm>>
      tpu.wait_dma2 semaphore(%run_scoped3A_26 : memref<!tpu.dma_semaphore, #tpu.memory_space<semaphore_mem>>) src(%arg10 : memref<10000xf32, #tpu.memory_space<vmem>>) dst(%dma_wait3A_54 : memref<10000xf32, #tpu.memory_space<hbm>>)
      tpu.yield
    }) : () -> ()
    %run_scoped3A_25 = arith.constant 1 : i32
    "tpu.region"() ({
      %run_scoped3A_26 = tpu.sem_alloc : memref<!tpu.dma_semaphore, #tpu.memory_space<semaphore_mem>>
      %dma_start3A_27 = arith.constant 0 : i32
      %dma_start3A_28 = arith.constant 0 : i32
      %dma_start3A_29 = tpu.memref_slice %arg6[%add3A, %dma_start3A_27, %dma_start3A_28] : memref<32x2x10000xf32, #tpu.memory_space<hbm>> -> memref<1x2x10000xf32, #tpu.memory_space<hbm>>
      %dma_start3A_30 = tpu.memref_squeeze %dma_start3A_29 : memref<1x2x10000xf32, #tpu.memory_space<hbm>> -> memref<2x10000xf32, #tpu.memory_space<hbm>>
      %dma_start3A_31 = arith.constant 0 : i32
      %dma_start3A_32 = tpu.memref_slice %dma_start3A_30[%run_scoped3A_25, %dma_start3A_31] : memref<2x10000xf32, #tpu.memory_space<hbm>> -> memref<1x10000xf32, #tpu.memory_space<hbm>>
      %dma_start3A_33 = tpu.memref_squeeze %dma_start3A_32 : memref<1x10000xf32, #tpu.memory_space<hbm>> -> memref<10000xf32, #tpu.memory_space<hbm>>
      %dma_start3A_34 = arith.constant 0 : i32
      %dma_start3A_35 = arith.constant 0 : i32
      %dma_start3A_36 = tpu.memref_slice %arg6[%add3A, %dma_start3A_34, %dma_start3A_35] : memref<32x2x10000xf32, #tpu.memory_space<hbm>> -> memref<1x2x10000xf32, #tpu.memory_space<hbm>>
      %dma_start3A_37 = tpu.memref_squeeze %dma_start3A_36 : memref<1x2x10000xf32, #tpu.memory_space<hbm>> -> memref<2x10000xf32, #tpu.memory_space<hbm>>
      %dma_start3A_38 = arith.constant 0 : i32
      %dma_start3A_39 = tpu.memref_slice %dma_start3A_37[%run_scoped3A_25, %dma_start3A_38] : memref<2x10000xf32, #tpu.memory_space<hbm>> -> memref<1x10000xf32, #tpu.memory_space<hbm>>
      %dma_start3A_40 = tpu.memref_squeeze %dma_start3A_39 : memref<1x10000xf32, #tpu.memory_space<hbm>> -> memref<10000xf32, #tpu.memory_space<hbm>>
      tpu.enqueue_dma source(%arg11 : memref<10000xf32, #tpu.memory_space<vmem>>) target(%dma_start3A_40 : memref<10000xf32, #tpu.memory_space<hbm>>) target_semaphore(%run_scoped3A_26 : memref<!tpu.dma_semaphore, #tpu.memory_space<semaphore_mem>>)
      %dma_wait3A_41 = arith.constant 0 : i32
      %dma_wait3A_42 = arith.constant 0 : i32
      %dma_wait3A_43 = tpu.memref_slice %arg6[%add3A, %dma_wait3A_41, %dma_wait3A_42] : memref<32x2x10000xf32, #tpu.memory_space<hbm>> -> memref<1x2x10000xf32, #tpu.memory_space<hbm>>
      %dma_wait3A_44 = tpu.memref_squeeze %dma_wait3A_43 : memref<1x2x10000xf32, #tpu.memory_space<hbm>> -> memref<2x10000xf32, #tpu.memory_space<hbm>>
      %dma_wait3A_45 = arith.constant 0 : i32
      %dma_wait3A_46 = tpu.memref_slice %dma_wait3A_44[%run_scoped3A_25, %dma_wait3A_45] : memref<2x10000xf32, #tpu.memory_space<hbm>> -> memref<1x10000xf32, #tpu.memory_space<hbm>>
      %dma_wait3A_47 = tpu.memref_squeeze %dma_wait3A_46 : memref<1x10000xf32, #tpu.memory_space<hbm>> -> memref<10000xf32, #tpu.memory_space<hbm>>
      %dma_wait3A_48 = arith.constant 0 : i32
      %dma_wait3A_49 = arith.constant 0 : i32
      %dma_wait3A_50 = tpu.memref_slice %arg6[%add3A, %dma_wait3A_48, %dma_wait3A_49] : memref<32x2x10000xf32, #tpu.memory_space<hbm>> -> memref<1x2x10000xf32, #tpu.memory_space<hbm>>
      %dma_wait3A_51 = tpu.memref_squeeze %dma_wait3A_50 : memref<1x2x10000xf32, #tpu.memory_space<hbm>> -> memref<2x10000xf32, #tpu.memory_space<hbm>>
      %dma_wait3A_52 = arith.constant 0 : i32
      %dma_wait3A_53 = tpu.memref_slice %dma_wait3A_51[%run_scoped3A_25, %dma_wait3A_52] : memref<2x10000xf32, #tpu.memory_space<hbm>> -> memref<1x10000xf32, #tpu.memory_space<hbm>>
      %dma_wait3A_54 = tpu.memref_squeeze %dma_wait3A_53 : memref<1x10000xf32, #tpu.memory_space<hbm>> -> memref<10000xf32, #tpu.memory_space<hbm>>
      tpu.wait_dma2 semaphore(%run_scoped3A_26 : memref<!tpu.dma_semaphore, #tpu.memory_space<semaphore_mem>>) src(%arg11 : memref<10000xf32, #tpu.memory_space<vmem>>) dst(%dma_wait3A_54 : memref<10000xf32, #tpu.memory_space<hbm>>)
      tpu.yield
    }) : () -> ()
    return
  }
}

#map = affine_map<(d0, d1) -> (0, 0)>
#map1 = affine_map<(d0, d1) -> (0)>
#map2 = affine_map<(d0, d1) -> (0, 0, 0)>
module attributes {stable_mosaic.version = 14 : i64} {
  func.func @_sc_edge_pass(%arg0: i32, %arg1: i32, %arg2: memref<10000x128xf32, #tpu.memory_space<hbm>>, %arg3: memref<320000xi32, #tpu.memory_space<hbm>>, %arg4: memref<320000xi32, #tpu.memory_space<hbm>>, %arg5: memref<2x10000x128xf32, #tpu.memory_space<hbm>>, %arg6: memref<10000xi32, #tpu.memory_space<vmem>>, %arg7: memref<10000xi32, #tpu.memory_space<vmem>>, %arg8: memref<80x128xf32, #tpu.memory_space<vmem>>, %arg9: memref<80x128xf32, #tpu.memory_space<vmem>>, %arg10: memref<80x128xf32, #tpu.memory_space<vmem>>, %arg11: memref<10000x128xf32, #tpu.memory_space<vmem_shared>>, %arg12: memref<!tpu.dma_semaphore, #tpu.memory_space<semaphore_mem>>, %arg13: memref<!tpu.dma_semaphore, #tpu.memory_space<semaphore_mem>>, %arg14: memref<!tpu.dma_semaphore, #tpu.memory_space<semaphore_mem>>, %arg15: memref<!tpu.dma_semaphore, #tpu.memory_space<semaphore_mem>>, %arg16: memref<!tpu.dma_semaphore, #tpu.memory_space<semaphore_mem>>, %arg17: memref<!tpu.dma_semaphore, #tpu.memory_space<semaphore_mem>>) attributes {dimension_semantics = [#tpu.dimension_semantics<core_parallel>, #tpu.dimension_semantics<subcore_parallel>], iteration_bounds = array<i64: 2, 16>, scalar_prefetch = 0 : i64, scratch_operands = 12 : i64, tpu.core_type = #tpu.core_type<sc_vector_subcore>, window_params = [{transform_indices = #map}, {transform_indices = #map1}, {transform_indices = #map1}, {transform_indices = #map2}]} {
    %mul3A = arith.constant 16 : i32
    %mul3A_0 = arith.muli %arg0, %mul3A : i32
    %add3A = arith.addi %mul3A_0, %arg1 : i32
    %broadcast_in_dim3A = arith.constant 0.000000e+00 : f32
    %broadcast_in_dim3A_1 = vector.broadcast %broadcast_in_dim3A : f32 to vector<16xf32>
    %scan3A = arith.constant 0 : i32
    %scan3A_2 = arith.constant 0 : i32
    %scan3A_3 = arith.constant 16 : i32
    %scan3A_4 = arith.addi %scan3A_2, %scan3A_3 : i32
    %scan3A_5 = arith.constant 1 : i32
    %scan3A_6 = scf.for %scan3A_85 = %scan3A_2 to %scan3A_4 step %scan3A_5 iter_args(%scan3A_86 = %scan3A) -> (i32)  : i32 {
      %swap3A = arith.index_cast %scan3A_85 : i32 to index
      %swap3A_87 = arith.constant 0 : index
      %swap3A_88 = tpu.vector_load %arg8[%swap3A, %swap3A_87] {strides = array<i32>} : memref<80x128xf32, #tpu.memory_space<vmem>>, vector<1x16xf32>,
      %swap3A_89 = vector.shape_cast %swap3A_88 : vector<1x16xf32> to vector<16xf32>
      %swap3A_90 = vector.shape_cast %broadcast_in_dim3A_1 : vector<16xf32> to vector<1x16xf32>
      tpu.vector_store %arg8[%swap3A, %swap3A_87], %swap3A_90 {strides = array<i32>} : memref<80x128xf32, #tpu.memory_space<vmem>>, vector<1x16xf32>,
      %swap3A_91 = arith.index_cast %scan3A_85 : i32 to index
      %swap3A_92 = arith.constant 16 : index
      %swap3A_93 = tpu.vector_load %arg8[%swap3A_91, %swap3A_92] {strides = array<i32>} : memref<80x128xf32, #tpu.memory_space<vmem>>, vector<1x16xf32>,
      %swap3A_94 = vector.shape_cast %swap3A_93 : vector<1x16xf32> to vector<16xf32>
      %swap3A_95 = vector.shape_cast %broadcast_in_dim3A_1 : vector<16xf32> to vector<1x16xf32>
      tpu.vector_store %arg8[%swap3A_91, %swap3A_92], %swap3A_95 {strides = array<i32>} : memref<80x128xf32, #tpu.memory_space<vmem>>, vector<1x16xf32>,
      %swap3A_96 = arith.index_cast %scan3A_85 : i32 to index
      %swap3A_97 = arith.constant 32 : index
      %swap3A_98 = tpu.vector_load %arg8[%swap3A_96, %swap3A_97] {strides = array<i32>} : memref<80x128xf32, #tpu.memory_space<vmem>>, vector<1x16xf32>,
      %swap3A_99 = vector.shape_cast %swap3A_98 : vector<1x16xf32> to vector<16xf32>
      %swap3A_100 = vector.shape_cast %broadcast_in_dim3A_1 : vector<16xf32> to vector<1x16xf32>
      tpu.vector_store %arg8[%swap3A_96, %swap3A_97], %swap3A_100 {strides = array<i32>} : memref<80x128xf32, #tpu.memory_space<vmem>>, vector<1x16xf32>,
      %swap3A_101 = arith.index_cast %scan3A_85 : i32 to index
      %swap3A_102 = arith.constant 48 : index
      %swap3A_103 = tpu.vector_load %arg8[%swap3A_101, %swap3A_102] {strides = array<i32>} : memref<80x128xf32, #tpu.memory_space<vmem>>, vector<1x16xf32>,
      %swap3A_104 = vector.shape_cast %swap3A_103 : vector<1x16xf32> to vector<16xf32>
      %swap3A_105 = vector.shape_cast %broadcast_in_dim3A_1 : vector<16xf32> to vector<1x16xf32>
      tpu.vector_store %arg8[%swap3A_101, %swap3A_102], %swap3A_105 {strides = array<i32>} : memref<80x128xf32, #tpu.memory_space<vmem>>, vector<1x16xf32>,
      %swap3A_106 = arith.index_cast %scan3A_85 : i32 to index
      %swap3A_107 = arith.constant 64 : index
      %swap3A_108 = tpu.vector_load %arg8[%swap3A_106, %swap3A_107] {strides = array<i32>} : memref<80x128xf32, #tpu.memory_space<vmem>>, vector<1x16xf32>,
      %swap3A_109 = vector.shape_cast %swap3A_108 : vector<1x16xf32> to vector<16xf32>
      %swap3A_110 = vector.shape_cast %broadcast_in_dim3A_1 : vector<16xf32> to vector<1x16xf32>
      tpu.vector_store %arg8[%swap3A_106, %swap3A_107], %swap3A_110 {strides = array<i32>} : memref<80x128xf32, #tpu.memory_space<vmem>>, vector<1x16xf32>,
      %swap3A_111 = arith.index_cast %scan3A_85 : i32 to index
      %swap3A_112 = arith.constant 80 : index
      %swap3A_113 = tpu.vector_load %arg8[%swap3A_111, %swap3A_112] {strides = array<i32>} : memref<80x128xf32, #tpu.memory_space<vmem>>, vector<1x16xf32>,
      %swap3A_114 = vector.shape_cast %swap3A_113 : vector<1x16xf32> to vector<16xf32>
      %swap3A_115 = vector.shape_cast %broadcast_in_dim3A_1 : vector<16xf32> to vector<1x16xf32>
      tpu.vector_store %arg8[%swap3A_111, %swap3A_112], %swap3A_115 {strides = array<i32>} : memref<80x128xf32, #tpu.memory_space<vmem>>, vector<1x16xf32>,
      %swap3A_116 = arith.index_cast %scan3A_85 : i32 to index
      %swap3A_117 = arith.constant 96 : index
      %swap3A_118 = tpu.vector_load %arg8[%swap3A_116, %swap3A_117] {strides = array<i32>} : memref<80x128xf32, #tpu.memory_space<vmem>>, vector<1x16xf32>,
      %swap3A_119 = vector.shape_cast %swap3A_118 : vector<1x16xf32> to vector<16xf32>
      %swap3A_120 = vector.shape_cast %broadcast_in_dim3A_1 : vector<16xf32> to vector<1x16xf32>
      tpu.vector_store %arg8[%swap3A_116, %swap3A_117], %swap3A_120 {strides = array<i32>} : memref<80x128xf32, #tpu.memory_space<vmem>>, vector<1x16xf32>,
      %swap3A_121 = arith.index_cast %scan3A_85 : i32 to index
      %swap3A_122 = arith.constant 112 : index
      %swap3A_123 = tpu.vector_load %arg8[%swap3A_121, %swap3A_122] {strides = array<i32>} : memref<80x128xf32, #tpu.memory_space<vmem>>, vector<1x16xf32>,
      %swap3A_124 = vector.shape_cast %swap3A_123 : vector<1x16xf32> to vector<16xf32>
      %swap3A_125 = vector.shape_cast %broadcast_in_dim3A_1 : vector<16xf32> to vector<1x16xf32>
      tpu.vector_store %arg8[%swap3A_121, %swap3A_122], %swap3A_125 {strides = array<i32>} : memref<80x128xf32, #tpu.memory_space<vmem>>, vector<1x16xf32>,
      %scan3A_126 = arith.constant 0 : i32
      scf.yield %scan3A_126 : i32
    }
    %scan3A_7 = arith.constant 16 : i32
    %scan3A_8 = arith.constant 0 : i32
    %scan3A_9 = arith.constant 0 : i32
    %scan3A_10 = arith.constant 40 : i32
    %scan3A_11 = arith.addi %scan3A_9, %scan3A_10 : i32
    %scan3A_12 = arith.constant 1 : i32
    %scan3A_13 = scf.for %scan3A_85 = %scan3A_9 to %scan3A_11 step %scan3A_12 iter_args(%scan3A_86 = %scan3A_8) -> (i32)  : i32 {
      %mul3A_87 = arith.constant 16 : i32
      %mul3A_88 = arith.muli %scan3A_85, %mul3A_87 : i32
      %add3A_89 = arith.addi %mul3A_88, %arg1 : i32
      %lt3A = arith.constant 625 : i32
      %lt3A_90 = arith.cmpi slt, %add3A_89, %lt3A : i32
      %convert_element_type3A = arith.extui %lt3A_90 : i1 to i32
      %cond3A = arith.constant 0 : i32
      %cond3A_91 = arith.cmpi ne, %convert_element_type3A, %cond3A : i32
      scf.if %cond3A_91 {
        %mul3A_93 = arith.constant 16 : i32
        %mul3A_94 = arith.muli %add3A_89, %mul3A_93 : i32
        "tpu.region"() ({
          %run_scoped3A = tpu.sem_alloc : memref<!tpu.dma_semaphore, #tpu.memory_space<semaphore_mem>>
          %dma_start3A_95 = arith.constant 0 : i32
          %dma_start3A_96 = arith.constant 0 : i32
          %dma_start3A_97 = tpu.memref_slice %arg8[%dma_start3A_95, %dma_start3A_96] : memref<80x128xf32, #tpu.memory_space<vmem>> -> memref<16x128xf32, #tpu.memory_space<vmem>>
          %dma_start3A_98 = arith.constant 0 : i32
          %dma_start3A_99 = tpu.memref_slice %arg11[%mul3A_94, %dma_start3A_98] : memref<10000x128xf32, #tpu.memory_space<vmem_shared>> -> memref<16x128xf32, #tpu.memory_space<vmem_shared>>
          %dma_start3A_100 = arith.constant 0 : i32
          %dma_start3A_101 = tpu.memref_slice %arg11[%mul3A_94, %dma_start3A_100] : memref<10000x128xf32, #tpu.memory_space<vmem_shared>> -> memref<16x128xf32, #tpu.memory_space<vmem_shared>>
          %dma_start3A_102 = arith.constant 0 : i32
          %dma_start3A_103 = arith.constant 0 : i32
          %dma_start3A_104 = tpu.memref_slice %arg8[%dma_start3A_102, %dma_start3A_103] : memref<80x128xf32, #tpu.memory_space<vmem>> -> memref<16x128xf32, #tpu.memory_space<vmem>>
          tpu.enqueue_dma source(%dma_start3A_104 : memref<16x128xf32, #tpu.memory_space<vmem>>) target(%dma_start3A_101 : memref<16x128xf32, #tpu.memory_space<vmem_shared>>) target_semaphore(%run_scoped3A : memref<!tpu.dma_semaphore, #tpu.memory_space<semaphore_mem>>)
          %dma_wait3A_105 = arith.constant 0 : i32
          %dma_wait3A_106 = arith.constant 0 : i32
          %dma_wait3A_107 = tpu.memref_slice %arg8[%dma_wait3A_105, %dma_wait3A_106] : memref<80x128xf32, #tpu.memory_space<vmem>> -> memref<16x128xf32, #tpu.memory_space<vmem>>
          %dma_wait3A_108 = arith.constant 0 : i32
          %dma_wait3A_109 = tpu.memref_slice %arg11[%mul3A_94, %dma_wait3A_108] : memref<10000x128xf32, #tpu.memory_space<vmem_shared>> -> memref<16x128xf32, #tpu.memory_space<vmem_shared>>
          %dma_wait3A_110 = arith.constant 0 : i32
          %dma_wait3A_111 = tpu.memref_slice %arg11[%mul3A_94, %dma_wait3A_110] : memref<10000x128xf32, #tpu.memory_space<vmem_shared>> -> memref<16x128xf32, #tpu.memory_space<vmem_shared>>
          %dma_wait3A_112 = arith.constant 0 : i32
          %dma_wait3A_113 = arith.constant 0 : i32
          %dma_wait3A_114 = tpu.memref_slice %arg8[%dma_wait3A_112, %dma_wait3A_113] : memref<80x128xf32, #tpu.memory_space<vmem>> -> memref<16x128xf32, #tpu.memory_space<vmem>>
          tpu.wait_dma2 semaphore(%run_scoped3A : memref<!tpu.dma_semaphore, #tpu.memory_space<semaphore_mem>>) src(%dma_wait3A_114 : memref<16x128xf32, #tpu.memory_space<vmem>>) dst(%dma_wait3A_111 : memref<16x128xf32, #tpu.memory_space<vmem_shared>>)
          tpu.yield
        }) : () -> ()
      } else {
      }
      %scan3A_92 = arith.constant 0 : i32
      scf.yield %scan3A_92 : i32
    }
    %scan3A_14 = arith.constant 40 : i32
    %barrier3A = arith.constant 0 : index
    tpu.barrier barrier_id(%barrier3A)
    %mul3A_15 = arith.constant 10000 : i32
    %mul3A_16 = arith.muli %add3A, %mul3A_15 : i32
    "tpu.region"() ({
      %run_scoped3A = tpu.sem_alloc : memref<!tpu.dma_semaphore, #tpu.memory_space<semaphore_mem>>
      %dma_start3A_85 = tpu.memref_slice %arg3[%mul3A_16] : memref<320000xi32, #tpu.memory_space<hbm>> -> memref<10000xi32, #tpu.memory_space<hbm>>
      %dma_start3A_86 = tpu.memref_slice %arg3[%mul3A_16] : memref<320000xi32, #tpu.memory_space<hbm>> -> memref<10000xi32, #tpu.memory_space<hbm>>
      tpu.enqueue_dma source(%dma_start3A_86 : memref<10000xi32, #tpu.memory_space<hbm>>) target(%arg6 : memref<10000xi32, #tpu.memory_space<vmem>>) target_semaphore(%run_scoped3A : memref<!tpu.dma_semaphore, #tpu.memory_space<semaphore_mem>>)
      %dma_wait3A_87 = tpu.memref_slice %arg3[%mul3A_16] : memref<320000xi32, #tpu.memory_space<hbm>> -> memref<10000xi32, #tpu.memory_space<hbm>>
      %dma_wait3A_88 = tpu.memref_slice %arg3[%mul3A_16] : memref<320000xi32, #tpu.memory_space<hbm>> -> memref<10000xi32, #tpu.memory_space<hbm>>
      tpu.wait_dma2 semaphore(%run_scoped3A : memref<!tpu.dma_semaphore, #tpu.memory_space<semaphore_mem>>) src(%dma_wait3A_88 : memref<10000xi32, #tpu.memory_space<hbm>>) dst(%arg6 : memref<10000xi32, #tpu.memory_space<vmem>>)
      tpu.yield
    }) : () -> ()
    "tpu.region"() ({
      %run_scoped3A = tpu.sem_alloc : memref<!tpu.dma_semaphore, #tpu.memory_space<semaphore_mem>>
      %dma_start3A_85 = tpu.memref_slice %arg4[%mul3A_16] : memref<320000xi32, #tpu.memory_space<hbm>> -> memref<10000xi32, #tpu.memory_space<hbm>>
      %dma_start3A_86 = tpu.memref_slice %arg4[%mul3A_16] : memref<320000xi32, #tpu.memory_space<hbm>> -> memref<10000xi32, #tpu.memory_space<hbm>>
      tpu.enqueue_dma source(%dma_start3A_86 : memref<10000xi32, #tpu.memory_space<hbm>>) target(%arg7 : memref<10000xi32, #tpu.memory_space<vmem>>) target_semaphore(%run_scoped3A : memref<!tpu.dma_semaphore, #tpu.memory_space<semaphore_mem>>)
      %dma_wait3A_87 = tpu.memref_slice %arg4[%mul3A_16] : memref<320000xi32, #tpu.memory_space<hbm>> -> memref<10000xi32, #tpu.memory_space<hbm>>
      %dma_wait3A_88 = tpu.memref_slice %arg4[%mul3A_16] : memref<320000xi32, #tpu.memory_space<hbm>> -> memref<10000xi32, #tpu.memory_space<hbm>>
      tpu.wait_dma2 semaphore(%run_scoped3A : memref<!tpu.dma_semaphore, #tpu.memory_space<semaphore_mem>>) src(%dma_wait3A_88 : memref<10000xi32, #tpu.memory_space<hbm>>) dst(%arg7 : memref<10000xi32, #tpu.memory_space<vmem>>)
      tpu.yield
    }) : () -> ()
    %dma_start3A = arith.constant 0 : i32
    %dma_start3A_17 = tpu.memref_slice %arg6[%dma_start3A] : memref<10000xi32, #tpu.memory_space<vmem>> -> memref<80xi32, #tpu.memory_space<vmem>>
    %dma_start3A_18 = arith.constant 0 : i32
    %dma_start3A_19 = arith.constant 0 : i32
    %dma_start3A_20 = tpu.memref_slice %arg2[%dma_start3A_18, %dma_start3A_19] : memref<10000x128xf32, #tpu.memory_space<hbm>> -> memref<10000x128xf32, #tpu.memory_space<hbm>>
    tpu.enqueue_indirect_dma source(%dma_start3A_20 : memref<10000x128xf32, #tpu.memory_space<hbm>>) target(%arg8 : memref<80x128xf32, #tpu.memory_space<vmem>>) offsets(%dma_start3A_17 : memref<80xi32, #tpu.memory_space<vmem>>) semaphore(%arg12 : memref<!tpu.dma_semaphore, #tpu.memory_space<semaphore_mem>>)
    %dma_start3A_21 = arith.constant 80 : i32
    %dma_start3A_22 = tpu.memref_slice %arg6[%dma_start3A_21] : memref<10000xi32, #tpu.memory_space<vmem>> -> memref<80xi32, #tpu.memory_space<vmem>>
    %dma_start3A_23 = arith.constant 0 : i32
    %dma_start3A_24 = arith.constant 0 : i32
    %dma_start3A_25 = tpu.memref_slice %arg2[%dma_start3A_23, %dma_start3A_24] : memref<10000x128xf32, #tpu.memory_space<hbm>> -> memref<10000x128xf32, #tpu.memory_space<hbm>>
    tpu.enqueue_indirect_dma source(%dma_start3A_25 : memref<10000x128xf32, #tpu.memory_space<hbm>>) target(%arg9 : memref<80x128xf32, #tpu.memory_space<vmem>>) offsets(%dma_start3A_22 : memref<80xi32, #tpu.memory_space<vmem>>) semaphore(%arg13 : memref<!tpu.dma_semaphore, #tpu.memory_space<semaphore_mem>>)
    %dma_start3A_26 = arith.constant 160 : i32
    %dma_start3A_27 = tpu.memref_slice %arg6[%dma_start3A_26] : memref<10000xi32, #tpu.memory_space<vmem>> -> memref<80xi32, #tpu.memory_space<vmem>>
    %dma_start3A_28 = arith.constant 0 : i32
    %dma_start3A_29 = arith.constant 0 : i32
    %dma_start3A_30 = tpu.memref_slice %arg2[%dma_start3A_28, %dma_start3A_29] : memref<10000x128xf32, #tpu.memory_space<hbm>> -> memref<10000x128xf32, #tpu.memory_space<hbm>>
    tpu.enqueue_indirect_dma source(%dma_start3A_30 : memref<10000x128xf32, #tpu.memory_space<hbm>>) target(%arg10 : memref<80x128xf32, #tpu.memory_space<vmem>>) offsets(%dma_start3A_27 : memref<80xi32, #tpu.memory_space<vmem>>) semaphore(%arg14 : memref<!tpu.dma_semaphore, #tpu.memory_space<semaphore_mem>>)
    %scan3A_31 = arith.constant 0 : i32
    %scan3A_32 = arith.constant 0 : i32
    %scan3A_33 = arith.constant 41 : i32
    %scan3A_34 = arith.addi %scan3A_32, %scan3A_33 : i32
    %scan3A_35 = arith.constant 1 : i32
    %scan3A_36 = scf.for %scan3A_85 = %scan3A_32 to %scan3A_34 step %scan3A_35 iter_args(%scan3A_86 = %scan3A_31) -> (i32)  : i32 {
      %mul3A_87 = arith.constant 3 : i32
      %mul3A_88 = arith.muli %scan3A_85, %mul3A_87 : i32
      %add3A_89 = arith.constant 0 : i32
      %add3A_90 = arith.addi %mul3A_88, %add3A_89 : i32
      %dma_wait3A_91 = arith.constant 0 : i32
      %dma_wait3A_92 = arith.constant 0 : i32
      %dma_wait3A_93 = tpu.memref_slice %arg2[%dma_wait3A_91, %dma_wait3A_92] : memref<10000x128xf32, #tpu.memory_space<hbm>> -> memref<80x128xf32, #tpu.memory_space<hbm>>
      %dma_wait3A_94 = arith.constant 0 : i32
      %dma_wait3A_95 = arith.constant 0 : i32
      %dma_wait3A_96 = tpu.memref_slice %arg2[%dma_wait3A_94, %dma_wait3A_95] : memref<10000x128xf32, #tpu.memory_space<hbm>> -> memref<80x128xf32, #tpu.memory_space<hbm>>
      tpu.wait_dma2 semaphore(%arg12 : memref<!tpu.dma_semaphore, #tpu.memory_space<semaphore_mem>>) src(%dma_wait3A_96 : memref<80x128xf32, #tpu.memory_space<hbm>>) dst(%arg8 : memref<80x128xf32, #tpu.memory_space<vmem>>)
      %mul3A_97 = arith.constant 80 : i32
      %mul3A_98 = arith.muli %add3A_90, %mul3A_97 : i32
      %dma_start3A_99 = tpu.memref_slice %arg7[%mul3A_98] : memref<10000xi32, #tpu.memory_space<vmem>> -> memref<80xi32, #tpu.memory_space<vmem>>
      %dma_start3A_100 = arith.constant 0 : i32
      %dma_start3A_101 = arith.constant 0 : i32
      %dma_start3A_102 = tpu.memref_slice %arg11[%dma_start3A_100, %dma_start3A_101] : memref<10000x128xf32, #tpu.memory_space<vmem_shared>> -> memref<10000x128xf32, #tpu.memory_space<vmem_shared>>
      tpu.enqueue_indirect_dma source(%arg8 : memref<80x128xf32, #tpu.memory_space<vmem>>) target(%dma_start3A_102 : memref<10000x128xf32, #tpu.memory_space<vmem_shared>>) offsets(%dma_start3A_99 : memref<80xi32, #tpu.memory_space<vmem>>) semaphore(%arg15 : memref<!tpu.dma_semaphore, #tpu.memory_space<semaphore_mem>>) {add = true}
      %add3A_103 = arith.constant 3 : i32
      %add3A_104 = arith.addi %add3A_90, %add3A_103 : i32
      %lt3A = arith.constant 125 : i32
      %lt3A_105 = arith.cmpi slt, %add3A_104, %lt3A : i32
      %convert_element_type3A = arith.extui %lt3A_105 : i1 to i32
      %cond3A = arith.constant 0 : i32
      %cond3A_106 = arith.cmpi ne, %convert_element_type3A, %cond3A : i32
      scf.if %cond3A_106 {
        %dma_wait3A_154 = arith.constant 0 : i32
        %dma_wait3A_155 = arith.constant 0 : i32
        %dma_wait3A_156 = tpu.memref_slice %arg11[%dma_wait3A_154, %dma_wait3A_155] : memref<10000x128xf32, #tpu.memory_space<vmem_shared>> -> memref<80x128xf32, #tpu.memory_space<vmem_shared>>
        %dma_wait3A_157 = arith.constant 0 : i32
        %dma_wait3A_158 = arith.constant 0 : i32
        %dma_wait3A_159 = tpu.memref_slice %arg11[%dma_wait3A_157, %dma_wait3A_158] : memref<10000x128xf32, #tpu.memory_space<vmem_shared>> -> memref<80x128xf32, #tpu.memory_space<vmem_shared>>
        tpu.wait_dma2 semaphore(%arg15 : memref<!tpu.dma_semaphore, #tpu.memory_space<semaphore_mem>>) src(%arg8 : memref<80x128xf32, #tpu.memory_space<vmem>>) dst(%dma_wait3A_159 : memref<80x128xf32, #tpu.memory_space<vmem_shared>>)
        %add3A_160 = arith.constant 3 : i32
        %add3A_161 = arith.addi %add3A_90, %add3A_160 : i32
        %mul3A_162 = arith.constant 80 : i32
        %mul3A_163 = arith.muli %add3A_161, %mul3A_162 : i32
        %dma_start3A_164 = tpu.memref_slice %arg6[%mul3A_163] : memref<10000xi32, #tpu.memory_space<vmem>> -> memref<80xi32, #tpu.memory_space<vmem>>
        %dma_start3A_165 = arith.constant 0 : i32
        %dma_start3A_166 = arith.constant 0 : i32
        %dma_start3A_167 = tpu.memref_slice %arg2[%dma_start3A_165, %dma_start3A_166] : memref<10000x128xf32, #tpu.memory_space<hbm>> -> memref<10000x128xf32, #tpu.memory_space<hbm>>
        tpu.enqueue_indirect_dma source(%dma_start3A_167 : memref<10000x128xf32, #tpu.memory_space<hbm>>) target(%arg8 : memref<80x128xf32, #tpu.memory_space<vmem>>) offsets(%dma_start3A_164 : memref<80xi32, #tpu.memory_space<vmem>>) semaphore(%arg12 : memref<!tpu.dma_semaphore, #tpu.memory_space<semaphore_mem>>)
      } else {
      }
      %mul3A_107 = arith.constant 3 : i32
      %mul3A_108 = arith.muli %scan3A_85, %mul3A_107 : i32
      %add3A_109 = arith.constant 1 : i32
      %add3A_110 = arith.addi %mul3A_108, %add3A_109 : i32
      %dma_wait3A_111 = arith.constant 0 : i32
      %dma_wait3A_112 = arith.constant 0 : i32
      %dma_wait3A_113 = tpu.memref_slice %arg2[%dma_wait3A_111, %dma_wait3A_112] : memref<10000x128xf32, #tpu.memory_space<hbm>> -> memref<80x128xf32, #tpu.memory_space<hbm>>
      %dma_wait3A_114 = arith.constant 0 : i32
      %dma_wait3A_115 = arith.constant 0 : i32
      %dma_wait3A_116 = tpu.memref_slice %arg2[%dma_wait3A_114, %dma_wait3A_115] : memref<10000x128xf32, #tpu.memory_space<hbm>> -> memref<80x128xf32, #tpu.memory_space<hbm>>
      tpu.wait_dma2 semaphore(%arg13 : memref<!tpu.dma_semaphore, #tpu.memory_space<semaphore_mem>>) src(%dma_wait3A_116 : memref<80x128xf32, #tpu.memory_space<hbm>>) dst(%arg9 : memref<80x128xf32, #tpu.memory_space<vmem>>)
      %mul3A_117 = arith.constant 80 : i32
      %mul3A_118 = arith.muli %add3A_110, %mul3A_117 : i32
      %dma_start3A_119 = tpu.memref_slice %arg7[%mul3A_118] : memref<10000xi32, #tpu.memory_space<vmem>> -> memref<80xi32, #tpu.memory_space<vmem>>
      %dma_start3A_120 = arith.constant 0 : i32
      %dma_start3A_121 = arith.constant 0 : i32
      %dma_start3A_122 = tpu.memref_slice %arg11[%dma_start3A_120, %dma_start3A_121] : memref<10000x128xf32, #tpu.memory_space<vmem_shared>> -> memref<10000x128xf32, #tpu.memory_space<vmem_shared>>
      tpu.enqueue_indirect_dma source(%arg9 : memref<80x128xf32, #tpu.memory_space<vmem>>) target(%dma_start3A_122 : memref<10000x128xf32, #tpu.memory_space<vmem_shared>>) offsets(%dma_start3A_119 : memref<80xi32, #tpu.memory_space<vmem>>) semaphore(%arg16 : memref<!tpu.dma_semaphore, #tpu.memory_space<semaphore_mem>>) {add = true}
      %add3A_123 = arith.constant 3 : i32
      %add3A_124 = arith.addi %add3A_110, %add3A_123 : i32
      %lt3A_125 = arith.constant 125 : i32
      %lt3A_126 = arith.cmpi slt, %add3A_124, %lt3A_125 : i32
      %convert_element_type3A_127 = arith.extui %lt3A_126 : i1 to i32
      %cond3A_128 = arith.constant 0 : i32
      %cond3A_129 = arith.cmpi ne, %convert_element_type3A_127, %cond3A_128 : i32
      scf.if %cond3A_129 {
        %dma_wait3A_154 = arith.constant 0 : i32
        %dma_wait3A_155 = arith.constant 0 : i32
        %dma_wait3A_156 = tpu.memref_slice %arg11[%dma_wait3A_154, %dma_wait3A_155] : memref<10000x128xf32, #tpu.memory_space<vmem_shared>> -> memref<80x128xf32, #tpu.memory_space<vmem_shared>>
        %dma_wait3A_157 = arith.constant 0 : i32
        %dma_wait3A_158 = arith.constant 0 : i32
        %dma_wait3A_159 = tpu.memref_slice %arg11[%dma_wait3A_157, %dma_wait3A_158] : memref<10000x128xf32, #tpu.memory_space<vmem_shared>> -> memref<80x128xf32, #tpu.memory_space<vmem_shared>>
        tpu.wait_dma2 semaphore(%arg16 : memref<!tpu.dma_semaphore, #tpu.memory_space<semaphore_mem>>) src(%arg9 : memref<80x128xf32, #tpu.memory_space<vmem>>) dst(%dma_wait3A_159 : memref<80x128xf32, #tpu.memory_space<vmem_shared>>)
        %add3A_160 = arith.constant 3 : i32
        %add3A_161 = arith.addi %add3A_110, %add3A_160 : i32
        %mul3A_162 = arith.constant 80 : i32
        %mul3A_163 = arith.muli %add3A_161, %mul3A_162 : i32
        %dma_start3A_164 = tpu.memref_slice %arg6[%mul3A_163] : memref<10000xi32, #tpu.memory_space<vmem>> -> memref<80xi32, #tpu.memory_space<vmem>>
        %dma_start3A_165 = arith.constant 0 : i32
        %dma_start3A_166 = arith.constant 0 : i32
        %dma_start3A_167 = tpu.memref_slice %arg2[%dma_start3A_165, %dma_start3A_166] : memref<10000x128xf32, #tpu.memory_space<hbm>> -> memref<10000x128xf32, #tpu.memory_space<hbm>>
        tpu.enqueue_indirect_dma source(%dma_start3A_167 : memref<10000x128xf32, #tpu.memory_space<hbm>>) target(%arg9 : memref<80x128xf32, #tpu.memory_space<vmem>>) offsets(%dma_start3A_164 : memref<80xi32, #tpu.memory_space<vmem>>) semaphore(%arg13 : memref<!tpu.dma_semaphore, #tpu.memory_space<semaphore_mem>>)
      } else {
      }
      %mul3A_130 = arith.constant 3 : i32
      %mul3A_131 = arith.muli %scan3A_85, %mul3A_130 : i32
      %add3A_132 = arith.constant 2 : i32
      %add3A_133 = arith.addi %mul3A_131, %add3A_132 : i32
      %dma_wait3A_134 = arith.constant 0 : i32
      %dma_wait3A_135 = arith.constant 0 : i32
      %dma_wait3A_136 = tpu.memref_slice %arg2[%dma_wait3A_134, %dma_wait3A_135] : memref<10000x128xf32, #tpu.memory_space<hbm>> -> memref<80x128xf32, #tpu.memory_space<hbm>>
      %dma_wait3A_137 = arith.constant 0 : i32
      %dma_wait3A_138 = arith.constant 0 : i32
      %dma_wait3A_139 = tpu.memref_slice %arg2[%dma_wait3A_137, %dma_wait3A_138] : memref<10000x128xf32, #tpu.memory_space<hbm>> -> memref<80x128xf32, #tpu.memory_space<hbm>>
      tpu.wait_dma2 semaphore(%arg14 : memref<!tpu.dma_semaphore, #tpu.memory_space<semaphore_mem>>) src(%dma_wait3A_139 : memref<80x128xf32, #tpu.memory_space<hbm>>) dst(%arg10 : memref<80x128xf32, #tpu.memory_space<vmem>>)
      %mul3A_140 = arith.constant 80 : i32
      %mul3A_141 = arith.muli %add3A_133, %mul3A_140 : i32
      %dma_start3A_142 = tpu.memref_slice %arg7[%mul3A_141] : memref<10000xi32, #tpu.memory_space<vmem>> -> memref<80xi32, #tpu.memory_space<vmem>>
      %dma_start3A_143 = arith.constant 0 : i32
      %dma_start3A_144 = arith.constant 0 : i32
      %dma_start3A_145 = tpu.memref_slice %arg11[%dma_start3A_143, %dma_start3A_144] : memref<10000x128xf32, #tpu.memory_space<vmem_shared>> -> memref<10000x128xf32, #tpu.memory_space<vmem_shared>>
      tpu.enqueue_indirect_dma source(%arg10 : memref<80x128xf32, #tpu.memory_space<vmem>>) target(%dma_start3A_145 : memref<10000x128xf32, #tpu.memory_space<vmem_shared>>) offsets(%dma_start3A_142 : memref<80xi32, #tpu.memory_space<vmem>>) semaphore(%arg17 : memref<!tpu.dma_semaphore, #tpu.memory_space<semaphore_mem>>) {add = true}
      %add3A_146 = arith.constant 3 : i32
      %add3A_147 = arith.addi %add3A_133, %add3A_146 : i32
      %lt3A_148 = arith.constant 125 : i32
      %lt3A_149 = arith.cmpi slt, %add3A_147, %lt3A_148 : i32
      %convert_element_type3A_150 = arith.extui %lt3A_149 : i1 to i32
      %cond3A_151 = arith.constant 0 : i32
      %cond3A_152 = arith.cmpi ne, %convert_element_type3A_150, %cond3A_151 : i32
      scf.if %cond3A_152 {
        %dma_wait3A_154 = arith.constant 0 : i32
        %dma_wait3A_155 = arith.constant 0 : i32
        %dma_wait3A_156 = tpu.memref_slice %arg11[%dma_wait3A_154, %dma_wait3A_155] : memref<10000x128xf32, #tpu.memory_space<vmem_shared>> -> memref<80x128xf32, #tpu.memory_space<vmem_shared>>
        %dma_wait3A_157 = arith.constant 0 : i32
        %dma_wait3A_158 = arith.constant 0 : i32
        %dma_wait3A_159 = tpu.memref_slice %arg11[%dma_wait3A_157, %dma_wait3A_158] : memref<10000x128xf32, #tpu.memory_space<vmem_shared>> -> memref<80x128xf32, #tpu.memory_space<vmem_shared>>
        tpu.wait_dma2 semaphore(%arg17 : memref<!tpu.dma_semaphore, #tpu.memory_space<semaphore_mem>>) src(%arg10 : memref<80x128xf32, #tpu.memory_space<vmem>>) dst(%dma_wait3A_159 : memref<80x128xf32, #tpu.memory_space<vmem_shared>>)
        %add3A_160 = arith.constant 3 : i32
        %add3A_161 = arith.addi %add3A_133, %add3A_160 : i32
        %mul3A_162 = arith.constant 80 : i32
        %mul3A_163 = arith.muli %add3A_161, %mul3A_162 : i32
        %dma_start3A_164 = tpu.memref_slice %arg6[%mul3A_163] : memref<10000xi32, #tpu.memory_space<vmem>> -> memref<80xi32, #tpu.memory_space<vmem>>
        %dma_start3A_165 = arith.constant 0 : i32
        %dma_start3A_166 = arith.constant 0 : i32
        %dma_start3A_167 = tpu.memref_slice %arg2[%dma_start3A_165, %dma_start3A_166] : memref<10000x128xf32, #tpu.memory_space<hbm>> -> memref<10000x128xf32, #tpu.memory_space<hbm>>
        tpu.enqueue_indirect_dma source(%dma_start3A_167 : memref<10000x128xf32, #tpu.memory_space<hbm>>) target(%arg10 : memref<80x128xf32, #tpu.memory_space<vmem>>) offsets(%dma_start3A_164 : memref<80xi32, #tpu.memory_space<vmem>>) semaphore(%arg14 : memref<!tpu.dma_semaphore, #tpu.memory_space<semaphore_mem>>)
      } else {
      }
      %scan3A_153 = arith.constant 0 : i32
      scf.yield %scan3A_153 : i32
    }
    %scan3A_37 = arith.constant 41 : i32
    %dma_wait3A = arith.constant 0 : i32
    %dma_wait3A_38 = arith.constant 0 : i32
    %dma_wait3A_39 = tpu.memref_slice %arg2[%dma_wait3A, %dma_wait3A_38] : memref<10000x128xf32, #tpu.memory_space<hbm>> -> memref<80x128xf32, #tpu.memory_space<hbm>>
    %dma_wait3A_40 = arith.constant 0 : i32
    %dma_wait3A_41 = arith.constant 0 : i32
    %dma_wait3A_42 = tpu.memref_slice %arg2[%dma_wait3A_40, %dma_wait3A_41] : memref<10000x128xf32, #tpu.memory_space<hbm>> -> memref<80x128xf32, #tpu.memory_space<hbm>>
    tpu.wait_dma2 semaphore(%arg12 : memref<!tpu.dma_semaphore, #tpu.memory_space<semaphore_mem>>) src(%dma_wait3A_42 : memref<80x128xf32, #tpu.memory_space<hbm>>) dst(%arg8 : memref<80x128xf32, #tpu.memory_space<vmem>>)
    %dma_start3A_43 = arith.constant 9840 : i32
    %dma_start3A_44 = tpu.memref_slice %arg7[%dma_start3A_43] : memref<10000xi32, #tpu.memory_space<vmem>> -> memref<80xi32, #tpu.memory_space<vmem>>
    %dma_start3A_45 = arith.constant 0 : i32
    %dma_start3A_46 = arith.constant 0 : i32
    %dma_start3A_47 = tpu.memref_slice %arg11[%dma_start3A_45, %dma_start3A_46] : memref<10000x128xf32, #tpu.memory_space<vmem_shared>> -> memref<10000x128xf32, #tpu.memory_space<vmem_shared>>
    tpu.enqueue_indirect_dma source(%arg8 : memref<80x128xf32, #tpu.memory_space<vmem>>) target(%dma_start3A_47 : memref<10000x128xf32, #tpu.memory_space<vmem_shared>>) offsets(%dma_start3A_44 : memref<80xi32, #tpu.memory_space<vmem>>) semaphore(%arg15 : memref<!tpu.dma_semaphore, #tpu.memory_space<semaphore_mem>>) {add = true}
    %dma_wait3A_48 = arith.constant 0 : i32
    %dma_wait3A_49 = arith.constant 0 : i32
    %dma_wait3A_50 = tpu.memref_slice %arg2[%dma_wait3A_48, %dma_wait3A_49] : memref<10000x128xf32, #tpu.memory_space<hbm>> -> memref<80x128xf32, #tpu.memory_space<hbm>>
    %dma_wait3A_51 = arith.constant 0 : i32
    %dma_wait3A_52 = arith.constant 0 : i32
    %dma_wait3A_53 = tpu.memref_slice %arg2[%dma_wait3A_51, %dma_wait3A_52] : memref<10000x128xf32, #tpu.memory_space<hbm>> -> memref<80x128xf32, #tpu.memory_space<hbm>>
    tpu.wait_dma2 semaphore(%arg13 : memref<!tpu.dma_semaphore, #tpu.memory_space<semaphore_mem>>) src(%dma_wait3A_53 : memref<80x128xf32, #tpu.memory_space<hbm>>) dst(%arg9 : memref<80x128xf32, #tpu.memory_space<vmem>>)
    %dma_start3A_54 = arith.constant 9920 : i32
    %dma_start3A_55 = tpu.memref_slice %arg7[%dma_start3A_54] : memref<10000xi32, #tpu.memory_space<vmem>> -> memref<80xi32, #tpu.memory_space<vmem>>
    %dma_start3A_56 = arith.constant 0 : i32
    %dma_start3A_57 = arith.constant 0 : i32
    %dma_start3A_58 = tpu.memref_slice %arg11[%dma_start3A_56, %dma_start3A_57] : memref<10000x128xf32, #tpu.memory_space<vmem_shared>> -> memref<10000x128xf32, #tpu.memory_space<vmem_shared>>
    tpu.enqueue_indirect_dma source(%arg9 : memref<80x128xf32, #tpu.memory_space<vmem>>) target(%dma_start3A_58 : memref<10000x128xf32, #tpu.memory_space<vmem_shared>>) offsets(%dma_start3A_55 : memref<80xi32, #tpu.memory_space<vmem>>) semaphore(%arg16 : memref<!tpu.dma_semaphore, #tpu.memory_space<semaphore_mem>>) {add = true}
    %dma_wait3A_59 = arith.constant 0 : i32
    %dma_wait3A_60 = arith.constant 0 : i32
    %dma_wait3A_61 = tpu.memref_slice %arg11[%dma_wait3A_59, %dma_wait3A_60] : memref<10000x128xf32, #tpu.memory_space<vmem_shared>> -> memref<80x128xf32, #tpu.memory_space<vmem_shared>>
    %dma_wait3A_62 = arith.constant 0 : i32
    %dma_wait3A_63 = arith.constant 0 : i32
    %dma_wait3A_64 = tpu.memref_slice %arg11[%dma_wait3A_62, %dma_wait3A_63] : memref<10000x128xf32, #tpu.memory_space<vmem_shared>> -> memref<80x128xf32, #tpu.memory_space<vmem_shared>>
    tpu.wait_dma2 semaphore(%arg15 : memref<!tpu.dma_semaphore, #tpu.memory_space<semaphore_mem>>) src(%arg8 : memref<80x128xf32, #tpu.memory_space<vmem>>) dst(%dma_wait3A_64 : memref<80x128xf32, #tpu.memory_space<vmem_shared>>)
    %dma_wait3A_65 = arith.constant 0 : i32
    %dma_wait3A_66 = arith.constant 0 : i32
    %dma_wait3A_67 = tpu.memref_slice %arg11[%dma_wait3A_65, %dma_wait3A_66] : memref<10000x128xf32, #tpu.memory_space<vmem_shared>> -> memref<80x128xf32, #tpu.memory_space<vmem_shared>>
    %dma_wait3A_68 = arith.constant 0 : i32
    %dma_wait3A_69 = arith.constant 0 : i32
    %dma_wait3A_70 = tpu.memref_slice %arg11[%dma_wait3A_68, %dma_wait3A_69] : memref<10000x128xf32, #tpu.memory_space<vmem_shared>> -> memref<80x128xf32, #tpu.memory_space<vmem_shared>>
    tpu.wait_dma2 semaphore(%arg16 : memref<!tpu.dma_semaphore, #tpu.memory_space<semaphore_mem>>) src(%arg9 : memref<80x128xf32, #tpu.memory_space<vmem>>) dst(%dma_wait3A_70 : memref<80x128xf32, #tpu.memory_space<vmem_shared>>)
    %dma_wait3A_71 = arith.constant 0 : i32
    %dma_wait3A_72 = arith.constant 0 : i32
    %dma_wait3A_73 = tpu.memref_slice %arg11[%dma_wait3A_71, %dma_wait3A_72] : memref<10000x128xf32, #tpu.memory_space<vmem_shared>> -> memref<80x128xf32, #tpu.memory_space<vmem_shared>>
    %dma_wait3A_74 = arith.constant 0 : i32
    %dma_wait3A_75 = arith.constant 0 : i32
    %dma_wait3A_76 = tpu.memref_slice %arg11[%dma_wait3A_74, %dma_wait3A_75] : memref<10000x128xf32, #tpu.memory_space<vmem_shared>> -> memref<80x128xf32, #tpu.memory_space<vmem_shared>>
    tpu.wait_dma2 semaphore(%arg17 : memref<!tpu.dma_semaphore, #tpu.memory_space<semaphore_mem>>) src(%arg10 : memref<80x128xf32, #tpu.memory_space<vmem>>) dst(%dma_wait3A_76 : memref<80x128xf32, #tpu.memory_space<vmem_shared>>)
    %barrier3A_77 = arith.constant 0 : index
    tpu.barrier barrier_id(%barrier3A_77)
    %scan3A_78 = arith.constant 0 : i32
    %scan3A_79 = arith.constant 0 : i32
    %scan3A_80 = arith.constant 8 : i32
    %scan3A_81 = arith.addi %scan3A_79, %scan3A_80 : i32
    %scan3A_82 = arith.constant 1 : i32
    %scan3A_83 = scf.for %scan3A_85 = %scan3A_79 to %scan3A_81 step %scan3A_82 iter_args(%scan3A_86 = %scan3A_78) -> (i32)  : i32 {
      %mul3A_87 = arith.constant 16 : i32
      %mul3A_88 = arith.muli %scan3A_85, %mul3A_87 : i32
      %add3A_89 = arith.addi %mul3A_88, %arg1 : i32
      %lt3A = arith.constant 125 : i32
      %lt3A_90 = arith.cmpi slt, %add3A_89, %lt3A : i32
      %convert_element_type3A = arith.extui %lt3A_90 : i1 to i32
      %cond3A = arith.constant 0 : i32
      %cond3A_91 = arith.cmpi ne, %convert_element_type3A, %cond3A : i32
      scf.if %cond3A_91 {
        %mul3A_93 = arith.constant 80 : i32
        %mul3A_94 = arith.muli %add3A_89, %mul3A_93 : i32
        "tpu.region"() ({
          %run_scoped3A = tpu.sem_alloc : memref<!tpu.dma_semaphore, #tpu.memory_space<semaphore_mem>>
          %dma_start3A_95 = arith.constant 0 : i32
          %dma_start3A_96 = arith.constant 0 : i32
          %dma_start3A_97 = tpu.memref_slice %arg5[%arg0, %dma_start3A_95, %dma_start3A_96] : memref<2x10000x128xf32, #tpu.memory_space<hbm>> -> memref<1x10000x128xf32, #tpu.memory_space<hbm>>
          %dma_start3A_98 = tpu.memref_squeeze %dma_start3A_97 : memref<1x10000x128xf32, #tpu.memory_space<hbm>> -> memref<10000x128xf32, #tpu.memory_space<hbm>>
          %dma_start3A_99 = arith.constant 0 : i32
          %dma_start3A_100 = tpu.memref_slice %dma_start3A_98[%mul3A_94, %dma_start3A_99] : memref<10000x128xf32, #tpu.memory_space<hbm>> -> memref<80x128xf32, #tpu.memory_space<hbm>>
          %dma_start3A_101 = arith.constant 0 : i32
          %dma_start3A_102 = tpu.memref_slice %arg11[%mul3A_94, %dma_start3A_101] : memref<10000x128xf32, #tpu.memory_space<vmem_shared>> -> memref<80x128xf32, #tpu.memory_space<vmem_shared>>
          tpu.enqueue_dma source(%dma_start3A_102 : memref<80x128xf32, #tpu.memory_space<vmem_shared>>) target(%dma_start3A_100 : memref<80x128xf32, #tpu.memory_space<hbm>>) target_semaphore(%run_scoped3A : memref<!tpu.dma_semaphore, #tpu.memory_space<semaphore_mem>>)
          %dma_wait3A_103 = arith.constant 0 : i32
          %dma_wait3A_104 = arith.constant 0 : i32
          %dma_wait3A_105 = tpu.memref_slice %arg5[%arg0, %dma_wait3A_103, %dma_wait3A_104] : memref<2x10000x128xf32, #tpu.memory_space<hbm>> -> memref<1x10000x128xf32, #tpu.memory_space<hbm>>
          %dma_wait3A_106 = tpu.memref_squeeze %dma_wait3A_105 : memref<1x10000x128xf32, #tpu.memory_space<hbm>> -> memref<10000x128xf32, #tpu.memory_space<hbm>>
          %dma_wait3A_107 = arith.constant 0 : i32
          %dma_wait3A_108 = tpu.memref_slice %dma_wait3A_106[%mul3A_94, %dma_wait3A_107] : memref<10000x128xf32, #tpu.memory_space<hbm>> -> memref<80x128xf32, #tpu.memory_space<hbm>>
          %dma_wait3A_109 = arith.constant 0 : i32
          %dma_wait3A_110 = tpu.memref_slice %arg11[%mul3A_94, %dma_wait3A_109] : memref<10000x128xf32, #tpu.memory_space<vmem_shared>> -> memref<80x128xf32, #tpu.memory_space<vmem_shared>>
          tpu.wait_dma2 semaphore(%run_scoped3A : memref<!tpu.dma_semaphore, #tpu.memory_space<semaphore_mem>>) src(%dma_wait3A_110 : memref<80x128xf32, #tpu.memory_space<vmem_shared>>) dst(%dma_wait3A_108 : memref<80x128xf32, #tpu.memory_space<hbm>>)
          tpu.yield
        }) : () -> ()
      } else {
      }
      %scan3A_92 = arith.constant 0 : i32
      scf.yield %scan3A_92 : i32
    }
    %scan3A_84 = arith.constant 8 : i32
    return
  }
}

#map = affine_map<(d0, d1) -> (0)>
#map1 = affine_map<(d0, d1) -> (0, 0)>
#map2 = affine_map<(d0, d1) -> (0, 0, 0)>
module attributes {stable_mosaic.version = 14 : i64} {
  func.func @_sc_kg(%arg0: i32, %arg1: i32, %arg2: memref<2048xi32, #tpu.memory_space<hbm>>, %arg3: memref<2048xi32, #tpu.memory_space<hbm>>, %arg4: memref<131072xi32, #tpu.memory_space<hbm>>, %arg5: memref<131072xi32, #tpu.memory_space<hbm>>, %arg6: memref<100000x128xf32, #tpu.memory_space<hbm>>, %arg7: memref<2x2048x128xf32, #tpu.memory_space<hbm>>, %arg8: memref<4096xi32, #tpu.memory_space<vmem>>, %arg9: memref<4096xi32, #tpu.memory_space<vmem>>, %arg10: memref<128x128xf32, #tpu.memory_space<vmem>>, %arg11: memref<128x128xf32, #tpu.memory_space<vmem>>, %arg12: memref<128x128xf32, #tpu.memory_space<vmem>>, %arg13: memref<64xi32, #tpu.memory_space<vmem>>, %arg14: memref<64xi32, #tpu.memory_space<vmem>>, %arg15: memref<64x128xf32, #tpu.memory_space<vmem>>, %arg16: memref<2048x128xf32, #tpu.memory_space<vmem_shared>>, %arg17: memref<!tpu.dma_semaphore, #tpu.memory_space<semaphore_mem>>, %arg18: memref<!tpu.dma_semaphore, #tpu.memory_space<semaphore_mem>>, %arg19: memref<!tpu.dma_semaphore, #tpu.memory_space<semaphore_mem>>, %arg20: memref<!tpu.dma_semaphore, #tpu.memory_space<semaphore_mem>>, %arg21: memref<!tpu.dma_semaphore, #tpu.memory_space<semaphore_mem>>, %arg22: memref<!tpu.dma_semaphore, #tpu.memory_space<semaphore_mem>>, %arg23: memref<!tpu.dma_semaphore, #tpu.memory_space<semaphore_mem>>) attributes {dimension_semantics = [#tpu.dimension_semantics<core_parallel>, #tpu.dimension_semantics<subcore_parallel>], iteration_bounds = array<i64: 2, 16>, scalar_prefetch = 0 : i64, scratch_operands = 16 : i64, tpu.core_type = #tpu.core_type<sc_vector_subcore>, window_params = [{transform_indices = #map}, {transform_indices = #map}, {transform_indices = #map}, {transform_indices = #map}, {transform_indices = #map1}, {transform_indices = #map2}]} {
    %mul3A = arith.constant 16 : i32
    %mul3A_0 = arith.muli %arg0, %mul3A : i32
    %add3A = arith.addi %mul3A_0, %arg1 : i32
    %broadcast_in_dim3A = arith.constant 0.000000e+00 : f32
    %broadcast_in_dim3A_1 = vector.broadcast %broadcast_in_dim3A : f32 to vector<16xf32>
    %scan3A = arith.constant 0 : i32
    %scan3A_2 = arith.constant 0 : i32
    %scan3A_3 = arith.constant 16 : i32
    %scan3A_4 = arith.addi %scan3A_2, %scan3A_3 : i32
    %scan3A_5 = arith.constant 1 : i32
    %scan3A_6 = scf.for %scan3A_90 = %scan3A_2 to %scan3A_4 step %scan3A_5 iter_args(%scan3A_91 = %scan3A) -> (i32)  : i32 {
      %swap3A = arith.index_cast %scan3A_90 : i32 to index
      %swap3A_92 = arith.constant 0 : index
      %swap3A_93 = tpu.vector_load %arg10[%swap3A, %swap3A_92] {strides = array<i32>} : memref<128x128xf32, #tpu.memory_space<vmem>>, vector<1x16xf32>,
      %swap3A_94 = vector.shape_cast %swap3A_93 : vector<1x16xf32> to vector<16xf32>
      %swap3A_95 = vector.shape_cast %broadcast_in_dim3A_1 : vector<16xf32> to vector<1x16xf32>
      tpu.vector_store %arg10[%swap3A, %swap3A_92], %swap3A_95 {strides = array<i32>} : memref<128x128xf32, #tpu.memory_space<vmem>>, vector<1x16xf32>,
      %swap3A_96 = arith.index_cast %scan3A_90 : i32 to index
      %swap3A_97 = arith.constant 16 : index
      %swap3A_98 = tpu.vector_load %arg10[%swap3A_96, %swap3A_97] {strides = array<i32>} : memref<128x128xf32, #tpu.memory_space<vmem>>, vector<1x16xf32>,
      %swap3A_99 = vector.shape_cast %swap3A_98 : vector<1x16xf32> to vector<16xf32>
      %swap3A_100 = vector.shape_cast %broadcast_in_dim3A_1 : vector<16xf32> to vector<1x16xf32>
      tpu.vector_store %arg10[%swap3A_96, %swap3A_97], %swap3A_100 {strides = array<i32>} : memref<128x128xf32, #tpu.memory_space<vmem>>, vector<1x16xf32>,
      %swap3A_101 = arith.index_cast %scan3A_90 : i32 to index
      %swap3A_102 = arith.constant 32 : index
      %swap3A_103 = tpu.vector_load %arg10[%swap3A_101, %swap3A_102] {strides = array<i32>} : memref<128x128xf32, #tpu.memory_space<vmem>>, vector<1x16xf32>,
      %swap3A_104 = vector.shape_cast %swap3A_103 : vector<1x16xf32> to vector<16xf32>
      %swap3A_105 = vector.shape_cast %broadcast_in_dim3A_1 : vector<16xf32> to vector<1x16xf32>
      tpu.vector_store %arg10[%swap3A_101, %swap3A_102], %swap3A_105 {strides = array<i32>} : memref<128x128xf32, #tpu.memory_space<vmem>>, vector<1x16xf32>,
      %swap3A_106 = arith.index_cast %scan3A_90 : i32 to index
      %swap3A_107 = arith.constant 48 : index
      %swap3A_108 = tpu.vector_load %arg10[%swap3A_106, %swap3A_107] {strides = array<i32>} : memref<128x128xf32, #tpu.memory_space<vmem>>, vector<1x16xf32>,
      %swap3A_109 = vector.shape_cast %swap3A_108 : vector<1x16xf32> to vector<16xf32>
      %swap3A_110 = vector.shape_cast %broadcast_in_dim3A_1 : vector<16xf32> to vector<1x16xf32>
      tpu.vector_store %arg10[%swap3A_106, %swap3A_107], %swap3A_110 {strides = array<i32>} : memref<128x128xf32, #tpu.memory_space<vmem>>, vector<1x16xf32>,
      %swap3A_111 = arith.index_cast %scan3A_90 : i32 to index
      %swap3A_112 = arith.constant 64 : index
      %swap3A_113 = tpu.vector_load %arg10[%swap3A_111, %swap3A_112] {strides = array<i32>} : memref<128x128xf32, #tpu.memory_space<vmem>>, vector<1x16xf32>,
      %swap3A_114 = vector.shape_cast %swap3A_113 : vector<1x16xf32> to vector<16xf32>
      %swap3A_115 = vector.shape_cast %broadcast_in_dim3A_1 : vector<16xf32> to vector<1x16xf32>
      tpu.vector_store %arg10[%swap3A_111, %swap3A_112], %swap3A_115 {strides = array<i32>} : memref<128x128xf32, #tpu.memory_space<vmem>>, vector<1x16xf32>,
      %swap3A_116 = arith.index_cast %scan3A_90 : i32 to index
      %swap3A_117 = arith.constant 80 : index
      %swap3A_118 = tpu.vector_load %arg10[%swap3A_116, %swap3A_117] {strides = array<i32>} : memref<128x128xf32, #tpu.memory_space<vmem>>, vector<1x16xf32>,
      %swap3A_119 = vector.shape_cast %swap3A_118 : vector<1x16xf32> to vector<16xf32>
      %swap3A_120 = vector.shape_cast %broadcast_in_dim3A_1 : vector<16xf32> to vector<1x16xf32>
      tpu.vector_store %arg10[%swap3A_116, %swap3A_117], %swap3A_120 {strides = array<i32>} : memref<128x128xf32, #tpu.memory_space<vmem>>, vector<1x16xf32>,
      %swap3A_121 = arith.index_cast %scan3A_90 : i32 to index
      %swap3A_122 = arith.constant 96 : index
      %swap3A_123 = tpu.vector_load %arg10[%swap3A_121, %swap3A_122] {strides = array<i32>} : memref<128x128xf32, #tpu.memory_space<vmem>>, vector<1x16xf32>,
      %swap3A_124 = vector.shape_cast %swap3A_123 : vector<1x16xf32> to vector<16xf32>
      %swap3A_125 = vector.shape_cast %broadcast_in_dim3A_1 : vector<16xf32> to vector<1x16xf32>
      tpu.vector_store %arg10[%swap3A_121, %swap3A_122], %swap3A_125 {strides = array<i32>} : memref<128x128xf32, #tpu.memory_space<vmem>>, vector<1x16xf32>,
      %swap3A_126 = arith.index_cast %scan3A_90 : i32 to index
      %swap3A_127 = arith.constant 112 : index
      %swap3A_128 = tpu.vector_load %arg10[%swap3A_126, %swap3A_127] {strides = array<i32>} : memref<128x128xf32, #tpu.memory_space<vmem>>, vector<1x16xf32>,
      %swap3A_129 = vector.shape_cast %swap3A_128 : vector<1x16xf32> to vector<16xf32>
      %swap3A_130 = vector.shape_cast %broadcast_in_dim3A_1 : vector<16xf32> to vector<1x16xf32>
      tpu.vector_store %arg10[%swap3A_126, %swap3A_127], %swap3A_130 {strides = array<i32>} : memref<128x128xf32, #tpu.memory_space<vmem>>, vector<1x16xf32>,
      %scan3A_131 = arith.constant 0 : i32
      scf.yield %scan3A_131 : i32
    }
    %scan3A_7 = arith.constant 16 : i32
    %scan3A_8 = arith.constant 0 : i32
    %scan3A_9 = arith.constant 0 : i32
    %scan3A_10 = arith.constant 8 : i32
    %scan3A_11 = arith.addi %scan3A_9, %scan3A_10 : i32
    %scan3A_12 = arith.constant 1 : i32
    %scan3A_13 = scf.for %scan3A_90 = %scan3A_9 to %scan3A_11 step %scan3A_12 iter_args(%scan3A_91 = %scan3A_8) -> (i32)  : i32 {
      %mul3A_92 = arith.constant 16 : i32
      %mul3A_93 = arith.muli %scan3A_90, %mul3A_92 : i32
      %add3A_94 = arith.addi %mul3A_93, %arg1 : i32
      %lt3A = arith.constant 128 : i32
      %lt3A_95 = arith.cmpi slt, %add3A_94, %lt3A : i32
      %convert_element_type3A = arith.extui %lt3A_95 : i1 to i32
      %cond3A = arith.constant 0 : i32
      %cond3A_96 = arith.cmpi ne, %convert_element_type3A, %cond3A : i32
      scf.if %cond3A_96 {
        %mul3A_98 = arith.constant 16 : i32
        %mul3A_99 = arith.muli %add3A_94, %mul3A_98 : i32
        "tpu.region"() ({
          %run_scoped3A = tpu.sem_alloc : memref<!tpu.dma_semaphore, #tpu.memory_space<semaphore_mem>>
          %dma_start3A_100 = arith.constant 0 : i32
          %dma_start3A_101 = arith.constant 0 : i32
          %dma_start3A_102 = tpu.memref_slice %arg10[%dma_start3A_100, %dma_start3A_101] : memref<128x128xf32, #tpu.memory_space<vmem>> -> memref<16x128xf32, #tpu.memory_space<vmem>>
          %dma_start3A_103 = arith.constant 0 : i32
          %dma_start3A_104 = tpu.memref_slice %arg16[%mul3A_99, %dma_start3A_103] : memref<2048x128xf32, #tpu.memory_space<vmem_shared>> -> memref<16x128xf32, #tpu.memory_space<vmem_shared>>
          %dma_start3A_105 = arith.constant 0 : i32
          %dma_start3A_106 = tpu.memref_slice %arg16[%mul3A_99, %dma_start3A_105] : memref<2048x128xf32, #tpu.memory_space<vmem_shared>> -> memref<16x128xf32, #tpu.memory_space<vmem_shared>>
          %dma_start3A_107 = arith.constant 0 : i32
          %dma_start3A_108 = arith.constant 0 : i32
          %dma_start3A_109 = tpu.memref_slice %arg10[%dma_start3A_107, %dma_start3A_108] : memref<128x128xf32, #tpu.memory_space<vmem>> -> memref<16x128xf32, #tpu.memory_space<vmem>>
          tpu.enqueue_dma source(%dma_start3A_109 : memref<16x128xf32, #tpu.memory_space<vmem>>) target(%dma_start3A_106 : memref<16x128xf32, #tpu.memory_space<vmem_shared>>) target_semaphore(%run_scoped3A : memref<!tpu.dma_semaphore, #tpu.memory_space<semaphore_mem>>)
          %dma_wait3A_110 = arith.constant 0 : i32
          %dma_wait3A_111 = arith.constant 0 : i32
          %dma_wait3A_112 = tpu.memref_slice %arg10[%dma_wait3A_110, %dma_wait3A_111] : memref<128x128xf32, #tpu.memory_space<vmem>> -> memref<16x128xf32, #tpu.memory_space<vmem>>
          %dma_wait3A_113 = arith.constant 0 : i32
          %dma_wait3A_114 = tpu.memref_slice %arg16[%mul3A_99, %dma_wait3A_113] : memref<2048x128xf32, #tpu.memory_space<vmem_shared>> -> memref<16x128xf32, #tpu.memory_space<vmem_shared>>
          %dma_wait3A_115 = arith.constant 0 : i32
          %dma_wait3A_116 = tpu.memref_slice %arg16[%mul3A_99, %dma_wait3A_115] : memref<2048x128xf32, #tpu.memory_space<vmem_shared>> -> memref<16x128xf32, #tpu.memory_space<vmem_shared>>
          %dma_wait3A_117 = arith.constant 0 : i32
          %dma_wait3A_118 = arith.constant 0 : i32
          %dma_wait3A_119 = tpu.memref_slice %arg10[%dma_wait3A_117, %dma_wait3A_118] : memref<128x128xf32, #tpu.memory_space<vmem>> -> memref<16x128xf32, #tpu.memory_space<vmem>>
          tpu.wait_dma2 semaphore(%run_scoped3A : memref<!tpu.dma_semaphore, #tpu.memory_space<semaphore_mem>>) src(%dma_wait3A_119 : memref<16x128xf32, #tpu.memory_space<vmem>>) dst(%dma_wait3A_116 : memref<16x128xf32, #tpu.memory_space<vmem_shared>>)
          tpu.yield
        }) : () -> ()
      } else {
      }
      %scan3A_97 = arith.constant 0 : i32
      scf.yield %scan3A_97 : i32
    }
    %scan3A_14 = arith.constant 8 : i32
    %barrier3A = arith.constant 0 : index
    tpu.barrier barrier_id(%barrier3A)
    %mul3A_15 = arith.constant 64 : i32
    %mul3A_16 = arith.muli %add3A, %mul3A_15 : i32
    "tpu.region"() ({
      %run_scoped3A = tpu.sem_alloc : memref<!tpu.dma_semaphore, #tpu.memory_space<semaphore_mem>>
      %dma_start3A_90 = tpu.memref_slice %arg2[%mul3A_16] : memref<2048xi32, #tpu.memory_space<hbm>> -> memref<64xi32, #tpu.memory_space<hbm>>
      %dma_start3A_91 = tpu.memref_slice %arg2[%mul3A_16] : memref<2048xi32, #tpu.memory_space<hbm>> -> memref<64xi32, #tpu.memory_space<hbm>>
      tpu.enqueue_dma source(%dma_start3A_91 : memref<64xi32, #tpu.memory_space<hbm>>) target(%arg13 : memref<64xi32, #tpu.memory_space<vmem>>) target_semaphore(%run_scoped3A : memref<!tpu.dma_semaphore, #tpu.memory_space<semaphore_mem>>)
      %dma_wait3A_92 = tpu.memref_slice %arg2[%mul3A_16] : memref<2048xi32, #tpu.memory_space<hbm>> -> memref<64xi32, #tpu.memory_space<hbm>>
      %dma_wait3A_93 = tpu.memref_slice %arg2[%mul3A_16] : memref<2048xi32, #tpu.memory_space<hbm>> -> memref<64xi32, #tpu.memory_space<hbm>>
      tpu.wait_dma2 semaphore(%run_scoped3A : memref<!tpu.dma_semaphore, #tpu.memory_space<semaphore_mem>>) src(%dma_wait3A_93 : memref<64xi32, #tpu.memory_space<hbm>>) dst(%arg13 : memref<64xi32, #tpu.memory_space<vmem>>)
      tpu.yield
    }) : () -> ()
    "tpu.region"() ({
      %run_scoped3A = tpu.sem_alloc : memref<!tpu.dma_semaphore, #tpu.memory_space<semaphore_mem>>
      %dma_start3A_90 = tpu.memref_slice %arg3[%mul3A_16] : memref<2048xi32, #tpu.memory_space<hbm>> -> memref<64xi32, #tpu.memory_space<hbm>>
      %dma_start3A_91 = tpu.memref_slice %arg3[%mul3A_16] : memref<2048xi32, #tpu.memory_space<hbm>> -> memref<64xi32, #tpu.memory_space<hbm>>
      tpu.enqueue_dma source(%dma_start3A_91 : memref<64xi32, #tpu.memory_space<hbm>>) target(%arg14 : memref<64xi32, #tpu.memory_space<vmem>>) target_semaphore(%run_scoped3A : memref<!tpu.dma_semaphore, #tpu.memory_space<semaphore_mem>>)
      %dma_wait3A_92 = tpu.memref_slice %arg3[%mul3A_16] : memref<2048xi32, #tpu.memory_space<hbm>> -> memref<64xi32, #tpu.memory_space<hbm>>
      %dma_wait3A_93 = tpu.memref_slice %arg3[%mul3A_16] : memref<2048xi32, #tpu.memory_space<hbm>> -> memref<64xi32, #tpu.memory_space<hbm>>
      tpu.wait_dma2 semaphore(%run_scoped3A : memref<!tpu.dma_semaphore, #tpu.memory_space<semaphore_mem>>) src(%dma_wait3A_93 : memref<64xi32, #tpu.memory_space<hbm>>) dst(%arg14 : memref<64xi32, #tpu.memory_space<vmem>>)
      tpu.yield
    }) : () -> ()
    %dma_start3A = arith.constant 0 : i32
    %dma_start3A_17 = arith.constant 0 : i32
    %dma_start3A_18 = tpu.memref_slice %arg6[%dma_start3A, %dma_start3A_17] : memref<100000x128xf32, #tpu.memory_space<hbm>> -> memref<100000x128xf32, #tpu.memory_space<hbm>>
    tpu.enqueue_indirect_dma source(%dma_start3A_18 : memref<100000x128xf32, #tpu.memory_space<hbm>>) target(%arg15 : memref<64x128xf32, #tpu.memory_space<vmem>>) offsets(%arg13 : memref<64xi32, #tpu.memory_space<vmem>>) semaphore(%arg23 : memref<!tpu.dma_semaphore, #tpu.memory_space<semaphore_mem>>)
    %dma_wait3A = arith.constant 0 : i32
    %dma_wait3A_19 = arith.constant 0 : i32
    %dma_wait3A_20 = tpu.memref_slice %arg6[%dma_wait3A, %dma_wait3A_19] : memref<100000x128xf32, #tpu.memory_space<hbm>> -> memref<100000x128xf32, #tpu.memory_space<hbm>>
    tpu.wait_indirect_dma semaphore(%arg23 : memref<!tpu.dma_semaphore, #tpu.memory_space<semaphore_mem>>) src(%dma_wait3A_20 : memref<100000x128xf32, #tpu.memory_space<hbm>>) dst(%arg15 : memref<64x128xf32, #tpu.memory_space<vmem>>)
    "tpu.region"() ({
      %run_scoped3A = tpu.sem_alloc : memref<!tpu.dma_semaphore, #tpu.memory_space<semaphore_mem>>
      %dma_start3A_90 = arith.constant 0 : i32
      %dma_start3A_91 = arith.constant 0 : i32
      %dma_start3A_92 = tpu.memref_slice %arg16[%dma_start3A_90, %dma_start3A_91] : memref<2048x128xf32, #tpu.memory_space<vmem_shared>> -> memref<2048x128xf32, #tpu.memory_space<vmem_shared>>
      tpu.enqueue_indirect_dma source(%arg15 : memref<64x128xf32, #tpu.memory_space<vmem>>) target(%dma_start3A_92 : memref<2048x128xf32, #tpu.memory_space<vmem_shared>>) offsets(%arg14 : memref<64xi32, #tpu.memory_space<vmem>>) semaphore(%run_scoped3A : memref<!tpu.dma_semaphore, #tpu.memory_space<semaphore_mem>>) {add = true}
      %dma_wait3A_93 = arith.constant 0 : i32
      %dma_wait3A_94 = arith.constant 0 : i32
      %dma_wait3A_95 = tpu.memref_slice %arg16[%dma_wait3A_93, %dma_wait3A_94] : memref<2048x128xf32, #tpu.memory_space<vmem_shared>> -> memref<2048x128xf32, #tpu.memory_space<vmem_shared>>
      tpu.wait_indirect_dma semaphore(%run_scoped3A : memref<!tpu.dma_semaphore, #tpu.memory_space<semaphore_mem>>) src(%arg15 : memref<64x128xf32, #tpu.memory_space<vmem>>) dst(%dma_wait3A_95 : memref<2048x128xf32, #tpu.memory_space<vmem_shared>>)
      tpu.yield
    }) : () -> ()
    %mul3A_21 = arith.constant 4096 : i32
    %mul3A_22 = arith.muli %add3A, %mul3A_21 : i32
    "tpu.region"() ({
      %run_scoped3A = tpu.sem_alloc : memref<!tpu.dma_semaphore, #tpu.memory_space<semaphore_mem>>
      %dma_start3A_90 = tpu.memref_slice %arg4[%mul3A_22] : memref<131072xi32, #tpu.memory_space<hbm>> -> memref<4096xi32, #tpu.memory_space<hbm>>
      %dma_start3A_91 = tpu.memref_slice %arg4[%mul3A_22] : memref<131072xi32, #tpu.memory_space<hbm>> -> memref<4096xi32, #tpu.memory_space<hbm>>
      tpu.enqueue_dma source(%dma_start3A_91 : memref<4096xi32, #tpu.memory_space<hbm>>) target(%arg8 : memref<4096xi32, #tpu.memory_space<vmem>>) target_semaphore(%run_scoped3A : memref<!tpu.dma_semaphore, #tpu.memory_space<semaphore_mem>>)
      %dma_wait3A_92 = tpu.memref_slice %arg4[%mul3A_22] : memref<131072xi32, #tpu.memory_space<hbm>> -> memref<4096xi32, #tpu.memory_space<hbm>>
      %dma_wait3A_93 = tpu.memref_slice %arg4[%mul3A_22] : memref<131072xi32, #tpu.memory_space<hbm>> -> memref<4096xi32, #tpu.memory_space<hbm>>
      tpu.wait_dma2 semaphore(%run_scoped3A : memref<!tpu.dma_semaphore, #tpu.memory_space<semaphore_mem>>) src(%dma_wait3A_93 : memref<4096xi32, #tpu.memory_space<hbm>>) dst(%arg8 : memref<4096xi32, #tpu.memory_space<vmem>>)
      tpu.yield
    }) : () -> ()
    "tpu.region"() ({
      %run_scoped3A = tpu.sem_alloc : memref<!tpu.dma_semaphore, #tpu.memory_space<semaphore_mem>>
      %dma_start3A_90 = tpu.memref_slice %arg5[%mul3A_22] : memref<131072xi32, #tpu.memory_space<hbm>> -> memref<4096xi32, #tpu.memory_space<hbm>>
      %dma_start3A_91 = tpu.memref_slice %arg5[%mul3A_22] : memref<131072xi32, #tpu.memory_space<hbm>> -> memref<4096xi32, #tpu.memory_space<hbm>>
      tpu.enqueue_dma source(%dma_start3A_91 : memref<4096xi32, #tpu.memory_space<hbm>>) target(%arg9 : memref<4096xi32, #tpu.memory_space<vmem>>) target_semaphore(%run_scoped3A : memref<!tpu.dma_semaphore, #tpu.memory_space<semaphore_mem>>)
      %dma_wait3A_92 = tpu.memref_slice %arg5[%mul3A_22] : memref<131072xi32, #tpu.memory_space<hbm>> -> memref<4096xi32, #tpu.memory_space<hbm>>
      %dma_wait3A_93 = tpu.memref_slice %arg5[%mul3A_22] : memref<131072xi32, #tpu.memory_space<hbm>> -> memref<4096xi32, #tpu.memory_space<hbm>>
      tpu.wait_dma2 semaphore(%run_scoped3A : memref<!tpu.dma_semaphore, #tpu.memory_space<semaphore_mem>>) src(%dma_wait3A_93 : memref<4096xi32, #tpu.memory_space<hbm>>) dst(%arg9 : memref<4096xi32, #tpu.memory_space<vmem>>)
      tpu.yield
    }) : () -> ()
    %dma_start3A_23 = arith.constant 0 : i32
    %dma_start3A_24 = tpu.memref_slice %arg8[%dma_start3A_23] : memref<4096xi32, #tpu.memory_space<vmem>> -> memref<128xi32, #tpu.memory_space<vmem>>
    %dma_start3A_25 = arith.constant 0 : i32
    %dma_start3A_26 = arith.constant 0 : i32
    %dma_start3A_27 = tpu.memref_slice %arg6[%dma_start3A_25, %dma_start3A_26] : memref<100000x128xf32, #tpu.memory_space<hbm>> -> memref<100000x128xf32, #tpu.memory_space<hbm>>
    tpu.enqueue_indirect_dma source(%dma_start3A_27 : memref<100000x128xf32, #tpu.memory_space<hbm>>) target(%arg10 : memref<128x128xf32, #tpu.memory_space<vmem>>) offsets(%dma_start3A_24 : memref<128xi32, #tpu.memory_space<vmem>>) semaphore(%arg17 : memref<!tpu.dma_semaphore, #tpu.memory_space<semaphore_mem>>)
    %dma_start3A_28 = arith.constant 128 : i32
    %dma_start3A_29 = tpu.memref_slice %arg8[%dma_start3A_28] : memref<4096xi32, #tpu.memory_space<vmem>> -> memref<128xi32, #tpu.memory_space<vmem>>
    %dma_start3A_30 = arith.constant 0 : i32
    %dma_start3A_31 = arith.constant 0 : i32
    %dma_start3A_32 = tpu.memref_slice %arg6[%dma_start3A_30, %dma_start3A_31] : memref<100000x128xf32, #tpu.memory_space<hbm>> -> memref<100000x128xf32, #tpu.memory_space<hbm>>
    tpu.enqueue_indirect_dma source(%dma_start3A_32 : memref<100000x128xf32, #tpu.memory_space<hbm>>) target(%arg11 : memref<128x128xf32, #tpu.memory_space<vmem>>) offsets(%dma_start3A_29 : memref<128xi32, #tpu.memory_space<vmem>>) semaphore(%arg18 : memref<!tpu.dma_semaphore, #tpu.memory_space<semaphore_mem>>)
    %dma_start3A_33 = arith.constant 256 : i32
    %dma_start3A_34 = tpu.memref_slice %arg8[%dma_start3A_33] : memref<4096xi32, #tpu.memory_space<vmem>> -> memref<128xi32, #tpu.memory_space<vmem>>
    %dma_start3A_35 = arith.constant 0 : i32
    %dma_start3A_36 = arith.constant 0 : i32
    %dma_start3A_37 = tpu.memref_slice %arg6[%dma_start3A_35, %dma_start3A_36] : memref<100000x128xf32, #tpu.memory_space<hbm>> -> memref<100000x128xf32, #tpu.memory_space<hbm>>
    tpu.enqueue_indirect_dma source(%dma_start3A_37 : memref<100000x128xf32, #tpu.memory_space<hbm>>) target(%arg12 : memref<128x128xf32, #tpu.memory_space<vmem>>) offsets(%dma_start3A_34 : memref<128xi32, #tpu.memory_space<vmem>>) semaphore(%arg19 : memref<!tpu.dma_semaphore, #tpu.memory_space<semaphore_mem>>)
    %scan3A_38 = arith.constant 0 : i32
    %scan3A_39 = arith.constant 0 : i32
    %scan3A_40 = arith.constant 10 : i32
    %scan3A_41 = arith.addi %scan3A_39, %scan3A_40 : i32
    %scan3A_42 = arith.constant 1 : i32
    %scan3A_43 = scf.for %scan3A_90 = %scan3A_39 to %scan3A_41 step %scan3A_42 iter_args(%scan3A_91 = %scan3A_38) -> (i32)  : i32 {
      %mul3A_92 = arith.constant 3 : i32
      %mul3A_93 = arith.muli %scan3A_90, %mul3A_92 : i32
      %add3A_94 = arith.constant 0 : i32
      %add3A_95 = arith.addi %mul3A_93, %add3A_94 : i32
      %dma_wait3A_96 = arith.constant 0 : i32
      %dma_wait3A_97 = arith.constant 0 : i32
      %dma_wait3A_98 = tpu.memref_slice %arg6[%dma_wait3A_96, %dma_wait3A_97] : memref<100000x128xf32, #tpu.memory_space<hbm>> -> memref<128x128xf32, #tpu.memory_space<hbm>>
      %dma_wait3A_99 = arith.constant 0 : i32
      %dma_wait3A_100 = arith.constant 0 : i32
      %dma_wait3A_101 = tpu.memref_slice %arg6[%dma_wait3A_99, %dma_wait3A_100] : memref<100000x128xf32, #tpu.memory_space<hbm>> -> memref<128x128xf32, #tpu.memory_space<hbm>>
      tpu.wait_dma2 semaphore(%arg17 : memref<!tpu.dma_semaphore, #tpu.memory_space<semaphore_mem>>) src(%dma_wait3A_101 : memref<128x128xf32, #tpu.memory_space<hbm>>) dst(%arg10 : memref<128x128xf32, #tpu.memory_space<vmem>>)
      %mul3A_102 = arith.constant 128 : i32
      %mul3A_103 = arith.muli %add3A_95, %mul3A_102 : i32
      %dma_start3A_104 = tpu.memref_slice %arg9[%mul3A_103] : memref<4096xi32, #tpu.memory_space<vmem>> -> memref<128xi32, #tpu.memory_space<vmem>>
      %dma_start3A_105 = arith.constant 0 : i32
      %dma_start3A_106 = arith.constant 0 : i32
      %dma_start3A_107 = tpu.memref_slice %arg16[%dma_start3A_105, %dma_start3A_106] : memref<2048x128xf32, #tpu.memory_space<vmem_shared>> -> memref<2048x128xf32, #tpu.memory_space<vmem_shared>>
      tpu.enqueue_indirect_dma source(%arg10 : memref<128x128xf32, #tpu.memory_space<vmem>>) target(%dma_start3A_107 : memref<2048x128xf32, #tpu.memory_space<vmem_shared>>) offsets(%dma_start3A_104 : memref<128xi32, #tpu.memory_space<vmem>>) semaphore(%arg20 : memref<!tpu.dma_semaphore, #tpu.memory_space<semaphore_mem>>) {add = true}
      %add3A_108 = arith.constant 3 : i32
      %add3A_109 = arith.addi %add3A_95, %add3A_108 : i32
      %lt3A = arith.constant 32 : i32
      %lt3A_110 = arith.cmpi slt, %add3A_109, %lt3A : i32
      %convert_element_type3A = arith.extui %lt3A_110 : i1 to i32
      %cond3A = arith.constant 0 : i32
      %cond3A_111 = arith.cmpi ne, %convert_element_type3A, %cond3A : i32
      scf.if %cond3A_111 {
        %dma_wait3A_159 = arith.constant 0 : i32
        %dma_wait3A_160 = arith.constant 0 : i32
        %dma_wait3A_161 = tpu.memref_slice %arg16[%dma_wait3A_159, %dma_wait3A_160] : memref<2048x128xf32, #tpu.memory_space<vmem_shared>> -> memref<128x128xf32, #tpu.memory_space<vmem_shared>>
        %dma_wait3A_162 = arith.constant 0 : i32
        %dma_wait3A_163 = arith.constant 0 : i32
        %dma_wait3A_164 = tpu.memref_slice %arg16[%dma_wait3A_162, %dma_wait3A_163] : memref<2048x128xf32, #tpu.memory_space<vmem_shared>> -> memref<128x128xf32, #tpu.memory_space<vmem_shared>>
        tpu.wait_dma2 semaphore(%arg20 : memref<!tpu.dma_semaphore, #tpu.memory_space<semaphore_mem>>) src(%arg10 : memref<128x128xf32, #tpu.memory_space<vmem>>) dst(%dma_wait3A_164 : memref<128x128xf32, #tpu.memory_space<vmem_shared>>)
        %add3A_165 = arith.constant 3 : i32
        %add3A_166 = arith.addi %add3A_95, %add3A_165 : i32
        %mul3A_167 = arith.constant 128 : i32
        %mul3A_168 = arith.muli %add3A_166, %mul3A_167 : i32
        %dma_start3A_169 = tpu.memref_slice %arg8[%mul3A_168] : memref<4096xi32, #tpu.memory_space<vmem>> -> memref<128xi32, #tpu.memory_space<vmem>>
        %dma_start3A_170 = arith.constant 0 : i32
        %dma_start3A_171 = arith.constant 0 : i32
        %dma_start3A_172 = tpu.memref_slice %arg6[%dma_start3A_170, %dma_start3A_171] : memref<100000x128xf32, #tpu.memory_space<hbm>> -> memref<100000x128xf32, #tpu.memory_space<hbm>>
        tpu.enqueue_indirect_dma source(%dma_start3A_172 : memref<100000x128xf32, #tpu.memory_space<hbm>>) target(%arg10 : memref<128x128xf32, #tpu.memory_space<vmem>>) offsets(%dma_start3A_169 : memref<128xi32, #tpu.memory_space<vmem>>) semaphore(%arg17 : memref<!tpu.dma_semaphore, #tpu.memory_space<semaphore_mem>>)
      } else {
      }
      %mul3A_112 = arith.constant 3 : i32
      %mul3A_113 = arith.muli %scan3A_90, %mul3A_112 : i32
      %add3A_114 = arith.constant 1 : i32
      %add3A_115 = arith.addi %mul3A_113, %add3A_114 : i32
      %dma_wait3A_116 = arith.constant 0 : i32
      %dma_wait3A_117 = arith.constant 0 : i32
      %dma_wait3A_118 = tpu.memref_slice %arg6[%dma_wait3A_116, %dma_wait3A_117] : memref<100000x128xf32, #tpu.memory_space<hbm>> -> memref<128x128xf32, #tpu.memory_space<hbm>>
      %dma_wait3A_119 = arith.constant 0 : i32
      %dma_wait3A_120 = arith.constant 0 : i32
      %dma_wait3A_121 = tpu.memref_slice %arg6[%dma_wait3A_119, %dma_wait3A_120] : memref<100000x128xf32, #tpu.memory_space<hbm>> -> memref<128x128xf32, #tpu.memory_space<hbm>>
      tpu.wait_dma2 semaphore(%arg18 : memref<!tpu.dma_semaphore, #tpu.memory_space<semaphore_mem>>) src(%dma_wait3A_121 : memref<128x128xf32, #tpu.memory_space<hbm>>) dst(%arg11 : memref<128x128xf32, #tpu.memory_space<vmem>>)
      %mul3A_122 = arith.constant 128 : i32
      %mul3A_123 = arith.muli %add3A_115, %mul3A_122 : i32
      %dma_start3A_124 = tpu.memref_slice %arg9[%mul3A_123] : memref<4096xi32, #tpu.memory_space<vmem>> -> memref<128xi32, #tpu.memory_space<vmem>>
      %dma_start3A_125 = arith.constant 0 : i32
      %dma_start3A_126 = arith.constant 0 : i32
      %dma_start3A_127 = tpu.memref_slice %arg16[%dma_start3A_125, %dma_start3A_126] : memref<2048x128xf32, #tpu.memory_space<vmem_shared>> -> memref<2048x128xf32, #tpu.memory_space<vmem_shared>>
      tpu.enqueue_indirect_dma source(%arg11 : memref<128x128xf32, #tpu.memory_space<vmem>>) target(%dma_start3A_127 : memref<2048x128xf32, #tpu.memory_space<vmem_shared>>) offsets(%dma_start3A_124 : memref<128xi32, #tpu.memory_space<vmem>>) semaphore(%arg21 : memref<!tpu.dma_semaphore, #tpu.memory_space<semaphore_mem>>) {add = true}
      %add3A_128 = arith.constant 3 : i32
      %add3A_129 = arith.addi %add3A_115, %add3A_128 : i32
      %lt3A_130 = arith.constant 32 : i32
      %lt3A_131 = arith.cmpi slt, %add3A_129, %lt3A_130 : i32
      %convert_element_type3A_132 = arith.extui %lt3A_131 : i1 to i32
      %cond3A_133 = arith.constant 0 : i32
      %cond3A_134 = arith.cmpi ne, %convert_element_type3A_132, %cond3A_133 : i32
      scf.if %cond3A_134 {
        %dma_wait3A_159 = arith.constant 0 : i32
        %dma_wait3A_160 = arith.constant 0 : i32
        %dma_wait3A_161 = tpu.memref_slice %arg16[%dma_wait3A_159, %dma_wait3A_160] : memref<2048x128xf32, #tpu.memory_space<vmem_shared>> -> memref<128x128xf32, #tpu.memory_space<vmem_shared>>
        %dma_wait3A_162 = arith.constant 0 : i32
        %dma_wait3A_163 = arith.constant 0 : i32
        %dma_wait3A_164 = tpu.memref_slice %arg16[%dma_wait3A_162, %dma_wait3A_163] : memref<2048x128xf32, #tpu.memory_space<vmem_shared>> -> memref<128x128xf32, #tpu.memory_space<vmem_shared>>
        tpu.wait_dma2 semaphore(%arg21 : memref<!tpu.dma_semaphore, #tpu.memory_space<semaphore_mem>>) src(%arg11 : memref<128x128xf32, #tpu.memory_space<vmem>>) dst(%dma_wait3A_164 : memref<128x128xf32, #tpu.memory_space<vmem_shared>>)
        %add3A_165 = arith.constant 3 : i32
        %add3A_166 = arith.addi %add3A_115, %add3A_165 : i32
        %mul3A_167 = arith.constant 128 : i32
        %mul3A_168 = arith.muli %add3A_166, %mul3A_167 : i32
        %dma_start3A_169 = tpu.memref_slice %arg8[%mul3A_168] : memref<4096xi32, #tpu.memory_space<vmem>> -> memref<128xi32, #tpu.memory_space<vmem>>
        %dma_start3A_170 = arith.constant 0 : i32
        %dma_start3A_171 = arith.constant 0 : i32
        %dma_start3A_172 = tpu.memref_slice %arg6[%dma_start3A_170, %dma_start3A_171] : memref<100000x128xf32, #tpu.memory_space<hbm>> -> memref<100000x128xf32, #tpu.memory_space<hbm>>
        tpu.enqueue_indirect_dma source(%dma_start3A_172 : memref<100000x128xf32, #tpu.memory_space<hbm>>) target(%arg11 : memref<128x128xf32, #tpu.memory_space<vmem>>) offsets(%dma_start3A_169 : memref<128xi32, #tpu.memory_space<vmem>>) semaphore(%arg18 : memref<!tpu.dma_semaphore, #tpu.memory_space<semaphore_mem>>)
      } else {
      }
      %mul3A_135 = arith.constant 3 : i32
      %mul3A_136 = arith.muli %scan3A_90, %mul3A_135 : i32
      %add3A_137 = arith.constant 2 : i32
      %add3A_138 = arith.addi %mul3A_136, %add3A_137 : i32
      %dma_wait3A_139 = arith.constant 0 : i32
      %dma_wait3A_140 = arith.constant 0 : i32
      %dma_wait3A_141 = tpu.memref_slice %arg6[%dma_wait3A_139, %dma_wait3A_140] : memref<100000x128xf32, #tpu.memory_space<hbm>> -> memref<128x128xf32, #tpu.memory_space<hbm>>
      %dma_wait3A_142 = arith.constant 0 : i32
      %dma_wait3A_143 = arith.constant 0 : i32
      %dma_wait3A_144 = tpu.memref_slice %arg6[%dma_wait3A_142, %dma_wait3A_143] : memref<100000x128xf32, #tpu.memory_space<hbm>> -> memref<128x128xf32, #tpu.memory_space<hbm>>
      tpu.wait_dma2 semaphore(%arg19 : memref<!tpu.dma_semaphore, #tpu.memory_space<semaphore_mem>>) src(%dma_wait3A_144 : memref<128x128xf32, #tpu.memory_space<hbm>>) dst(%arg12 : memref<128x128xf32, #tpu.memory_space<vmem>>)
      %mul3A_145 = arith.constant 128 : i32
      %mul3A_146 = arith.muli %add3A_138, %mul3A_145 : i32
      %dma_start3A_147 = tpu.memref_slice %arg9[%mul3A_146] : memref<4096xi32, #tpu.memory_space<vmem>> -> memref<128xi32, #tpu.memory_space<vmem>>
      %dma_start3A_148 = arith.constant 0 : i32
      %dma_start3A_149 = arith.constant 0 : i32
      %dma_start3A_150 = tpu.memref_slice %arg16[%dma_start3A_148, %dma_start3A_149] : memref<2048x128xf32, #tpu.memory_space<vmem_shared>> -> memref<2048x128xf32, #tpu.memory_space<vmem_shared>>
      tpu.enqueue_indirect_dma source(%arg12 : memref<128x128xf32, #tpu.memory_space<vmem>>) target(%dma_start3A_150 : memref<2048x128xf32, #tpu.memory_space<vmem_shared>>) offsets(%dma_start3A_147 : memref<128xi32, #tpu.memory_space<vmem>>) semaphore(%arg22 : memref<!tpu.dma_semaphore, #tpu.memory_space<semaphore_mem>>) {add = true}
      %add3A_151 = arith.constant 3 : i32
      %add3A_152 = arith.addi %add3A_138, %add3A_151 : i32
      %lt3A_153 = arith.constant 32 : i32
      %lt3A_154 = arith.cmpi slt, %add3A_152, %lt3A_153 : i32
      %convert_element_type3A_155 = arith.extui %lt3A_154 : i1 to i32
      %cond3A_156 = arith.constant 0 : i32
      %cond3A_157 = arith.cmpi ne, %convert_element_type3A_155, %cond3A_156 : i32
      scf.if %cond3A_157 {
        %dma_wait3A_159 = arith.constant 0 : i32
        %dma_wait3A_160 = arith.constant 0 : i32
        %dma_wait3A_161 = tpu.memref_slice %arg16[%dma_wait3A_159, %dma_wait3A_160] : memref<2048x128xf32, #tpu.memory_space<vmem_shared>> -> memref<128x128xf32, #tpu.memory_space<vmem_shared>>
        %dma_wait3A_162 = arith.constant 0 : i32
        %dma_wait3A_163 = arith.constant 0 : i32
        %dma_wait3A_164 = tpu.memref_slice %arg16[%dma_wait3A_162, %dma_wait3A_163] : memref<2048x128xf32, #tpu.memory_space<vmem_shared>> -> memref<128x128xf32, #tpu.memory_space<vmem_shared>>
        tpu.wait_dma2 semaphore(%arg22 : memref<!tpu.dma_semaphore, #tpu.memory_space<semaphore_mem>>) src(%arg12 : memref<128x128xf32, #tpu.memory_space<vmem>>) dst(%dma_wait3A_164 : memref<128x128xf32, #tpu.memory_space<vmem_shared>>)
        %add3A_165 = arith.constant 3 : i32
        %add3A_166 = arith.addi %add3A_138, %add3A_165 : i32
        %mul3A_167 = arith.constant 128 : i32
        %mul3A_168 = arith.muli %add3A_166, %mul3A_167 : i32
        %dma_start3A_169 = tpu.memref_slice %arg8[%mul3A_168] : memref<4096xi32, #tpu.memory_space<vmem>> -> memref<128xi32, #tpu.memory_space<vmem>>
        %dma_start3A_170 = arith.constant 0 : i32
        %dma_start3A_171 = arith.constant 0 : i32
        %dma_start3A_172 = tpu.memref_slice %arg6[%dma_start3A_170, %dma_start3A_171] : memref<100000x128xf32, #tpu.memory_space<hbm>> -> memref<100000x128xf32, #tpu.memory_space<hbm>>
        tpu.enqueue_indirect_dma source(%dma_start3A_172 : memref<100000x128xf32, #tpu.memory_space<hbm>>) target(%arg12 : memref<128x128xf32, #tpu.memory_space<vmem>>) offsets(%dma_start3A_169 : memref<128xi32, #tpu.memory_space<vmem>>) semaphore(%arg19 : memref<!tpu.dma_semaphore, #tpu.memory_space<semaphore_mem>>)
      } else {
      }
      %scan3A_158 = arith.constant 0 : i32
      scf.yield %scan3A_158 : i32
    }
    %scan3A_44 = arith.constant 10 : i32
    %dma_wait3A_45 = arith.constant 0 : i32
    %dma_wait3A_46 = arith.constant 0 : i32
    %dma_wait3A_47 = tpu.memref_slice %arg6[%dma_wait3A_45, %dma_wait3A_46] : memref<100000x128xf32, #tpu.memory_space<hbm>> -> memref<128x128xf32, #tpu.memory_space<hbm>>
    %dma_wait3A_48 = arith.constant 0 : i32
    %dma_wait3A_49 = arith.constant 0 : i32
    %dma_wait3A_50 = tpu.memref_slice %arg6[%dma_wait3A_48, %dma_wait3A_49] : memref<100000x128xf32, #tpu.memory_space<hbm>> -> memref<128x128xf32, #tpu.memory_space<hbm>>
    tpu.wait_dma2 semaphore(%arg17 : memref<!tpu.dma_semaphore, #tpu.memory_space<semaphore_mem>>) src(%dma_wait3A_50 : memref<128x128xf32, #tpu.memory_space<hbm>>) dst(%arg10 : memref<128x128xf32, #tpu.memory_space<vmem>>)
    %dma_start3A_51 = arith.constant 3840 : i32
    %dma_start3A_52 = tpu.memref_slice %arg9[%dma_start3A_51] : memref<4096xi32, #tpu.memory_space<vmem>> -> memref<128xi32, #tpu.memory_space<vmem>>
    %dma_start3A_53 = arith.constant 0 : i32
    %dma_start3A_54 = arith.constant 0 : i32
    %dma_start3A_55 = tpu.memref_slice %arg16[%dma_start3A_53, %dma_start3A_54] : memref<2048x128xf32, #tpu.memory_space<vmem_shared>> -> memref<2048x128xf32, #tpu.memory_space<vmem_shared>>
    tpu.enqueue_indirect_dma source(%arg10 : memref<128x128xf32, #tpu.memory_space<vmem>>) target(%dma_start3A_55 : memref<2048x128xf32, #tpu.memory_space<vmem_shared>>) offsets(%dma_start3A_52 : memref<128xi32, #tpu.memory_space<vmem>>) semaphore(%arg20 : memref<!tpu.dma_semaphore, #tpu.memory_space<semaphore_mem>>) {add = true}
    %dma_wait3A_56 = arith.constant 0 : i32
    %dma_wait3A_57 = arith.constant 0 : i32
    %dma_wait3A_58 = tpu.memref_slice %arg6[%dma_wait3A_56, %dma_wait3A_57] : memref<100000x128xf32, #tpu.memory_space<hbm>> -> memref<128x128xf32, #tpu.memory_space<hbm>>
    %dma_wait3A_59 = arith.constant 0 : i32
    %dma_wait3A_60 = arith.constant 0 : i32
    %dma_wait3A_61 = tpu.memref_slice %arg6[%dma_wait3A_59, %dma_wait3A_60] : memref<100000x128xf32, #tpu.memory_space<hbm>> -> memref<128x128xf32, #tpu.memory_space<hbm>>
    tpu.wait_dma2 semaphore(%arg18 : memref<!tpu.dma_semaphore, #tpu.memory_space<semaphore_mem>>) src(%dma_wait3A_61 : memref<128x128xf32, #tpu.memory_space<hbm>>) dst(%arg11 : memref<128x128xf32, #tpu.memory_space<vmem>>)
    %dma_start3A_62 = arith.constant 3968 : i32
    %dma_start3A_63 = tpu.memref_slice %arg9[%dma_start3A_62] : memref<4096xi32, #tpu.memory_space<vmem>> -> memref<128xi32, #tpu.memory_space<vmem>>
    %dma_start3A_64 = arith.constant 0 : i32
    %dma_start3A_65 = arith.constant 0 : i32
    %dma_start3A_66 = tpu.memref_slice %arg16[%dma_start3A_64, %dma_start3A_65] : memref<2048x128xf32, #tpu.memory_space<vmem_shared>> -> memref<2048x128xf32, #tpu.memory_space<vmem_shared>>
    tpu.enqueue_indirect_dma source(%arg11 : memref<128x128xf32, #tpu.memory_space<vmem>>) target(%dma_start3A_66 : memref<2048x128xf32, #tpu.memory_space<vmem_shared>>) offsets(%dma_start3A_63 : memref<128xi32, #tpu.memory_space<vmem>>) semaphore(%arg21 : memref<!tpu.dma_semaphore, #tpu.memory_space<semaphore_mem>>) {add = true}
    %dma_wait3A_67 = arith.constant 0 : i32
    %dma_wait3A_68 = arith.constant 0 : i32
    %dma_wait3A_69 = tpu.memref_slice %arg16[%dma_wait3A_67, %dma_wait3A_68] : memref<2048x128xf32, #tpu.memory_space<vmem_shared>> -> memref<128x128xf32, #tpu.memory_space<vmem_shared>>
    %dma_wait3A_70 = arith.constant 0 : i32
    %dma_wait3A_71 = arith.constant 0 : i32
    %dma_wait3A_72 = tpu.memref_slice %arg16[%dma_wait3A_70, %dma_wait3A_71] : memref<2048x128xf32, #tpu.memory_space<vmem_shared>> -> memref<128x128xf32, #tpu.memory_space<vmem_shared>>
    tpu.wait_dma2 semaphore(%arg20 : memref<!tpu.dma_semaphore, #tpu.memory_space<semaphore_mem>>) src(%arg10 : memref<128x128xf32, #tpu.memory_space<vmem>>) dst(%dma_wait3A_72 : memref<128x128xf32, #tpu.memory_space<vmem_shared>>)
    %dma_wait3A_73 = arith.constant 0 : i32
    %dma_wait3A_74 = arith.constant 0 : i32
    %dma_wait3A_75 = tpu.memref_slice %arg16[%dma_wait3A_73, %dma_wait3A_74] : memref<2048x128xf32, #tpu.memory_space<vmem_shared>> -> memref<128x128xf32, #tpu.memory_space<vmem_shared>>
    %dma_wait3A_76 = arith.constant 0 : i32
    %dma_wait3A_77 = arith.constant 0 : i32
    %dma_wait3A_78 = tpu.memref_slice %arg16[%dma_wait3A_76, %dma_wait3A_77] : memref<2048x128xf32, #tpu.memory_space<vmem_shared>> -> memref<128x128xf32, #tpu.memory_space<vmem_shared>>
    tpu.wait_dma2 semaphore(%arg21 : memref<!tpu.dma_semaphore, #tpu.memory_space<semaphore_mem>>) src(%arg11 : memref<128x128xf32, #tpu.memory_space<vmem>>) dst(%dma_wait3A_78 : memref<128x128xf32, #tpu.memory_space<vmem_shared>>)
    %dma_wait3A_79 = arith.constant 0 : i32
    %dma_wait3A_80 = arith.constant 0 : i32
    %dma_wait3A_81 = tpu.memref_slice %arg16[%dma_wait3A_79, %dma_wait3A_80] : memref<2048x128xf32, #tpu.memory_space<vmem_shared>> -> memref<128x128xf32, #tpu.memory_space<vmem_shared>>
    %dma_wait3A_82 = arith.constant 0 : i32
    %dma_wait3A_83 = arith.constant 0 : i32
    %dma_wait3A_84 = tpu.memref_slice %arg16[%dma_wait3A_82, %dma_wait3A_83] : memref<2048x128xf32, #tpu.memory_space<vmem_shared>> -> memref<128x128xf32, #tpu.memory_space<vmem_shared>>
    tpu.wait_dma2 semaphore(%arg22 : memref<!tpu.dma_semaphore, #tpu.memory_space<semaphore_mem>>) src(%arg12 : memref<128x128xf32, #tpu.memory_space<vmem>>) dst(%dma_wait3A_84 : memref<128x128xf32, #tpu.memory_space<vmem_shared>>)
    %barrier3A_85 = arith.constant 0 : index
    tpu.barrier barrier_id(%barrier3A_85)
    %mul3A_86 = arith.constant 128 : i32
    %mul3A_87 = arith.muli %arg1, %mul3A_86 : i32
    %mul3A_88 = arith.constant 128 : i32
    %mul3A_89 = arith.muli %arg1, %mul3A_88 : i32
    "tpu.region"() ({
      %run_scoped3A = tpu.sem_alloc : memref<!tpu.dma_semaphore, #tpu.memory_space<semaphore_mem>>
      %dma_start3A_90 = arith.constant 0 : i32
      %dma_start3A_91 = arith.constant 0 : i32
      %dma_start3A_92 = tpu.memref_slice %arg7[%arg0, %dma_start3A_90, %dma_start3A_91] : memref<2x2048x128xf32, #tpu.memory_space<hbm>> -> memref<1x2048x128xf32, #tpu.memory_space<hbm>>
      %dma_start3A_93 = tpu.memref_squeeze %dma_start3A_92 : memref<1x2048x128xf32, #tpu.memory_space<hbm>> -> memref<2048x128xf32, #tpu.memory_space<hbm>>
      %dma_start3A_94 = arith.constant 0 : i32
      %dma_start3A_95 = tpu.memref_slice %dma_start3A_93[%mul3A_89, %dma_start3A_94] : memref<2048x128xf32, #tpu.memory_space<hbm>> -> memref<128x128xf32, #tpu.memory_space<hbm>>
      %dma_start3A_96 = arith.constant 0 : i32
      %dma_start3A_97 = tpu.memref_slice %arg16[%mul3A_87, %dma_start3A_96] : memref<2048x128xf32, #tpu.memory_space<vmem_shared>> -> memref<128x128xf32, #tpu.memory_space<vmem_shared>>
      tpu.enqueue_dma source(%dma_start3A_97 : memref<128x128xf32, #tpu.memory_space<vmem_shared>>) target(%dma_start3A_95 : memref<128x128xf32, #tpu.memory_space<hbm>>) target_semaphore(%run_scoped3A : memref<!tpu.dma_semaphore, #tpu.memory_space<semaphore_mem>>)
      %dma_wait3A_98 = arith.constant 0 : i32
      %dma_wait3A_99 = arith.constant 0 : i32
      %dma_wait3A_100 = tpu.memref_slice %arg7[%arg0, %dma_wait3A_98, %dma_wait3A_99] : memref<2x2048x128xf32, #tpu.memory_space<hbm>> -> memref<1x2048x128xf32, #tpu.memory_space<hbm>>
      %dma_wait3A_101 = tpu.memref_squeeze %dma_wait3A_100 : memref<1x2048x128xf32, #tpu.memory_space<hbm>> -> memref<2048x128xf32, #tpu.memory_space<hbm>>
      %dma_wait3A_102 = arith.constant 0 : i32
      %dma_wait3A_103 = tpu.memref_slice %dma_wait3A_101[%mul3A_89, %dma_wait3A_102] : memref<2048x128xf32, #tpu.memory_space<hbm>> -> memref<128x128xf32, #tpu.memory_space<hbm>>
      %dma_wait3A_104 = arith.constant 0 : i32
      %dma_wait3A_105 = tpu.memref_slice %arg16[%mul3A_87, %dma_wait3A_104] : memref<2048x128xf32, #tpu.memory_space<vmem_shared>> -> memref<128x128xf32, #tpu.memory_space<vmem_shared>>
      tpu.wait_dma2 semaphore(%run_scoped3A : memref<!tpu.dma_semaphore, #tpu.memory_space<semaphore_mem>>) src(%dma_wait3A_105 : memref<128x128xf32, #tpu.memory_space<vmem_shared>>) dst(%dma_wait3A_103 : memref<128x128xf32, #tpu.memory_space<hbm>>)
      tpu.yield
    }) : () -> ()
    return
  }
}

#map = affine_map<(d0, d1) -> (0, 0)>
#map1 = affine_map<(d0, d1) -> (0)>
#map2 = affine_map<(d0, d1) -> (0, 0, 0)>
module attributes {stable_mosaic.version = 14 : i64} {
  func.func @_sc_atom_agg(%arg0: i32, %arg1: i32, %arg2: memref<10000x128xf32, #tpu.memory_space<hbm>>, %arg3: memref<10000xi32, #tpu.memory_space<hbm>>, %arg4: memref<2x1024x128xf32, #tpu.memory_space<hbm>>, %arg5: memref<80xi32, #tpu.memory_space<vmem>>, %arg6: memref<80x128xf32, #tpu.memory_space<vmem>>, %arg7: memref<64x128xf32, #tpu.memory_space<vmem>>, %arg8: memref<1024x128xf32, #tpu.memory_space<vmem_shared>>) attributes {dimension_semantics = [#tpu.dimension_semantics<core_parallel>, #tpu.dimension_semantics<subcore_parallel>], iteration_bounds = array<i64: 2, 16>, scalar_prefetch = 0 : i64, scratch_operands = 4 : i64, tpu.core_type = #tpu.core_type<sc_vector_subcore>, window_params = [{transform_indices = #map}, {transform_indices = #map1}, {transform_indices = #map2}]} {
    %mul3A = arith.constant 16 : i32
    %mul3A_0 = arith.muli %arg0, %mul3A : i32
    %add3A = arith.addi %mul3A_0, %arg1 : i32
    %broadcast_in_dim3A = arith.constant 0.000000e+00 : f32
    %broadcast_in_dim3A_1 = vector.broadcast %broadcast_in_dim3A : f32 to vector<16xf32>
    %scan3A = arith.constant 0 : i32
    %scan3A_2 = arith.constant 0 : i32
    %scan3A_3 = arith.constant 64 : i32
    %scan3A_4 = arith.addi %scan3A_2, %scan3A_3 : i32
    %scan3A_5 = arith.constant 1 : i32
    %scan3A_6 = scf.for %scan3A_22 = %scan3A_2 to %scan3A_4 step %scan3A_5 iter_args(%scan3A_23 = %scan3A) -> (i32)  : i32 {
      %swap3A = arith.index_cast %scan3A_22 : i32 to index
      %swap3A_24 = arith.constant 0 : index
      %swap3A_25 = tpu.vector_load %arg7[%swap3A, %swap3A_24] {strides = array<i32>} : memref<64x128xf32, #tpu.memory_space<vmem>>, vector<1x16xf32>,
      %swap3A_26 = vector.shape_cast %swap3A_25 : vector<1x16xf32> to vector<16xf32>
      %swap3A_27 = vector.shape_cast %broadcast_in_dim3A_1 : vector<16xf32> to vector<1x16xf32>
      tpu.vector_store %arg7[%swap3A, %swap3A_24], %swap3A_27 {strides = array<i32>} : memref<64x128xf32, #tpu.memory_space<vmem>>, vector<1x16xf32>,
      %swap3A_28 = arith.index_cast %scan3A_22 : i32 to index
      %swap3A_29 = arith.constant 16 : index
      %swap3A_30 = tpu.vector_load %arg7[%swap3A_28, %swap3A_29] {strides = array<i32>} : memref<64x128xf32, #tpu.memory_space<vmem>>, vector<1x16xf32>,
      %swap3A_31 = vector.shape_cast %swap3A_30 : vector<1x16xf32> to vector<16xf32>
      %swap3A_32 = vector.shape_cast %broadcast_in_dim3A_1 : vector<16xf32> to vector<1x16xf32>
      tpu.vector_store %arg7[%swap3A_28, %swap3A_29], %swap3A_32 {strides = array<i32>} : memref<64x128xf32, #tpu.memory_space<vmem>>, vector<1x16xf32>,
      %swap3A_33 = arith.index_cast %scan3A_22 : i32 to index
      %swap3A_34 = arith.constant 32 : index
      %swap3A_35 = tpu.vector_load %arg7[%swap3A_33, %swap3A_34] {strides = array<i32>} : memref<64x128xf32, #tpu.memory_space<vmem>>, vector<1x16xf32>,
      %swap3A_36 = vector.shape_cast %swap3A_35 : vector<1x16xf32> to vector<16xf32>
      %swap3A_37 = vector.shape_cast %broadcast_in_dim3A_1 : vector<16xf32> to vector<1x16xf32>
      tpu.vector_store %arg7[%swap3A_33, %swap3A_34], %swap3A_37 {strides = array<i32>} : memref<64x128xf32, #tpu.memory_space<vmem>>, vector<1x16xf32>,
      %swap3A_38 = arith.index_cast %scan3A_22 : i32 to index
      %swap3A_39 = arith.constant 48 : index
      %swap3A_40 = tpu.vector_load %arg7[%swap3A_38, %swap3A_39] {strides = array<i32>} : memref<64x128xf32, #tpu.memory_space<vmem>>, vector<1x16xf32>,
      %swap3A_41 = vector.shape_cast %swap3A_40 : vector<1x16xf32> to vector<16xf32>
      %swap3A_42 = vector.shape_cast %broadcast_in_dim3A_1 : vector<16xf32> to vector<1x16xf32>
      tpu.vector_store %arg7[%swap3A_38, %swap3A_39], %swap3A_42 {strides = array<i32>} : memref<64x128xf32, #tpu.memory_space<vmem>>, vector<1x16xf32>,
      %swap3A_43 = arith.index_cast %scan3A_22 : i32 to index
      %swap3A_44 = arith.constant 64 : index
      %swap3A_45 = tpu.vector_load %arg7[%swap3A_43, %swap3A_44] {strides = array<i32>} : memref<64x128xf32, #tpu.memory_space<vmem>>, vector<1x16xf32>,
      %swap3A_46 = vector.shape_cast %swap3A_45 : vector<1x16xf32> to vector<16xf32>
      %swap3A_47 = vector.shape_cast %broadcast_in_dim3A_1 : vector<16xf32> to vector<1x16xf32>
      tpu.vector_store %arg7[%swap3A_43, %swap3A_44], %swap3A_47 {strides = array<i32>} : memref<64x128xf32, #tpu.memory_space<vmem>>, vector<1x16xf32>,
      %swap3A_48 = arith.index_cast %scan3A_22 : i32 to index
      %swap3A_49 = arith.constant 80 : index
      %swap3A_50 = tpu.vector_load %arg7[%swap3A_48, %swap3A_49] {strides = array<i32>} : memref<64x128xf32, #tpu.memory_space<vmem>>, vector<1x16xf32>,
      %swap3A_51 = vector.shape_cast %swap3A_50 : vector<1x16xf32> to vector<16xf32>
      %swap3A_52 = vector.shape_cast %broadcast_in_dim3A_1 : vector<16xf32> to vector<1x16xf32>
      tpu.vector_store %arg7[%swap3A_48, %swap3A_49], %swap3A_52 {strides = array<i32>} : memref<64x128xf32, #tpu.memory_space<vmem>>, vector<1x16xf32>,
      %swap3A_53 = arith.index_cast %scan3A_22 : i32 to index
      %swap3A_54 = arith.constant 96 : index
      %swap3A_55 = tpu.vector_load %arg7[%swap3A_53, %swap3A_54] {strides = array<i32>} : memref<64x128xf32, #tpu.memory_space<vmem>>, vector<1x16xf32>,
      %swap3A_56 = vector.shape_cast %swap3A_55 : vector<1x16xf32> to vector<16xf32>
      %swap3A_57 = vector.shape_cast %broadcast_in_dim3A_1 : vector<16xf32> to vector<1x16xf32>
      tpu.vector_store %arg7[%swap3A_53, %swap3A_54], %swap3A_57 {strides = array<i32>} : memref<64x128xf32, #tpu.memory_space<vmem>>, vector<1x16xf32>,
      %swap3A_58 = arith.index_cast %scan3A_22 : i32 to index
      %swap3A_59 = arith.constant 112 : index
      %swap3A_60 = tpu.vector_load %arg7[%swap3A_58, %swap3A_59] {strides = array<i32>} : memref<64x128xf32, #tpu.memory_space<vmem>>, vector<1x16xf32>,
      %swap3A_61 = vector.shape_cast %swap3A_60 : vector<1x16xf32> to vector<16xf32>
      %swap3A_62 = vector.shape_cast %broadcast_in_dim3A_1 : vector<16xf32> to vector<1x16xf32>
      tpu.vector_store %arg7[%swap3A_58, %swap3A_59], %swap3A_62 {strides = array<i32>} : memref<64x128xf32, #tpu.memory_space<vmem>>, vector<1x16xf32>,
      %scan3A_63 = arith.constant 0 : i32
      scf.yield %scan3A_63 : i32
    }
    %scan3A_7 = arith.constant 64 : i32
    %mul3A_8 = arith.constant 64 : i32
    %mul3A_9 = arith.muli %arg1, %mul3A_8 : i32
    "tpu.region"() ({
      %run_scoped3A = tpu.sem_alloc : memref<!tpu.dma_semaphore, #tpu.memory_space<semaphore_mem>>
      %dma_start3A = arith.constant 0 : i32
      %dma_start3A_22 = tpu.memref_slice %arg8[%mul3A_9, %dma_start3A] : memref<1024x128xf32, #tpu.memory_space<vmem_shared>> -> memref<64x128xf32, #tpu.memory_space<vmem_shared>>
      %dma_start3A_23 = arith.constant 0 : i32
      %dma_start3A_24 = tpu.memref_slice %arg8[%mul3A_9, %dma_start3A_23] : memref<1024x128xf32, #tpu.memory_space<vmem_shared>> -> memref<64x128xf32, #tpu.memory_space<vmem_shared>>
      tpu.enqueue_dma source(%arg7 : memref<64x128xf32, #tpu.memory_space<vmem>>) target(%dma_start3A_24 : memref<64x128xf32, #tpu.memory_space<vmem_shared>>) target_semaphore(%run_scoped3A : memref<!tpu.dma_semaphore, #tpu.memory_space<semaphore_mem>>)
      %dma_wait3A = arith.constant 0 : i32
      %dma_wait3A_25 = tpu.memref_slice %arg8[%mul3A_9, %dma_wait3A] : memref<1024x128xf32, #tpu.memory_space<vmem_shared>> -> memref<64x128xf32, #tpu.memory_space<vmem_shared>>
      %dma_wait3A_26 = arith.constant 0 : i32
      %dma_wait3A_27 = tpu.memref_slice %arg8[%mul3A_9, %dma_wait3A_26] : memref<1024x128xf32, #tpu.memory_space<vmem_shared>> -> memref<64x128xf32, #tpu.memory_space<vmem_shared>>
      tpu.wait_dma2 semaphore(%run_scoped3A : memref<!tpu.dma_semaphore, #tpu.memory_space<semaphore_mem>>) src(%arg7 : memref<64x128xf32, #tpu.memory_space<vmem>>) dst(%dma_wait3A_27 : memref<64x128xf32, #tpu.memory_space<vmem_shared>>)
      tpu.yield
    }) : () -> ()
    %barrier3A = arith.constant 0 : index
    tpu.barrier barrier_id(%barrier3A)
    %scan3A_10 = arith.constant 0 : i32
    %scan3A_11 = arith.constant 0 : i32
    %scan3A_12 = arith.constant 4 : i32
    %scan3A_13 = arith.addi %scan3A_11, %scan3A_12 : i32
    %scan3A_14 = arith.constant 1 : i32
    %scan3A_15 = scf.for %scan3A_22 = %scan3A_11 to %scan3A_13 step %scan3A_14 iter_args(%scan3A_23 = %scan3A_10) -> (i32)  : i32 {
      %mul3A_24 = arith.constant 32 : i32
      %mul3A_25 = arith.muli %scan3A_22, %mul3A_24 : i32
      %add3A_26 = arith.addi %mul3A_25, %add3A : i32
      %lt3A = arith.constant 125 : i32
      %lt3A_27 = arith.cmpi slt, %add3A_26, %lt3A : i32
      %convert_element_type3A = arith.extui %lt3A_27 : i1 to i32
      %cond3A = arith.constant 0 : i32
      %cond3A_28 = arith.cmpi ne, %convert_element_type3A, %cond3A : i32
      scf.if %cond3A_28 {
        %mul3A_30 = arith.constant 80 : i32
        %mul3A_31 = arith.muli %add3A_26, %mul3A_30 : i32
        "tpu.region"() ({
          %run_scoped3A = tpu.sem_alloc : memref<!tpu.dma_semaphore, #tpu.memory_space<semaphore_mem>>
          %dma_start3A = arith.constant 0 : i32
          %dma_start3A_34 = tpu.memref_slice %arg2[%mul3A_31, %dma_start3A] : memref<10000x128xf32, #tpu.memory_space<hbm>> -> memref<80x128xf32, #tpu.memory_space<hbm>>
          %dma_start3A_35 = arith.constant 0 : i32
          %dma_start3A_36 = tpu.memref_slice %arg2[%mul3A_31, %dma_start3A_35] : memref<10000x128xf32, #tpu.memory_space<hbm>> -> memref<80x128xf32, #tpu.memory_space<hbm>>
          tpu.enqueue_dma source(%dma_start3A_36 : memref<80x128xf32, #tpu.memory_space<hbm>>) target(%arg6 : memref<80x128xf32, #tpu.memory_space<vmem>>) target_semaphore(%run_scoped3A : memref<!tpu.dma_semaphore, #tpu.memory_space<semaphore_mem>>)
          %dma_wait3A = arith.constant 0 : i32
          %dma_wait3A_37 = tpu.memref_slice %arg2[%mul3A_31, %dma_wait3A] : memref<10000x128xf32, #tpu.memory_space<hbm>> -> memref<80x128xf32, #tpu.memory_space<hbm>>
          %dma_wait3A_38 = arith.constant 0 : i32
          %dma_wait3A_39 = tpu.memref_slice %arg2[%mul3A_31, %dma_wait3A_38] : memref<10000x128xf32, #tpu.memory_space<hbm>> -> memref<80x128xf32, #tpu.memory_space<hbm>>
          tpu.wait_dma2 semaphore(%run_scoped3A : memref<!tpu.dma_semaphore, #tpu.memory_space<semaphore_mem>>) src(%dma_wait3A_39 : memref<80x128xf32, #tpu.memory_space<hbm>>) dst(%arg6 : memref<80x128xf32, #tpu.memory_space<vmem>>)
          tpu.yield
        }) : () -> ()
        %mul3A_32 = arith.constant 80 : i32
        %mul3A_33 = arith.muli %add3A_26, %mul3A_32 : i32
        "tpu.region"() ({
          %run_scoped3A = tpu.sem_alloc : memref<!tpu.dma_semaphore, #tpu.memory_space<semaphore_mem>>
          %dma_start3A = tpu.memref_slice %arg3[%mul3A_33] : memref<10000xi32, #tpu.memory_space<hbm>> -> memref<80xi32, #tpu.memory_space<hbm>>
          %dma_start3A_34 = tpu.memref_slice %arg3[%mul3A_33] : memref<10000xi32, #tpu.memory_space<hbm>> -> memref<80xi32, #tpu.memory_space<hbm>>
          tpu.enqueue_dma source(%dma_start3A_34 : memref<80xi32, #tpu.memory_space<hbm>>) target(%arg5 : memref<80xi32, #tpu.memory_space<vmem>>) target_semaphore(%run_scoped3A : memref<!tpu.dma_semaphore, #tpu.memory_space<semaphore_mem>>)
          %dma_wait3A = tpu.memref_slice %arg3[%mul3A_33] : memref<10000xi32, #tpu.memory_space<hbm>> -> memref<80xi32, #tpu.memory_space<hbm>>
          %dma_wait3A_35 = tpu.memref_slice %arg3[%mul3A_33] : memref<10000xi32, #tpu.memory_space<hbm>> -> memref<80xi32, #tpu.memory_space<hbm>>
          tpu.wait_dma2 semaphore(%run_scoped3A : memref<!tpu.dma_semaphore, #tpu.memory_space<semaphore_mem>>) src(%dma_wait3A_35 : memref<80xi32, #tpu.memory_space<hbm>>) dst(%arg5 : memref<80xi32, #tpu.memory_space<vmem>>)
          tpu.yield
        }) : () -> ()
        "tpu.region"() ({
          %run_scoped3A = tpu.sem_alloc : memref<!tpu.dma_semaphore, #tpu.memory_space<semaphore_mem>>
          %dma_start3A = arith.constant 0 : i32
          %dma_start3A_34 = arith.constant 0 : i32
          %dma_start3A_35 = tpu.memref_slice %arg8[%dma_start3A, %dma_start3A_34] : memref<1024x128xf32, #tpu.memory_space<vmem_shared>> -> memref<1024x128xf32, #tpu.memory_space<vmem_shared>>
          tpu.enqueue_indirect_dma source(%arg6 : memref<80x128xf32, #tpu.memory_space<vmem>>) target(%dma_start3A_35 : memref<1024x128xf32, #tpu.memory_space<vmem_shared>>) offsets(%arg5 : memref<80xi32, #tpu.memory_space<vmem>>) semaphore(%run_scoped3A : memref<!tpu.dma_semaphore, #tpu.memory_space<semaphore_mem>>) {add = true}
          %dma_wait3A = arith.constant 0 : i32
          %dma_wait3A_36 = arith.constant 0 : i32
          %dma_wait3A_37 = tpu.memref_slice %arg8[%dma_wait3A, %dma_wait3A_36] : memref<1024x128xf32, #tpu.memory_space<vmem_shared>> -> memref<1024x128xf32, #tpu.memory_space<vmem_shared>>
          tpu.wait_indirect_dma semaphore(%run_scoped3A : memref<!tpu.dma_semaphore, #tpu.memory_space<semaphore_mem>>) src(%arg6 : memref<80x128xf32, #tpu.memory_space<vmem>>) dst(%dma_wait3A_37 : memref<1024x128xf32, #tpu.memory_space<vmem_shared>>)
          tpu.yield
        }) : () -> ()
      } else {
      }
      %scan3A_29 = arith.constant 0 : i32
      scf.yield %scan3A_29 : i32
    }
    %scan3A_16 = arith.constant 4 : i32
    %barrier3A_17 = arith.constant 0 : index
    tpu.barrier barrier_id(%barrier3A_17)
    %mul3A_18 = arith.constant 64 : i32
    %mul3A_19 = arith.muli %arg1, %mul3A_18 : i32
    %mul3A_20 = arith.constant 64 : i32
    %mul3A_21 = arith.muli %arg1, %mul3A_20 : i32
    "tpu.region"() ({
      %run_scoped3A = tpu.sem_alloc : memref<!tpu.dma_semaphore, #tpu.memory_space<semaphore_mem>>
      %dma_start3A = arith.constant 0 : i32
      %dma_start3A_22 = arith.constant 0 : i32
      %dma_start3A_23 = tpu.memref_slice %arg4[%arg0, %dma_start3A, %dma_start3A_22] : memref<2x1024x128xf32, #tpu.memory_space<hbm>> -> memref<1x1024x128xf32, #tpu.memory_space<hbm>>
      %dma_start3A_24 = tpu.memref_squeeze %dma_start3A_23 : memref<1x1024x128xf32, #tpu.memory_space<hbm>> -> memref<1024x128xf32, #tpu.memory_space<hbm>>
      %dma_start3A_25 = arith.constant 0 : i32
      %dma_start3A_26 = tpu.memref_slice %dma_start3A_24[%mul3A_21, %dma_start3A_25] : memref<1024x128xf32, #tpu.memory_space<hbm>> -> memref<64x128xf32, #tpu.memory_space<hbm>>
      %dma_start3A_27 = arith.constant 0 : i32
      %dma_start3A_28 = tpu.memref_slice %arg8[%mul3A_19, %dma_start3A_27] : memref<1024x128xf32, #tpu.memory_space<vmem_shared>> -> memref<64x128xf32, #tpu.memory_space<vmem_shared>>
      tpu.enqueue_dma source(%dma_start3A_28 : memref<64x128xf32, #tpu.memory_space<vmem_shared>>) target(%dma_start3A_26 : memref<64x128xf32, #tpu.memory_space<hbm>>) target_semaphore(%run_scoped3A : memref<!tpu.dma_semaphore, #tpu.memory_space<semaphore_mem>>)
      %dma_wait3A = arith.constant 0 : i32
      %dma_wait3A_29 = arith.constant 0 : i32
      %dma_wait3A_30 = tpu.memref_slice %arg4[%arg0, %dma_wait3A, %dma_wait3A_29] : memref<2x1024x128xf32, #tpu.memory_space<hbm>> -> memref<1x1024x128xf32, #tpu.memory_space<hbm>>
      %dma_wait3A_31 = tpu.memref_squeeze %dma_wait3A_30 : memref<1x1024x128xf32, #tpu.memory_space<hbm>> -> memref<1024x128xf32, #tpu.memory_space<hbm>>
      %dma_wait3A_32 = arith.constant 0 : i32
      %dma_wait3A_33 = tpu.memref_slice %dma_wait3A_31[%mul3A_21, %dma_wait3A_32] : memref<1024x128xf32, #tpu.memory_space<hbm>> -> memref<64x128xf32, #tpu.memory_space<hbm>>
      %dma_wait3A_34 = arith.constant 0 : i32
      %dma_wait3A_35 = tpu.memref_slice %arg8[%mul3A_19, %dma_wait3A_34] : memref<1024x128xf32, #tpu.memory_space<vmem_shared>> -> memref<64x128xf32, #tpu.memory_space<vmem_shared>>
      tpu.wait_dma2 semaphore(%run_scoped3A : memref<!tpu.dma_semaphore, #tpu.memory_space<semaphore_mem>>) src(%dma_wait3A_35 : memref<64x128xf32, #tpu.memory_space<vmem_shared>>) dst(%dma_wait3A_33 : memref<64x128xf32, #tpu.memory_space<hbm>>)
      tpu.yield
    }) : () -> ()
    return
  }
}

module attributes {stable_mosaic.version = 14 : i64} {
  func.func @_tc_prep_body(%arg0: memref<10000x4xi32, #tpu.memory_space<vmem>>, %arg1: memref<32x2x10000xf32, #tpu.memory_space<vmem>>, %arg2: memref<128x128xf32, #tpu.memory_space<vmem>>, %arg3: memref<2048x128xi32, #tpu.memory_space<vmem>>, %arg4: memref<2048x1xi32, #tpu.memory_space<vmem>>, %arg5: memref<10000x128xf32, #tpu.memory_space<vmem>>, %arg6: memref<10000x1xf32, #tpu.memory_space<vmem>>, %arg7: memref<10000x1xf32, #tpu.memory_space<vmem>>, %arg8: memref<2048x64xi32, #tpu.memory_space<vmem>>) attributes {dimension_semantics = [], scalar_prefetch = 0 : i64, scratch_operands = 0 : i64, tpu.core_type = #tpu.core_type<tc>} {
    %get3A = arith.constant 0 : index
    %get3A_0 = arith.constant 0 : index
    %get3A_1 = arith.constant 0 : index
    %get3A_2 = vector.load %arg1[%get3A, %get3A_0, %get3A_1] : memref<32x2x10000xf32, #tpu.memory_space<vmem>>, vector<32x1x10000xf32>
    %get3A_3 = vector.shape_cast %get3A_2 : vector<32x1x10000xf32> to vector<32x10000xf32>
    %reduce_sum3A = arith.constant dense<0.000000e+00> : vector<10000xf32>
    %reduce_sum3A_4 = vector.multi_reduction <add>, %get3A_3, %reduce_sum3A [0] : vector<32x10000xf32> to vector<10000xf32>
    %get3A_5 = arith.constant 0 : index
    %get3A_6 = arith.constant 1 : index
    %get3A_7 = arith.constant 0 : index
    %get3A_8 = vector.load %arg1[%get3A_5, %get3A_6, %get3A_7] : memref<32x2x10000xf32, #tpu.memory_space<vmem>>, vector<32x1x10000xf32>
    %get3A_9 = vector.shape_cast %get3A_8 : vector<32x1x10000xf32> to vector<32x10000xf32>
    %reduce_sum3A_10 = arith.constant dense<0.000000e+00> : vector<10000xf32>
    %reduce_sum3A_11 = vector.multi_reduction <add>, %get3A_9, %reduce_sum3A_10 [0] : vector<32x10000xf32> to vector<10000xf32>
    %max3A = arith.constant 1.000000e+00 : f32
    %max3A_12 = vector.broadcast %max3A : f32 to vector<10000xf32>
    %max3A_13 = arith.maximumf %reduce_sum3A_4, %max3A_12 : vector<10000xf32>
    %rsqrt3A = math.rsqrt %max3A_13 : vector<10000xf32>
    %broadcast_in_dim3A = vector.shape_cast %rsqrt3A : vector<10000xf32> to vector<10000x1xf32>
    %max3A_14 = arith.constant 1.000000e+00 : f32
    %max3A_15 = vector.broadcast %max3A_14 : f32 to vector<10000xf32>
    %max3A_16 = arith.maximumf %reduce_sum3A_11, %max3A_15 : vector<10000xf32>
    %rsqrt3A_17 = math.rsqrt %max3A_16 : vector<10000xf32>
    %broadcast_in_dim3A_18 = vector.shape_cast %rsqrt3A_17 : vector<10000xf32> to vector<10000x1xf32>
    %iota3A = tpu.iota {dimensions = array<i32: 1>} : vector<10000x128xi32>
    %broadcast_in_dim3A_19 = arith.constant 0.000000e+00 : f32
    %broadcast_in_dim3A_20 = vector.broadcast %broadcast_in_dim3A_19 : f32 to vector<10000x128xf32>
    %get3A_21 = arith.constant 0 : index
    %get3A_22 = arith.constant 0 : index
    %get3A_23 = vector.load %arg0[%get3A_21, %get3A_22] : memref<10000x4xi32, #tpu.memory_space<vmem>>, vector<10000x1xi32>
    %eq3A = vector.broadcast %get3A_23 : vector<10000x1xi32> to vector<10000x128xi32>
    %eq3A_24 = arith.cmpi eq, %eq3A, %iota3A : vector<10000x128xi32>
    %convert_element_type3A = arith.extui %eq3A_24 : vector<10000x128xi1> to vector<10000x128xi32>
    %convert_element_type3A_25 = arith.sitofp %convert_element_type3A : vector<10000x128xi32> to vector<10000x128xf32>
    %add3A = arith.addf %broadcast_in_dim3A_20, %convert_element_type3A_25 : vector<10000x128xf32>
    %get3A_26 = arith.constant 0 : index
    %get3A_27 = arith.constant 1 : index
    %get3A_28 = vector.load %arg0[%get3A_26, %get3A_27] : memref<10000x4xi32, #tpu.memory_space<vmem>>, vector<10000x1xi32>
    %eq3A_29 = vector.broadcast %get3A_28 : vector<10000x1xi32> to vector<10000x128xi32>
    %eq3A_30 = arith.cmpi eq, %eq3A_29, %iota3A : vector<10000x128xi32>
    %convert_element_type3A_31 = arith.extui %eq3A_30 : vector<10000x128xi1> to vector<10000x128xi32>
    %convert_element_type3A_32 = arith.sitofp %convert_element_type3A_31 : vector<10000x128xi32> to vector<10000x128xf32>
    %add3A_33 = arith.addf %add3A, %convert_element_type3A_32 : vector<10000x128xf32>
    %get3A_34 = arith.constant 0 : index
    %get3A_35 = arith.constant 2 : index
    %get3A_36 = vector.load %arg0[%get3A_34, %get3A_35] : memref<10000x4xi32, #tpu.memory_space<vmem>>, vector<10000x1xi32>
    %eq3A_37 = vector.broadcast %get3A_36 : vector<10000x1xi32> to vector<10000x128xi32>
    %eq3A_38 = arith.cmpi eq, %eq3A_37, %iota3A : vector<10000x128xi32>
    %convert_element_type3A_39 = arith.extui %eq3A_38 : vector<10000x128xi1> to vector<10000x128xi32>
    %convert_element_type3A_40 = arith.sitofp %convert_element_type3A_39 : vector<10000x128xi32> to vector<10000x128xf32>
    %add3A_41 = arith.addf %add3A_33, %convert_element_type3A_40 : vector<10000x128xf32>
    %get3A_42 = arith.constant 0 : index
    %get3A_43 = arith.constant 3 : index
    %get3A_44 = vector.load %arg0[%get3A_42, %get3A_43] : memref<10000x4xi32, #tpu.memory_space<vmem>>, vector<10000x1xi32>
    %eq3A_45 = vector.broadcast %get3A_44 : vector<10000x1xi32> to vector<10000x128xi32>
    %eq3A_46 = arith.cmpi eq, %eq3A_45, %iota3A : vector<10000x128xi32>
    %convert_element_type3A_47 = arith.extui %eq3A_46 : vector<10000x128xi1> to vector<10000x128xi32>
    %convert_element_type3A_48 = arith.sitofp %convert_element_type3A_47 : vector<10000x128xi32> to vector<10000x128xf32>
    %add3A_49 = arith.addf %add3A_41, %convert_element_type3A_48 : vector<10000x128xf32>
    %mul3A = vector.broadcast %broadcast_in_dim3A : vector<10000x1xf32> to vector<10000x128xf32>
    %mul3A_50 = arith.mulf %add3A_49, %mul3A : vector<10000x128xf32>
    %get3A_51 = arith.constant 0 : index
    %get3A_52 = arith.constant 0 : index
    %get3A_53 = vector.load %arg2[%get3A_51, %get3A_52] : memref<128x128xf32, #tpu.memory_space<vmem>>, vector<128x128xf32>
    %dot_general3A = arith.constant dense<0.000000e+00> : vector<10000x128xf32>
    %dot_general3A_54 = tpu.matmul %mul3A_50, %get3A_53, %dot_general3A {dimension_numbers = #tpu.dot_dimension_numbers<[1], [0], [0], [1], [0, 0, 1, 1], [], []>, transpose_lhs_hint = false} : vector<10000x128xf32>, vector<128x128xf32>, vector<10000x128xf32> -> vector<10000x128xf32>
    %swap3A = arith.constant 0 : index
    %swap3A_55 = arith.constant 0 : index
    %swap3A_56 = vector.load %arg5[%swap3A, %swap3A_55] : memref<10000x128xf32, #tpu.memory_space<vmem>>, vector<10000x128xf32>
    tpu.vector_store %arg5[%swap3A, %swap3A_55], %dot_general3A_54 {strides = array<i32>} : memref<10000x128xf32, #tpu.memory_space<vmem>>, vector<10000x128xf32>,
    %swap3A_57 = arith.constant 0 : index
    %swap3A_58 = arith.constant 0 : index
    %swap3A_59 = vector.load %arg6[%swap3A_57, %swap3A_58] : memref<10000x1xf32, #tpu.memory_space<vmem>>, vector<10000x1xf32>
    tpu.vector_store %arg6[%swap3A_57, %swap3A_58], %broadcast_in_dim3A {strides = array<i32>} : memref<10000x1xf32, #tpu.memory_space<vmem>>, vector<10000x1xf32>,
    %swap3A_60 = arith.constant 0 : index
    %swap3A_61 = arith.constant 0 : index
    %swap3A_62 = vector.load %arg7[%swap3A_60, %swap3A_61] : memref<10000x1xf32, #tpu.memory_space<vmem>>, vector<10000x1xf32>
    tpu.vector_store %arg7[%swap3A_60, %swap3A_61], %broadcast_in_dim3A_18 {strides = array<i32>} : memref<10000x1xf32, #tpu.memory_space<vmem>>, vector<10000x1xf32>,
    %get3A_63 = arith.constant 0 : index
    %get3A_64 = arith.constant 0 : index
    %get3A_65 = vector.load %arg4[%get3A_63, %get3A_64] : memref<2048x1xi32, #tpu.memory_space<vmem>>, vector<2048x1xi32>
    %eq3A_66 = arith.constant 1 : i32
    %eq3A_67 = vector.broadcast %eq3A_66 : i32 to vector<2048x1xi32>
    %eq3A_68 = arith.cmpi eq, %get3A_65, %eq3A_67 : vector<2048x1xi32>
    %get3A_69 = arith.constant 0 : index
    %get3A_70 = arith.constant 64 : index
    %get3A_71 = vector.load %arg3[%get3A_69, %get3A_70] : memref<2048x128xi32, #tpu.memory_space<vmem>>, vector<2048x64xi32>
    %get3A_72 = arith.constant 0 : index
    %get3A_73 = arith.constant 0 : index
    %get3A_74 = vector.load %arg3[%get3A_72, %get3A_73] : memref<2048x128xi32, #tpu.memory_space<vmem>>, vector<2048x64xi32>
    %broadcast_in_dim3A_75 = vector.shape_cast %eq3A_68 : vector<2048x1xi1> to vector<2048x1xi1>
    %broadcast_in_dim3A_76 = vector.broadcast %broadcast_in_dim3A_75 : vector<2048x1xi1> to vector<2048x64xi1>
    %select_n3A = arith.select %broadcast_in_dim3A_76, %get3A_71, %get3A_74 : vector<2048x64xi1>, vector<2048x64xi32>
    %swap3A_77 = arith.constant 0 : index
    %swap3A_78 = arith.constant 0 : index
    %swap3A_79 = vector.load %arg8[%swap3A_77, %swap3A_78] : memref<2048x64xi32, #tpu.memory_space<vmem>>, vector<2048x64xi32>
    tpu.vector_store %arg8[%swap3A_77, %swap3A_78], %select_n3A {strides = array<i32>} : memref<2048x64xi32, #tpu.memory_space<vmem>>, vector<2048x64xi32>,
    return
  }
}

module attributes {stable_mosaic.version = 14 : i64} {
  func.func @_tc_mid_body(%arg0: memref<2x10000x128xf32, #tpu.memory_space<vmem>>, %arg1: memref<10000x1xf32, #tpu.memory_space<vmem>>, %arg2: memref<10000x1xf32, #tpu.memory_space<vmem>>, %arg3: memref<1x128xf32, #tpu.memory_space<vmem>>, %arg4: memref<128x128xf32, #tpu.memory_space<vmem>>, %arg5: memref<10000x128xf32, #tpu.memory_space<vmem>>) attributes {dimension_semantics = [], scalar_prefetch = 0 : i64, scratch_operands = 0 : i64, tpu.core_type = #tpu.core_type<tc>} {
    %get3A = arith.constant 0 : index
    %get3A_0 = arith.constant 0 : index
    %get3A_1 = arith.constant 0 : index
    %get3A_2 = vector.load %arg0[%get3A, %get3A_0, %get3A_1] : memref<2x10000x128xf32, #tpu.memory_space<vmem>>, vector<1x10000x128xf32>
    %get3A_3 = vector.shape_cast %get3A_2 : vector<1x10000x128xf32> to vector<10000x128xf32>
    %get3A_4 = arith.constant 1 : index
    %get3A_5 = arith.constant 0 : index
    %get3A_6 = arith.constant 0 : index
    %get3A_7 = vector.load %arg0[%get3A_4, %get3A_5, %get3A_6] : memref<2x10000x128xf32, #tpu.memory_space<vmem>>, vector<1x10000x128xf32>
    %get3A_8 = vector.shape_cast %get3A_7 : vector<1x10000x128xf32> to vector<10000x128xf32>
    %add3A = arith.addf %get3A_3, %get3A_8 : vector<10000x128xf32>
    %get3A_9 = arith.constant 0 : index
    %get3A_10 = arith.constant 0 : index
    %get3A_11 = vector.load %arg1[%get3A_9, %get3A_10] : memref<10000x1xf32, #tpu.memory_space<vmem>>, vector<10000x1xf32>
    %mul3A = vector.broadcast %get3A_11 : vector<10000x1xf32> to vector<10000x128xf32>
    %mul3A_12 = arith.mulf %add3A, %mul3A : vector<10000x128xf32>
    %get3A_13 = arith.constant 0 : index
    %get3A_14 = arith.constant 0 : index
    %get3A_15 = vector.load %arg3[%get3A_13, %get3A_14] : memref<1x128xf32, #tpu.memory_space<vmem>>, vector<1x128xf32>
    %add3A_16 = vector.broadcast %get3A_15 : vector<1x128xf32> to vector<10000x128xf32>
    %add3A_17 = arith.addf %mul3A_12, %add3A_16 : vector<10000x128xf32>
    %max3A = arith.constant 0.000000e+00 : f32
    %max3A_18 = vector.broadcast %max3A : f32 to vector<10000x128xf32>
    %max3A_19 = arith.maximumf %add3A_17, %max3A_18 : vector<10000x128xf32>
    %get3A_20 = arith.constant 0 : index
    %get3A_21 = arith.constant 0 : index
    %get3A_22 = vector.load %arg2[%get3A_20, %get3A_21] : memref<10000x1xf32, #tpu.memory_space<vmem>>, vector<10000x1xf32>
    %mul3A_23 = vector.broadcast %get3A_22 : vector<10000x1xf32> to vector<10000x128xf32>
    %mul3A_24 = arith.mulf %max3A_19, %mul3A_23 : vector<10000x128xf32>
    %get3A_25 = arith.constant 0 : index
    %get3A_26 = arith.constant 0 : index
    %get3A_27 = vector.load %arg4[%get3A_25, %get3A_26] : memref<128x128xf32, #tpu.memory_space<vmem>>, vector<128x128xf32>
    %dot_general3A = arith.constant dense<0.000000e+00> : vector<10000x128xf32>
    %dot_general3A_28 = tpu.matmul %mul3A_24, %get3A_27, %dot_general3A {dimension_numbers = #tpu.dot_dimension_numbers<[1], [0], [0], [1], [0, 0, 1, 1], [], []>, transpose_lhs_hint = false} : vector<10000x128xf32>, vector<128x128xf32>, vector<10000x128xf32> -> vector<10000x128xf32>
    %swap3A = arith.constant 0 : index
    %swap3A_29 = arith.constant 0 : index
    %swap3A_30 = vector.load %arg5[%swap3A, %swap3A_29] : memref<10000x128xf32, #tpu.memory_space<vmem>>, vector<10000x128xf32>
    tpu.vector_store %arg5[%swap3A, %swap3A_29], %dot_general3A_28 {strides = array<i32>} : memref<10000x128xf32, #tpu.memory_space<vmem>>, vector<10000x128xf32>,
    return
  }
}

module attributes {stable_mosaic.version = 14 : i64} {
  func.func @_tc_embed_body(%arg0: i32, %arg1: memref<2000x40xf32, #tpu.memory_space<vmem>>, %arg2: memref<40x128xf32, #tpu.memory_space<vmem>>, %arg3: memref<2000x128xf32, #tpu.memory_space<vmem>>) attributes {dimension_semantics = [#tpu.dimension_semantics<arbitrary>], iteration_bounds = array<i64: 50>, scalar_prefetch = 0 : i64, scratch_operands = 0 : i64, tpu.core_type = #tpu.core_type<tc>, window_params = [{transform_indices = @transform_0, window_bounds = array<i64: 2000, 40>}, {pipeline_mode = #tpu.pipeline_mode<synchronous>, transform_indices = @transform_1, window_bounds = array<i64: 40, 128>}, {transform_indices = @transform_2, window_bounds = array<i64: 2000, 128>}]} {
    %get3A = arith.constant 0 : index
    %get3A_0 = arith.constant 0 : index
    %get3A_1 = vector.load %arg1[%get3A, %get3A_0] : memref<2000x40xf32, #tpu.memory_space<vmem>>, vector<2000x40xf32>
    %get3A_2 = arith.constant 0 : index
    %get3A_3 = arith.constant 0 : index
    %get3A_4 = vector.load %arg2[%get3A_2, %get3A_3] : memref<40x128xf32, #tpu.memory_space<vmem>>, vector<40x128xf32>
    %dot_general3A = arith.constant dense<0.000000e+00> : vector<2000x128xf32>
    %dot_general3A_5 = tpu.matmul %get3A_1, %get3A_4, %dot_general3A {dimension_numbers = #tpu.dot_dimension_numbers<[1], [0], [0], [1], [0, 0, 1, 1], [], []>, transpose_lhs_hint = false} : vector<2000x40xf32>, vector<40x128xf32>, vector<2000x128xf32> -> vector<2000x128xf32>
    %swap3A = arith.constant 0 : index
    %swap3A_6 = arith.constant 0 : index
    %swap3A_7 = vector.load %arg3[%swap3A, %swap3A_6] : memref<2000x128xf32, #tpu.memory_space<vmem>>, vector<2000x128xf32>
    tpu.vector_store %arg3[%swap3A, %swap3A_6], %dot_general3A_5 {strides = array<i32>} : memref<2000x128xf32, #tpu.memory_space<vmem>>, vector<2000x128xf32>,
    return
  }
  func.func @transform_0(%arg0: i32) -> (i32, i32) {
    %c0_i32 = arith.constant 0 : i32
    %c0_i32_0 = arith.constant 0 : i32
    return %arg0, %c0_i32 : i32, i32
  }
  func.func @transform_1(%arg0: i32) -> (i32, i32) {
    %c0_i32 = arith.constant 0 : i32
    %c0_i32_0 = arith.constant 0 : i32
    %c0_i32_1 = arith.constant 0 : i32
    return %c0_i32, %c0_i32_0 : i32, i32
  }
  func.func @transform_2(%arg0: i32) -> (i32, i32) {
    %c0_i32 = arith.constant 0 : i32
    %c0_i32_0 = arith.constant 0 : i32
    return %arg0, %c0_i32 : i32, i32
  }
}

module attributes {stable_mosaic.version = 14 : i64} {
  func.func @_tc_h2_body(%arg0: memref<2x10000x128xf32, #tpu.memory_space<vmem>>, %arg1: memref<10000x1xf32, #tpu.memory_space<vmem>>, %arg2: memref<1x128xf32, #tpu.memory_space<vmem>>, %arg3: memref<10000x128xf32, #tpu.memory_space<vmem>>, %arg4: memref<1x1xf32, #tpu.memory_space<vmem>>) attributes {dimension_semantics = [], scalar_prefetch = 0 : i64, scratch_operands = 0 : i64, tpu.core_type = #tpu.core_type<tc>} {
    %get3A = arith.constant 0 : index
    %get3A_0 = arith.constant 0 : index
    %get3A_1 = arith.constant 0 : index
    %get3A_2 = vector.load %arg0[%get3A, %get3A_0, %get3A_1] : memref<2x10000x128xf32, #tpu.memory_space<vmem>>, vector<1x10000x128xf32>
    %get3A_3 = vector.shape_cast %get3A_2 : vector<1x10000x128xf32> to vector<10000x128xf32>
    %get3A_4 = arith.constant 1 : index
    %get3A_5 = arith.constant 0 : index
    %get3A_6 = arith.constant 0 : index
    %get3A_7 = vector.load %arg0[%get3A_4, %get3A_5, %get3A_6] : memref<2x10000x128xf32, #tpu.memory_space<vmem>>, vector<1x10000x128xf32>
    %get3A_8 = vector.shape_cast %get3A_7 : vector<1x10000x128xf32> to vector<10000x128xf32>
    %add3A = arith.addf %get3A_3, %get3A_8 : vector<10000x128xf32>
    %get3A_9 = arith.constant 0 : index
    %get3A_10 = arith.constant 0 : index
    %get3A_11 = vector.load %arg1[%get3A_9, %get3A_10] : memref<10000x1xf32, #tpu.memory_space<vmem>>, vector<10000x1xf32>
    %mul3A = vector.broadcast %get3A_11 : vector<10000x1xf32> to vector<10000x128xf32>
    %mul3A_12 = arith.mulf %add3A, %mul3A : vector<10000x128xf32>
    %get3A_13 = arith.constant 0 : index
    %get3A_14 = arith.constant 0 : index
    %get3A_15 = vector.load %arg2[%get3A_13, %get3A_14] : memref<1x128xf32, #tpu.memory_space<vmem>>, vector<1x128xf32>
    %add3A_16 = vector.broadcast %get3A_15 : vector<1x128xf32> to vector<10000x128xf32>
    %add3A_17 = arith.addf %mul3A_12, %add3A_16 : vector<10000x128xf32>
    %swap3A = arith.constant 0 : index
    %swap3A_18 = arith.constant 0 : index
    %swap3A_19 = vector.load %arg3[%swap3A, %swap3A_18] : memref<10000x128xf32, #tpu.memory_space<vmem>>, vector<10000x128xf32>
    tpu.vector_store %arg3[%swap3A, %swap3A_18], %add3A_17 {strides = array<i32>} : memref<10000x128xf32, #tpu.memory_space<vmem>>, vector<10000x128xf32>,
    %mul3A_20 = arith.mulf %add3A_17, %add3A_17 : vector<10000x128xf32>
    %reduce_sum3A = arith.constant dense<0.000000e+00> : vector<10000xf32>
    %reduce_sum3A_21 = vector.multi_reduction <add>, %mul3A_20, %reduce_sum3A [1] : vector<10000x128xf32> to vector<10000xf32>
    %sqrt3A = math.sqrt %reduce_sum3A_21 : vector<10000xf32>
    %reduce_sum3A_22 = vector.shape_cast %sqrt3A : vector<10000xf32> to vector<1x10000xf32>
    %reduce_sum3A_23 = arith.constant dense<0.000000e+00> : vector<1xf32>
    %reduce_sum3A_24 = vector.multi_reduction <add>, %reduce_sum3A_22, %reduce_sum3A_23 [1] : vector<1x10000xf32> to vector<1xf32>
    %reduce_sum3A_25 = vector.shape_cast %reduce_sum3A_24 : vector<1xf32> to vector<1x1xf32>
    %reduce_sum3A_26 = vector.extract %reduce_sum3A_25[0, 0] : f32 from vector<1x1xf32>
    %sqrt3A_27 = arith.constant 1.280000e+02 : f32
    %sqrt3A_28 = math.sqrt %sqrt3A_27 : f32
    %mul3A_29 = arith.constant 1.000000e+04 : f32
    %mul3A_30 = arith.mulf %sqrt3A_28, %mul3A_29 : f32
    %div3A = arith.divf %mul3A_30, %reduce_sum3A_26 : f32
    %broadcast_in_dim3A = vector.broadcast %div3A : f32 to vector<1x1xf32>
    %swap3A_31 = arith.constant 0 : index
    %swap3A_32 = arith.constant 0 : index
    %swap3A_33 = vector.load %arg4[%swap3A_31, %swap3A_32] : memref<1x1xf32, #tpu.memory_space<vmem>>, vector<1x1xf32>
    tpu.vector_store %arg4[%swap3A_31, %swap3A_32], %broadcast_in_dim3A {strides = array<i32>} : memref<1x1xf32, #tpu.memory_space<vmem>>, vector<1x1xf32>,
    return
  }
}

module attributes {stable_mosaic.version = 14 : i64} {
  func.func @_tc_final_body(%arg0: i32, %arg1: memref<2x256x128xf32, #tpu.memory_space<vmem>>, %arg2: memref<1x1xf32, #tpu.memory_space<vmem>>, %arg3: memref<2x2x256x128xf32, #tpu.memory_space<vmem>>, %arg4: memref<128x128xf32, #tpu.memory_space<vmem>>, %arg5: memref<1x128xf32, #tpu.memory_space<vmem>>, %arg6: memref<256x128xf32, #tpu.memory_space<vmem>>, %arg7: memref<256x128xf32, #tpu.memory_space<vmem>>, %arg8: memref<256x128xf32, #tpu.memory_space<vmem>>) attributes {dimension_semantics = [#tpu.dimension_semantics<arbitrary>], iteration_bounds = array<i64: 4>, scalar_prefetch = 0 : i64, scratch_operands = 0 : i64, tpu.core_type = #tpu.core_type<tc>, window_params = [{transform_indices = @transform_0, window_bounds = array<i64: 2, 256, 128>}, {pipeline_mode = #tpu.pipeline_mode<synchronous>, transform_indices = @transform_1, window_bounds = array<i64: 1, 1>}, {transform_indices = @transform_2, window_bounds = array<i64: 2, 2, 256, 128>}, {pipeline_mode = #tpu.pipeline_mode<synchronous>, transform_indices = @transform_3, window_bounds = array<i64: 128, 128>}, {pipeline_mode = #tpu.pipeline_mode<synchronous>, transform_indices = @transform_4, window_bounds = array<i64: 1, 128>}, {transform_indices = @transform_5, window_bounds = array<i64: 256, 128>}, {transform_indices = @transform_6, window_bounds = array<i64: 256, 128>}, {transform_indices = @transform_7, window_bounds = array<i64: 256, 128>}]} {
    %get3A = arith.constant 0 : index
    %get3A_0 = arith.constant 0 : index
    %get3A_1 = arith.constant 0 : index
    %get3A_2 = arith.constant 0 : index
    %get3A_3 = vector.load %arg3[%get3A, %get3A_0, %get3A_1, %get3A_2] : memref<2x2x256x128xf32, #tpu.memory_space<vmem>>, vector<1x1x256x128xf32>
    %get3A_4 = vector.shape_cast %get3A_3 : vector<1x1x256x128xf32> to vector<256x128xf32>
    %get3A_5 = arith.constant 0 : index
    %get3A_6 = arith.constant 1 : index
    %get3A_7 = arith.constant 0 : index
    %get3A_8 = arith.constant 0 : index
    %get3A_9 = vector.load %arg3[%get3A_5, %get3A_6, %get3A_7, %get3A_8] : memref<2x2x256x128xf32, #tpu.memory_space<vmem>>, vector<1x1x256x128xf32>
    %get3A_10 = vector.shape_cast %get3A_9 : vector<1x1x256x128xf32> to vector<256x128xf32>
    %add3A = arith.addf %get3A_4, %get3A_10 : vector<256x128xf32>
    %get3A_11 = arith.constant 1 : index
    %get3A_12 = arith.constant 0 : index
    %get3A_13 = arith.constant 0 : index
    %get3A_14 = arith.constant 0 : index
    %get3A_15 = vector.load %arg3[%get3A_11, %get3A_12, %get3A_13, %get3A_14] : memref<2x2x256x128xf32, #tpu.memory_space<vmem>>, vector<1x1x256x128xf32>
    %get3A_16 = vector.shape_cast %get3A_15 : vector<1x1x256x128xf32> to vector<256x128xf32>
    %add3A_17 = arith.addf %add3A, %get3A_16 : vector<256x128xf32>
    %get3A_18 = arith.constant 1 : index
    %get3A_19 = arith.constant 1 : index
    %get3A_20 = arith.constant 0 : index
    %get3A_21 = arith.constant 0 : index
    %get3A_22 = vector.load %arg3[%get3A_18, %get3A_19, %get3A_20, %get3A_21] : memref<2x2x256x128xf32, #tpu.memory_space<vmem>>, vector<1x1x256x128xf32>
    %get3A_23 = vector.shape_cast %get3A_22 : vector<1x1x256x128xf32> to vector<256x128xf32>
    %add3A_24 = arith.addf %add3A_17, %get3A_23 : vector<256x128xf32>
    %mul3A = arith.constant 5.000000e-01 : f32
    %mul3A_25 = vector.broadcast %mul3A : f32 to vector<256x128xf32>
    %mul3A_26 = arith.mulf %add3A_24, %mul3A_25 : vector<256x128xf32>
    %get3A_27 = arith.constant 0 : index
    %get3A_28 = arith.constant 0 : index
    %get3A_29 = arith.constant 0 : index
    %get3A_30 = vector.load %arg1[%get3A_27, %get3A_28, %get3A_29] : memref<2x256x128xf32, #tpu.memory_space<vmem>>, vector<1x256x128xf32>
    %get3A_31 = vector.shape_cast %get3A_30 : vector<1x256x128xf32> to vector<256x128xf32>
    %get3A_32 = arith.constant 1 : index
    %get3A_33 = arith.constant 0 : index
    %get3A_34 = arith.constant 0 : index
    %get3A_35 = vector.load %arg1[%get3A_32, %get3A_33, %get3A_34] : memref<2x256x128xf32, #tpu.memory_space<vmem>>, vector<1x256x128xf32>
    %get3A_36 = vector.shape_cast %get3A_35 : vector<1x256x128xf32> to vector<256x128xf32>
    %add3A_37 = arith.addf %get3A_31, %get3A_36 : vector<256x128xf32>
    %get3A_38 = arith.constant 0 : index
    %get3A_39 = arith.constant 0 : index
    %get3A_40 = vector.load %arg2[%get3A_38, %get3A_39] : memref<1x1xf32, #tpu.memory_space<vmem>>, vector<1x1xf32>
    %get3A_41 = vector.extract %get3A_40[0, 0] : f32 from vector<1x1xf32>
    %mul3A_42 = vector.broadcast %get3A_41 : f32 to vector<256x128xf32>
    %mul3A_43 = arith.mulf %add3A_37, %mul3A_42 : vector<256x128xf32>
    %add3A_44 = arith.addf %mul3A_43, %mul3A_26 : vector<256x128xf32>
    %swap3A = arith.constant 0 : index
    %swap3A_45 = arith.constant 0 : index
    %swap3A_46 = vector.load %arg6[%swap3A, %swap3A_45] : memref<256x128xf32, #tpu.memory_space<vmem>>, vector<256x128xf32>
    tpu.vector_store %arg6[%swap3A, %swap3A_45], %add3A_44 {strides = array<i32>} : memref<256x128xf32, #tpu.memory_space<vmem>>, vector<256x128xf32>,
    %swap3A_47 = arith.constant 0 : index
    %swap3A_48 = arith.constant 0 : index
    %swap3A_49 = vector.load %arg7[%swap3A_47, %swap3A_48] : memref<256x128xf32, #tpu.memory_space<vmem>>, vector<256x128xf32>
    tpu.vector_store %arg7[%swap3A_47, %swap3A_48], %mul3A_43 {strides = array<i32>} : memref<256x128xf32, #tpu.memory_space<vmem>>, vector<256x128xf32>,
    %get3A_50 = arith.constant 0 : index
    %get3A_51 = arith.constant 0 : index
    %get3A_52 = vector.load %arg4[%get3A_50, %get3A_51] : memref<128x128xf32, #tpu.memory_space<vmem>>, vector<128x128xf32>
    %dot_general3A = arith.constant dense<0.000000e+00> : vector<256x128xf32>
    %dot_general3A_53 = tpu.matmul %mul3A_26, %get3A_52, %dot_general3A {dimension_numbers = #tpu.dot_dimension_numbers<[1], [0], [0], [1], [0, 0, 1, 1], [], []>, transpose_lhs_hint = false} : vector<256x128xf32>, vector<128x128xf32>, vector<256x128xf32> -> vector<256x128xf32>
    %get3A_54 = arith.constant 0 : index
    %get3A_55 = arith.constant 0 : index
    %get3A_56 = vector.load %arg5[%get3A_54, %get3A_55] : memref<1x128xf32, #tpu.memory_space<vmem>>, vector<1x128xf32>
    %add3A_57 = vector.broadcast %get3A_56 : vector<1x128xf32> to vector<256x128xf32>
    %add3A_58 = arith.addf %dot_general3A_53, %add3A_57 : vector<256x128xf32>
    %swap3A_59 = arith.constant 0 : index
    %swap3A_60 = arith.constant 0 : index
    %swap3A_61 = vector.load %arg8[%swap3A_59, %swap3A_60] : memref<256x128xf32, #tpu.memory_space<vmem>>, vector<256x128xf32>
    tpu.vector_store %arg8[%swap3A_59, %swap3A_60], %add3A_58 {strides = array<i32>} : memref<256x128xf32, #tpu.memory_space<vmem>>, vector<256x128xf32>,
    return
  }
  func.func @transform_0(%arg0: i32) -> (i32, i32, i32) {
    %c0_i32 = arith.constant 0 : i32
    %c0_i32_0 = arith.constant 0 : i32
    %c0_i32_1 = arith.constant 0 : i32
    return %c0_i32, %arg0, %c0_i32_0 : i32, i32, i32
  }
  func.func @transform_1(%arg0: i32) -> (i32, i32) {
    %c0_i32 = arith.constant 0 : i32
    %c0_i32_0 = arith.constant 0 : i32
    %c0_i32_1 = arith.constant 0 : i32
    return %c0_i32, %c0_i32_0 : i32, i32
  }
  func.func @transform_2(%arg0: i32) -> (i32, i32, i32, i32) {
    %c0_i32 = arith.constant 0 : i32
    %c0_i32_0 = arith.constant 0 : i32
    %c0_i32_1 = arith.constant 0 : i32
    %c0_i32_2 = arith.constant 0 : i32
    return %c0_i32, %c0_i32_0, %arg0, %c0_i32_1 : i32, i32, i32, i32
  }
  func.func @transform_3(%arg0: i32) -> (i32, i32) {
    %c0_i32 = arith.constant 0 : i32
    %c0_i32_0 = arith.constant 0 : i32
    %c0_i32_1 = arith.constant 0 : i32
    return %c0_i32, %c0_i32_0 : i32, i32
  }
  func.func @transform_4(%arg0: i32) -> (i32, i32) {
    %c0_i32 = arith.constant 0 : i32
    %c0_i32_0 = arith.constant 0 : i32
    %c0_i32_1 = arith.constant 0 : i32
    return %c0_i32, %c0_i32_0 : i32, i32
  }
  func.func @transform_5(%arg0: i32) -> (i32, i32) {
    %c0_i32 = arith.constant 0 : i32
    %c0_i32_0 = arith.constant 0 : i32
    return %arg0, %c0_i32 : i32, i32
  }
  func.func @transform_6(%arg0: i32) -> (i32, i32) {
    %c0_i32 = arith.constant 0 : i32
    %c0_i32_0 = arith.constant 0 : i32
    return %arg0, %c0_i32 : i32, i32
  }
  func.func @transform_7(%arg0: i32) -> (i32, i32) {
    %c0_i32 = arith.constant 0 : i32
    %c0_i32_0 = arith.constant 0 : i32
    return %arg0, %c0_i32 : i32, i32
  }
}

</mosaic_0001>

<sc_bundles>
// kernel: kernel.12.cloned.1.call-start
scs
__scs_entry_jumppad:
0x0: {  	(pc) =	sbr.rel $0x88, $3  }
0x1: {  	(tag) =	ssettag $0x0;
	lr =	simm.s32 $0x1  }
0x2: {  	[smem:$0x3F94] =	sst lr;
	_ =	strace $0xD0000000  }
0x3: {  	_ = 	snop  }
0x4: {  	_ = 	snop  }
0x5: {  	_ = 	snop  }
0x6: {  	_ = 	snop  }
0x7: {  	_ = 	snop  }
__scs_overlays_trampoline_lowered:
0x8: {  	[smem:$0x3FA3] =	sst s0  }
0x9: {  	[smem:$0x3FA4] =	sst s1  }
0xa: {  	[smem:$0x3FA5] =	sst s2  }
0xb: {  	[smem:$0x3FA6] =	sst s3  }
0xc: {  	[smem:$0x3FA7] =	sst s4  }
0xd: {  	[smem:$0x3FA8] =	sst s5  }
0xe: {  	[smem:$0x3FA9] =	sst s6  }
0xf: {  	[smem:$0x3FAA] =	sst s7  }
0x10: {  	[smem:$0x3FAB] =	sst s8  }
0x11: {  	[smem:$0x3FAC] =	sst s9;
	s0 =	simm.s32 @!p0 $0x0  }
0x12: {  	s1 =	sld [smem:$0x3F92];
	s0 =	simm.s32 @p0 $0x1  }
0x13: {  	[smem:$0x3FAD] =	sst s0;
	s0 =	simm.s32 @!p1 $0x0  }
0x14: {  	s2 =	sld [smem:$0x3F91];
	s0 =	simm.s32 @p1 $0x1  }
0x15: {  	[smem:$0x3FAE] =	sst s0;
	s0 =	simm.s32 @!p2 $0x0  }
0x16: {  	s3 =	sld [smem:$0x3FDB];
	s0 =	simm.s32 @p2 $0x1  }
0x17: {  	s4 =	simm.s32 $0x1BF5;
	[smem:$0x3FB0] =	sst s0  }
0x18: {  	s0 =	sld [smem:$0x3F93];
	_ =	swait.ge [sflag:s4], $0x0  }
0x19: {  	s7 =	sld [smem:$0x3F94]  }
0x1a: {  	s8 =	sadd.s32 $0xFFFFE003, lr  }
0x1b: {  	s9 =	sadd.s32 $0xFFFFFEF7, lr;
	s5 =	simm.s32 $0xFFFFFFFF;
	p2 =	slt.u32 s8, $0xFFFFF086  }
0x1c: {  	p1 =	slt.u32 s9, $0xF7A;
	s5 =	simm.s32 @!p2 $0x0  }
0x1d: {  	s5 =	simm.s32 @p1 $0x1;
	p0 =	seq.s32 s7, s2  }
0x1e: {  	s7 =	smul.u32 @!p0 $0xF7A, s2;
	p2 =	seq.s32 @!p0 s5, $0x0  }
0x1f: {  	s9 =	smul.u32 $0xF7A, s1;
	s8 =	simm.s32 @!p0 $0x1BF5;
	p2 =	por !p2, p0  }
0x20: {  	[sflag:s8] =	ssyncset.s32 @!p0 $0xFFFFF086;
	s6 =	sadd.s32 @!p0 s3, s7;
	s7 =	simm.s32 @!p0 $0x108  }
0x21: {  	s3 =	sadd.s32 s3, s9;
	s6 =	sadd.s32 @!p0 $0x88, s6;
	s7 =	simm.s32 @p2 $0x1082  }
0x22: {  	[simem:s7], [sflag:s8] =	dma.local @!p0 [hbm:s6], $0xF7A  }
0x23: {  	s9 =	sor.u32 $0xD0000000, s2;
	s6 =	simm.s32 $0x108;
	_ =	swait.ge @!p0 [sflag:s8], $0x0  }
0x24: {  	s3 =	sadd.s32 $0x88, s3;
	s6 =	simm.s32 @!p1 $0x1082;
	[sflag:s4] =	ssyncset.s32 $0xFFFFF086  }
0x25: {  	[simem:s6], [sflag:s4] =	dma.local [hbm:s3], $0xF7A  }
0x26: {  	[smem:$0x3F94] =	sst s1;
	(tag) =	ssettag s2;
	_ =	strace s9  }
0x27: {  	s1 =	sld [smem:$0x3FA4]  }
0x28: {  	s2 =	sld [smem:$0x3FA5]  }
0x29: {  	s4 =	sld [smem:$0x3FA7]  }
0x2a: {  	p0 =	seq.s32 s5, $0x0;
	s5 =	sld [smem:$0x3FA8]  }
0x2b: {  	s6 =	sld [smem:$0x3FA9]  }
0x2c: {  	s7 =	sld [smem:$0x3FAA]  }
0x2d: {  	s3 =	simm.s32 $0x108;
	s8 =	sld [smem:$0x3FAB]  }
0x2e: {  	s3 =	simm.s32 @!p0 $0x1082;
	s9 =	sld [smem:$0x3FAC]  }
0x2f: {  	lr =	sadd.s32 s0, s3;
	s0 =	sld [smem:$0x3FA3]  }
0x30: {  	s3 =	sld [smem:$0x3FA6]  }
0x31: {  	[smem:$0x3FAF] =	sst s10  }
0x32: {  	s10 =	sld [smem:$0x3FAD];
	_ =	sdelay $0x3  }
0x33: {  	p0 =	seq.s32 s10, $0x1;
	s10 =	sld [smem:$0x3FAF];
	_ =	sdelay $0x3  }
0x34: {  	[smem:$0x3FAF] =	sst s10  }
0x35: {  	s10 =	sld [smem:$0x3FAE];
	_ =	sdelay $0x3  }
0x36: {  	p1 =	seq.s32 s10, $0x1;
	s10 =	sld [smem:$0x3FAF];
	_ =	sdelay $0x3  }
0x37: {  	[smem:$0x3FAF] =	sst s10  }
0x38: {  	s10 =	sld [smem:$0x3FB0]  }
0x39: {  	_ = 	snop;
	(pc) =	sbr.ind lr, $3  }
0x3a: {  	_ = 	snop  }
0x3b: {  	_ = 	snop  }
0x3c: {  	p2 =	seq.s32 s10, $0x1;
	s10 =	sld [smem:$0x3FAF]  }
0x3d: {  	_ =	shalt  }
0x3e: {  	_ =	shalt  }
0x3f: {  	_ =	shalt  }
0x40: {  	_ =	shalt  }
0x41: {  	_ =	shalt  }
0x42: {  	_ =	shalt  }
0x43: {  	_ =	shalt  }
0x44: {  	_ =	shalt  }
0x45: {  	_ =	shalt  }
0x46: {  	_ =	shalt  }
0x47: {  	_ =	shalt  }
0x48: {  	_ =	shalt  }
0x49: {  	_ =	shalt  }
0x4a: {  	_ =	shalt  }
0x4b: {  	_ =	shalt  }
0x4c: {  	_ =	shalt  }
0x4d: {  	_ =	shalt  }
0x4e: {  	_ =	shalt  }
0x4f: {  	_ =	shalt  }
0x50: {  	_ =	shalt  }
0x51: {  	_ =	shalt  }
0x52: {  	_ =	shalt  }
0x53: {  	_ =	shalt  }
0x54: {  	_ =	shalt  }
0x55: {  	_ =	shalt  }
0x56: {  	_ =	shalt  }
0x57: {  	_ =	shalt  }
0x58: {  	_ =	shalt  }
0x59: {  	_ =	shalt  }
0x5a: {  	_ =	shalt  }
0x5b: {  	_ =	shalt  }
0x5c: {  	_ =	shalt  }
0x5d: {  	_ =	shalt  }
0x5e: {  	_ =	shalt  }
0x5f: {  	_ =	shalt  }
0x60: {  	_ =	shalt  }
0x61: {  	_ =	shalt  }
0x62: {  	_ =	shalt  }
0x63: {  	_ =	shalt  }
0x64: {  	_ =	shalt  }
0x65: {  	_ =	shalt  }
0x66: {  	_ =	shalt  }
0x67: {  	_ =	shalt  }
0x68: {  	_ =	shalt  }
0x69: {  	_ =	shalt  }
0x6a: {  	_ =	shalt  }
0x6b: {  	_ =	shalt  }
0x6c: {  	_ =	shalt  }
0x6d: {  	_ =	shalt  }
0x6e: {  	_ =	shalt  }
0x6f: {  	_ =	shalt  }
0x70: {  	_ =	shalt  }
0x71: {  	_ =	shalt  }
0x72: {  	_ =	shalt  }
0x73: {  	_ =	shalt  }
0x74: {  	_ =	shalt  }
0x75: {  	_ =	shalt  }
0x76: {  	_ =	shalt  }
0x77: {  	_ =	shalt  }
0x78: {  	_ =	shalt  }
0x79: {  	_ =	shalt  }
0x7a: {  	_ =	shalt  }
0x7b: {  	_ =	shalt  }
0x7c: {  	_ =	shalt  }
0x7d: {  	_ =	shalt  }
0x7e: {  	_ =	shalt  }
0x7f: {  	_ =	shalt  }
0x80: {  	_ =	shalt  }
0x81: {  	_ =	shalt  }
0x82: {  	_ =	shalt  }
0x83: {  	_ =	shalt  }
0x84: {  	_ =	shalt  }
0x85: {  	_ =	shalt  }
0x86: {  	_ =	shalt  }
0x87: {  	_ =	shalt  }
.Lfunc_end0:
.L_simem_size_0:
called_computation_lowered:
.L_overlay_start_0:
0x88: {  	s2 =	sld [smem:$0x3FD9]  }
0x89: {  	s3 =	sld [smem:$0x3FFE];
	_ =	sdelay $0x1  }
0x8a: {  	s1 =	srdreg.scid  }
0x8b: {  	s0 =	sand.u32 $0x1, s1  }
0x8c: {  	s14 =	sshll.u32 s0, $0xA;
	s2 =	sadd.s32 s3, s2  }
0x8d: {  	s2 =	sadd.s32 s2, s14  }
0x8e: {  	[smem:$0x3FBB] =	sst s2  }
0x8f: {  	_ = 	snop  }
0x90: {  	s2 =	sld [smem:$0x3FD0];
	_ =	sdelay $0x2  }
0x91: {  	s15 =	simm.s32 $0xB;
	s4 =	simm.s32 $0x10  }
0x92: {  	[smem:s4], [sflag:s15] =	dma.local [hbm:s2], $0x1  }
0x93: {  	_ =	swait.eq [sflag:s15], $0x1  }
0x94: {  	[sflag:s15] =	ssyncset.done $0x0  }
0x95: {  	[sflag:s15] =	ssyncadd.s32 $0xFFFFFFFF  }
0x96: {  	s16 =	sld [smem:$0x12];
	(tm) =	ssettm $0x1  }
0x97: {  	s17 =	sld [smem:$0x3FFB];
	_ =	sdelay $0x3  }
0x98: {  	_ =	strace s17  }
0x99: {  	s3 =	sld [smem:$0x3FFC];
	_ =	sdelay $0x3  }
0x9a: {  	_ =	strace s3  }
0x9b: {  	s3 =	sld [smem:$0x3FFD];
	_ =	sdelay $0x3  }
0x9c: {  	_ =	strace s3  }
0x9d: {  	_ =	strace $0x8FFFFFFF  }
0x9e: {  	s18 =	sld [smem:$0x3FDB];
	_ =	sdelay $0x1  }
0x9f: {  	s19 =	simm.s32 $_scs_section_size  }
0xa0: {  	s5 =	simm.s32 $_size__tile_overlayer_lowered;
	s6 =	simm.s32 $_tile_overlayer_lowered  }
0xa1: {  	s22 =	simm.s32 $0x1BFF;
	s21 =	sshll.u32 s6, $0x1;
	s3 =	sadd.s32 s19, s18  }
0xa2: {  	s7 =	simm.s32 $0x0;
	s20 =	sshll.u32 s5, $0x1;
	s5 =	sadd.s32 s21, s3  }
0xa3: {  	[timem:s7], [sflag:s22] =	dma.local [hbm:s5], s20  }
0xa4: {  	_ =	swait.ge [sflag:s22], s20  }
0xa5: {  	s4 =	ssub.s32 $0x0, s20;
	[sflag:s22] =	ssyncset.done $0x0  }
0xa6: {  	[sflag:s22] =	ssyncadd.s32 s4;
	_ =	sdelay $0x1  }
0xa7: {  	s23 =	simm.s32 $0x1B8B  }
0xa8: {  	_ =	swait.ge [sflag:s23], $0x1  }
0xa9: {  	[sflag:s23] =	ssyncset.done $0x0  }
0xaa: {  	s25 =	simm.s32 $0x1B8E;
	s24 =	sld [smem:$0x3FFE];
	[sflag:s23] =	ssyncadd.s32 $0xFFFFFFFF  }
0xab: {  	s26 =	simm.s32 $execute0_lowered;
	[smem:$0x3FD2] =	sst s25  }
0xac: {  	s5 =	sshll.u32 s26, $0x1;
	_ =	strace $0x80000046;
	[dreg:$0x1] =	wrdreg $0xFFFFFFFF  }
0xad: {  	s28 =	simm.s32 $_size_execute0_lowered;
	s3 =	sadd.s32 s3, s5;
	[dreg:$0x0] =	wrdreg $0x0  }
0xae: {  	s5 =	sshll.u32 s28, $0x1;
	[dreg:$0x2] =	wrdreg s3  }
0xaf: {  	[dreg:$0x3] =	wrdreg s5  }
0xb0: {  	[dreg:$0x4] =	wrdreg $0xC0  }
0xb1: {  	_ =	task [dreg:s7], $0x5FFFF  }
0xb2: {  	[dreg:$0x1] =	wrdreg $0xFFFFFFFF  }
0xb3: {  	[dreg:$0x0] =	wrdreg $0x60  }
0xb4: {  	[dreg:$0x2] =	wrdreg s24  }
0xb5: {  	[dreg:$0x3] =	wrdreg s16  }
0xb6: {  	[dreg:$0x4] =	wrdreg $0x9  }
0xb7: {  	_ =	task.clear_ibuf [dreg:s7], $0x5FFFF;
	_ =	strace $0x90000046  }
0xb8: {  	s29 =	simm.s32 $0x9;
	_ =	strace $0x80000048  }
0xb9: {  	_ =	swait.ge [sflag:s29], $0x1  }
0xba: {  	[sflag:s29] =	ssyncadd.s32 $0xFFFFFFFF  }
0xbb: {  	_ =	strace $0x90000048  }
0xbc: {  	_ =	sfence  }
0xbd: {  	s30 =	sld [smem:$0x0];
	_ =	sdelay $0x2  }
0xbe: {  	s31 =	sshll.u32 s1, $0xD;
	s1 =	sshrl.u32 s1, $0x2  }
0xbf: {  	s3 =	sand.u32 $0x4000, s31;
	s1 =	sadd.s32 s1, s30  }
0xc0: {  	s0 =	sor.u32 s3, s0;
	s1 =	sshll.u32 s1, $0x11  }
0xc1: {  	s0 =	sor.u32 s1, s0  }
0xc2: {  	s0 =	sadd.s32 $0x8F2B, s0  }
0xc3: {  	[sflag:s0] =	ssyncadd.remote.s32 $0x1  }
0xc4: {  	_ =	sfence.sel $0xFFFF  }
0xc5: {  	[dreg:$0x0] =	wrdreg $0xFFFFFFFF;
	(pc) =	sbr.abs _section_cstart, $3  }
0xc6: {  	[dreg:$0x1] =	wrdreg $0xFFFFFFFF  }
0xc7: {  	_ =	task.clear_ibuf [dreg:s7], $0x2FFFF;
	_ =	strace $0x9FFFFFFF  }
0xc8: {  	(tm) =	ssettm $0x7FFFFFFF  }
0xc9: {  	_ =	shalt  }
tec
execute0_lowered:
.L_overlay_start_1:
0x0: {  	(tag) =	ssettag $0x1  }
0x1: {  	s0 =	srdreg.scid;
	s4 =	rddreg [dreg:$0x0]  }
0x2: {  	s6 =	rddreg [dreg:$0x1];
	s1 =	stileid.u32  }
0x3: {  	s2 =	simm.s32 $0x0;
	s12 =	simm.s32 $0x40;
	s13 =	simm.s32 $0x9E80  }
0x4: {  	s14 =	simm.s32 $0x1;
	s15 =	simm.s32 $0x2780;
	s16 =	simm.s32 $0x4F00  }
0x5: {  	s17 =	simm.s32 $0x7680;
	s18 =	simm.s32 $0x80;
	s5 =	sand.u32 $0x1, s0  }
0x6: {  	s19 =	simm.s32 $0x100;
	s0 =	rddreg [dreg:$0x2];
	s3 =	sshll.u32 s5, $0x4  }
0x7: {  	s21 =	simm.s32 $0x0;
	[smem:$0x7FF] =	sst s2;
	s7 =	sor.u32 s1, s3  }
0x8: {  	_ =	strace $0x80000047;
	s5 =	ssub.s32 $0x2, s5;
	s3 =	smul.u32 $0x4E2, s7  }
0x9: {  	s11 =	sshrl.u32 s5, $0x1;
	s8 =	smul.u32 $0x9E0, s7;
	s10 =	sshll.u32 s7, $0xA  }
0xa: {  	s11 =	ssub.s32 s5, s11;
	s31 =	sshll.u32 s7, $0x3;
	s10 =	sadd.s32 s10, s4  }
0xb: {  	s9 =	sadd.s32 s3, s4;
	s3 =	sadd.s32 $0x19EC00, s4;
	s8 =	sadd.s32 s8, s4  }
0xc: {  	s4 =	sadd.s32 s6, s31;
	s5 =	sadd.s32 $0x2BE00, s10;
	s10 =	simm.s32 $0x9E00  }
0xd: {  	s6 =	sadd.s32 $0xE400, s9;
	s7 =	sadd.s32 $0x4600, s9;
	s8 =	sadd.s32 $0x18200, s8  }
0xe: {  	v0 =	vimm.f32 $0.0e+00;
	v1 =	vimm.f32 $1.000000000e+00;
	s9 =	smax.u32 s11, $0x1;
	s11 =	simm.s32 $0x2;
	s20 =	sadd.s32 $0x10, s8  }
.LBB2_1:
0xf: {  	[tilespmem:s10], [sflag:$0x2] =	stream.linear.gather [hbm4b:s4+s2], $0x40, $0x38;
	[tilespmem:$0xBE80] =	vst v63  }
0x10: {  	_ =	swait.ge [sflag:s11], $0x40  }
0x11: {  	[sflag:s11] =	ssyncset.done $0x0  }
0x12: {  	[sflag:s11] =	ssyncadd.s32 $0xFFFFFFC0  }
0x13: {  	[tilespmem:s13], [sflag:$0x1] =	stream.indirect.gather [hbm4b:s3+s12], $0x80, s10, s12, $0xb8;
	[tilespmem:$0xBE80] =	vst v63  }
0x14: {  	_ =	swait.ge [sflag:s14], $0x2000  }
0x15: {  	[sflag:s14] =	ssyncset.done $0x0  }
0x16: {  	[sflag:s14] =	ssyncadd.s32 $0xFFFFE000  }
0x17: {  	[hbm4b:s5+s2] =	stream.linear.scatter [tilespmem:s13], [sflag:$0x2], $0x2000, $0x38;
	[tilespmem:$0xBE80] =	vst v63  }
0x18: {  	_ =	swait.ge [sflag:s11], $0x2000  }
0x19: {  	[sflag:s11] =	ssyncset.done $0x0  }
0x1a: {  	s22 =	simm.s32 $0x40;
	s23 =	simm.s32 $0x0;
	[sflag:s11] =	ssyncadd.s32 $0xFFFFE000  }
.LBB2_2:
0x1b: {  	p0 =	sne.s32 s22, $0x9C00;
	[tilespmem:s23+$0x4F00] =	vst v0;
	s24 =	smov.u32 s22;
	s22 =	sadd.s32 $0x40, s22  }
.Ltmp0:
0x1c: {  	[tilespmem:s23+$0x7680] =	vst v0;
	(pc) =	sbr.rel @p0 .LBB2_2-.Ltmp0, $2  }
0x1d: {  	_ =	sdelay $0x2  }
0x1e: {  	s23 =	sshra.s32 s24, $0x2  }
0x1f: {  	[tilespmem:s23+$0x4F00] =	vst v0  }
0x20: {  	[tilespmem:s23+$0x7680] =	vst v0;
	s22 =	simm.s32 $0x0  }
0x21: {  	[tilespmem:s22], [sflag:$0x2] =	stream.linear.gather [hbm4b:s6+s22], $0x2710, $0x38;
	[tilespmem:$0xBE80] =	vst v63  }
0x22: {  	_ =	swait.ge [sflag:s11], $0x2710  }
0x23: {  	[sflag:s11] =	ssyncset.done $0x0  }
0x24: {  	[sflag:s11] =	ssyncadd.s32 $0xFFFFD8F0  }
0x25: {  	[tilespmem:s15], [sflag:$0x2] =	stream.linear.gather [hbm4b:s7+s22], $0x2710, $0x38;
	[tilespmem:$0xBE80] =	vst v63  }
0x26: {  	_ =	swait.ge [sflag:s11], $0x2710  }
0x27: {  	[sflag:s11] =	ssyncset.done $0x0  }
0x28: {  	s23 =	simm.s32 $0x0;
	s22 =	simm.s32 $0x40;
	[sflag:s11] =	ssyncadd.s32 $0xFFFFD8F0  }
.LBB2_4:
0x29: {  	p0 =	sne.s32 s22, $0x9C00;
	v2 =	vld [tilespmem:s23+$0x0];
	_ =	sdelay $0x7  }
0x2a: {  	[tilespmem:v2+s16+$0x0] =	vst.idx.add.f32.msk $0xffff, v1  }
0x2b: {  	v2 =	vld [tilespmem:s23+$0x2780];
	_ =	sdelay $0x3  }
.Ltmp1:
0x2c: {  	(pc) =	sbr.rel @p0 .LBB2_4-.Ltmp1, $2  }
0x2d: {  	_ =	sdelay $0x2  }
0x2e: {  	s23 =	sshra.s32 s22, $0x2;
	s22 =	sadd.s32 $0x40, s22;
	[tilespmem:v2+s17+$0x0] =	vst.idx.add.f32.msk $0xffff, v1  }
0x2f: {  	v2 =	vld [tilespmem:s23+$0x0];
	_ =	sdelay $0x7  }
0x30: {  	[tilespmem:v2+s16+$0x0] =	vst.idx.add.f32.msk $0xffff, v1  }
0x31: {  	v2 =	vld [tilespmem:s23+$0x2780];
	_ =	sdelay $0x7  }
0x32: {  	[tilespmem:v2+s17+$0x0] =	vst.idx.add.f32.msk $0xffff, v1  }
0x33: {  	[hbm4b:s8+s18] =	stream.strided.scatter [tilespmem:s16], [sflag:$0x2], $0x2780, s19, s18, $0x38;
	[tilespmem:$0xBE80] =	vst v63  }
0x34: {  	s21 =	sadd.s32 $0x1, s21;
	_ =	swait.ge [sflag:s11], $0x2780  }
0x35: {  	p0 =	sne.s32 s21, s9;
	[sflag:s11] =	ssyncset.done $0x0  }
.Ltmp2:
0x36: {  	[sflag:s11] =	ssyncadd.s32 $0xFFFFD880;
	(pc) =	sbr.rel @p0 .LBB2_1-.Ltmp2, $4  }
0x37: {  	[hbm4b:s20+s18] =	stream.strided.scatter [tilespmem:s17], [sflag:$0x2], $0x2780, s19, s18, $0x38;
	[tilespmem:$0xBE80] =	vst v63  }
0x38: {  	_ =	swait.ge [sflag:s11], $0x2780  }
0x39: {  	[sflag:s11] =	ssyncset.done $0x0  }
0x3a: {  	[sflag:s11] =	ssyncadd.s32 $0xFFFFD880  }
0x3b: {  	_ =	sfence.sel $0x180000  }
0x3c: {  	[bflag:$0x0] =	sbarrier.arrive $0xFFFF  }
0x3d: {  	p0 =	sne.s32 s1, $0x0;
	_ =	strace $0x90000047  }
0x3e: {  	s0 =	sadd.s32 @!p0 $0x100000, s0;
	[bflag:$0x2] =	sbarrier.arrive $0xFFFF  }
0x3f: {  	[sflag:s0] =	ssyncadd.tile.s32 @!p0 $0x1;
	_ =	shalt  }
.Lfunc_end2:
_tile_overlayer_lowered:
.L_overlay_start_2:
0x40: {  	(tag) =	ssettag $0x2  }
0x41: {  	s0 =	rddreg [dreg:$0x0];
	s2 =	stileid.u32  }
0x42: {  	s1 =	rddreg [dreg:$0x1];
	p0 =	sne.s32 s2, $0x0  }
0x43: {  	s3 =	rddreg [dreg:$0x2];
	[bflag:$0x3] =	sbarrier.arrive $0xFFFF;
	s2 =	simm.s32 @!p0 $0x1C02  }
0x44: {  	[timem:s3], [sflag:s2] =	dma.local @!p0 [hbm:s0], s1  }
0x45: {  	s0 =	simm.s32 @!p0 $0x2  }
0x46: {  	_ =	swait.ge @!p0 [sflag:s0], s1  }
0x47: {  	s1 =	ssub.s32 @!p0 $0x0, s1;
	[sflag:s0] =	ssyncset.done @!p0 $0x0  }
0x48: {  	[sflag:s0] =	ssyncadd.s32 @!p0 s1  }
0x49: {  	[bflag:$0x3] =	sbarrier.arrive $0xFFFF  }
0x4a: {  	_ =	shalt  }

// kernel: kernel.15.cloned.1.call-start
scs
__scs_entry_jumppad:
0x0: {  	(pc) =	sbr.rel $0x88, $3  }
0x1: {  	(tag) =	ssettag $0x0;
	lr =	simm.s32 $0x1  }
0x2: {  	[smem:$0x3F94] =	sst lr;
	_ =	strace $0xD0000000  }
0x3: {  	_ = 	snop  }
0x4: {  	_ = 	snop  }
0x5: {  	_ = 	snop  }
0x6: {  	_ = 	snop  }
0x7: {  	_ = 	snop  }
__scs_overlays_trampoline_lowered:
0x8: {  	[smem:$0x3FA3] =	sst s0  }
0x9: {  	[smem:$0x3FA4] =	sst s1  }
0xa: {  	[smem:$0x3FA5] =	sst s2  }
0xb: {  	[smem:$0x3FA6] =	sst s3  }
0xc: {  	[smem:$0x3FA7] =	sst s4  }
0xd: {  	[smem:$0x3FA8] =	sst s5  }
0xe: {  	[smem:$0x3FA9] =	sst s6  }
0xf: {  	[smem:$0x3FAA] =	sst s7  }
0x10: {  	[smem:$0x3FAB] =	sst s8  }
0x11: {  	[smem:$0x3FAC] =	sst s9;
	s0 =	simm.s32 @!p0 $0x0  }
0x12: {  	s1 =	sld [smem:$0x3F92];
	s0 =	simm.s32 @p0 $0x1  }
0x13: {  	[smem:$0x3FAD] =	sst s0;
	s0 =	simm.s32 @!p1 $0x0  }
0x14: {  	s2 =	sld [smem:$0x3F91];
	s0 =	simm.s32 @p1 $0x1  }
0x15: {  	[smem:$0x3FAE] =	sst s0;
	s0 =	simm.s32 @!p2 $0x0  }
0x16: {  	s3 =	sld [smem:$0x3FDB];
	s0 =	simm.s32 @p2 $0x1  }
0x17: {  	s4 =	simm.s32 $0x1BF5;
	[smem:$0x3FB0] =	sst s0  }
0x18: {  	s0 =	sld [smem:$0x3F93];
	_ =	swait.ge [sflag:s4], $0x0  }
0x19: {  	s7 =	sld [smem:$0x3F94]  }
0x1a: {  	s8 =	sadd.s32 $0xFFFFE003, lr  }
0x1b: {  	s9 =	sadd.s32 $0xFFFFFEF7, lr;
	s5 =	simm.s32 $0xFFFFFFFF;
	p2 =	slt.u32 s8, $0xFFFFF086  }
0x1c: {  	p1 =	slt.u32 s9, $0xF7A;
	s5 =	simm.s32 @!p2 $0x0  }
0x1d: {  	s5 =	simm.s32 @p1 $0x1;
	p0 =	seq.s32 s7, s2  }
0x1e: {  	s7 =	smul.u32 @!p0 $0xF7A, s2;
	p2 =	seq.s32 @!p0 s5, $0x0  }
0x1f: {  	s9 =	smul.u32 $0xF7A, s1;
	s8 =	simm.s32 @!p0 $0x1BF5;
	p2 =	por !p2, p0  }
0x20: {  	[sflag:s8] =	ssyncset.s32 @!p0 $0xFFFFF086;
	s6 =	sadd.s32 @!p0 s3, s7;
	s7 =	simm.s32 @!p0 $0x108  }
0x21: {  	s3 =	sadd.s32 s3, s9;
	s6 =	sadd.s32 @!p0 $0x88, s6;
	s7 =	simm.s32 @p2 $0x1082  }
0x22: {  	[simem:s7], [sflag:s8] =	dma.local @!p0 [hbm:s6], $0xF7A  }
0x23: {  	s9 =	sor.u32 $0xD0000000, s2;
	s6 =	simm.s32 $0x108;
	_ =	swait.ge @!p0 [sflag:s8], $0x0  }
0x24: {  	s3 =	sadd.s32 $0x88, s3;
	s6 =	simm.s32 @!p1 $0x1082;
	[sflag:s4] =	ssyncset.s32 $0xFFFFF086  }
0x25: {  	[simem:s6], [sflag:s4] =	dma.local [hbm:s3], $0xF7A  }
0x26: {  	[smem:$0x3F94] =	sst s1;
	(tag) =	ssettag s2;
	_ =	strace s9  }
0x27: {  	s1 =	sld [smem:$0x3FA4]  }
0x28: {  	s2 =	sld [smem:$0x3FA5]  }
0x29: {  	s4 =	sld [smem:$0x3FA7]  }
0x2a: {  	p0 =	seq.s32 s5, $0x0;
	s5 =	sld [smem:$0x3FA8]  }
0x2b: {  	s6 =	sld [smem:$0x3FA9]  }
0x2c: {  	s7 =	sld [smem:$0x3FAA]  }
0x2d: {  	s3 =	simm.s32 $0x108;
	s8 =	sld [smem:$0x3FAB]  }
0x2e: {  	s3 =	simm.s32 @!p0 $0x1082;
	s9 =	sld [smem:$0x3FAC]  }
0x2f: {  	lr =	sadd.s32 s0, s3;
	s0 =	sld [smem:$0x3FA3]  }
0x30: {  	s3 =	sld [smem:$0x3FA6]  }
0x31: {  	[smem:$0x3FAF] =	sst s10  }
0x32: {  	s10 =	sld [smem:$0x3FAD];
	_ =	sdelay $0x3  }
0x33: {  	p0 =	seq.s32 s10, $0x1;
	s10 =	sld [smem:$0x3FAF];
	_ =	sdelay $0x3  }
0x34: {  	[smem:$0x3FAF] =	sst s10  }
0x35: {  	s10 =	sld [smem:$0x3FAE];
	_ =	sdelay $0x3  }
0x36: {  	p1 =	seq.s32 s10, $0x1;
	s10 =	sld [smem:$0x3FAF];
	_ =	sdelay $0x3  }
0x37: {  	[smem:$0x3FAF] =	sst s10  }
0x38: {  	s10 =	sld [smem:$0x3FB0]  }
0x39: {  	_ = 	snop;
	(pc) =	sbr.ind lr, $3  }
0x3a: {  	_ = 	snop  }
0x3b: {  	_ = 	snop  }
0x3c: {  	p2 =	seq.s32 s10, $0x1;
	s10 =	sld [smem:$0x3FAF]  }
0x3d: {  	_ =	shalt  }
0x3e: {  	_ =	shalt  }
0x3f: {  	_ =	shalt  }
0x40: {  	_ =	shalt  }
0x41: {  	_ =	shalt  }
0x42: {  	_ =	shalt  }
0x43: {  	_ =	shalt  }
0x44: {  	_ =	shalt  }
0x45: {  	_ =	shalt  }
0x46: {  	_ =	shalt  }
0x47: {  	_ =	shalt  }
0x48: {  	_ =	shalt  }
0x49: {  	_ =	shalt  }
0x4a: {  	_ =	shalt  }
0x4b: {  	_ =	shalt  }
0x4c: {  	_ =	shalt  }
0x4d: {  	_ =	shalt  }
0x4e: {  	_ =	shalt  }
0x4f: {  	_ =	shalt  }
0x50: {  	_ =	shalt  }
0x51: {  	_ =	shalt  }
0x52: {  	_ =	shalt  }
0x53: {  	_ =	shalt  }
0x54: {  	_ =	shalt  }
0x55: {  	_ =	shalt  }
0x56: {  	_ =	shalt  }
0x57: {  	_ =	shalt  }
0x58: {  	_ =	shalt  }
0x59: {  	_ =	shalt  }
0x5a: {  	_ =	shalt  }
0x5b: {  	_ =	shalt  }
0x5c: {  	_ =	shalt  }
0x5d: {  	_ =	shalt  }
0x5e: {  	_ =	shalt  }
0x5f: {  	_ =	shalt  }
0x60: {  	_ =	shalt  }
0x61: {  	_ =	shalt  }
0x62: {  	_ =	shalt  }
0x63: {  	_ =	shalt  }
0x64: {  	_ =	shalt  }
0x65: {  	_ =	shalt  }
0x66: {  	_ =	shalt  }
0x67: {  	_ =	shalt  }
0x68: {  	_ =	shalt  }
0x69: {  	_ =	shalt  }
0x6a: {  	_ =	shalt  }
0x6b: {  	_ =	shalt  }
0x6c: {  	_ =	shalt  }
0x6d: {  	_ =	shalt  }
0x6e: {  	_ =	shalt  }
0x6f: {  	_ =	shalt  }
0x70: {  	_ =	shalt  }
0x71: {  	_ =	shalt  }
0x72: {  	_ =	shalt  }
0x73: {  	_ =	shalt  }
0x74: {  	_ =	shalt  }
0x75: {  	_ =	shalt  }
0x76: {  	_ =	shalt  }
0x77: {  	_ =	shalt  }
0x78: {  	_ =	shalt  }
0x79: {  	_ =	shalt  }
0x7a: {  	_ =	shalt  }
0x7b: {  	_ =	shalt  }
0x7c: {  	_ =	shalt  }
0x7d: {  	_ =	shalt  }
0x7e: {  	_ =	shalt  }
0x7f: {  	_ =	shalt  }
0x80: {  	_ =	shalt  }
0x81: {  	_ =	shalt  }
0x82: {  	_ =	shalt  }
0x83: {  	_ =	shalt  }
0x84: {  	_ =	shalt  }
0x85: {  	_ =	shalt  }
0x86: {  	_ =	shalt  }
0x87: {  	_ =	shalt  }
.Lfunc_end0:
.L_simem_size_0:
called_computation.1_lowered:
.L_overlay_start_0:
0x88: {  	s2 =	sld [smem:$0x3FD9]  }
0x89: {  	s3 =	sld [smem:$0x3FFE];
	_ =	sdelay $0x1  }
0x8a: {  	s1 =	srdreg.scid  }
0x8b: {  	s0 =	sand.u32 $0x1, s1  }
0x8c: {  	s16 =	sshll.u32 s0, $0xA;
	s2 =	sadd.s32 s3, s2  }
0x8d: {  	s2 =	sadd.s32 s2, s16  }
0x8e: {  	[smem:$0x3FBB] =	sst s2  }
0x8f: {  	_ = 	snop  }
0x90: {  	(tm) =	ssettm $0x1  }
0x91: {  	s17 =	sld [smem:$0x3FFB];
	_ =	sdelay $0x3  }
0x92: {  	_ =	strace s17  }
0x93: {  	s2 =	sld [smem:$0x3FFC];
	_ =	sdelay $0x3  }
0x94: {  	_ =	strace s2  }
0x95: {  	s2 =	sld [smem:$0x3FFD];
	_ =	sdelay $0x3  }
0x96: {  	_ =	strace s2  }
0x97: {  	_ =	strace $0x8FFFFFFF  }
0x98: {  	s18 =	sld [smem:$0x3FDB];
	_ =	sdelay $0x1  }
0x99: {  	s19 =	simm.s32 $_scs_section_size  }
0x9a: {  	s4 =	simm.s32 $_size__tile_overlayer_lowered;
	s5 =	simm.s32 $_tile_overlayer_lowered  }
0x9b: {  	s22 =	simm.s32 $0x1BFF;
	s21 =	sshll.u32 s5, $0x1;
	s2 =	sadd.s32 s19, s18  }
0x9c: {  	s6 =	simm.s32 $0x0;
	s20 =	sshll.u32 s4, $0x1;
	s4 =	sadd.s32 s21, s2  }
0x9d: {  	[timem:s6], [sflag:s22] =	dma.local [hbm:s4], s20  }
0x9e: {  	_ =	swait.ge [sflag:s22], s20  }
0x9f: {  	s3 =	ssub.s32 $0x0, s20;
	[sflag:s22] =	ssyncset.done $0x0  }
0xa0: {  	[sflag:s22] =	ssyncadd.s32 s3;
	_ =	sdelay $0x1  }
0xa1: {  	s23 =	simm.s32 $0x1B8B  }
0xa2: {  	_ =	swait.ge [sflag:s23], $0x1  }
0xa3: {  	[sflag:s23] =	ssyncset.done $0x0  }
0xa4: {  	s25 =	simm.s32 $0x1B8E;
	s24 =	sld [smem:$0x3FFE];
	[sflag:s23] =	ssyncadd.s32 $0xFFFFFFFF  }
0xa5: {  	s26 =	simm.s32 $execute0_lowered;
	[smem:$0x3FD2] =	sst s25  }
0xa6: {  	s4 =	sshll.u32 s26, $0x1;
	_ =	strace $0x80000049;
	[dreg:$0x1] =	wrdreg $0xFFFFFFFF  }
0xa7: {  	s28 =	simm.s32 $_size_execute0_lowered;
	s2 =	sadd.s32 s2, s4;
	[dreg:$0x0] =	wrdreg $0x0  }
0xa8: {  	s4 =	sshll.u32 s28, $0x1;
	[dreg:$0x2] =	wrdreg s2  }
0xa9: {  	[dreg:$0x3] =	wrdreg s4  }
0xaa: {  	[dreg:$0x4] =	wrdreg $0xC0  }
0xab: {  	_ =	task [dreg:s6], $0x5FFFF  }
0xac: {  	[dreg:$0x1] =	wrdreg $0xFFFFFFFF  }
0xad: {  	[dreg:$0x0] =	wrdreg $0x60  }
0xae: {  	[dreg:$0x2] =	wrdreg s24  }
0xaf: {  	[dreg:$0x3] =	wrdreg $0xC7000  }
0xb0: {  	[dreg:$0x4] =	wrdreg $0x9  }
0xb1: {  	_ =	task.clear_ibuf [dreg:s6], $0x5FFFF;
	_ =	strace $0x90000049  }
0xb2: {  	s29 =	simm.s32 $0x9;
	_ =	strace $0x8000004B  }
0xb3: {  	_ =	swait.ge [sflag:s29], $0x1  }
0xb4: {  	[sflag:s29] =	ssyncadd.s32 $0xFFFFFFFF  }
0xb5: {  	_ =	strace $0x9000004B  }
0xb6: {  	_ =	sfence  }
0xb7: {  	s30 =	sld [smem:$0x0];
	_ =	sdelay $0x2  }
0xb8: {  	s31 =	sshll.u32 s1, $0xD;
	s1 =	sshrl.u32 s1, $0x2  }
0xb9: {  	s3 =	sand.u32 $0x4000, s31;
	s1 =	sadd.s32 s1, s30  }
0xba: {  	s0 =	sor.u32 s3, s0;
	s1 =	sshll.u32 s1, $0x11  }
0xbb: {  	s0 =	sor.u32 s1, s0  }
0xbc: {  	s0 =	sadd.s32 $0x8F2B, s0  }
0xbd: {  	[sflag:s0] =	ssyncadd.remote.s32 $0x1  }
0xbe: {  	_ =	sfence.sel $0xFFFF  }
0xbf: {  	[dreg:$0x0] =	wrdreg $0xFFFFFFFF;
	(pc) =	sbr.abs _section_cstart, $3  }
0xc0: {  	[dreg:$0x1] =	wrdreg $0xFFFFFFFF  }
0xc1: {  	_ =	task.clear_ibuf [dreg:s6], $0x2FFFF;
	_ =	strace $0x9FFFFFFF  }
0xc2: {  	(tm) =	ssettm $0x7FFFFFFF  }
0xc3: {  	_ =	shalt  }
tec
execute0_lowered:
.L_overlay_start_1:
0x0: {  	(tag) =	ssettag $0x1  }
0x1: {  	s1 =	stileid.u32  }
0x2: {  	s0 =	srdreg.scid;
	s19 =	smul.u32 $0xA000, s1  }
0x3: {  	s0 =	sand.u32 $0x1, s0;
	s9 =	smul.u32 $0x500, s1  }
0x4: {  	s5 =	rddreg [dreg:$0x0];
	s21 =	sor.u32 $0x10, s1;
	s7 =	smul.u32 $0x27100, s0  }
0x5: {  	s2 =	rddreg [dreg:$0x1];
	s22 =	smul.u32 $0xA000, s21  }
0x6: {  	s3 =	simm.s32 $0x0;
	s23 =	sor.u32 $0x20, s1;
	s10 =	smul.u32 $0x500, s21  }
0x7: {  	s28 =	simm.s32 $0x50;
	s29 =	simm.s32 $0x4F00;
	s24 =	smul.u32 $0xA000, s23  }
0x8: {  	s30 =	simm.s32 $0x7700;
	s25 =	sor.u32 $0x30, s1;
	s11 =	smul.u32 $0x500, s23  }
0x9: {  	s31 =	simm.s32 $0x4;
	[smem:$0x7FF] =	sst s3;
	s12 =	smul.u32 $0xA000, s25  }
0xa: {  	s26 =	sor.u32 $0x40, s1;
	s15 =	sor.u32 $0x50, s1;
	s13 =	smul.u32 $0x500, s25  }
0xb: {  	s17 =	sor.u32 $0x60, s1;
	s4 =	sshll.u32 s0, $0x4;
	s14 =	smul.u32 $0xA000, s26  }
0xc: {  	_ =	strace $0x8000004A;
	s0 =	ssub.s32 $0x2, s0;
	s16 =	smul.u32 $0xA000, s15  }
0xd: {  	s18 =	smul.u32 $0xA000, s17;
	s4 =	sor.u32 s1, s4;
	s8 =	sshrl.u32 s0, $0x1  }
0xe: {  	s6 =	smul.u32 $0x4E2, s4;
	s4 =	sadd.s32 $0x18200, s5;
	s0 =	ssub.s32 s0, s8  }
0xf: {  	s12 =	sshrl.u32 s12, $0x2;
	s14 =	sshrl.u32 s14, $0x2;
	s16 =	sshrl.u32 s16, $0x2  }
0x10: {  	s0 =	smax.u32 s0, $0x1;
	s12 =	sadd.s32 s12, s2;
	s23 =	sadd.s32 s16, s2  }
0x11: {  	s6 =	sadd.s32 s6, s5;
	s5 =	sadd.s32 s7, s5;
	s7 =	sshrl.u32 s19, $0x2  }
0x12: {  	[dreg:$0x5] =	wrdreg s0;
	s19 =	sor.u32 $0x70, s1;
	s23 =	sshrl.u32 s23, $0x3  }
0x13: {  	s20 =	sadd.s32 $0xE400, s6;
	s6 =	sadd.s32 $0x4600, s6;
	s5 =	sadd.s32 $0x3F400, s5  }
0x14: {  	s0 =	sadd.s32 s7, s2;
	s7 =	sshrl.u32 s24, $0x2;
	s21 =	smul.u32 $0xA000, s19  }
0x15: {  	s24 =	sshrl.u32 s18, $0x2;
	p0 =	sgt.u32 s19, $0x7C;
	[dreg:$0x3] =	wrdreg s20  }
0x16: {  	s16 =	smul.u32 $0x500, s19;
	[dreg:$0x4] =	wrdreg s6;
	s6 =	sshrl.u32 s22, $0x2  }
0x17: {  	s7 =	sadd.s32 s7, s2;
	s22 =	sadd.s32 s14, s2;
	s20 =	smul.u32 $0x500, s26  }
0x18: {  	s14 =	smul.u32 $0x500, s15;
	s24 =	sadd.s32 s24, s2;
	s9 =	sadd.s32 s9, s5  }
0x19: {  	s15 =	smul.u32 $0x500, s17;
	s17 =	sadd.s32 s10, s5;
	[dreg:$0x6] =	wrdreg s9  }
0x1a: {  	s26 =	sshll.u32 s1, $0xB;
	s18 =	sadd.s32 s11, s5;
	[dreg:$0x7] =	wrdreg s17  }
0x1b: {  	s19 =	sadd.s32 s13, s5;
	s6 =	sadd.s32 s6, s2;
	[dreg:$0x8] =	wrdreg s18  }
0x1c: {  	s25 =	sshrl.u32 s21, $0x2;
	s8 =	sadd.s32 s26, s2;
	[dreg:$0x9] =	wrdreg s19  }
0x1d: {  	s16 =	sadd.s32 @!p0 s16, s5;
	s17 =	simm.s32 $0x7;
	s18 =	sshrl.u32 s0, $0x3  }
0x1e: {  	s22 =	sshrl.u32 s22, $0x3;
	s24 =	sshrl.u32 s24, $0x3;
	s0 =	simm.s32 $0x9F00  }
0x1f: {  	s9 =	simm.s32 $0x6;
	s25 =	sadd.s32 s25, s2;
	s21 =	sadd.s32 s20, s5  }
0x20: {  	s26 =	sadd.s32 s14, s5;
	s15 =	sadd.s32 s15, s5;
	s19 =	sshrl.u32 s6, $0x3  }
0x21: {  	s20 =	sshrl.u32 s7, $0x3;
	s5 =	simm.s32 $0x2;
	[dreg:$0xa] =	wrdreg s21  }
0x22: {  	s6 =	simm.s32 $0x5;
	s7 =	simm.s32 $0x3;
	[dreg:$0xb] =	wrdreg s26  }
0x23: {  	v0 =	vimm.f32 $0.0e+00;
	s21 =	sshrl.u32 s12, $0x3;
	s25 =	sshrl.u32 @!p0 s25, $0x3;
	s26 =	simm.s32 $0x1  }
.LBB2_1:
0x24: {  	s10 =	simm.s32 $0x0;
	s11 =	simm.s32 $0x200  }
.LBB2_2:
0x25: {  	p1 =	sne.s32 s11, $0x1E00;
	[tilespmem:s10+$0x4F70] =	vst v0  }
0x26: {  	[tilespmem:s10+$0x4F00] =	vst v0  }
0x27: {  	[tilespmem:s10+$0x4F10] =	vst v0  }
.Ltmp0:
0x28: {  	[tilespmem:s10+$0x4F20] =	vst v0;
	(pc) =	sbr.rel @p1 .LBB2_2-.Ltmp0, $4  }
0x29: {  	[tilespmem:s10+$0x4F30] =	vst v0  }
0x2a: {  	[tilespmem:s10+$0x4F40] =	vst v0  }
0x2b: {  	[tilespmem:s10+$0x4F50] =	vst v0  }
0x2c: {  	[tilespmem:s10+$0x4F60] =	vst v0;
	s10 =	sshra.s32 s11, $0x2;
	s11 =	sadd.s32 $0x200, s11  }
0x2d: {  	[tilespmem:s10+$0x4F70] =	vst v0  }
0x2e: {  	[tilespmem:s10+$0x4F00] =	vst v0  }
0x2f: {  	[tilespmem:s10+$0x4F10] =	vst v0  }
0x30: {  	[tilespmem:s10+$0x4F20] =	vst v0  }
0x31: {  	[tilespmem:s10+$0x4F30] =	vst v0  }
0x32: {  	[tilespmem:s10+$0x4F40] =	vst v0;
	s11 =	sadd.s32 $0x0, s1  }
0x33: {  	[tilespmem:s10+$0x4F50] =	vst v0;
	p1 =	sgt.u32 s11, $0x270  }
0x34: {  	[tilespmem:s10+$0x4F60] =	vst v0;
	s10 =	simm.s32 @!p1 $0x4F00;
	s13 =	simm.s32 @!p1 $0x7  }
0x35: {  	[spmem:s8] =	stream.linear.scatter @!p1 [tilespmem:s10], [sflag:$0x7], $0x800, $0x38;
	[tilespmem:$0x1FF80] =	vst v63  }
0x36: {  	s12 =	simm.s32 $0x20;
	_ =	swait.ge @!p1 [sflag:s13], $0x800  }
0x37: {  	s11 =	simm.s32 $0x10;
	s10 =	sadd.s32 $0x8000, s8;
	[sflag:s13] =	ssyncset.done @!p1 $0x0  }
.LBB2_4:
0x38: {  	s14 =	sadd.s32 s11, s1;
	s11 =	smov.u32 s12;
	s12 =	sadd.s32 $0x10, s12  }
0x39: {  	[sflag:s13] =	ssyncadd.s32 @!p1 $0xFFFFF800;
	p2 =	sne.s32 s12, $0x280  }
.Ltmp1:
0x3a: {  	p1 =	sgt.u32 s14, $0x270;
	(pc) =	sbr.rel @p2 .LBB2_4-.Ltmp1, $4  }
0x3b: {  	s14 =	simm.s32 @!p1 $0x4F00;
	s13 =	simm.s32 @!p1 $0x7  }
0x3c: {  	[spmem:s10] =	stream.linear.scatter @!p1 [tilespmem:s14], [sflag:$0x7], $0x800, $0x38;
	[tilespmem:$0x1FF80] =	vst v63  }
0x3d: {  	_ =	swait.ge @!p1 [sflag:s13], $0x800  }
0x3e: {  	s10 =	sadd.s32 $0x8000, s10;
	[sflag:s13] =	ssyncset.done @!p1 $0x0  }
0x3f: {  	s11 =	sadd.s32 s11, s1  }
0x40: {  	p2 =	sgt.u32 s11, $0x270  }
0x41: {  	[sflag:s13] =	ssyncadd.s32 @!p1 $0xFFFFF800;
	s11 =	simm.s32 @!p2 $0x4F00;
	s12 =	simm.s32 @!p2 $0x7  }
0x42: {  	[spmem:s10] =	stream.linear.scatter @!p2 [tilespmem:s11], [sflag:$0x7], $0x800, $0x38;
	[tilespmem:$0x1FF80] =	vst v63  }
0x43: {  	_ =	swait.ge @!p2 [sflag:s12], $0x800  }
0x44: {  	[sflag:s12] =	ssyncset.done @!p2 $0x0  }
0x45: {  	[sflag:s12] =	ssyncadd.s32 @!p2 $0xFFFFF800  }
0x46: {  	[bflag:$0x0] =	sbarrier.arrive $0xFFFF  }
0x47: {  	s10 =	simm.s32 $0x0;
	s12 =	rddreg [dreg:$0x3]  }
0x48: {  	[tilespmem:s10], [sflag:$0x7] =	stream.linear.gather [hbm4b:s12+s10], $0x2710, $0x38;
	[tilespmem:$0x1FF80] =	vst v63  }
0x49: {  	_ =	swait.ge [sflag:s17], $0x2710  }
0x4a: {  	[sflag:s17] =	ssyncset.done $0x0  }
0x4b: {  	s14 =	simm.s32 $0x2780;
	s13 =	rddreg [dreg:$0x4];
	[sflag:s17] =	ssyncadd.s32 $0xFFFFD8F0  }
0x4c: {  	[tilespmem:s14], [sflag:$0x7] =	stream.linear.gather [hbm4b:s13+s10], $0x2710, $0x38;
	[tilespmem:$0x1FF80] =	vst v63  }
0x4d: {  	_ =	swait.ge [sflag:s17], $0x2710  }
0x4e: {  	[sflag:s17] =	ssyncset.done $0x0  }
0x4f: {  	[sflag:s17] =	ssyncadd.s32 $0xFFFFD8F0  }
0x50: {  	[tilespmem:s29], [sflag:$0x1] =	stream.indirect.gather [hbm4b:s4+s28], $0x80, s10, s28, $0xb8;
	[tilespmem:$0x1FF80] =	vst v63  }
0x51: {  	_ = 	snop  }
0x52: {  	[tilespmem:s30], [sflag:$0x2] =	stream.indirect.gather [hbm4b:s4+s28], $0x80, s28, s28, $0xb8;
	[tilespmem:$0x1FF80] =	vst v63  }
0x53: {  	s13 =	simm.s32 $0xA0  }
0x54: {  	[tilespmem:s0], [sflag:$0x3] =	stream.indirect.gather [hbm4b:s4+s28], $0x80, s13, s28, $0xb8;
	[tilespmem:$0x1FF80] =	vst v63  }
0x55: {  	_ =	swait.ge [sflag:s26], $0x2800  }
0x56: {  	[sflag:s26] =	ssyncset.done $0x0  }
0x57: {  	s14 =	simm.s32 $0x2780;
	[sflag:s26] =	ssyncadd.s32 $0xFFFFD800  }
0x58: {  	[spmem:s2] =	stream.indirect.scatter.add.f32 [tilespmem:s29], [sflag:$0x4], $0x80, s14, s28, $0xb8;
	[tilespmem:$0x1FF80] =	vst v63  }
0x59: {  	_ =	swait.ge [sflag:s31], $0x2800  }
0x5a: {  	[sflag:s31] =	ssyncset.done $0x0  }
0x5b: {  	s11 =	simm.s32 $0xF0;
	[sflag:s31] =	ssyncadd.s32 $0xFFFFD800  }
0x5c: {  	[tilespmem:s29], [sflag:$0x1] =	stream.indirect.gather [hbm4b:s4+s28], $0x80, s11, s28, $0xb8;
	[tilespmem:$0x1FF80] =	vst v63  }
0x5d: {  	_ =	swait.ge [sflag:s5], $0x2800  }
0x5e: {  	[sflag:s5] =	ssyncset.done $0x0  }
0x5f: {  	s12 =	simm.s32 $0x27D0;
	[sflag:s5] =	ssyncadd.s32 $0xFFFFD800  }
0x60: {  	[spmem:s2] =	stream.indirect.scatter.add.f32 [tilespmem:s30], [sflag:$0x5], $0x80, s12, s28, $0xb8;
	[tilespmem:$0x1FF80] =	vst v63  }
0x61: {  	_ =	swait.ge [sflag:s6], $0x2800  }
0x62: {  	[sflag:s6] =	ssyncset.done $0x0  }
0x63: {  	s13 =	simm.s32 $0x140;
	[sflag:s6] =	ssyncadd.s32 $0xFFFFD800  }
0x64: {  	[tilespmem:s30], [sflag:$0x2] =	stream.indirect.gather [hbm4b:s4+s28], $0x80, s13, s28, $0xb8;
	[tilespmem:$0x1FF80] =	vst v63  }
0x65: {  	_ =	swait.ge [sflag:s7], $0x2800  }
0x66: {  	[sflag:s7] =	ssyncset.done $0x0  }
0x67: {  	s14 =	simm.s32 $0x2820;
	[sflag:s7] =	ssyncadd.s32 $0xFFFFD800  }
0x68: {  	[spmem:s2] =	stream.indirect.scatter.add.f32 [tilespmem:s0], [sflag:$0x6], $0x80, s14, s28, $0xb8;
	[tilespmem:$0x1FF80] =	vst v63  }
0x69: {  	_ =	swait.ge [sflag:s9], $0x2800  }
0x6a: {  	[sflag:s9] =	ssyncset.done $0x0  }
0x6b: {  	s10 =	simm.s32 $0x3C0;
	s11 =	simm.s32 $0x190;
	[sflag:s9] =	ssyncadd.s32 $0xFFFFD800  }
.LBB2_6:
0x6c: {  	[tilespmem:s0], [sflag:$0x3] =	stream.indirect.gather [hbm4b:s4+s28], $0x80, s11, s28, $0xb8;
	[tilespmem:$0x1FF80] =	vst v63  }
0x6d: {  	s11 =	smov.u32 s10  }
0x6e: {  	p1 =	sne.s32 s10, $0x9240;
	s10 =	sadd.s32 $0x3C0, s10;
	_ =	swait.ge [sflag:s26], $0x2800  }
0x6f: {  	s11 =	sshra.s32 s11, $0x2;
	[sflag:s26] =	ssyncset.done $0x0  }
0x70: {  	s12 =	sadd.s32 $0x2780, s11;
	[sflag:s26] =	ssyncadd.s32 $0xFFFFD800  }
0x71: {  	[spmem:s2] =	stream.indirect.scatter.add.f32 [tilespmem:s29], [sflag:$0x4], $0x80, s12, s28, $0xb8;
	[tilespmem:$0x1FF80] =	vst v63  }
0x72: {  	_ =	swait.ge [sflag:s31], $0x2800  }
0x73: {  	[sflag:s31] =	ssyncset.done $0x0  }
0x74: {  	s12 =	sadd.s32 $0xF0, s11;
	[sflag:s31] =	ssyncadd.s32 $0xFFFFD800  }
0x75: {  	[tilespmem:s29], [sflag:$0x1] =	stream.indirect.gather [hbm4b:s4+s28], $0x80, s12, s28, $0xb8;
	[tilespmem:$0x1FF80] =	vst v63  }
0x76: {  	_ =	swait.ge [sflag:s5], $0x2800  }
0x77: {  	[sflag:s5] =	ssyncset.done $0x0  }
0x78: {  	s12 =	sadd.s32 $0x27D0, s11;
	[sflag:s5] =	ssyncadd.s32 $0xFFFFD800  }
0x79: {  	[spmem:s2] =	stream.indirect.scatter.add.f32 [tilespmem:s30], [sflag:$0x5], $0x80, s12, s28, $0xb8;
	[tilespmem:$0x1FF80] =	vst v63  }
0x7a: {  	_ =	swait.ge [sflag:s6], $0x2800  }
0x7b: {  	[sflag:s6] =	ssyncset.done $0x0  }
0x7c: {  	s12 =	sadd.s32 $0x140, s11;
	[sflag:s6] =	ssyncadd.s32 $0xFFFFD800  }
0x7d: {  	[tilespmem:s30], [sflag:$0x2] =	stream.indirect.gather [hbm4b:s4+s28], $0x80, s12, s28, $0xb8;
	[tilespmem:$0x1FF80] =	vst v63  }
0x7e: {  	_ =	swait.ge [sflag:s7], $0x2800  }
0x7f: {  	[sflag:s7] =	ssyncset.done $0x0  }
.Ltmp2:
0x80: {  	s12 =	sadd.s32 $0x2820, s11;
	[sflag:s7] =	ssyncadd.s32 $0xFFFFD800;
	(pc) =	sbr.rel @p1 .LBB2_6-.Ltmp2, $4  }
0x81: {  	[spmem:s2] =	stream.indirect.scatter.add.f32 [tilespmem:s0], [sflag:$0x6], $0x80, s12, s28, $0xb8;
	[tilespmem:$0x1FF80] =	vst v63  }
0x82: {  	_ =	swait.ge [sflag:s9], $0x2800  }
0x83: {  	[sflag:s9] =	ssyncset.done $0x0  }
0x84: {  	s11 =	sadd.s32 $0x190, s11;
	[sflag:s9] =	ssyncadd.s32 $0xFFFFD800  }
0x85: {  	[tilespmem:s0], [sflag:$0x3] =	stream.indirect.gather [hbm4b:s4+s28], $0x80, s11, s28, $0xb8;
	[tilespmem:$0x1FF80] =	vst v63  }
0x86: {  	_ =	swait.ge [sflag:s26], $0x2800  }
0x87: {  	[sflag:s26] =	ssyncset.done $0x0  }
0x88: {  	s10 =	simm.s32 $0x4D00;
	[sflag:s26] =	ssyncadd.s32 $0xFFFFD800  }
0x89: {  	[spmem:s2] =	stream.indirect.scatter.add.f32 [tilespmem:s29], [sflag:$0x4], $0x80, s10, s28, $0xb8;
	[tilespmem:$0x1FF80] =	vst v63  }
0x8a: {  	_ =	swait.ge [sflag:s31], $0x2800  }
0x8b: {  	[sflag:s31] =	ssyncset.done $0x0  }
0x8c: {  	s11 =	simm.s32 $0x2670;
	[sflag:s31] =	ssyncadd.s32 $0xFFFFD800  }
0x8d: {  	[tilespmem:s29], [sflag:$0x1] =	stream.indirect.gather [hbm4b:s4+s28], $0x80, s11, s28, $0xb8;
	[tilespmem:$0x1FF80] =	vst v63  }
0x8e: {  	_ =	swait.ge [sflag:s5], $0x2800  }
0x8f: {  	[sflag:s5] =	ssyncset.done $0x0  }
0x90: {  	s12 =	simm.s32 $0x4D50;
	[sflag:s5] =	ssyncadd.s32 $0xFFFFD800  }
0x91: {  	[spmem:s2] =	stream.indirect.scatter.add.f32 [tilespmem:s30], [sflag:$0x5], $0x80, s12, s28, $0xb8;
	[tilespmem:$0x1FF80] =	vst v63  }
0x92: {  	_ =	swait.ge [sflag:s6], $0x2800  }
0x93: {  	[sflag:s6] =	ssyncset.done $0x0  }
0x94: {  	s13 =	simm.s32 $0x26C0;
	[sflag:s6] =	ssyncadd.s32 $0xFFFFD800  }
0x95: {  	[tilespmem:s30], [sflag:$0x2] =	stream.indirect.gather [hbm4b:s4+s28], $0x80, s13, s28, $0xb8;
	[tilespmem:$0x1FF80] =	vst v63  }
0x96: {  	_ =	swait.ge [sflag:s7], $0x2800  }
0x97: {  	[sflag:s7] =	ssyncset.done $0x0  }
0x98: {  	s14 =	simm.s32 $0x4DA0;
	[sflag:s7] =	ssyncadd.s32 $0xFFFFD800  }
0x99: {  	[spmem:s2] =	stream.indirect.scatter.add.f32 [tilespmem:s0], [sflag:$0x6], $0x80, s14, s28, $0xb8;
	[tilespmem:$0x1FF80] =	vst v63  }
0x9a: {  	_ =	swait.ge [sflag:s26], $0x2800  }
0x9b: {  	[sflag:s26] =	ssyncset.done $0x0  }
0x9c: {  	s11 =	simm.s32 $0x4DF0;
	[sflag:s26] =	ssyncadd.s32 $0xFFFFD800  }
0x9d: {  	[spmem:s2] =	stream.indirect.scatter.add.f32 [tilespmem:s29], [sflag:$0x4], $0x80, s11, s28, $0xb8;
	[tilespmem:$0x1FF80] =	vst v63  }
0x9e: {  	_ =	swait.ge [sflag:s5], $0x2800  }
0x9f: {  	[sflag:s5] =	ssyncset.done $0x0  }
0xa0: {  	s12 =	simm.s32 $0x4E40;
	[sflag:s5] =	ssyncadd.s32 $0xFFFFD800  }
0xa1: {  	[spmem:s2] =	stream.indirect.scatter.add.f32 [tilespmem:s30], [sflag:$0x5], $0x80, s12, s28, $0xb8;
	[tilespmem:$0x1FF80] =	vst v63  }
0xa2: {  	_ =	swait.ge [sflag:s31], $0x2800  }
0xa3: {  	[sflag:s31] =	ssyncset.done $0x0  }
0xa4: {  	[sflag:s31] =	ssyncadd.s32 $0xFFFFD800  }
0xa5: {  	_ =	swait.ge [sflag:s6], $0x2800  }
0xa6: {  	[sflag:s6] =	ssyncset.done $0x0  }
0xa7: {  	[sflag:s6] =	ssyncadd.s32 $0xFFFFD800  }
0xa8: {  	_ =	swait.ge [sflag:s9], $0x2800  }
0xa9: {  	[sflag:s9] =	ssyncset.done $0x0  }
0xaa: {  	[sflag:s9] =	ssyncadd.s32 $0xFFFFD800  }
0xab: {  	s13 =	sshll.u32 s1, $0x6;
	[bflag:$0x0] =	sbarrier.arrive $0xFFFF  }
0xac: {  	s10 =	sor.u32 $0x1C07, s13;
	s14 =	rddreg [dreg:$0x6]  }
0xad: {  	[hbm:s14], [sflag:s10] =	dma.local [spmem:s18], $0x500  }
0xae: {  	_ =	swait.ge [sflag:s17], $0x500  }
0xaf: {  	[sflag:s17] =	ssyncset.done $0x0  }
0xb0: {  	s12 =	rddreg [dreg:$0x7];
	[sflag:s17] =	ssyncadd.s32 $0xFFFFFB00  }
0xb1: {  	[hbm:s12], [sflag:s10] =	dma.local [spmem:s19], $0x500  }
0xb2: {  	_ =	swait.ge [sflag:s17], $0x500  }
0xb3: {  	[sflag:s17] =	ssyncset.done $0x0  }
0xb4: {  	s13 =	rddreg [dreg:$0x8];
	[sflag:s17] =	ssyncadd.s32 $0xFFFFFB00  }
0xb5: {  	[hbm:s13], [sflag:s10] =	dma.local [spmem:s20], $0x500  }
0xb6: {  	_ =	swait.ge [sflag:s17], $0x500  }
0xb7: {  	[sflag:s17] =	ssyncset.done $0x0  }
0xb8: {  	s14 =	rddreg [dreg:$0x9];
	[sflag:s17] =	ssyncadd.s32 $0xFFFFFB00  }
0xb9: {  	[hbm:s14], [sflag:s10] =	dma.local [spmem:s21], $0x500  }
0xba: {  	_ =	swait.ge [sflag:s17], $0x500  }
0xbb: {  	[sflag:s17] =	ssyncset.done $0x0  }
0xbc: {  	s12 =	rddreg [dreg:$0xa];
	[sflag:s17] =	ssyncadd.s32 $0xFFFFFB00  }
0xbd: {  	[hbm:s12], [sflag:s10] =	dma.local [spmem:s22], $0x500  }
0xbe: {  	_ =	swait.ge [sflag:s17], $0x500  }
0xbf: {  	[sflag:s17] =	ssyncset.done $0x0  }
0xc0: {  	s13 =	rddreg [dreg:$0xb];
	[sflag:s17] =	ssyncadd.s32 $0xFFFFFB00  }
0xc1: {  	[hbm:s13], [sflag:s10] =	dma.local [spmem:s23], $0x500  }
0xc2: {  	_ =	swait.ge [sflag:s17], $0x500  }
0xc3: {  	[sflag:s17] =	ssyncset.done $0x0  }
0xc4: {  	[sflag:s17] =	ssyncadd.s32 $0xFFFFFB00  }
0xc5: {  	[hbm:s15], [sflag:s10] =	dma.local [spmem:s24], $0x500  }
0xc6: {  	_ =	swait.ge [sflag:s17], $0x500  }
0xc7: {  	[sflag:s17] =	ssyncset.done $0x0  }
0xc8: {  	[sflag:s17] =	ssyncadd.s32 $0xFFFFFB00  }
0xc9: {  	[hbm:s16], [sflag:s10] =	dma.local @!p0 [spmem:s25], $0x500  }
0xca: {  	s10 =	simm.s32 @!p0 $0x7  }
0xcb: {  	_ =	swait.ge @!p0 [sflag:s10], $0x500  }
0xcc: {  	s3 =	sadd.s32 $0x1, s3;
	s14 =	rddreg [dreg:$0x5]  }
0xcd: {  	p1 =	sne.s32 s3, s14  }
.Ltmp3:
0xce: {  	_ = 	snop;
	(pc) =	sbr.rel @p1 .LBB2_1-.Ltmp3, $3  }
0xcf: {  	_ =	sdelay $0x1  }
0xd0: {  	[sflag:s10] =	ssyncset.done @!p0 $0x0  }
0xd1: {  	[sflag:s10] =	ssyncadd.s32 @!p0 $0xFFFFFB00  }
0xd2: {  	_ =	sfence.sel $0x180000  }
0xd3: {  	[bflag:$0x0] =	sbarrier.arrive $0xFFFF  }
0xd4: {  	_ =	strace $0x9000004A  }
0xd5: {  	[bflag:$0x2] =	sbarrier.arrive $0xFFFF  }
0xd6: {  	p0 =	sne.s32 s1, $0x0;
	s0 =	rddreg [dreg:$0x2]  }
0xd7: {  	s0 =	sadd.s32 @!p0 $0x100000, s0  }
0xd8: {  	[sflag:s0] =	ssyncadd.tile.s32 @!p0 $0x1;
	_ =	shalt  }
.Lfunc_end2:
_tile_overlayer_lowered:
.L_overlay_start_2:
0xd9: {  	(tag) =	ssettag $0x2  }
0xda: {  	s0 =	rddreg [dreg:$0x0];
	s2 =	stileid.u32  }
0xdb: {  	s1 =	rddreg [dreg:$0x1];
	p0 =	sne.s32 s2, $0x0  }
0xdc: {  	s3 =	rddreg [dreg:$0x2];
	[bflag:$0x3] =	sbarrier.arrive $0xFFFF;
	s2 =	simm.s32 @!p0 $0x1C07  }
0xdd: {  	[timem:s3], [sflag:s2] =	dma.local @!p0 [hbm:s0], s1  }
0xde: {  	s0 =	simm.s32 @!p0 $0x7  }
0xdf: {  	_ =	swait.ge @!p0 [sflag:s0], s1  }
0xe0: {  	s1 =	ssub.s32 @!p0 $0x0, s1;
	[sflag:s0] =	ssyncset.done @!p0 $0x0  }
0xe1: {  	[sflag:s0] =	ssyncadd.s32 @!p0 s1  }
0xe2: {  	[bflag:$0x3] =	sbarrier.arrive $0xFFFF  }
0xe3: {  	_ =	shalt  }

// kernel: kernel.18.cloned.1.call-start
scs
__scs_entry_jumppad:
0x0: {  	(pc) =	sbr.rel $0x88, $3  }
0x1: {  	(tag) =	ssettag $0x0;
	lr =	simm.s32 $0x1  }
0x2: {  	[smem:$0x3F94] =	sst lr;
	_ =	strace $0xD0000000  }
0x3: {  	_ = 	snop  }
0x4: {  	_ = 	snop  }
0x5: {  	_ = 	snop  }
0x6: {  	_ = 	snop  }
0x7: {  	_ = 	snop  }
__scs_overlays_trampoline_lowered:
0x8: {  	[smem:$0x3FA3] =	sst s0  }
0x9: {  	[smem:$0x3FA4] =	sst s1  }
0xa: {  	[smem:$0x3FA5] =	sst s2  }
0xb: {  	[smem:$0x3FA6] =	sst s3  }
0xc: {  	[smem:$0x3FA7] =	sst s4  }
0xd: {  	[smem:$0x3FA8] =	sst s5  }
0xe: {  	[smem:$0x3FA9] =	sst s6  }
0xf: {  	[smem:$0x3FAA] =	sst s7  }
0x10: {  	[smem:$0x3FAB] =	sst s8  }
0x11: {  	[smem:$0x3FAC] =	sst s9;
	s0 =	simm.s32 @!p0 $0x0  }
0x12: {  	s1 =	sld [smem:$0x3F92];
	s0 =	simm.s32 @p0 $0x1  }
0x13: {  	[smem:$0x3FAD] =	sst s0;
	s0 =	simm.s32 @!p1 $0x0  }
0x14: {  	s2 =	sld [smem:$0x3F91];
	s0 =	simm.s32 @p1 $0x1  }
0x15: {  	[smem:$0x3FAE] =	sst s0;
	s0 =	simm.s32 @!p2 $0x0  }
0x16: {  	s3 =	sld [smem:$0x3FDB];
	s0 =	simm.s32 @p2 $0x1  }
0x17: {  	s4 =	simm.s32 $0x1BF5;
	[smem:$0x3FB0] =	sst s0  }
0x18: {  	s0 =	sld [smem:$0x3F93];
	_ =	swait.ge [sflag:s4], $0x0  }
0x19: {  	s7 =	sld [smem:$0x3F94]  }
0x1a: {  	s8 =	sadd.s32 $0xFFFFE003, lr  }
0x1b: {  	s9 =	sadd.s32 $0xFFFFFEF7, lr;
	s5 =	simm.s32 $0xFFFFFFFF;
	p2 =	slt.u32 s8, $0xFFFFF086  }
0x1c: {  	p1 =	slt.u32 s9, $0xF7A;
	s5 =	simm.s32 @!p2 $0x0  }
0x1d: {  	s5 =	simm.s32 @p1 $0x1;
	p0 =	seq.s32 s7, s2  }
0x1e: {  	s7 =	smul.u32 @!p0 $0xF7A, s2;
	p2 =	seq.s32 @!p0 s5, $0x0  }
0x1f: {  	s9 =	smul.u32 $0xF7A, s1;
	s8 =	simm.s32 @!p0 $0x1BF5;
	p2 =	por !p2, p0  }
0x20: {  	[sflag:s8] =	ssyncset.s32 @!p0 $0xFFFFF086;
	s6 =	sadd.s32 @!p0 s3, s7;
	s7 =	simm.s32 @!p0 $0x108  }
0x21: {  	s3 =	sadd.s32 s3, s9;
	s6 =	sadd.s32 @!p0 $0x88, s6;
	s7 =	simm.s32 @p2 $0x1082  }
0x22: {  	[simem:s7], [sflag:s8] =	dma.local @!p0 [hbm:s6], $0xF7A  }
0x23: {  	s9 =	sor.u32 $0xD0000000, s2;
	s6 =	simm.s32 $0x108;
	_ =	swait.ge @!p0 [sflag:s8], $0x0  }
0x24: {  	s3 =	sadd.s32 $0x88, s3;
	s6 =	simm.s32 @!p1 $0x1082;
	[sflag:s4] =	ssyncset.s32 $0xFFFFF086  }
0x25: {  	[simem:s6], [sflag:s4] =	dma.local [hbm:s3], $0xF7A  }
0x26: {  	[smem:$0x3F94] =	sst s1;
	(tag) =	ssettag s2;
	_ =	strace s9  }
0x27: {  	s1 =	sld [smem:$0x3FA4]  }
0x28: {  	s2 =	sld [smem:$0x3FA5]  }
0x29: {  	s4 =	sld [smem:$0x3FA7]  }
0x2a: {  	p0 =	seq.s32 s5, $0x0;
	s5 =	sld [smem:$0x3FA8]  }
0x2b: {  	s6 =	sld [smem:$0x3FA9]  }
0x2c: {  	s7 =	sld [smem:$0x3FAA]  }
0x2d: {  	s3 =	simm.s32 $0x108;
	s8 =	sld [smem:$0x3FAB]  }
0x2e: {  	s3 =	simm.s32 @!p0 $0x1082;
	s9 =	sld [smem:$0x3FAC]  }
0x2f: {  	lr =	sadd.s32 s0, s3;
	s0 =	sld [smem:$0x3FA3]  }
0x30: {  	s3 =	sld [smem:$0x3FA6]  }
0x31: {  	[smem:$0x3FAF] =	sst s10  }
0x32: {  	s10 =	sld [smem:$0x3FAD];
	_ =	sdelay $0x3  }
0x33: {  	p0 =	seq.s32 s10, $0x1;
	s10 =	sld [smem:$0x3FAF];
	_ =	sdelay $0x3  }
0x34: {  	[smem:$0x3FAF] =	sst s10  }
0x35: {  	s10 =	sld [smem:$0x3FAE];
	_ =	sdelay $0x3  }
0x36: {  	p1 =	seq.s32 s10, $0x1;
	s10 =	sld [smem:$0x3FAF];
	_ =	sdelay $0x3  }
0x37: {  	[smem:$0x3FAF] =	sst s10  }
0x38: {  	s10 =	sld [smem:$0x3FB0]  }
0x39: {  	_ = 	snop;
	(pc) =	sbr.ind lr, $3  }
0x3a: {  	_ = 	snop  }
0x3b: {  	_ = 	snop  }
0x3c: {  	p2 =	seq.s32 s10, $0x1;
	s10 =	sld [smem:$0x3FAF]  }
0x3d: {  	_ =	shalt  }
0x3e: {  	_ =	shalt  }
0x3f: {  	_ =	shalt  }
0x40: {  	_ =	shalt  }
0x41: {  	_ =	shalt  }
0x42: {  	_ =	shalt  }
0x43: {  	_ =	shalt  }
0x44: {  	_ =	shalt  }
0x45: {  	_ =	shalt  }
0x46: {  	_ =	shalt  }
0x47: {  	_ =	shalt  }
0x48: {  	_ =	shalt  }
0x49: {  	_ =	shalt  }
0x4a: {  	_ =	shalt  }
0x4b: {  	_ =	shalt  }
0x4c: {  	_ =	shalt  }
0x4d: {  	_ =	shalt  }
0x4e: {  	_ =	shalt  }
0x4f: {  	_ =	shalt  }
0x50: {  	_ =	shalt  }
0x51: {  	_ =	shalt  }
0x52: {  	_ =	shalt  }
0x53: {  	_ =	shalt  }
0x54: {  	_ =	shalt  }
0x55: {  	_ =	shalt  }
0x56: {  	_ =	shalt  }
0x57: {  	_ =	shalt  }
0x58: {  	_ =	shalt  }
0x59: {  	_ =	shalt  }
0x5a: {  	_ =	shalt  }
0x5b: {  	_ =	shalt  }
0x5c: {  	_ =	shalt  }
0x5d: {  	_ =	shalt  }
0x5e: {  	_ =	shalt  }
0x5f: {  	_ =	shalt  }
0x60: {  	_ =	shalt  }
0x61: {  	_ =	shalt  }
0x62: {  	_ =	shalt  }
0x63: {  	_ =	shalt  }
0x64: {  	_ =	shalt  }
0x65: {  	_ =	shalt  }
0x66: {  	_ =	shalt  }
0x67: {  	_ =	shalt  }
0x68: {  	_ =	shalt  }
0x69: {  	_ =	shalt  }
0x6a: {  	_ =	shalt  }
0x6b: {  	_ =	shalt  }
0x6c: {  	_ =	shalt  }
0x6d: {  	_ =	shalt  }
0x6e: {  	_ =	shalt  }
0x6f: {  	_ =	shalt  }
0x70: {  	_ =	shalt  }
0x71: {  	_ =	shalt  }
0x72: {  	_ =	shalt  }
0x73: {  	_ =	shalt  }
0x74: {  	_ =	shalt  }
0x75: {  	_ =	shalt  }
0x76: {  	_ =	shalt  }
0x77: {  	_ =	shalt  }
0x78: {  	_ =	shalt  }
0x79: {  	_ =	shalt  }
0x7a: {  	_ =	shalt  }
0x7b: {  	_ =	shalt  }
0x7c: {  	_ =	shalt  }
0x7d: {  	_ =	shalt  }
0x7e: {  	_ =	shalt  }
0x7f: {  	_ =	shalt  }
0x80: {  	_ =	shalt  }
0x81: {  	_ =	shalt  }
0x82: {  	_ =	shalt  }
0x83: {  	_ =	shalt  }
0x84: {  	_ =	shalt  }
0x85: {  	_ =	shalt  }
0x86: {  	_ =	shalt  }
0x87: {  	_ =	shalt  }
.Lfunc_end0:
.L_simem_size_0:
called_computation.2_lowered:
.L_overlay_start_0:
0x88: {  	s2 =	sld [smem:$0x3FD9]  }
0x89: {  	s3 =	sld [smem:$0x3FFE];
	_ =	sdelay $0x1  }
0x8a: {  	s1 =	srdreg.scid  }
0x8b: {  	s0 =	sand.u32 $0x1, s1  }
0x8c: {  	s16 =	sshll.u32 s0, $0xA;
	s2 =	sadd.s32 s3, s2  }
0x8d: {  	s2 =	sadd.s32 s2, s16  }
0x8e: {  	[smem:$0x3FBB] =	sst s2  }
0x8f: {  	_ = 	snop  }
0x90: {  	(tm) =	ssettm $0x1  }
0x91: {  	s17 =	sld [smem:$0x3FFB];
	_ =	sdelay $0x3  }
0x92: {  	_ =	strace s17  }
0x93: {  	s2 =	sld [smem:$0x3FFC];
	_ =	sdelay $0x3  }
0x94: {  	_ =	strace s2  }
0x95: {  	s2 =	sld [smem:$0x3FFD];
	_ =	sdelay $0x3  }
0x96: {  	_ =	strace s2  }
0x97: {  	_ =	strace $0x8FFFFFFF  }
0x98: {  	s18 =	sld [smem:$0x3FDB];
	_ =	sdelay $0x1  }
0x99: {  	s19 =	simm.s32 $_scs_section_size  }
0x9a: {  	s4 =	simm.s32 $_size__tile_overlayer_lowered;
	s5 =	simm.s32 $_tile_overlayer_lowered  }
0x9b: {  	s22 =	simm.s32 $0x1BFF;
	s21 =	sshll.u32 s5, $0x1;
	s2 =	sadd.s32 s19, s18  }
0x9c: {  	s6 =	simm.s32 $0x0;
	s20 =	sshll.u32 s4, $0x1;
	s4 =	sadd.s32 s21, s2  }
0x9d: {  	[timem:s6], [sflag:s22] =	dma.local [hbm:s4], s20  }
0x9e: {  	_ =	swait.ge [sflag:s22], s20  }
0x9f: {  	s3 =	ssub.s32 $0x0, s20;
	[sflag:s22] =	ssyncset.done $0x0  }
0xa0: {  	[sflag:s22] =	ssyncadd.s32 s3;
	_ =	sdelay $0x1  }
0xa1: {  	s23 =	simm.s32 $0x1B8B  }
0xa2: {  	_ =	swait.ge [sflag:s23], $0x1  }
0xa3: {  	[sflag:s23] =	ssyncset.done $0x0  }
0xa4: {  	s25 =	simm.s32 $0x1B8E;
	s24 =	sld [smem:$0x3FFE];
	[sflag:s23] =	ssyncadd.s32 $0xFFFFFFFF  }
0xa5: {  	s26 =	simm.s32 $execute0_lowered;
	[smem:$0x3FD2] =	sst s25  }
0xa6: {  	s4 =	sshll.u32 s26, $0x1;
	_ =	strace $0x8000004C;
	[dreg:$0x1] =	wrdreg $0xFFFFFFFF  }
0xa7: {  	s28 =	simm.s32 $_size_execute0_lowered;
	s2 =	sadd.s32 s2, s4;
	[dreg:$0x0] =	wrdreg $0x0  }
0xa8: {  	s4 =	sshll.u32 s28, $0x1;
	[dreg:$0x2] =	wrdreg s2  }
0xa9: {  	[dreg:$0x3] =	wrdreg s4  }
0xaa: {  	[dreg:$0x4] =	wrdreg $0xC0  }
0xab: {  	_ =	task [dreg:s6], $0x5FFFF  }
0xac: {  	[dreg:$0x1] =	wrdreg $0xFFFFFFFF  }
0xad: {  	[dreg:$0x0] =	wrdreg $0x60  }
0xae: {  	[dreg:$0x2] =	wrdreg s24  }
0xaf: {  	[dreg:$0x3] =	wrdreg $0xC7000  }
0xb0: {  	[dreg:$0x4] =	wrdreg $0xA  }
0xb1: {  	_ =	task.clear_ibuf [dreg:s6], $0x5FFFF;
	_ =	strace $0x9000004C  }
0xb2: {  	s29 =	simm.s32 $0xA;
	_ =	strace $0x8000004E  }
0xb3: {  	_ =	swait.ge [sflag:s29], $0x1  }
0xb4: {  	[sflag:s29] =	ssyncadd.s32 $0xFFFFFFFF  }
0xb5: {  	_ =	strace $0x9000004E  }
0xb6: {  	_ =	sfence  }
0xb7: {  	s30 =	sld [smem:$0x0];
	_ =	sdelay $0x2  }
0xb8: {  	s31 =	sshll.u32 s1, $0xD;
	s1 =	sshrl.u32 s1, $0x2  }
0xb9: {  	s3 =	sand.u32 $0x4000, s31;
	s1 =	sadd.s32 s1, s30  }
0xba: {  	s0 =	sor.u32 s3, s0;
	s1 =	sshll.u32 s1, $0x11  }
0xbb: {  	s0 =	sor.u32 s1, s0  }
0xbc: {  	s0 =	sadd.s32 $0x8F2B, s0  }
0xbd: {  	[sflag:s0] =	ssyncadd.remote.s32 $0x1  }
0xbe: {  	_ =	sfence.sel $0xFFFF  }
0xbf: {  	[dreg:$0x0] =	wrdreg $0xFFFFFFFF;
	(pc) =	sbr.abs _section_cstart, $3  }
0xc0: {  	[dreg:$0x1] =	wrdreg $0xFFFFFFFF  }
0xc1: {  	_ =	task.clear_ibuf [dreg:s6], $0x2FFFF;
	_ =	strace $0x9FFFFFFF  }
0xc2: {  	(tm) =	ssettm $0x7FFFFFFF  }
0xc3: {  	_ =	shalt  }
tec
execute0_lowered:
.L_overlay_start_1:
0x0: {  	(tag) =	ssettag $0x1  }
0x1: {  	s1 =	stileid.u32  }
0x2: {  	s0 =	srdreg.scid;
	s19 =	smul.u32 $0xA000, s1  }
0x3: {  	s0 =	sand.u32 $0x1, s0;
	s9 =	smul.u32 $0x500, s1  }
0x4: {  	s5 =	rddreg [dreg:$0x0];
	s21 =	sor.u32 $0x10, s1;
	s7 =	smul.u32 $0x27100, s0  }
0x5: {  	s2 =	rddreg [dreg:$0x1];
	s22 =	smul.u32 $0xA000, s21  }
0x6: {  	s3 =	simm.s32 $0x0;
	s23 =	sor.u32 $0x20, s1;
	s10 =	smul.u32 $0x500, s21  }
0x7: {  	s28 =	simm.s32 $0x50;
	s29 =	simm.s32 $0x4F00;
	s24 =	smul.u32 $0xA000, s23  }
0x8: {  	s30 =	simm.s32 $0x7700;
	s25 =	sor.u32 $0x30, s1;
	s11 =	smul.u32 $0x500, s23  }
0x9: {  	s31 =	simm.s32 $0x4;
	[smem:$0x7FF] =	sst s3;
	s12 =	smul.u32 $0xA000, s25  }
0xa: {  	s26 =	sor.u32 $0x40, s1;
	s15 =	sor.u32 $0x50, s1;
	s13 =	smul.u32 $0x500, s25  }
0xb: {  	s17 =	sor.u32 $0x60, s1;
	s4 =	sshll.u32 s0, $0x4;
	s14 =	smul.u32 $0xA000, s26  }
0xc: {  	_ =	strace $0x8000004D;
	s0 =	ssub.s32 $0x2, s0;
	s16 =	smul.u32 $0xA000, s15  }
0xd: {  	s18 =	smul.u32 $0xA000, s17;
	s4 =	sor.u32 s1, s4;
	s8 =	sshrl.u32 s0, $0x1  }
0xe: {  	s6 =	smul.u32 $0x4E2, s4;
	s4 =	sadd.s32 $0x18200, s5;
	s0 =	ssub.s32 s0, s8  }
0xf: {  	s12 =	sshrl.u32 s12, $0x2;
	s14 =	sshrl.u32 s14, $0x2;
	s16 =	sshrl.u32 s16, $0x2  }
0x10: {  	s0 =	smax.u32 s0, $0x1;
	s12 =	sadd.s32 s12, s2;
	s23 =	sadd.s32 s16, s2  }
0x11: {  	s6 =	sadd.s32 s6, s5;
	s5 =	sadd.s32 s7, s5;
	s7 =	sshrl.u32 s19, $0x2  }
0x12: {  	[dreg:$0x5] =	wrdreg s0;
	s19 =	sor.u32 $0x70, s1;
	s23 =	sshrl.u32 s23, $0x3  }
0x13: {  	s20 =	sadd.s32 $0xE400, s6;
	s6 =	sadd.s32 $0x4600, s6;
	s5 =	sadd.s32 $0x3F400, s5  }
0x14: {  	s0 =	sadd.s32 s7, s2;
	s7 =	sshrl.u32 s24, $0x2;
	s21 =	smul.u32 $0xA000, s19  }
0x15: {  	s24 =	sshrl.u32 s18, $0x2;
	p0 =	sgt.u32 s19, $0x7C;
	[dreg:$0x3] =	wrdreg s20  }
0x16: {  	s16 =	smul.u32 $0x500, s19;
	[dreg:$0x4] =	wrdreg s6;
	s6 =	sshrl.u32 s22, $0x2  }
0x17: {  	s7 =	sadd.s32 s7, s2;
	s22 =	sadd.s32 s14, s2;
	s20 =	smul.u32 $0x500, s26  }
0x18: {  	s14 =	smul.u32 $0x500, s15;
	s24 =	sadd.s32 s24, s2;
	s9 =	sadd.s32 s9, s5  }
0x19: {  	s15 =	smul.u32 $0x500, s17;
	s17 =	sadd.s32 s10, s5;
	[dreg:$0x6] =	wrdreg s9  }
0x1a: {  	s26 =	sshll.u32 s1, $0xB;
	s18 =	sadd.s32 s11, s5;
	[dreg:$0x7] =	wrdreg s17  }
0x1b: {  	s19 =	sadd.s32 s13, s5;
	s6 =	sadd.s32 s6, s2;
	[dreg:$0x8] =	wrdreg s18  }
0x1c: {  	s25 =	sshrl.u32 s21, $0x2;
	s8 =	sadd.s32 s26, s2;
	[dreg:$0x9] =	wrdreg s19  }
0x1d: {  	s16 =	sadd.s32 @!p0 s16, s5;
	s17 =	simm.s32 $0x7;
	s18 =	sshrl.u32 s0, $0x3  }
0x1e: {  	s22 =	sshrl.u32 s22, $0x3;
	s24 =	sshrl.u32 s24, $0x3;
	s0 =	simm.s32 $0x9F00  }
0x1f: {  	s9 =	simm.s32 $0x6;
	s25 =	sadd.s32 s25, s2;
	s21 =	sadd.s32 s20, s5  }
0x20: {  	s26 =	sadd.s32 s14, s5;
	s15 =	sadd.s32 s15, s5;
	s19 =	sshrl.u32 s6, $0x3  }
0x21: {  	s20 =	sshrl.u32 s7, $0x3;
	s5 =	simm.s32 $0x2;
	[dreg:$0xa] =	wrdreg s21  }
0x22: {  	s6 =	simm.s32 $0x5;
	s7 =	simm.s32 $0x3;
	[dreg:$0xb] =	wrdreg s26  }
0x23: {  	v0 =	vimm.f32 $0.0e+00;
	s21 =	sshrl.u32 s12, $0x3;
	s25 =	sshrl.u32 @!p0 s25, $0x3;
	s26 =	simm.s32 $0x1  }
.LBB2_1:
0x24: {  	s10 =	simm.s32 $0x0;
	s11 =	simm.s32 $0x200  }
.LBB2_2:
0x25: {  	p1 =	sne.s32 s11, $0x1E00;
	[tilespmem:s10+$0x4F70] =	vst v0  }
0x26: {  	[tilespmem:s10+$0x4F00] =	vst v0  }
0x27: {  	[tilespmem:s10+$0x4F10] =	vst v0  }
.Ltmp0:
0x28: {  	[tilespmem:s10+$0x4F20] =	vst v0;
	(pc) =	sbr.rel @p1 .LBB2_2-.Ltmp0, $4  }
0x29: {  	[tilespmem:s10+$0x4F30] =	vst v0  }
0x2a: {  	[tilespmem:s10+$0x4F40] =	vst v0  }
0x2b: {  	[tilespmem:s10+$0x4F50] =	vst v0  }
0x2c: {  	[tilespmem:s10+$0x4F60] =	vst v0;
	s10 =	sshra.s32 s11, $0x2;
	s11 =	sadd.s32 $0x200, s11  }
0x2d: {  	[tilespmem:s10+$0x4F70] =	vst v0  }
0x2e: {  	[tilespmem:s10+$0x4F00] =	vst v0  }
0x2f: {  	[tilespmem:s10+$0x4F10] =	vst v0  }
0x30: {  	[tilespmem:s10+$0x4F20] =	vst v0  }
0x31: {  	[tilespmem:s10+$0x4F30] =	vst v0  }
0x32: {  	[tilespmem:s10+$0x4F40] =	vst v0;
	s11 =	sadd.s32 $0x0, s1  }
0x33: {  	[tilespmem:s10+$0x4F50] =	vst v0;
	p1 =	sgt.u32 s11, $0x270  }
0x34: {  	[tilespmem:s10+$0x4F60] =	vst v0;
	s10 =	simm.s32 @!p1 $0x4F00;
	s13 =	simm.s32 @!p1 $0x7  }
0x35: {  	[spmem:s8] =	stream.linear.scatter @!p1 [tilespmem:s10], [sflag:$0x7], $0x800, $0x38;
	[tilespmem:$0x1FF80] =	vst v63  }
0x36: {  	s12 =	simm.s32 $0x20;
	_ =	swait.ge @!p1 [sflag:s13], $0x800  }
0x37: {  	s11 =	simm.s32 $0x10;
	s10 =	sadd.s32 $0x8000, s8;
	[sflag:s13] =	ssyncset.done @!p1 $0x0  }
.LBB2_4:
0x38: {  	s14 =	sadd.s32 s11, s1;
	s11 =	smov.u32 s12;
	s12 =	sadd.s32 $0x10, s12  }
0x39: {  	[sflag:s13] =	ssyncadd.s32 @!p1 $0xFFFFF800;
	p2 =	sne.s32 s12, $0x280  }
.Ltmp1:
0x3a: {  	p1 =	sgt.u32 s14, $0x270;
	(pc) =	sbr.rel @p2 .LBB2_4-.Ltmp1, $4  }
0x3b: {  	s14 =	simm.s32 @!p1 $0x4F00;
	s13 =	simm.s32 @!p1 $0x7  }
0x3c: {  	[spmem:s10] =	stream.linear.scatter @!p1 [tilespmem:s14], [sflag:$0x7], $0x800, $0x38;
	[tilespmem:$0x1FF80] =	vst v63  }
0x3d: {  	_ =	swait.ge @!p1 [sflag:s13], $0x800  }
0x3e: {  	s10 =	sadd.s32 $0x8000, s10;
	[sflag:s13] =	ssyncset.done @!p1 $0x0  }
0x3f: {  	s11 =	sadd.s32 s11, s1  }
0x40: {  	p2 =	sgt.u32 s11, $0x270  }
0x41: {  	[sflag:s13] =	ssyncadd.s32 @!p1 $0xFFFFF800;
	s11 =	simm.s32 @!p2 $0x4F00;
	s12 =	simm.s32 @!p2 $0x7  }
0x42: {  	[spmem:s10] =	stream.linear.scatter @!p2 [tilespmem:s11], [sflag:$0x7], $0x800, $0x38;
	[tilespmem:$0x1FF80] =	vst v63  }
0x43: {  	_ =	swait.ge @!p2 [sflag:s12], $0x800  }
0x44: {  	[sflag:s12] =	ssyncset.done @!p2 $0x0  }
0x45: {  	[sflag:s12] =	ssyncadd.s32 @!p2 $0xFFFFF800  }
0x46: {  	[bflag:$0x0] =	sbarrier.arrive $0xFFFF  }
0x47: {  	s10 =	simm.s32 $0x0;
	s12 =	rddreg [dreg:$0x3]  }
0x48: {  	[tilespmem:s10], [sflag:$0x7] =	stream.linear.gather [hbm4b:s12+s10], $0x2710, $0x38;
	[tilespmem:$0x1FF80] =	vst v63  }
0x49: {  	_ =	swait.ge [sflag:s17], $0x2710  }
0x4a: {  	[sflag:s17] =	ssyncset.done $0x0  }
0x4b: {  	s14 =	simm.s32 $0x2780;
	s13 =	rddreg [dreg:$0x4];
	[sflag:s17] =	ssyncadd.s32 $0xFFFFD8F0  }
0x4c: {  	[tilespmem:s14], [sflag:$0x7] =	stream.linear.gather [hbm4b:s13+s10], $0x2710, $0x38;
	[tilespmem:$0x1FF80] =	vst v63  }
0x4d: {  	_ =	swait.ge [sflag:s17], $0x2710  }
0x4e: {  	[sflag:s17] =	ssyncset.done $0x0  }
0x4f: {  	[sflag:s17] =	ssyncadd.s32 $0xFFFFD8F0  }
0x50: {  	[tilespmem:s29], [sflag:$0x1] =	stream.indirect.gather [hbm4b:s4+s28], $0x80, s10, s28, $0xb8;
	[tilespmem:$0x1FF80] =	vst v63  }
0x51: {  	_ = 	snop  }
0x52: {  	[tilespmem:s30], [sflag:$0x2] =	stream.indirect.gather [hbm4b:s4+s28], $0x80, s28, s28, $0xb8;
	[tilespmem:$0x1FF80] =	vst v63  }
0x53: {  	s13 =	simm.s32 $0xA0  }
0x54: {  	[tilespmem:s0], [sflag:$0x3] =	stream.indirect.gather [hbm4b:s4+s28], $0x80, s13, s28, $0xb8;
	[tilespmem:$0x1FF80] =	vst v63  }
0x55: {  	_ =	swait.ge [sflag:s26], $0x2800  }
0x56: {  	[sflag:s26] =	ssyncset.done $0x0  }
0x57: {  	s14 =	simm.s32 $0x2780;
	[sflag:s26] =	ssyncadd.s32 $0xFFFFD800  }
0x58: {  	[spmem:s2] =	stream.indirect.scatter.add.f32 [tilespmem:s29], [sflag:$0x4], $0x80, s14, s28, $0xb8;
	[tilespmem:$0x1FF80] =	vst v63  }
0x59: {  	_ =	swait.ge [sflag:s31], $0x2800  }
0x5a: {  	[sflag:s31] =	ssyncset.done $0x0  }
0x5b: {  	s11 =	simm.s32 $0xF0;
	[sflag:s31] =	ssyncadd.s32 $0xFFFFD800  }
0x5c: {  	[tilespmem:s29], [sflag:$0x1] =	stream.indirect.gather [hbm4b:s4+s28], $0x80, s11, s28, $0xb8;
	[tilespmem:$0x1FF80] =	vst v63  }
0x5d: {  	_ =	swait.ge [sflag:s5], $0x2800  }
0x5e: {  	[sflag:s5] =	ssyncset.done $0x0  }
0x5f: {  	s12 =	simm.s32 $0x27D0;
	[sflag:s5] =	ssyncadd.s32 $0xFFFFD800  }
0x60: {  	[spmem:s2] =	stream.indirect.scatter.add.f32 [tilespmem:s30], [sflag:$0x5], $0x80, s12, s28, $0xb8;
	[tilespmem:$0x1FF80] =	vst v63  }
0x61: {  	_ =	swait.ge [sflag:s6], $0x2800  }
0x62: {  	[sflag:s6] =	ssyncset.done $0x0  }
0x63: {  	s13 =	simm.s32 $0x140;
	[sflag:s6] =	ssyncadd.s32 $0xFFFFD800  }
0x64: {  	[tilespmem:s30], [sflag:$0x2] =	stream.indirect.gather [hbm4b:s4+s28], $0x80, s13, s28, $0xb8;
	[tilespmem:$0x1FF80] =	vst v63  }
0x65: {  	_ =	swait.ge [sflag:s7], $0x2800  }
0x66: {  	[sflag:s7] =	ssyncset.done $0x0  }
0x67: {  	s14 =	simm.s32 $0x2820;
	[sflag:s7] =	ssyncadd.s32 $0xFFFFD800  }
0x68: {  	[spmem:s2] =	stream.indirect.scatter.add.f32 [tilespmem:s0], [sflag:$0x6], $0x80, s14, s28, $0xb8;
	[tilespmem:$0x1FF80] =	vst v63  }
0x69: {  	_ =	swait.ge [sflag:s9], $0x2800  }
0x6a: {  	[sflag:s9] =	ssyncset.done $0x0  }
0x6b: {  	s10 =	simm.s32 $0x3C0;
	s11 =	simm.s32 $0x190;
	[sflag:s9] =	ssyncadd.s32 $0xFFFFD800  }
.LBB2_6:
0x6c: {  	[tilespmem:s0], [sflag:$0x3] =	stream.indirect.gather [hbm4b:s4+s28], $0x80, s11, s28, $0xb8;
	[tilespmem:$0x1FF80] =	vst v63  }
0x6d: {  	s11 =	smov.u32 s10  }
0x6e: {  	p1 =	sne.s32 s10, $0x9240;
	s10 =	sadd.s32 $0x3C0, s10;
	_ =	swait.ge [sflag:s26], $0x2800  }
0x6f: {  	s11 =	sshra.s32 s11, $0x2;
	[sflag:s26] =	ssyncset.done $0x0  }
0x70: {  	s12 =	sadd.s32 $0x2780, s11;
	[sflag:s26] =	ssyncadd.s32 $0xFFFFD800  }
0x71: {  	[spmem:s2] =	stream.indirect.scatter.add.f32 [tilespmem:s29], [sflag:$0x4], $0x80, s12, s28, $0xb8;
	[tilespmem:$0x1FF80] =	vst v63  }
0x72: {  	_ =	swait.ge [sflag:s31], $0x2800  }
0x73: {  	[sflag:s31] =	ssyncset.done $0x0  }
0x74: {  	s12 =	sadd.s32 $0xF0, s11;
	[sflag:s31] =	ssyncadd.s32 $0xFFFFD800  }
0x75: {  	[tilespmem:s29], [sflag:$0x1] =	stream.indirect.gather [hbm4b:s4+s28], $0x80, s12, s28, $0xb8;
	[tilespmem:$0x1FF80] =	vst v63  }
0x76: {  	_ =	swait.ge [sflag:s5], $0x2800  }
0x77: {  	[sflag:s5] =	ssyncset.done $0x0  }
0x78: {  	s12 =	sadd.s32 $0x27D0, s11;
	[sflag:s5] =	ssyncadd.s32 $0xFFFFD800  }
0x79: {  	[spmem:s2] =	stream.indirect.scatter.add.f32 [tilespmem:s30], [sflag:$0x5], $0x80, s12, s28, $0xb8;
	[tilespmem:$0x1FF80] =	vst v63  }
0x7a: {  	_ =	swait.ge [sflag:s6], $0x2800  }
0x7b: {  	[sflag:s6] =	ssyncset.done $0x0  }
0x7c: {  	s12 =	sadd.s32 $0x140, s11;
	[sflag:s6] =	ssyncadd.s32 $0xFFFFD800  }
0x7d: {  	[tilespmem:s30], [sflag:$0x2] =	stream.indirect.gather [hbm4b:s4+s28], $0x80, s12, s28, $0xb8;
	[tilespmem:$0x1FF80] =	vst v63  }
0x7e: {  	_ =	swait.ge [sflag:s7], $0x2800  }
0x7f: {  	[sflag:s7] =	ssyncset.done $0x0  }
.Ltmp2:
0x80: {  	s12 =	sadd.s32 $0x2820, s11;
	[sflag:s7] =	ssyncadd.s32 $0xFFFFD800;
	(pc) =	sbr.rel @p1 .LBB2_6-.Ltmp2, $4  }
0x81: {  	[spmem:s2] =	stream.indirect.scatter.add.f32 [tilespmem:s0], [sflag:$0x6], $0x80, s12, s28, $0xb8;
	[tilespmem:$0x1FF80] =	vst v63  }
0x82: {  	_ =	swait.ge [sflag:s9], $0x2800  }
0x83: {  	[sflag:s9] =	ssyncset.done $0x0  }
0x84: {  	s11 =	sadd.s32 $0x190, s11;
	[sflag:s9] =	ssyncadd.s32 $0xFFFFD800  }
0x85: {  	[tilespmem:s0], [sflag:$0x3] =	stream.indirect.gather [hbm4b:s4+s28], $0x80, s11, s28, $0xb8;
	[tilespmem:$0x1FF80] =	vst v63  }
0x86: {  	_ =	swait.ge [sflag:s26], $0x2800  }
0x87: {  	[sflag:s26] =	ssyncset.done $0x0  }
0x88: {  	s10 =	simm.s32 $0x4D00;
	[sflag:s26] =	ssyncadd.s32 $0xFFFFD800  }
0x89: {  	[spmem:s2] =	stream.indirect.scatter.add.f32 [tilespmem:s29], [sflag:$0x4], $0x80, s10, s28, $0xb8;
	[tilespmem:$0x1FF80] =	vst v63  }
0x8a: {  	_ =	swait.ge [sflag:s31], $0x2800  }
0x8b: {  	[sflag:s31] =	ssyncset.done $0x0  }
0x8c: {  	s11 =	simm.s32 $0x2670;
	[sflag:s31] =	ssyncadd.s32 $0xFFFFD800  }
0x8d: {  	[tilespmem:s29], [sflag:$0x1] =	stream.indirect.gather [hbm4b:s4+s28], $0x80, s11, s28, $0xb8;
	[tilespmem:$0x1FF80] =	vst v63  }
0x8e: {  	_ =	swait.ge [sflag:s5], $0x2800  }
0x8f: {  	[sflag:s5] =	ssyncset.done $0x0  }
0x90: {  	s12 =	simm.s32 $0x4D50;
	[sflag:s5] =	ssyncadd.s32 $0xFFFFD800  }
0x91: {  	[spmem:s2] =	stream.indirect.scatter.add.f32 [tilespmem:s30], [sflag:$0x5], $0x80, s12, s28, $0xb8;
	[tilespmem:$0x1FF80] =	vst v63  }
0x92: {  	_ =	swait.ge [sflag:s6], $0x2800  }
0x93: {  	[sflag:s6] =	ssyncset.done $0x0  }
0x94: {  	s13 =	simm.s32 $0x26C0;
	[sflag:s6] =	ssyncadd.s32 $0xFFFFD800  }
0x95: {  	[tilespmem:s30], [sflag:$0x2] =	stream.indirect.gather [hbm4b:s4+s28], $0x80, s13, s28, $0xb8;
	[tilespmem:$0x1FF80] =	vst v63  }
0x96: {  	_ =	swait.ge [sflag:s7], $0x2800  }
0x97: {  	[sflag:s7] =	ssyncset.done $0x0  }
0x98: {  	s14 =	simm.s32 $0x4DA0;
	[sflag:s7] =	ssyncadd.s32 $0xFFFFD800  }
0x99: {  	[spmem:s2] =	stream.indirect.scatter.add.f32 [tilespmem:s0], [sflag:$0x6], $0x80, s14, s28, $0xb8;
	[tilespmem:$0x1FF80] =	vst v63  }
0x9a: {  	_ =	swait.ge [sflag:s26], $0x2800  }
0x9b: {  	[sflag:s26] =	ssyncset.done $0x0  }
0x9c: {  	s11 =	simm.s32 $0x4DF0;
	[sflag:s26] =	ssyncadd.s32 $0xFFFFD800  }
0x9d: {  	[spmem:s2] =	stream.indirect.scatter.add.f32 [tilespmem:s29], [sflag:$0x4], $0x80, s11, s28, $0xb8;
	[tilespmem:$0x1FF80] =	vst v63  }
0x9e: {  	_ =	swait.ge [sflag:s5], $0x2800  }
0x9f: {  	[sflag:s5] =	ssyncset.done $0x0  }
0xa0: {  	s12 =	simm.s32 $0x4E40;
	[sflag:s5] =	ssyncadd.s32 $0xFFFFD800  }
0xa1: {  	[spmem:s2] =	stream.indirect.scatter.add.f32 [tilespmem:s30], [sflag:$0x5], $0x80, s12, s28, $0xb8;
	[tilespmem:$0x1FF80] =	vst v63  }
0xa2: {  	_ =	swait.ge [sflag:s31], $0x2800  }
0xa3: {  	[sflag:s31] =	ssyncset.done $0x0  }
0xa4: {  	[sflag:s31] =	ssyncadd.s32 $0xFFFFD800  }
0xa5: {  	_ =	swait.ge [sflag:s6], $0x2800  }
0xa6: {  	[sflag:s6] =	ssyncset.done $0x0  }
0xa7: {  	[sflag:s6] =	ssyncadd.s32 $0xFFFFD800  }
0xa8: {  	_ =	swait.ge [sflag:s9], $0x2800  }
0xa9: {  	[sflag:s9] =	ssyncset.done $0x0  }
0xaa: {  	[sflag:s9] =	ssyncadd.s32 $0xFFFFD800  }
0xab: {  	s13 =	sshll.u32 s1, $0x6;
	[bflag:$0x0] =	sbarrier.arrive $0xFFFF  }
0xac: {  	s10 =	sor.u32 $0x1C07, s13;
	s14 =	rddreg [dreg:$0x6]  }
0xad: {  	[hbm:s14], [sflag:s10] =	dma.local [spmem:s18], $0x500  }
0xae: {  	_ =	swait.ge [sflag:s17], $0x500  }
0xaf: {  	[sflag:s17] =	ssyncset.done $0x0  }
0xb0: {  	s12 =	rddreg [dreg:$0x7];
	[sflag:s17] =	ssyncadd.s32 $0xFFFFFB00  }
0xb1: {  	[hbm:s12], [sflag:s10] =	dma.local [spmem:s19], $0x500  }
0xb2: {  	_ =	swait.ge [sflag:s17], $0x500  }
0xb3: {  	[sflag:s17] =	ssyncset.done $0x0  }
0xb4: {  	s13 =	rddreg [dreg:$0x8];
	[sflag:s17] =	ssyncadd.s32 $0xFFFFFB00  }
0xb5: {  	[hbm:s13], [sflag:s10] =	dma.local [spmem:s20], $0x500  }
0xb6: {  	_ =	swait.ge [sflag:s17], $0x500  }
0xb7: {  	[sflag:s17] =	ssyncset.done $0x0  }
0xb8: {  	s14 =	rddreg [dreg:$0x9];
	[sflag:s17] =	ssyncadd.s32 $0xFFFFFB00  }
0xb9: {  	[hbm:s14], [sflag:s10] =	dma.local [spmem:s21], $0x500  }
0xba: {  	_ =	swait.ge [sflag:s17], $0x500  }
0xbb: {  	[sflag:s17] =	ssyncset.done $0x0  }
0xbc: {  	s12 =	rddreg [dreg:$0xa];
	[sflag:s17] =	ssyncadd.s32 $0xFFFFFB00  }
0xbd: {  	[hbm:s12], [sflag:s10] =	dma.local [spmem:s22], $0x500  }
0xbe: {  	_ =	swait.ge [sflag:s17], $0x500  }
0xbf: {  	[sflag:s17] =	ssyncset.done $0x0  }
0xc0: {  	s13 =	rddreg [dreg:$0xb];
	[sflag:s17] =	ssyncadd.s32 $0xFFFFFB00  }
0xc1: {  	[hbm:s13], [sflag:s10] =	dma.local [spmem:s23], $0x500  }
0xc2: {  	_ =	swait.ge [sflag:s17], $0x500  }
0xc3: {  	[sflag:s17] =	ssyncset.done $0x0  }
0xc4: {  	[sflag:s17] =	ssyncadd.s32 $0xFFFFFB00  }
0xc5: {  	[hbm:s15], [sflag:s10] =	dma.local [spmem:s24], $0x500  }
0xc6: {  	_ =	swait.ge [sflag:s17], $0x500  }
0xc7: {  	[sflag:s17] =	ssyncset.done $0x0  }
0xc8: {  	[sflag:s17] =	ssyncadd.s32 $0xFFFFFB00  }
0xc9: {  	[hbm:s16], [sflag:s10] =	dma.local @!p0 [spmem:s25], $0x500  }
0xca: {  	s10 =	simm.s32 @!p0 $0x7  }
0xcb: {  	_ =	swait.ge @!p0 [sflag:s10], $0x500  }
0xcc: {  	s3 =	sadd.s32 $0x1, s3;
	s14 =	rddreg [dreg:$0x5]  }
0xcd: {  	p1 =	sne.s32 s3, s14  }
.Ltmp3:
0xce: {  	_ = 	snop;
	(pc) =	sbr.rel @p1 .LBB2_1-.Ltmp3, $3  }
0xcf: {  	_ =	sdelay $0x1  }
0xd0: {  	[sflag:s10] =	ssyncset.done @!p0 $0x0  }
0xd1: {  	[sflag:s10] =	ssyncadd.s32 @!p0 $0xFFFFFB00  }
0xd2: {  	_ =	sfence.sel $0x180000  }
0xd3: {  	[bflag:$0x0] =	sbarrier.arrive $0xFFFF  }
0xd4: {  	_ =	strace $0x9000004D  }
0xd5: {  	[bflag:$0x2] =	sbarrier.arrive $0xFFFF  }
0xd6: {  	p0 =	sne.s32 s1, $0x0;
	s0 =	rddreg [dreg:$0x2]  }
0xd7: {  	s0 =	sadd.s32 @!p0 $0x100000, s0  }
0xd8: {  	[sflag:s0] =	ssyncadd.tile.s32 @!p0 $0x1;
	_ =	shalt  }
.Lfunc_end2:
_tile_overlayer_lowered:
.L_overlay_start_2:
0xd9: {  	(tag) =	ssettag $0x2  }
0xda: {  	s0 =	rddreg [dreg:$0x0];
	s2 =	stileid.u32  }
0xdb: {  	s1 =	rddreg [dreg:$0x1];
	p0 =	sne.s32 s2, $0x0  }
0xdc: {  	s3 =	rddreg [dreg:$0x2];
	[bflag:$0x3] =	sbarrier.arrive $0xFFFF;
	s2 =	simm.s32 @!p0 $0x1C07  }
0xdd: {  	[timem:s3], [sflag:s2] =	dma.local @!p0 [hbm:s0], s1  }
0xde: {  	s0 =	simm.s32 @!p0 $0x7  }
0xdf: {  	_ =	swait.ge @!p0 [sflag:s0], s1  }
0xe0: {  	s1 =	ssub.s32 @!p0 $0x0, s1;
	[sflag:s0] =	ssyncset.done @!p0 $0x0  }
0xe1: {  	[sflag:s0] =	ssyncadd.s32 @!p0 s1  }
0xe2: {  	[bflag:$0x3] =	sbarrier.arrive $0xFFFF  }
0xe3: {  	_ =	shalt  }

// kernel: kernel.21.cloned.1.call-start
scs
__scs_entry_jumppad:
0x0: {  	(pc) =	sbr.rel $0x88, $3  }
0x1: {  	(tag) =	ssettag $0x0;
	lr =	simm.s32 $0x1  }
0x2: {  	[smem:$0x3F94] =	sst lr;
	_ =	strace $0xD0000000  }
0x3: {  	_ = 	snop  }
0x4: {  	_ = 	snop  }
0x5: {  	_ = 	snop  }
0x6: {  	_ = 	snop  }
0x7: {  	_ = 	snop  }
__scs_overlays_trampoline_lowered:
0x8: {  	[smem:$0x3FA3] =	sst s0  }
0x9: {  	[smem:$0x3FA4] =	sst s1  }
0xa: {  	[smem:$0x3FA5] =	sst s2  }
0xb: {  	[smem:$0x3FA6] =	sst s3  }
0xc: {  	[smem:$0x3FA7] =	sst s4  }
0xd: {  	[smem:$0x3FA8] =	sst s5  }
0xe: {  	[smem:$0x3FA9] =	sst s6  }
0xf: {  	[smem:$0x3FAA] =	sst s7  }
0x10: {  	[smem:$0x3FAB] =	sst s8  }
0x11: {  	[smem:$0x3FAC] =	sst s9;
	s0 =	simm.s32 @!p0 $0x0  }
0x12: {  	s1 =	sld [smem:$0x3F92];
	s0 =	simm.s32 @p0 $0x1  }
0x13: {  	[smem:$0x3FAD] =	sst s0;
	s0 =	simm.s32 @!p1 $0x0  }
0x14: {  	s2 =	sld [smem:$0x3F91];
	s0 =	simm.s32 @p1 $0x1  }
0x15: {  	[smem:$0x3FAE] =	sst s0;
	s0 =	simm.s32 @!p2 $0x0  }
0x16: {  	s3 =	sld [smem:$0x3FDB];
	s0 =	simm.s32 @p2 $0x1  }
0x17: {  	s4 =	simm.s32 $0x1BF5;
	[smem:$0x3FB0] =	sst s0  }
0x18: {  	s0 =	sld [smem:$0x3F93];
	_ =	swait.ge [sflag:s4], $0x0  }
0x19: {  	s7 =	sld [smem:$0x3F94]  }
0x1a: {  	s8 =	sadd.s32 $0xFFFFE003, lr  }
0x1b: {  	s9 =	sadd.s32 $0xFFFFFEF7, lr;
	s5 =	simm.s32 $0xFFFFFFFF;
	p2 =	slt.u32 s8, $0xFFFFF086  }
0x1c: {  	p1 =	slt.u32 s9, $0xF7A;
	s5 =	simm.s32 @!p2 $0x0  }
0x1d: {  	s5 =	simm.s32 @p1 $0x1;
	p0 =	seq.s32 s7, s2  }
0x1e: {  	s7 =	smul.u32 @!p0 $0xF7A, s2;
	p2 =	seq.s32 @!p0 s5, $0x0  }
0x1f: {  	s9 =	smul.u32 $0xF7A, s1;
	s8 =	simm.s32 @!p0 $0x1BF5;
	p2 =	por !p2, p0  }
0x20: {  	[sflag:s8] =	ssyncset.s32 @!p0 $0xFFFFF086;
	s6 =	sadd.s32 @!p0 s3, s7;
	s7 =	simm.s32 @!p0 $0x108  }
0x21: {  	s3 =	sadd.s32 s3, s9;
	s6 =	sadd.s32 @!p0 $0x88, s6;
	s7 =	simm.s32 @p2 $0x1082  }
0x22: {  	[simem:s7], [sflag:s8] =	dma.local @!p0 [hbm:s6], $0xF7A  }
0x23: {  	s9 =	sor.u32 $0xD0000000, s2;
	s6 =	simm.s32 $0x108;
	_ =	swait.ge @!p0 [sflag:s8], $0x0  }
0x24: {  	s3 =	sadd.s32 $0x88, s3;
	s6 =	simm.s32 @!p1 $0x1082;
	[sflag:s4] =	ssyncset.s32 $0xFFFFF086  }
0x25: {  	[simem:s6], [sflag:s4] =	dma.local [hbm:s3], $0xF7A  }
0x26: {  	[smem:$0x3F94] =	sst s1;
	(tag) =	ssettag s2;
	_ =	strace s9  }
0x27: {  	s1 =	sld [smem:$0x3FA4]  }
0x28: {  	s2 =	sld [smem:$0x3FA5]  }
0x29: {  	s4 =	sld [smem:$0x3FA7]  }
0x2a: {  	p0 =	seq.s32 s5, $0x0;
	s5 =	sld [smem:$0x3FA8]  }
0x2b: {  	s6 =	sld [smem:$0x3FA9]  }
0x2c: {  	s7 =	sld [smem:$0x3FAA]  }
0x2d: {  	s3 =	simm.s32 $0x108;
	s8 =	sld [smem:$0x3FAB]  }
0x2e: {  	s3 =	simm.s32 @!p0 $0x1082;
	s9 =	sld [smem:$0x3FAC]  }
0x2f: {  	lr =	sadd.s32 s0, s3;
	s0 =	sld [smem:$0x3FA3]  }
0x30: {  	s3 =	sld [smem:$0x3FA6]  }
0x31: {  	[smem:$0x3FAF] =	sst s10  }
0x32: {  	s10 =	sld [smem:$0x3FAD];
	_ =	sdelay $0x3  }
0x33: {  	p0 =	seq.s32 s10, $0x1;
	s10 =	sld [smem:$0x3FAF];
	_ =	sdelay $0x3  }
0x34: {  	[smem:$0x3FAF] =	sst s10  }
0x35: {  	s10 =	sld [smem:$0x3FAE];
	_ =	sdelay $0x3  }
0x36: {  	p1 =	seq.s32 s10, $0x1;
	s10 =	sld [smem:$0x3FAF];
	_ =	sdelay $0x3  }
0x37: {  	[smem:$0x3FAF] =	sst s10  }
0x38: {  	s10 =	sld [smem:$0x3FB0]  }
0x39: {  	_ = 	snop;
	(pc) =	sbr.ind lr, $3  }
0x3a: {  	_ = 	snop  }
0x3b: {  	_ = 	snop  }
0x3c: {  	p2 =	seq.s32 s10, $0x1;
	s10 =	sld [smem:$0x3FAF]  }
0x3d: {  	_ =	shalt  }
0x3e: {  	_ =	shalt  }
0x3f: {  	_ =	shalt  }
0x40: {  	_ =	shalt  }
0x41: {  	_ =	shalt  }
0x42: {  	_ =	shalt  }
0x43: {  	_ =	shalt  }
0x44: {  	_ =	shalt  }
0x45: {  	_ =	shalt  }
0x46: {  	_ =	shalt  }
0x47: {  	_ =	shalt  }
0x48: {  	_ =	shalt  }
0x49: {  	_ =	shalt  }
0x4a: {  	_ =	shalt  }
0x4b: {  	_ =	shalt  }
0x4c: {  	_ =	shalt  }
0x4d: {  	_ =	shalt  }
0x4e: {  	_ =	shalt  }
0x4f: {  	_ =	shalt  }
0x50: {  	_ =	shalt  }
0x51: {  	_ =	shalt  }
0x52: {  	_ =	shalt  }
0x53: {  	_ =	shalt  }
0x54: {  	_ =	shalt  }
0x55: {  	_ =	shalt  }
0x56: {  	_ =	shalt  }
0x57: {  	_ =	shalt  }
0x58: {  	_ =	shalt  }
0x59: {  	_ =	shalt  }
0x5a: {  	_ =	shalt  }
0x5b: {  	_ =	shalt  }
0x5c: {  	_ =	shalt  }
0x5d: {  	_ =	shalt  }
0x5e: {  	_ =	shalt  }
0x5f: {  	_ =	shalt  }
0x60: {  	_ =	shalt  }
0x61: {  	_ =	shalt  }
0x62: {  	_ =	shalt  }
0x63: {  	_ =	shalt  }
0x64: {  	_ =	shalt  }
0x65: {  	_ =	shalt  }
0x66: {  	_ =	shalt  }
0x67: {  	_ =	shalt  }
0x68: {  	_ =	shalt  }
0x69: {  	_ =	shalt  }
0x6a: {  	_ =	shalt  }
0x6b: {  	_ =	shalt  }
0x6c: {  	_ =	shalt  }
0x6d: {  	_ =	shalt  }
0x6e: {  	_ =	shalt  }
0x6f: {  	_ =	shalt  }
0x70: {  	_ =	shalt  }
0x71: {  	_ =	shalt  }
0x72: {  	_ =	shalt  }
0x73: {  	_ =	shalt  }
0x74: {  	_ =	shalt  }
0x75: {  	_ =	shalt  }
0x76: {  	_ =	shalt  }
0x77: {  	_ =	shalt  }
0x78: {  	_ =	shalt  }
0x79: {  	_ =	shalt  }
0x7a: {  	_ =	shalt  }
0x7b: {  	_ =	shalt  }
0x7c: {  	_ =	shalt  }
0x7d: {  	_ =	shalt  }
0x7e: {  	_ =	shalt  }
0x7f: {  	_ =	shalt  }
0x80: {  	_ =	shalt  }
0x81: {  	_ =	shalt  }
0x82: {  	_ =	shalt  }
0x83: {  	_ =	shalt  }
0x84: {  	_ =	shalt  }
0x85: {  	_ =	shalt  }
0x86: {  	_ =	shalt  }
0x87: {  	_ =	shalt  }
.Lfunc_end0:
.L_simem_size_0:
called_computation.3_lowered:
.L_overlay_start_0:
0x88: {  	s2 =	sld [smem:$0x3FD9]  }
0x89: {  	s3 =	sld [smem:$0x3FFE];
	_ =	sdelay $0x1  }
0x8a: {  	s1 =	srdreg.scid  }
0x8b: {  	s0 =	sand.u32 $0x1, s1  }
0x8c: {  	s15 =	sshll.u32 s0, $0xA;
	s2 =	sadd.s32 s3, s2  }
0x8d: {  	s2 =	sadd.s32 s2, s15  }
0x8e: {  	[smem:$0x3FBB] =	sst s2  }
0x8f: {  	_ = 	snop  }
0x90: {  	s2 =	sld [smem:$0x3FD0];
	_ =	sdelay $0x2  }
0x91: {  	s5 =	simm.s32 $0xB;
	s16 =	simm.s32 $0x10  }
0x92: {  	[smem:s16], [sflag:s5] =	dma.local [hbm:s2], $0x1  }
0x93: {  	_ =	swait.eq [sflag:s5], $0x1  }
0x94: {  	s4 =	sld [smem:$0x10];
	[sflag:s5] =	ssyncset.done $0x0  }
0x95: {  	s17 =	sld [smem:$0x11];
	[sflag:s5] =	ssyncadd.s32 $0xFFFFFFFF  }
0x96: {  	s18 =	sld [smem:$0x12];
	(tm) =	ssettm $0x1  }
0x97: {  	s19 =	sld [smem:$0x3FFB];
	_ =	sdelay $0x3  }
0x98: {  	_ =	strace s19  }
0x99: {  	s2 =	sld [smem:$0x3FFC];
	_ =	sdelay $0x3  }
0x9a: {  	_ =	strace s2  }
0x9b: {  	s2 =	sld [smem:$0x3FFD];
	_ =	sdelay $0x3  }
0x9c: {  	_ =	strace s2  }
0x9d: {  	_ =	strace $0x8FFFFFFF  }
0x9e: {  	s20 =	sld [smem:$0x3FDB];
	_ =	sdelay $0x1  }
0x9f: {  	s6 =	simm.s32 $_scs_section_size  }
0xa0: {  	s7 =	simm.s32 $_size__tile_overlayer_lowered;
	s8 =	simm.s32 $_tile_overlayer_lowered  }
0xa1: {  	s9 =	simm.s32 $0x1BFF;
	s21 =	sshll.u32 s8, $0x1;
	s6 =	sadd.s32 s6, s20  }
0xa2: {  	s22 =	simm.s32 $0x0;
	s7 =	sshll.u32 s7, $0x1;
	s8 =	sadd.s32 s21, s6  }
0xa3: {  	[timem:s22], [sflag:s9] =	dma.local [hbm:s8], s7  }
0xa4: {  	_ =	swait.ge [sflag:s9], s7  }
0xa5: {  	s7 =	ssub.s32 $0x0, s7;
	[sflag:s9] =	ssyncset.done $0x0  }
0xa6: {  	[sflag:s9] =	ssyncadd.s32 s7;
	_ =	sdelay $0x1  }
0xa7: {  	s23 =	simm.s32 $0x1B8B  }
0xa8: {  	_ =	swait.ge [sflag:s23], $0x1  }
0xa9: {  	[sflag:s23] =	ssyncset.done $0x0  }
0xaa: {  	[sflag:s23] =	ssyncadd.s32 $0xFFFFFFFF  }
0xab: {  	s7 =	sld [smem:$0x0]  }
0xac: {  	s8 =	sand.u32 $0xFFFFFFFE, s1  }
0xad: {  	p0 =	sne.s32 s1, s8  }
0xae: {  	s8 =	sshll.u32 @p0 s8, $0xE  }
0xaf: {  	s8 =	sadd.s32 @p0 $0x11B8D, s8;
	s9 =	sshll.u32 @p0 s7, $0x11  }
0xb0: {  	s8 =	sor.u32 @p0 s9, s8  }
0xb1: {  	[sflag:s8] =	ssyncadd.remote.s32 @p0 $0x1;
	_ =	sdelay $0x1  }
0xb2: {  	s8 =	simm.s32 @p0 $0x1B8D  }
0xb3: {  	_ =	swait.eq @p0 [sflag:s8], $0x1  }
0xb4: {  	[sflag:s8] =	ssyncadd.s32 @p0 $0xFFFFFFFF  }
0xb5: {  	s9 =	sshll.u32 @!p0 s1, $0xE  }
0xb6: {  	s9 =	sor.u32 @!p0 $0x4000, s9;
	s8 =	simm.s32 @!p0 $0x1B8D  }
0xb7: {  	s7 =	sshll.u32 @!p0 s7, $0x11;
	s9 =	sadd.s32 @!p0 $0x11B8D, s9;
	_ =	swait.eq @!p0 [sflag:s8], $0x1  }
0xb8: {  	s7 =	sor.u32 @!p0 s7, s9;
	[sflag:s8] =	ssyncadd.s32 @!p0 $0xFFFFFFFF  }
0xb9: {  	s25 =	simm.s32 $0x1B8E;
	s24 =	sld [smem:$0x3FFE];
	[sflag:s7] =	ssyncadd.remote.s32 @!p0 $0x1  }
0xba: {  	s26 =	simm.s32 $execute0_lowered;
	[smem:$0x3FD2] =	sst s25  }
0xbb: {  	s8 =	sshll.u32 s26, $0x1;
	_ =	strace $0x8000004F;
	[dreg:$0x1] =	wrdreg $0xFFFFFFFF  }
0xbc: {  	s28 =	simm.s32 $_size_execute0_lowered;
	s6 =	sadd.s32 s6, s8;
	[dreg:$0x0] =	wrdreg $0x0  }
0xbd: {  	s8 =	sshll.u32 s28, $0x1;
	[dreg:$0x2] =	wrdreg s6  }
0xbe: {  	[dreg:$0x3] =	wrdreg s8  }
0xbf: {  	[dreg:$0x4] =	wrdreg $0xC0  }
0xc0: {  	_ =	task [dreg:s22], $0x5FFFF  }
0xc1: {  	[dreg:$0x1] =	wrdreg $0xFFFFFFFF  }
0xc2: {  	[dreg:$0x0] =	wrdreg $0x60  }
0xc3: {  	[dreg:$0x2] =	wrdreg s4  }
0xc4: {  	[dreg:$0x3] =	wrdreg s24  }
0xc5: {  	[dreg:$0x4] =	wrdreg s18  }
0xc6: {  	[dreg:$0x5] =	wrdreg s17  }
0xc7: {  	[dreg:$0x6] =	wrdreg $0x101000  }
0xc8: {  	[dreg:$0x7] =	wrdreg $0x9  }
0xc9: {  	_ =	task.clear_ibuf [dreg:s22], $0x8FFFF;
	_ =	strace $0x9000004F  }
0xca: {  	s29 =	simm.s32 $0x9;
	_ =	strace $0x80000051  }
0xcb: {  	_ =	swait.ge [sflag:s29], $0x1  }
0xcc: {  	[sflag:s29] =	ssyncadd.s32 $0xFFFFFFFF  }
0xcd: {  	_ =	strace $0x90000051  }
0xce: {  	_ =	sfence  }
0xcf: {  	s30 =	sld [smem:$0x0];
	_ =	sdelay $0x2  }
0xd0: {  	s31 =	sshll.u32 s1, $0xD;
	s1 =	sshrl.u32 s1, $0x2  }
0xd1: {  	s4 =	sand.u32 $0x4000, s31;
	s1 =	sadd.s32 s1, s30  }
0xd2: {  	s0 =	sor.u32 s4, s0;
	s1 =	sshll.u32 s1, $0x11  }
0xd3: {  	s0 =	sor.u32 s1, s0  }
0xd4: {  	s0 =	sadd.s32 $0x8F2B, s0  }
0xd5: {  	[sflag:s0] =	ssyncadd.remote.s32 $0x1  }
0xd6: {  	_ =	sfence.sel $0xFFFF  }
0xd7: {  	[dreg:$0x0] =	wrdreg $0xFFFFFFFF;
	(pc) =	sbr.abs _section_cstart, $3  }
0xd8: {  	[dreg:$0x1] =	wrdreg $0xFFFFFFFF  }
0xd9: {  	_ =	task.clear_ibuf [dreg:s22], $0x2FFFF;
	_ =	strace $0x9FFFFFFF  }
0xda: {  	(tm) =	ssettm $0x7FFFFFFF  }
0xdb: {  	_ =	shalt  }
tec
execute0_lowered:
.L_overlay_start_1:
0x0: {  	(tag) =	ssettag $0x1  }
0x1: {  	s0 =	rddreg [dreg:$0x0]  }
0x2: {  	s1 =	rddreg [dreg:$0x1]  }
0x3: {  	s6 =	rddreg [dreg:$0x2];
	s2 =	srdreg.scid  }
0x4: {  	s7 =	rddreg [dreg:$0x3];
	s12 =	stileid.u32  }
0x5: {  	s3 =	simm.s32 $0x0;
	s18 =	simm.s32 $0x2000;
	s19 =	simm.s32 $0x8  }
0x6: {  	s20 =	simm.s32 $0xE000;
	s21 =	simm.s32 $0xE080;
	s22 =	simm.s32 $0x40  }
0x7: {  	s29 =	simm.s32 $0x80;
	s30 =	simm.s32 $0x6000;
	s28 =	simm.s32 $0x4  }
0x8: {  	s31 =	simm.s32 $0x2;
	s5 =	sand.u32 $0x1, s2;
	s2 =	rddreg [dreg:$0x4]  }
0x9: {  	[smem:$0x7FF] =	sst s3;
	s23 =	sshll.u32 s12, $0xB;
	s24 =	sshll.u32 s12, $0xE  }
0xa: {  	s4 =	sshll.u32 s5, $0x4;
	_ =	strace $0x80000050;
	s11 =	sshll.u32 s5, $0xF  }
0xb: {  	s5 =	ssub.s32 $0x2, s5;
	s8 =	sor.u32 s12, s4;
	s4 =	sadd.s32 $0x214000, s1  }
0xc: {  	s25 =	sshrl.u32 s5, $0x1;
	s9 =	sshll.u32 s8, $0x3;
	s8 =	sshll.u32 s8, $0x9  }
0xd: {  	s10 =	sadd.s32 s9, s1;
	s1 =	sadd.s32 s11, s1;
	s11 =	ssub.s32 s5, s25  }
0xe: {  	s5 =	sadd.s32 s23, s2;
	s0 =	sadd.s32 s0, s9;
	s6 =	sadd.s32 s6, s8  }
0xf: {  	s9 =	sadd.s32 s7, s8;
	s7 =	simm.s32 $0x3;
	[dreg:$0x6] =	wrdreg s0  }
0x10: {  	s8 =	simm.s32 $0x6;
	s26 =	sadd.s32 $0x8D600, s10;
	[dreg:$0x8] =	wrdreg s6  }
0x11: {  	[dreg:$0x9] =	wrdreg s9;
	s10 =	sadd.s32 $0x8D800, s1;
	s1 =	sadd.s32 s24, s2  }
0x12: {  	s25 =	smax.u32 s11, $0x1;
	s12 =	sadd.s32 $0x10000, s5;
	s13 =	sadd.s32 $0x18000, s5  }
0x13: {  	s14 =	sadd.s32 $0x20000, s5;
	s15 =	sadd.s32 $0x28000, s5;
	s16 =	sadd.s32 $0x30000, s5  }
0x14: {  	s17 =	sadd.s32 $0x38000, s5;
	s24 =	simm.s32 $0xE100;
	[dreg:$0x7] =	wrdreg s26  }
0x15: {  	s0 =	simm.s32 $0xA000;
	s6 =	simm.s32 $0x5;
	[dreg:$0xa] =	wrdreg s25  }
0x16: {  	s26 =	sadd.s32 $0x8000, s5;
	s23 =	sadd.s32 s23, s10;
	s25 =	sshrl.u32 s1, $0x3  }
0x17: {  	v0 =	vimm.f32 $0.0e+00;
	s1 =	simm.s32 $0x1;
	[dreg:$0xb] =	wrdreg s26;
	s26 =	simm.s32 $0x7  }
.LBB2_1:
0x18: {  	s9 =	simm.s32 $0x0;
	s10 =	simm.s32 $0x200  }
.LBB2_2:
0x19: {  	p0 =	sne.s32 s10, $0x1E00;
	[tilespmem:s9+$0x2070] =	vst v0  }
0x1a: {  	[tilespmem:s9+$0x2000] =	vst v0  }
0x1b: {  	[tilespmem:s9+$0x2010] =	vst v0  }
.Ltmp0:
0x1c: {  	[tilespmem:s9+$0x2020] =	vst v0;
	(pc) =	sbr.rel @p0 .LBB2_2-.Ltmp0, $4  }
0x1d: {  	[tilespmem:s9+$0x2030] =	vst v0  }
0x1e: {  	[tilespmem:s9+$0x2040] =	vst v0  }
0x1f: {  	[tilespmem:s9+$0x2050] =	vst v0  }
0x20: {  	[tilespmem:s9+$0x2060] =	vst v0;
	s9 =	sshra.s32 s10, $0x2;
	s10 =	sadd.s32 $0x200, s10  }
0x21: {  	[tilespmem:s9+$0x2070] =	vst v0  }
0x22: {  	[tilespmem:s9+$0x2000] =	vst v0  }
0x23: {  	[tilespmem:s9+$0x2010] =	vst v0  }
0x24: {  	[tilespmem:s9+$0x2020] =	vst v0  }
0x25: {  	[tilespmem:s9+$0x2030] =	vst v0  }
0x26: {  	[tilespmem:s9+$0x2040] =	vst v0  }
0x27: {  	[tilespmem:s9+$0x2050] =	vst v0  }
0x28: {  	[tilespmem:s9+$0x2060] =	vst v0  }
0x29: {  	[spmem:s5] =	stream.linear.scatter [tilespmem:s18], [sflag:$0x8], $0x800, $0x38;
	[tilespmem:$0x14100] =	vst v63  }
0x2a: {  	_ =	swait.ge [sflag:s19], $0x800  }
0x2b: {  	[sflag:s19] =	ssyncset.done $0x0  }
0x2c: {  	s10 =	rddreg [dreg:$0xb];
	[sflag:s19] =	ssyncadd.s32 $0xFFFFF800  }
0x2d: {  	[spmem:s10] =	stream.linear.scatter [tilespmem:s18], [sflag:$0x8], $0x800, $0x38;
	[tilespmem:$0x14100] =	vst v63  }
0x2e: {  	_ =	swait.ge [sflag:s19], $0x800  }
0x2f: {  	[sflag:s19] =	ssyncset.done $0x0  }
0x30: {  	[sflag:s19] =	ssyncadd.s32 $0xFFFFF800  }
0x31: {  	[spmem:s12] =	stream.linear.scatter [tilespmem:s18], [sflag:$0x8], $0x800, $0x38;
	[tilespmem:$0x14100] =	vst v63  }
0x32: {  	_ =	swait.ge [sflag:s19], $0x800  }
0x33: {  	[sflag:s19] =	ssyncset.done $0x0  }
0x34: {  	[sflag:s19] =	ssyncadd.s32 $0xFFFFF800  }
0x35: {  	[spmem:s13] =	stream.linear.scatter [tilespmem:s18], [sflag:$0x8], $0x800, $0x38;
	[tilespmem:$0x14100] =	vst v63  }
0x36: {  	_ =	swait.ge [sflag:s19], $0x800  }
0x37: {  	[sflag:s19] =	ssyncset.done $0x0  }
0x38: {  	[sflag:s19] =	ssyncadd.s32 $0xFFFFF800  }
0x39: {  	[spmem:s14] =	stream.linear.scatter [tilespmem:s18], [sflag:$0x8], $0x800, $0x38;
	[tilespmem:$0x14100] =	vst v63  }
0x3a: {  	_ =	swait.ge [sflag:s19], $0x800  }
0x3b: {  	[sflag:s19] =	ssyncset.done $0x0  }
0x3c: {  	[sflag:s19] =	ssyncadd.s32 $0xFFFFF800  }
0x3d: {  	[spmem:s15] =	stream.linear.scatter [tilespmem:s18], [sflag:$0x8], $0x800, $0x38;
	[tilespmem:$0x14100] =	vst v63  }
0x3e: {  	_ =	swait.ge [sflag:s19], $0x800  }
0x3f: {  	[sflag:s19] =	ssyncset.done $0x0  }
0x40: {  	[sflag:s19] =	ssyncadd.s32 $0xFFFFF800  }
0x41: {  	[spmem:s16] =	stream.linear.scatter [tilespmem:s18], [sflag:$0x8], $0x800, $0x38;
	[tilespmem:$0x14100] =	vst v63  }
0x42: {  	_ =	swait.ge [sflag:s19], $0x800  }
0x43: {  	[sflag:s19] =	ssyncset.done $0x0  }
0x44: {  	[sflag:s19] =	ssyncadd.s32 $0xFFFFF800  }
0x45: {  	[spmem:s17] =	stream.linear.scatter [tilespmem:s18], [sflag:$0x8], $0x800, $0x38;
	[tilespmem:$0x14100] =	vst v63  }
0x46: {  	_ =	swait.ge [sflag:s19], $0x800  }
0x47: {  	[sflag:s19] =	ssyncset.done $0x0  }
0x48: {  	[sflag:s19] =	ssyncadd.s32 $0xFFFFF800  }
0x49: {  	[bflag:$0x0] =	sbarrier.arrive $0xFFFF  }
0x4a: {  	s9 =	simm.s32 $0x0;
	s10 =	rddreg [dreg:$0x6]  }
0x4b: {  	[tilespmem:s20], [sflag:$0x8] =	stream.linear.gather [hbm4b:s10+s9], $0x40, $0x38;
	[tilespmem:$0x14100] =	vst v63  }
0x4c: {  	_ =	swait.ge [sflag:s19], $0x40  }
0x4d: {  	[sflag:s19] =	ssyncset.done $0x0  }
0x4e: {  	s11 =	rddreg [dreg:$0x7];
	[sflag:s19] =	ssyncadd.s32 $0xFFFFFFC0  }
0x4f: {  	[tilespmem:s21], [sflag:$0x8] =	stream.linear.gather [hbm4b:s11+s9], $0x40, $0x38;
	[tilespmem:$0x14100] =	vst v63  }
0x50: {  	_ =	swait.ge [sflag:s19], $0x40  }
0x51: {  	[sflag:s19] =	ssyncset.done $0x0  }
0x52: {  	[sflag:s19] =	ssyncadd.s32 $0xFFFFFFC0  }
0x53: {  	[tilespmem:s24], [sflag:$0x7] =	stream.indirect.gather [hbm4b:s4+s22], $0x80, s20, s22, $0xb8;
	[tilespmem:$0x14100] =	vst v63  }
0x54: {  	_ =	swait.ge [sflag:s26], $0x2000  }
0x55: {  	[sflag:s26] =	ssyncset.done $0x0  }
0x56: {  	[sflag:s26] =	ssyncadd.s32 $0xFFFFE000  }
0x57: {  	[spmem:s2] =	stream.indirect.scatter.add.f32 [tilespmem:s24], [sflag:$0x8], $0x80, s21, s22, $0xb8;
	[tilespmem:$0x14100] =	vst v63  }
0x58: {  	_ =	swait.ge [sflag:s19], $0x2000  }
0x59: {  	[sflag:s19] =	ssyncset.done $0x0  }
0x5a: {  	s11 =	rddreg [dreg:$0x8];
	[sflag:s19] =	ssyncadd.s32 $0xFFFFE000  }
0x5b: {  	[tilespmem:s9], [sflag:$0x8] =	stream.linear.gather [hbm4b:s11+s9], $0x1000, $0x38;
	[tilespmem:$0x14100] =	vst v63  }
0x5c: {  	_ =	swait.ge [sflag:s19], $0x1000  }
0x5d: {  	[sflag:s19] =	ssyncset.done $0x0  }
0x5e: {  	s11 =	simm.s32 $0x1000;
	s10 =	rddreg [dreg:$0x9];
	[sflag:s19] =	ssyncadd.s32 $0xFFFFF000  }
0x5f: {  	[tilespmem:s11], [sflag:$0x8] =	stream.linear.gather [hbm4b:s10+s9], $0x1000, $0x38;
	[tilespmem:$0x14100] =	vst v63  }
0x60: {  	_ =	swait.ge [sflag:s19], $0x1000  }
0x61: {  	[sflag:s19] =	ssyncset.done $0x0  }
0x62: {  	[sflag:s19] =	ssyncadd.s32 $0xFFFFF000  }
0x63: {  	[tilespmem:s18], [sflag:$0x1] =	stream.indirect.gather [hbm4b:s4+s29], $0x80, s9, s29, $0xb8;
	[tilespmem:$0x14100] =	vst v63  }
0x64: {  	_ = 	snop  }
0x65: {  	[tilespmem:s30], [sflag:$0x2] =	stream.indirect.gather [hbm4b:s4+s29], $0x80, s29, s29, $0xb8;
	[tilespmem:$0x14100] =	vst v63  }
0x66: {  	s10 =	simm.s32 $0x100  }
0x67: {  	[tilespmem:s0], [sflag:$0x3] =	stream.indirect.gather [hbm4b:s4+s29], $0x80, s10, s29, $0xb8;
	[tilespmem:$0x14100] =	vst v63  }
0x68: {  	_ =	swait.ge [sflag:s1], $0x4000  }
0x69: {  	[sflag:s1] =	ssyncset.done $0x0  }
0x6a: {  	s11 =	simm.s32 $0x1000;
	[sflag:s1] =	ssyncadd.s32 $0xFFFFC000  }
0x6b: {  	[spmem:s2] =	stream.indirect.scatter.add.f32 [tilespmem:s18], [sflag:$0x4], $0x80, s11, s29, $0xb8;
	[tilespmem:$0x14100] =	vst v63  }
0x6c: {  	_ =	swait.ge [sflag:s28], $0x4000  }
0x6d: {  	[sflag:s28] =	ssyncset.done $0x0  }
0x6e: {  	s10 =	simm.s32 $0x180;
	[sflag:s28] =	ssyncadd.s32 $0xFFFFC000  }
0x6f: {  	[tilespmem:s18], [sflag:$0x1] =	stream.indirect.gather [hbm4b:s4+s29], $0x80, s10, s29, $0xb8;
	[tilespmem:$0x14100] =	vst v63  }
0x70: {  	_ =	swait.ge [sflag:s31], $0x4000  }
0x71: {  	[sflag:s31] =	ssyncset.done $0x0  }
0x72: {  	s11 =	simm.s32 $0x1080;
	[sflag:s31] =	ssyncadd.s32 $0xFFFFC000  }
0x73: {  	[spmem:s2] =	stream.indirect.scatter.add.f32 [tilespmem:s30], [sflag:$0x5], $0x80, s11, s29, $0xb8;
	[tilespmem:$0x14100] =	vst v63  }
0x74: {  	_ =	swait.ge [sflag:s6], $0x4000  }
0x75: {  	[sflag:s6] =	ssyncset.done $0x0  }
0x76: {  	s10 =	simm.s32 $0x200;
	[sflag:s6] =	ssyncadd.s32 $0xFFFFC000  }
0x77: {  	[tilespmem:s30], [sflag:$0x2] =	stream.indirect.gather [hbm4b:s4+s29], $0x80, s10, s29, $0xb8;
	[tilespmem:$0x14100] =	vst v63  }
0x78: {  	_ =	swait.ge [sflag:s7], $0x4000  }
0x79: {  	[sflag:s7] =	ssyncset.done $0x0  }
0x7a: {  	s11 =	simm.s32 $0x1100;
	[sflag:s7] =	ssyncadd.s32 $0xFFFFC000  }
0x7b: {  	[spmem:s2] =	stream.indirect.scatter.add.f32 [tilespmem:s0], [sflag:$0x6], $0x80, s11, s29, $0xb8;
	[tilespmem:$0x14100] =	vst v63  }
0x7c: {  	_ =	swait.ge [sflag:s8], $0x4000  }
0x7d: {  	[sflag:s8] =	ssyncset.done $0x0  }
0x7e: {  	s9 =	simm.s32 $0x600;
	s10 =	simm.s32 $0x280;
	[sflag:s8] =	ssyncadd.s32 $0xFFFFC000  }
.LBB2_4:
0x7f: {  	[tilespmem:s0], [sflag:$0x3] =	stream.indirect.gather [hbm4b:s4+s29], $0x80, s10, s29, $0xb8;
	[tilespmem:$0x14100] =	vst v63  }
0x80: {  	s10 =	smov.u32 s9  }
0x81: {  	p0 =	sne.s32 s9, $0x3000;
	s9 =	sadd.s32 $0x600, s9;
	_ =	swait.ge [sflag:s1], $0x4000  }
0x82: {  	s10 =	sshra.s32 s10, $0x2;
	[sflag:s1] =	ssyncset.done $0x0  }
0x83: {  	s11 =	sadd.s32 $0x1000, s10;
	[sflag:s1] =	ssyncadd.s32 $0xFFFFC000  }
0x84: {  	[spmem:s2] =	stream.indirect.scatter.add.f32 [tilespmem:s18], [sflag:$0x4], $0x80, s11, s29, $0xb8;
	[tilespmem:$0x14100] =	vst v63  }
0x85: {  	_ =	swait.ge [sflag:s28], $0x4000  }
0x86: {  	[sflag:s28] =	ssyncset.done $0x0  }
0x87: {  	s11 =	sadd.s32 $0x180, s10;
	[sflag:s28] =	ssyncadd.s32 $0xFFFFC000  }
0x88: {  	[tilespmem:s18], [sflag:$0x1] =	stream.indirect.gather [hbm4b:s4+s29], $0x80, s11, s29, $0xb8;
	[tilespmem:$0x14100] =	vst v63  }
0x89: {  	_ =	swait.ge [sflag:s31], $0x4000  }
0x8a: {  	[sflag:s31] =	ssyncset.done $0x0  }
0x8b: {  	s11 =	sadd.s32 $0x1080, s10;
	[sflag:s31] =	ssyncadd.s32 $0xFFFFC000  }
0x8c: {  	[spmem:s2] =	stream.indirect.scatter.add.f32 [tilespmem:s30], [sflag:$0x5], $0x80, s11, s29, $0xb8;
	[tilespmem:$0x14100] =	vst v63  }
0x8d: {  	_ =	swait.ge [sflag:s6], $0x4000  }
0x8e: {  	[sflag:s6] =	ssyncset.done $0x0  }
0x8f: {  	s11 =	sadd.s32 $0x200, s10;
	[sflag:s6] =	ssyncadd.s32 $0xFFFFC000  }
0x90: {  	[tilespmem:s30], [sflag:$0x2] =	stream.indirect.gather [hbm4b:s4+s29], $0x80, s11, s29, $0xb8;
	[tilespmem:$0x14100] =	vst v63  }
0x91: {  	_ =	swait.ge [sflag:s7], $0x4000  }
0x92: {  	[sflag:s7] =	ssyncset.done $0x0  }
.Ltmp1:
0x93: {  	s11 =	sadd.s32 $0x1100, s10;
	[sflag:s7] =	ssyncadd.s32 $0xFFFFC000;
	(pc) =	sbr.rel @p0 .LBB2_4-.Ltmp1, $4  }
0x94: {  	[spmem:s2] =	stream.indirect.scatter.add.f32 [tilespmem:s0], [sflag:$0x6], $0x80, s11, s29, $0xb8;
	[tilespmem:$0x14100] =	vst v63  }
0x95: {  	_ =	swait.ge [sflag:s8], $0x4000  }
0x96: {  	[sflag:s8] =	ssyncset.done $0x0  }
0x97: {  	s10 =	sadd.s32 $0x280, s10;
	[sflag:s8] =	ssyncadd.s32 $0xFFFFC000  }
0x98: {  	[tilespmem:s0], [sflag:$0x3] =	stream.indirect.gather [hbm4b:s4+s29], $0x80, s10, s29, $0xb8;
	[tilespmem:$0x14100] =	vst v63  }
0x99: {  	_ =	swait.ge [sflag:s1], $0x4000  }
0x9a: {  	[sflag:s1] =	ssyncset.done $0x0  }
0x9b: {  	s9 =	simm.s32 $0x1D80;
	[sflag:s1] =	ssyncadd.s32 $0xFFFFC000  }
0x9c: {  	[spmem:s2] =	stream.indirect.scatter.add.f32 [tilespmem:s18], [sflag:$0x4], $0x80, s9, s29, $0xb8;
	[tilespmem:$0x14100] =	vst v63  }
0x9d: {  	_ =	swait.ge [sflag:s28], $0x4000  }
0x9e: {  	[sflag:s28] =	ssyncset.done $0x0  }
0x9f: {  	s10 =	simm.s32 $0xF00;
	[sflag:s28] =	ssyncadd.s32 $0xFFFFC000  }
0xa0: {  	[tilespmem:s18], [sflag:$0x1] =	stream.indirect.gather [hbm4b:s4+s29], $0x80, s10, s29, $0xb8;
	[tilespmem:$0x14100] =	vst v63  }
0xa1: {  	_ =	swait.ge [sflag:s31], $0x4000  }
0xa2: {  	[sflag:s31] =	ssyncset.done $0x0  }
0xa3: {  	s11 =	simm.s32 $0x1E00;
	[sflag:s31] =	ssyncadd.s32 $0xFFFFC000  }
0xa4: {  	[spmem:s2] =	stream.indirect.scatter.add.f32 [tilespmem:s30], [sflag:$0x5], $0x80, s11, s29, $0xb8;
	[tilespmem:$0x14100] =	vst v63  }
0xa5: {  	_ =	swait.ge [sflag:s6], $0x4000  }
0xa6: {  	[sflag:s6] =	ssyncset.done $0x0  }
0xa7: {  	s10 =	simm.s32 $0xF80;
	[sflag:s6] =	ssyncadd.s32 $0xFFFFC000  }
0xa8: {  	[tilespmem:s30], [sflag:$0x2] =	stream.indirect.gather [hbm4b:s4+s29], $0x80, s10, s29, $0xb8;
	[tilespmem:$0x14100] =	vst v63  }
0xa9: {  	_ =	swait.ge [sflag:s7], $0x4000  }
0xaa: {  	[sflag:s7] =	ssyncset.done $0x0  }
0xab: {  	s11 =	simm.s32 $0x1E80;
	[sflag:s7] =	ssyncadd.s32 $0xFFFFC000  }
0xac: {  	[spmem:s2] =	stream.indirect.scatter.add.f32 [tilespmem:s0], [sflag:$0x6], $0x80, s11, s29, $0xb8;
	[tilespmem:$0x14100] =	vst v63  }
0xad: {  	_ =	swait.ge [sflag:s1], $0x4000  }
0xae: {  	[sflag:s1] =	ssyncset.done $0x0  }
0xaf: {  	s10 =	simm.s32 $0x1F00;
	[sflag:s1] =	ssyncadd.s32 $0xFFFFC000  }
0xb0: {  	[spmem:s2] =	stream.indirect.scatter.add.f32 [tilespmem:s18], [sflag:$0x4], $0x80, s10, s29, $0xb8;
	[tilespmem:$0x14100] =	vst v63  }
0xb1: {  	_ =	swait.ge [sflag:s31], $0x4000  }
0xb2: {  	[sflag:s31] =	ssyncset.done $0x0  }
0xb3: {  	s11 =	simm.s32 $0x1F80;
	[sflag:s31] =	ssyncadd.s32 $0xFFFFC000  }
0xb4: {  	[spmem:s2] =	stream.indirect.scatter.add.f32 [tilespmem:s30], [sflag:$0x5], $0x80, s11, s29, $0xb8;
	[tilespmem:$0x14100] =	vst v63  }
0xb5: {  	_ =	swait.ge [sflag:s28], $0x4000  }
0xb6: {  	[sflag:s28] =	ssyncset.done $0x0  }
0xb7: {  	[sflag:s28] =	ssyncadd.s32 $0xFFFFC000  }
0xb8: {  	_ =	swait.ge [sflag:s6], $0x4000  }
0xb9: {  	[sflag:s6] =	ssyncset.done $0x0  }
0xba: {  	[sflag:s6] =	ssyncadd.s32 $0xFFFFC000  }
0xbb: {  	_ =	swait.ge [sflag:s8], $0x4000  }
0xbc: {  	s10 =	stileid.u32;
	[sflag:s8] =	ssyncset.done $0x0  }
0xbd: {  	s9 =	sshll.u32 s10, $0x6;
	[sflag:s8] =	ssyncadd.s32 $0xFFFFC000  }
0xbe: {  	s9 =	sor.u32 $0x1C08, s9;
	[bflag:$0x0] =	sbarrier.arrive $0xFFFF  }
0xbf: {  	[hbm:s23], [sflag:s9] =	dma.local [spmem:s25], $0x800  }
0xc0: {  	_ =	swait.ge [sflag:s19], $0x800  }
0xc1: {  	s3 =	sadd.s32 $0x1, s3;
	s11 =	rddreg [dreg:$0xa]  }
0xc2: {  	p0 =	sne.s32 s3, s11  }
.Ltmp2:
0xc3: {  	_ = 	snop;
	(pc) =	sbr.rel @p0 .LBB2_1-.Ltmp2, $3  }
0xc4: {  	_ =	sdelay $0x1  }
0xc5: {  	[sflag:s19] =	ssyncset.done $0x0  }
0xc6: {  	[sflag:s19] =	ssyncadd.s32 $0xFFFFF800  }
0xc7: {  	_ =	sfence.sel $0x180000  }
0xc8: {  	[bflag:$0x0] =	sbarrier.arrive $0xFFFF  }
0xc9: {  	_ =	strace $0x90000050  }
0xca: {  	s0 =	stileid.u32;
	[bflag:$0x2] =	sbarrier.arrive $0xFFFF  }
0xcb: {  	p0 =	sne.s32 s0, $0x0;
	s0 =	rddreg [dreg:$0x5]  }
0xcc: {  	s0 =	sadd.s32 @!p0 $0x100000, s0  }
0xcd: {  	[sflag:s0] =	ssyncadd.tile.s32 @!p0 $0x1;
	_ =	shalt  }
.Lfunc_end2:
_tile_overlayer_lowered:
.L_overlay_start_2:
0xce: {  	(tag) =	ssettag $0x2  }
0xcf: {  	s0 =	rddreg [dreg:$0x0];
	s2 =	stileid.u32  }
0xd0: {  	s1 =	rddreg [dreg:$0x1];
	p0 =	sne.s32 s2, $0x0  }
0xd1: {  	s3 =	rddreg [dreg:$0x2];
	[bflag:$0x3] =	sbarrier.arrive $0xFFFF;
	s2 =	simm.s32 @!p0 $0x1C08  }
0xd2: {  	[timem:s3], [sflag:s2] =	dma.local @!p0 [hbm:s0], s1  }
0xd3: {  	s0 =	simm.s32 @!p0 $0x8  }
0xd4: {  	_ =	swait.ge @!p0 [sflag:s0], s1  }
0xd5: {  	s1 =	ssub.s32 @!p0 $0x0, s1;
	[sflag:s0] =	ssyncset.done @!p0 $0x0  }
0xd6: {  	[sflag:s0] =	ssyncadd.s32 @!p0 s1  }
0xd7: {  	[bflag:$0x3] =	sbarrier.arrive $0xFFFF  }
0xd8: {  	_ =	shalt  }

// kernel: kernel.24.cloned.1.call-start
scs
__scs_entry_jumppad:
0x0: {  	(pc) =	sbr.rel $0x88, $3  }
0x1: {  	(tag) =	ssettag $0x0;
	lr =	simm.s32 $0x1  }
0x2: {  	[smem:$0x3F94] =	sst lr;
	_ =	strace $0xD0000000  }
0x3: {  	_ = 	snop  }
0x4: {  	_ = 	snop  }
0x5: {  	_ = 	snop  }
0x6: {  	_ = 	snop  }
0x7: {  	_ = 	snop  }
__scs_overlays_trampoline_lowered:
0x8: {  	[smem:$0x3FA3] =	sst s0  }
0x9: {  	[smem:$0x3FA4] =	sst s1  }
0xa: {  	[smem:$0x3FA5] =	sst s2  }
0xb: {  	[smem:$0x3FA6] =	sst s3  }
0xc: {  	[smem:$0x3FA7] =	sst s4  }
0xd: {  	[smem:$0x3FA8] =	sst s5  }
0xe: {  	[smem:$0x3FA9] =	sst s6  }
0xf: {  	[smem:$0x3FAA] =	sst s7  }
0x10: {  	[smem:$0x3FAB] =	sst s8  }
0x11: {  	[smem:$0x3FAC] =	sst s9;
	s0 =	simm.s32 @!p0 $0x0  }
0x12: {  	s1 =	sld [smem:$0x3F92];
	s0 =	simm.s32 @p0 $0x1  }
0x13: {  	[smem:$0x3FAD] =	sst s0;
	s0 =	simm.s32 @!p1 $0x0  }
0x14: {  	s2 =	sld [smem:$0x3F91];
	s0 =	simm.s32 @p1 $0x1  }
0x15: {  	[smem:$0x3FAE] =	sst s0;
	s0 =	simm.s32 @!p2 $0x0  }
0x16: {  	s3 =	sld [smem:$0x3FDB];
	s0 =	simm.s32 @p2 $0x1  }
0x17: {  	s4 =	simm.s32 $0x1BF5;
	[smem:$0x3FB0] =	sst s0  }
0x18: {  	s0 =	sld [smem:$0x3F93];
	_ =	swait.ge [sflag:s4], $0x0  }
0x19: {  	s7 =	sld [smem:$0x3F94]  }
0x1a: {  	s8 =	sadd.s32 $0xFFFFE003, lr  }
0x1b: {  	s9 =	sadd.s32 $0xFFFFFEF7, lr;
	s5 =	simm.s32 $0xFFFFFFFF;
	p2 =	slt.u32 s8, $0xFFFFF086  }
0x1c: {  	p1 =	slt.u32 s9, $0xF7A;
	s5 =	simm.s32 @!p2 $0x0  }
0x1d: {  	s5 =	simm.s32 @p1 $0x1;
	p0 =	seq.s32 s7, s2  }
0x1e: {  	s7 =	smul.u32 @!p0 $0xF7A, s2;
	p2 =	seq.s32 @!p0 s5, $0x0  }
0x1f: {  	s9 =	smul.u32 $0xF7A, s1;
	s8 =	simm.s32 @!p0 $0x1BF5;
	p2 =	por !p2, p0  }
0x20: {  	[sflag:s8] =	ssyncset.s32 @!p0 $0xFFFFF086;
	s6 =	sadd.s32 @!p0 s3, s7;
	s7 =	simm.s32 @!p0 $0x108  }
0x21: {  	s3 =	sadd.s32 s3, s9;
	s6 =	sadd.s32 @!p0 $0x88, s6;
	s7 =	simm.s32 @p2 $0x1082  }
0x22: {  	[simem:s7], [sflag:s8] =	dma.local @!p0 [hbm:s6], $0xF7A  }
0x23: {  	s9 =	sor.u32 $0xD0000000, s2;
	s6 =	simm.s32 $0x108;
	_ =	swait.ge @!p0 [sflag:s8], $0x0  }
0x24: {  	s3 =	sadd.s32 $0x88, s3;
	s6 =	simm.s32 @!p1 $0x1082;
	[sflag:s4] =	ssyncset.s32 $0xFFFFF086  }
0x25: {  	[simem:s6], [sflag:s4] =	dma.local [hbm:s3], $0xF7A  }
0x26: {  	[smem:$0x3F94] =	sst s1;
	(tag) =	ssettag s2;
	_ =	strace s9  }
0x27: {  	s1 =	sld [smem:$0x3FA4]  }
0x28: {  	s2 =	sld [smem:$0x3FA5]  }
0x29: {  	s4 =	sld [smem:$0x3FA7]  }
0x2a: {  	p0 =	seq.s32 s5, $0x0;
	s5 =	sld [smem:$0x3FA8]  }
0x2b: {  	s6 =	sld [smem:$0x3FA9]  }
0x2c: {  	s7 =	sld [smem:$0x3FAA]  }
0x2d: {  	s3 =	simm.s32 $0x108;
	s8 =	sld [smem:$0x3FAB]  }
0x2e: {  	s3 =	simm.s32 @!p0 $0x1082;
	s9 =	sld [smem:$0x3FAC]  }
0x2f: {  	lr =	sadd.s32 s0, s3;
	s0 =	sld [smem:$0x3FA3]  }
0x30: {  	s3 =	sld [smem:$0x3FA6]  }
0x31: {  	[smem:$0x3FAF] =	sst s10  }
0x32: {  	s10 =	sld [smem:$0x3FAD];
	_ =	sdelay $0x3  }
0x33: {  	p0 =	seq.s32 s10, $0x1;
	s10 =	sld [smem:$0x3FAF];
	_ =	sdelay $0x3  }
0x34: {  	[smem:$0x3FAF] =	sst s10  }
0x35: {  	s10 =	sld [smem:$0x3FAE];
	_ =	sdelay $0x3  }
0x36: {  	p1 =	seq.s32 s10, $0x1;
	s10 =	sld [smem:$0x3FAF];
	_ =	sdelay $0x3  }
0x37: {  	[smem:$0x3FAF] =	sst s10  }
0x38: {  	s10 =	sld [smem:$0x3FB0]  }
0x39: {  	_ = 	snop;
	(pc) =	sbr.ind lr, $3  }
0x3a: {  	_ = 	snop  }
0x3b: {  	_ = 	snop  }
0x3c: {  	p2 =	seq.s32 s10, $0x1;
	s10 =	sld [smem:$0x3FAF]  }
0x3d: {  	_ =	shalt  }
0x3e: {  	_ =	shalt  }
0x3f: {  	_ =	shalt  }
0x40: {  	_ =	shalt  }
0x41: {  	_ =	shalt  }
0x42: {  	_ =	shalt  }
0x43: {  	_ =	shalt  }
0x44: {  	_ =	shalt  }
0x45: {  	_ =	shalt  }
0x46: {  	_ =	shalt  }
0x47: {  	_ =	shalt  }
0x48: {  	_ =	shalt  }
0x49: {  	_ =	shalt  }
0x4a: {  	_ =	shalt  }
0x4b: {  	_ =	shalt  }
0x4c: {  	_ =	shalt  }
0x4d: {  	_ =	shalt  }
0x4e: {  	_ =	shalt  }
0x4f: {  	_ =	shalt  }
0x50: {  	_ =	shalt  }
0x51: {  	_ =	shalt  }
0x52: {  	_ =	shalt  }
0x53: {  	_ =	shalt  }
0x54: {  	_ =	shalt  }
0x55: {  	_ =	shalt  }
0x56: {  	_ =	shalt  }
0x57: {  	_ =	shalt  }
0x58: {  	_ =	shalt  }
0x59: {  	_ =	shalt  }
0x5a: {  	_ =	shalt  }
0x5b: {  	_ =	shalt  }
0x5c: {  	_ =	shalt  }
0x5d: {  	_ =	shalt  }
0x5e: {  	_ =	shalt  }
0x5f: {  	_ =	shalt  }
0x60: {  	_ =	shalt  }
0x61: {  	_ =	shalt  }
0x62: {  	_ =	shalt  }
0x63: {  	_ =	shalt  }
0x64: {  	_ =	shalt  }
0x65: {  	_ =	shalt  }
0x66: {  	_ =	shalt  }
0x67: {  	_ =	shalt  }
0x68: {  	_ =	shalt  }
0x69: {  	_ =	shalt  }
0x6a: {  	_ =	shalt  }
0x6b: {  	_ =	shalt  }
0x6c: {  	_ =	shalt  }
0x6d: {  	_ =	shalt  }
0x6e: {  	_ =	shalt  }
0x6f: {  	_ =	shalt  }
0x70: {  	_ =	shalt  }
0x71: {  	_ =	shalt  }
0x72: {  	_ =	shalt  }
0x73: {  	_ =	shalt  }
0x74: {  	_ =	shalt  }
0x75: {  	_ =	shalt  }
0x76: {  	_ =	shalt  }
0x77: {  	_ =	shalt  }
0x78: {  	_ =	shalt  }
0x79: {  	_ =	shalt  }
0x7a: {  	_ =	shalt  }
0x7b: {  	_ =	shalt  }
0x7c: {  	_ =	shalt  }
0x7d: {  	_ =	shalt  }
0x7e: {  	_ =	shalt  }
0x7f: {  	_ =	shalt  }
0x80: {  	_ =	shalt  }
0x81: {  	_ =	shalt  }
0x82: {  	_ =	shalt  }
0x83: {  	_ =	shalt  }
0x84: {  	_ =	shalt  }
0x85: {  	_ =	shalt  }
0x86: {  	_ =	shalt  }
0x87: {  	_ =	shalt  }
.Lfunc_end0:
.L_simem_size_0:
called_computation.4_lowered:
.L_overlay_start_0:
0x88: {  	s2 =	sld [smem:$0x3FD9]  }
0x89: {  	s3 =	sld [smem:$0x3FFE];
	_ =	sdelay $0x1  }
0x8a: {  	s1 =	srdreg.scid  }
0x8b: {  	s0 =	sand.u32 $0x1, s1  }
0x8c: {  	s17 =	sshll.u32 s0, $0xA;
	s2 =	sadd.s32 s3, s2  }
0x8d: {  	s2 =	sadd.s32 s2, s17  }
0x8e: {  	[smem:$0x3FBB] =	sst s2  }
0x8f: {  	_ = 	snop  }
0x90: {  	s18 =	sld [smem:$0x3FC7];
	(tm) =	ssettm $0x1  }
0x91: {  	s19 =	sld [smem:$0x3FFB];
	_ =	sdelay $0x3  }
0x92: {  	_ =	strace s19  }
0x93: {  	s2 =	sld [smem:$0x3FFC];
	_ =	sdelay $0x3  }
0x94: {  	_ =	strace s2  }
0x95: {  	s2 =	sld [smem:$0x3FFD];
	_ =	sdelay $0x3  }
0x96: {  	_ =	strace s2  }
0x97: {  	_ =	strace $0x8FFFFFFF  }
0x98: {  	s20 =	sld [smem:$0x3FDB];
	_ =	sdelay $0x1  }
0x99: {  	s4 =	simm.s32 $_scs_section_size  }
0x9a: {  	s5 =	simm.s32 $_size__tile_overlayer_lowered;
	s6 =	simm.s32 $_tile_overlayer_lowered  }
0x9b: {  	s7 =	simm.s32 $0x1BFF;
	s21 =	sshll.u32 s6, $0x1;
	s4 =	sadd.s32 s4, s20  }
0x9c: {  	s22 =	simm.s32 $0x0;
	s5 =	sshll.u32 s5, $0x1;
	s6 =	sadd.s32 s21, s4  }
0x9d: {  	[timem:s22], [sflag:s7] =	dma.local [hbm:s6], s5  }
0x9e: {  	_ =	swait.ge [sflag:s7], s5  }
0x9f: {  	s5 =	ssub.s32 $0x0, s5;
	[sflag:s7] =	ssyncset.done $0x0  }
0xa0: {  	[sflag:s7] =	ssyncadd.s32 s5;
	_ =	sdelay $0x1  }
0xa1: {  	s23 =	simm.s32 $0x1B8B  }
0xa2: {  	_ =	swait.ge [sflag:s23], $0x1  }
0xa3: {  	[sflag:s23] =	ssyncset.done $0x0  }
0xa4: {  	[sflag:s23] =	ssyncadd.s32 $0xFFFFFFFF  }
0xa5: {  	s5 =	sld [smem:$0x0]  }
0xa6: {  	s6 =	sand.u32 $0xFFFFFFFE, s1  }
0xa7: {  	p0 =	sne.s32 s1, s6  }
0xa8: {  	s6 =	sshll.u32 @p0 s6, $0xE  }
0xa9: {  	s6 =	sadd.s32 @p0 $0x11B8D, s6;
	s7 =	sshll.u32 @p0 s5, $0x11  }
0xaa: {  	s6 =	sor.u32 @p0 s7, s6  }
0xab: {  	[sflag:s6] =	ssyncadd.remote.s32 @p0 $0x1;
	_ =	sdelay $0x1  }
0xac: {  	s6 =	simm.s32 @p0 $0x1B8D  }
0xad: {  	_ =	swait.eq @p0 [sflag:s6], $0x1  }
0xae: {  	[sflag:s6] =	ssyncadd.s32 @p0 $0xFFFFFFFF  }
0xaf: {  	s7 =	sshll.u32 @!p0 s1, $0xE  }
0xb0: {  	s7 =	sor.u32 @!p0 $0x4000, s7;
	s6 =	simm.s32 @!p0 $0x1B8D  }
0xb1: {  	s5 =	sshll.u32 @!p0 s5, $0x11;
	s7 =	sadd.s32 @!p0 $0x11B8D, s7;
	_ =	swait.eq @!p0 [sflag:s6], $0x1  }
0xb2: {  	s5 =	sor.u32 @!p0 s5, s7;
	[sflag:s6] =	ssyncadd.s32 @!p0 $0xFFFFFFFF  }
0xb3: {  	s25 =	simm.s32 $0x1B8E;
	s24 =	sld [smem:$0x3FFE];
	[sflag:s5] =	ssyncadd.remote.s32 @!p0 $0x1  }
0xb4: {  	s26 =	simm.s32 $execute0_lowered;
	[smem:$0x3FD2] =	sst s25  }
0xb5: {  	s6 =	sshll.u32 s26, $0x1;
	_ =	strace $0x80000052;
	[dreg:$0x1] =	wrdreg $0xFFFFFFFF  }
0xb6: {  	s28 =	simm.s32 $_size_execute0_lowered;
	s4 =	sadd.s32 s4, s6;
	[dreg:$0x0] =	wrdreg $0x0  }
0xb7: {  	s6 =	sshll.u32 s28, $0x1;
	[dreg:$0x2] =	wrdreg s4  }
0xb8: {  	[dreg:$0x3] =	wrdreg s6  }
0xb9: {  	[dreg:$0x4] =	wrdreg $0xC0  }
0xba: {  	_ =	task [dreg:s22], $0x5FFFF  }
0xbb: {  	[dreg:$0x1] =	wrdreg $0xFFFFFFFF  }
0xbc: {  	[dreg:$0x0] =	wrdreg $0x60  }
0xbd: {  	[dreg:$0x2] =	wrdreg s24  }
0xbe: {  	[dreg:$0x3] =	wrdreg s18  }
0xbf: {  	[dreg:$0x4] =	wrdreg $0x48800  }
0xc0: {  	[dreg:$0x5] =	wrdreg $0xA  }
0xc1: {  	_ =	task.clear_ibuf [dreg:s22], $0x6FFFF;
	_ =	strace $0x90000052  }
0xc2: {  	s29 =	simm.s32 $0xA;
	_ =	strace $0x80000054  }
0xc3: {  	_ =	swait.ge [sflag:s29], $0x1  }
0xc4: {  	[sflag:s29] =	ssyncadd.s32 $0xFFFFFFFF  }
0xc5: {  	_ =	strace $0x90000054  }
0xc6: {  	_ =	sfence  }
0xc7: {  	s30 =	sld [smem:$0x0];
	_ =	sdelay $0x2  }
0xc8: {  	s31 =	sshll.u32 s1, $0xD;
	s1 =	sshrl.u32 s1, $0x2  }
0xc9: {  	s4 =	sand.u32 $0x4000, s31;
	s1 =	sadd.s32 s1, s30  }
0xca: {  	s0 =	sor.u32 s4, s0;
	s1 =	sshll.u32 s1, $0x11  }
0xcb: {  	s0 =	sor.u32 s1, s0  }
0xcc: {  	s0 =	sadd.s32 $0x8F2B, s0  }
0xcd: {  	[sflag:s0] =	ssyncadd.remote.s32 $0x1  }
0xce: {  	_ =	sfence.sel $0xFFFF  }
0xcf: {  	[dreg:$0x0] =	wrdreg $0xFFFFFFFF;
	(pc) =	sbr.abs _section_cstart, $3  }
0xd0: {  	[dreg:$0x1] =	wrdreg $0xFFFFFFFF  }
0xd1: {  	_ =	task.clear_ibuf [dreg:s22], $0x2FFFF;
	_ =	strace $0x9FFFFFFF  }
0xd2: {  	(tm) =	ssettm $0x7FFFFFFF  }
0xd3: {  	_ =	shalt  }
tec
execute0_lowered:
.L_overlay_start_1:
0x0: {  	(tag) =	ssettag $0x1  }
0x1: {  	s4 =	rddreg [dreg:$0x0]  }
0x2: {  	s13 =	rddreg [dreg:$0x1]  }
0x3: {  	s1 =	rddreg [dreg:$0x2];
	s3 =	srdreg.scid  }
0x4: {  	s0 =	rddreg [dreg:$0x3];
	s5 =	sand.u32 $0x1, s3  }
0x5: {  	s2 =	simm.s32 $0x0;
	s3 =	stileid.u32;
	s6 =	sshll.u32 s5, $0x4  }
0x6: {  	[smem:$0x7FF] =	sst s2;
	s6 =	sor.u32 s3, s6  }
0x7: {  	s12 =	sadd.s32 $0x4800, s4;
	_ =	strace $0x80000053;
	s8 =	smul.u32 $0x500, s6  }
0x8: {  	s7 =	sshll.u32 s5, $0xE;
	s9 =	smul.u32 $0xA, s6;
	s10 =	sor.u32 $0x20, s6  }
0x9: {  	s30 =	ssub.s32 $0x2, s5;
	s31 =	sshll.u32 s3, $0xD;
	s11 =	smul.u32 $0x500, s10  }
0xa: {  	s20 =	sshll.u32 s3, $0xA;
	s14 =	sor.u32 $0x40, s6;
	s10 =	smul.u32 $0xA, s10  }
0xb: {  	s7 =	sadd.s32 s7, s4;
	s5 =	sshrl.u32 s30, $0x1;
	s15 =	smul.u32 $0x500, s14  }
0xc: {  	s4 =	sadd.s32 s31, s1;
	s16 =	sor.u32 $0x60, s6;
	s14 =	smul.u32 $0xA, s14  }
0xd: {  	s5 =	ssub.s32 s30, s5;
	s19 =	sadd.s32 $0x2BA00, s7;
	s17 =	smul.u32 $0x500, s16  }
0xe: {  	s5 =	smax.u32 s5, $0x1;
	s18 =	smul.u32 $0xA, s16;
	p0 =	sgt.u32 s16, $0x7C  }
0xf: {  	s16 =	simm.s32 $0x80;
	s19 =	sadd.s32 s20, s19;
	s20 =	simm.s32 $0x0  }
0x10: {  	s6 =	sadd.s32 s12, s8;
	s7 =	sadd.s32 s13, s9;
	s8 =	sadd.s32 s12, s11  }
0x11: {  	s9 =	sadd.s32 s13, s10;
	s10 =	sadd.s32 s12, s15;
	s11 =	sadd.s32 s13, s14  }
0x12: {  	s12 =	sadd.s32 s12, s17;
	s13 =	sadd.s32 s13, s18;
	s14 =	simm.s32 $0x2880  }
0x13: {  	v0 =	vimm.f32 $0.0e+00;
	s15 =	simm.s32 $0x1;
	s17 =	simm.s32 $0x2;
	s18 =	simm.s32 $0x50  }
.LBB2_1:
0x14: {  	s21 =	simm.s32 $0x0;
	s22 =	simm.s32 $0x200  }
.LBB2_2:
0x15: {  	p1 =	sne.s32 s22, $0x7E00;
	[tilespmem:s21+$0x28F0] =	vst v0  }
0x16: {  	[tilespmem:s21+$0x2880] =	vst v0  }
0x17: {  	[tilespmem:s21+$0x2890] =	vst v0  }
.Ltmp0:
0x18: {  	[tilespmem:s21+$0x28A0] =	vst v0;
	(pc) =	sbr.rel @p1 .LBB2_2-.Ltmp0, $4  }
0x19: {  	[tilespmem:s21+$0x28B0] =	vst v0  }
0x1a: {  	[tilespmem:s21+$0x28C0] =	vst v0  }
0x1b: {  	[tilespmem:s21+$0x28D0] =	vst v0  }
0x1c: {  	[tilespmem:s21+$0x28E0] =	vst v0;
	s21 =	sshra.s32 s22, $0x2;
	s22 =	sadd.s32 $0x200, s22  }
0x1d: {  	[tilespmem:s21+$0x28F0] =	vst v0  }
0x1e: {  	[tilespmem:s21+$0x2880] =	vst v0  }
0x1f: {  	[tilespmem:s21+$0x2890] =	vst v0  }
0x20: {  	[tilespmem:s21+$0x28A0] =	vst v0  }
0x21: {  	[tilespmem:s21+$0x28B0] =	vst v0  }
0x22: {  	[tilespmem:s21+$0x28C0] =	vst v0  }
0x23: {  	[tilespmem:s21+$0x28D0] =	vst v0  }
0x24: {  	[tilespmem:s21+$0x28E0] =	vst v0  }
0x25: {  	[spmem:s4] =	stream.linear.scatter [tilespmem:s14], [sflag:$0x1], $0x2000, $0x38;
	[tilespmem:$0x6880] =	vst v63  }
0x26: {  	_ =	swait.ge [sflag:s15], $0x2000  }
0x27: {  	[sflag:s15] =	ssyncset.done $0x0  }
0x28: {  	[sflag:s15] =	ssyncadd.s32 $0xFFFFE000  }
0x29: {  	[bflag:$0x0] =	sbarrier.arrive $0xFFFF  }
0x2a: {  	[tilespmem:s16], [sflag:$0x2] =	stream.linear.gather [hbm4b:s6+s2], $0x2800, $0x38;
	[tilespmem:$0x6880] =	vst v63  }
0x2b: {  	_ =	swait.ge [sflag:s17], $0x2800  }
0x2c: {  	[sflag:s17] =	ssyncset.done $0x0  }
0x2d: {  	[sflag:s17] =	ssyncadd.s32 $0xFFFFD800  }
0x2e: {  	[tilespmem:s2], [sflag:$0x2] =	stream.linear.gather [hbm4b:s7+s2], $0x50, $0x38;
	[tilespmem:$0x6880] =	vst v63  }
0x2f: {  	_ =	swait.ge [sflag:s17], $0x50  }
0x30: {  	[sflag:s17] =	ssyncset.done $0x0  }
0x31: {  	[sflag:s17] =	ssyncadd.s32 $0xFFFFFFB0  }
0x32: {  	[spmem:s1] =	stream.indirect.scatter.add.f32 [tilespmem:s16], [sflag:$0x1], $0x80, s2, s18, $0xb8;
	[tilespmem:$0x6880] =	vst v63  }
0x33: {  	_ =	swait.ge [sflag:s15], $0x2800  }
0x34: {  	[sflag:s15] =	ssyncset.done $0x0  }
0x35: {  	[sflag:s15] =	ssyncadd.s32 $0xFFFFD800  }
0x36: {  	[tilespmem:s16], [sflag:$0x2] =	stream.linear.gather [hbm4b:s8+s2], $0x2800, $0x38;
	[tilespmem:$0x6880] =	vst v63  }
0x37: {  	_ =	swait.ge [sflag:s17], $0x2800  }
0x38: {  	[sflag:s17] =	ssyncset.done $0x0  }
0x39: {  	[sflag:s17] =	ssyncadd.s32 $0xFFFFD800  }
0x3a: {  	[tilespmem:s2], [sflag:$0x2] =	stream.linear.gather [hbm4b:s9+s2], $0x50, $0x38;
	[tilespmem:$0x6880] =	vst v63  }
0x3b: {  	_ =	swait.ge [sflag:s17], $0x50  }
0x3c: {  	[sflag:s17] =	ssyncset.done $0x0  }
0x3d: {  	[sflag:s17] =	ssyncadd.s32 $0xFFFFFFB0  }
0x3e: {  	[spmem:s1] =	stream.indirect.scatter.add.f32 [tilespmem:s16], [sflag:$0x1], $0x80, s2, s18, $0xb8;
	[tilespmem:$0x6880] =	vst v63  }
0x3f: {  	_ =	swait.ge [sflag:s15], $0x2800  }
0x40: {  	[sflag:s15] =	ssyncset.done $0x0  }
0x41: {  	[sflag:s15] =	ssyncadd.s32 $0xFFFFD800  }
0x42: {  	[tilespmem:s16], [sflag:$0x2] =	stream.linear.gather [hbm4b:s10+s2], $0x2800, $0x38;
	[tilespmem:$0x6880] =	vst v63  }
0x43: {  	_ =	swait.ge [sflag:s17], $0x2800  }
0x44: {  	[sflag:s17] =	ssyncset.done $0x0  }
0x45: {  	[sflag:s17] =	ssyncadd.s32 $0xFFFFD800  }
0x46: {  	[tilespmem:s2], [sflag:$0x2] =	stream.linear.gather [hbm4b:s11+s2], $0x50, $0x38;
	[tilespmem:$0x6880] =	vst v63  }
0x47: {  	_ =	swait.ge [sflag:s17], $0x50  }
0x48: {  	[sflag:s17] =	ssyncset.done $0x0  }
0x49: {  	[sflag:s17] =	ssyncadd.s32 $0xFFFFFFB0  }
0x4a: {  	[spmem:s1] =	stream.indirect.scatter.add.f32 [tilespmem:s16], [sflag:$0x1], $0x80, s2, s18, $0xb8;
	[tilespmem:$0x6880] =	vst v63  }
0x4b: {  	_ =	swait.ge [sflag:s15], $0x2800  }
0x4c: {  	s21 =	simm.s32 @!p0 $0x0;
	[sflag:s15] =	ssyncset.done $0x0  }
0x4d: {  	s22 =	simm.s32 @!p0 $0x80;
	s23 =	simm.s32 @!p0 $0x2;
	[sflag:s15] =	ssyncadd.s32 $0xFFFFD800  }
0x4e: {  	[tilespmem:s22], [sflag:$0x2] =	stream.linear.gather @!p0 [hbm4b:s12+s21], $0x2800, $0x38;
	[tilespmem:$0x6880] =	vst v63  }
0x4f: {  	_ =	swait.ge @!p0 [sflag:s23], $0x2800  }
0x50: {  	[sflag:s23] =	ssyncset.done @!p0 $0x0  }
0x51: {  	[sflag:s23] =	ssyncadd.s32 @!p0 $0xFFFFD800  }
0x52: {  	[tilespmem:s21], [sflag:$0x2] =	stream.linear.gather @!p0 [hbm4b:s13+s21], $0x50, $0x38;
	[tilespmem:$0x6880] =	vst v63  }
0x53: {  	_ =	swait.ge @!p0 [sflag:s23], $0x50  }
0x54: {  	[sflag:s23] =	ssyncset.done @!p0 $0x0  }
0x55: {  	[sflag:s23] =	ssyncadd.s32 @!p0 $0xFFFFFFB0;
	s23 =	simm.s32 @!p0 $0x50  }
0x56: {  	[spmem:s1] =	stream.indirect.scatter.add.f32 @!p0 [tilespmem:s22], [sflag:$0x1], $0x80, s21, s23, $0xb8;
	[tilespmem:$0x6880] =	vst v63  }
0x57: {  	s21 =	simm.s32 @!p0 $0x1  }
0x58: {  	_ =	swait.ge @!p0 [sflag:s21], $0x2800  }
0x59: {  	s30 =	sshll.u32 s3, $0x6;
	s20 =	sadd.s32 $0x1, s20;
	[sflag:s21] =	ssyncset.done @!p0 $0x0  }
0x5a: {  	s31 =	sshrl.u32 s4, $0x3;
	p1 =	sne.s32 s20, s5;
	[sflag:s21] =	ssyncadd.s32 @!p0 $0xFFFFD800  }
.Ltmp1:
0x5b: {  	s21 =	sor.u32 $0x1C01, s30;
	[bflag:$0x0] =	sbarrier.arrive $0xFFFF;
	(pc) =	sbr.rel @p1 .LBB2_1-.Ltmp1, $4  }
0x5c: {  	[hbm:s19], [sflag:s21] =	dma.local [spmem:s31], $0x400  }
0x5d: {  	_ =	swait.ge [sflag:s15], $0x400  }
0x5e: {  	[sflag:s15] =	ssyncset.done $0x0  }
0x5f: {  	[sflag:s15] =	ssyncadd.s32 $0xFFFFFC00  }
0x60: {  	_ =	sfence.sel $0x180000  }
0x61: {  	[bflag:$0x0] =	sbarrier.arrive $0xFFFF  }
0x62: {  	p0 =	sne.s32 s3, $0x0;
	_ =	strace $0x90000053  }
0x63: {  	s0 =	sadd.s32 @!p0 $0x100000, s0;
	[bflag:$0x2] =	sbarrier.arrive $0xFFFF  }
0x64: {  	[sflag:s0] =	ssyncadd.tile.s32 @!p0 $0x1;
	_ =	shalt  }
.Lfunc_end2:
_tile_overlayer_lowered:
.L_overlay_start_2:
0x65: {  	(tag) =	ssettag $0x2  }
0x66: {  	s0 =	rddreg [dreg:$0x0];
	s2 =	stileid.u32  }
0x67: {  	s1 =	rddreg [dreg:$0x1];
	p0 =	sne.s32 s2, $0x0  }
0x68: {  	s3 =	rddreg [dreg:$0x2];
	[bflag:$0x3] =	sbarrier.arrive $0xFFFF;
	s2 =	simm.s32 @!p0 $0x1C01  }
0x69: {  	[timem:s3], [sflag:s2] =	dma.local @!p0 [hbm:s0], s1  }
0x6a: {  	s0 =	simm.s32 @!p0 $0x1  }
0x6b: {  	_ =	swait.ge @!p0 [sflag:s0], s1  }
0x6c: {  	s1 =	ssub.s32 @!p0 $0x0, s1;
	[sflag:s0] =	ssyncset.done @!p0 $0x0  }
0x6d: {  	[sflag:s0] =	ssyncadd.s32 @!p0 s1  }
0x6e: {  	[bflag:$0x3] =	sbarrier.arrive $0xFFFF  }
0x6f: {  	_ =	shalt  }

</sc_bundles>
